<compile_context>
chip_gen: v7x
topology: tpu7x:2x2x1
jax: 0.10.2.dev20260603
libtpu: 0.0.44.dev20260713+nightly
codegen_flags: <defaults>
</compile_context>

<pallas_src>
import functools

import jax
import jax.numpy as jnp
from jax import lax
from jax.experimental import pallas as pl
from jax.experimental.pallas import tpu as pltpu
from jax.experimental.pallas import tpu_sc as plsc

_B, _H, _W = 16, 64, 64
_DIM = 384
_DM = 2 * _DIM
_NWORKERS = 32
_ROWS = (_H * _W) // _NWORKERS
_HPW = _ROWS // _W
_LANES = 16


def _sc_body(pe_x_hbm, pe_y_hbm, out_hbm, pe_x_v, pe_y_v, chunk, sem, sem_t):
    c = lax.axis_index("c")
    s = lax.axis_index("s")
    wid = s * 2 + c
    row0 = wid * _ROWS
    h0 = wid * _HPW

    cx = pltpu.async_copy(pe_x_hbm, pe_x_v, sem_t)
    cy = pltpu.async_copy(pe_y_hbm.at[pl.ds(h0, _HPW)], pe_y_v, sem_t)
    cx.wait()
    cy.wait()

    copies = []
    for r0, n, hl in ((0, 16, 0), (16, 48, 0), (64, 64, 1)):
        vys = [pe_y_v[hl, pl.ds(j * _LANES, _LANES)]
               for j in range(_DIM // _LANES)]
        wo = r0 % _W

        def fill(w, carry, r0=r0, wo=wo, vys=vys):
            base = r0 + w
            for j in range(_DIM // _LANES):
                chunk[base, pl.ds(j * _LANES, _LANES)] = (
                    pe_x_v[wo + w, pl.ds(j * _LANES, _LANES)])
                chunk[base, pl.ds(_DIM + j * _LANES, _LANES)] = vys[j]
            return carry

        lax.fori_loop(0, n, fill, 0)
        for b in range(_B):
            copies.append(pltpu.async_copy(
                chunk.at[pl.ds(r0, n)],
                out_hbm.at[b].at[pl.ds(row0 + r0, n)],
                sem))
    for cp in copies:
        cp.wait()


def kernel(x, pe_x, pe_y):
    bsize, _, h, w = x.shape
    mesh = plsc.VectorSubcoreMesh(core_axis_name="c", subcore_axis_name="s")
    k = functools.partial(
        pl.kernel,
        mesh=mesh,
        out_type=jax.ShapeDtypeStruct((bsize, h * w, _DM), jnp.float32),
        scratch_types=[
            pltpu.VMEM((_W, _DIM), jnp.float32),
            pltpu.VMEM((_HPW, _DIM), jnp.float32),
            pltpu.VMEM((_ROWS, _DM), jnp.float32),
            pltpu.SemaphoreType.DMA,
            pltpu.SemaphoreType.DMA,
        ],
    )(_sc_body)
    return k(pe_x, pe_y)

# --- scband reference (transcript-rebuilt; emitter-appended) ---
"""Pipeline reference for scband-pos-embed-learned-27427661152540 (READ-ONLY COPY).

The authoritative reference and input builder live on the scoring server;
editing this copy changes nothing except your own understanding.
"""

import jax, jax.numpy as jnp
import numpy as np

D_MODEL = 768
DIM = D_MODEL // 2
MAX_W = 64
MAX_H = 64

def setup_inputs(seed: int = 0) -> dict:
    key = jax.random.key(seed)
    k1, k2, k3 = jax.random.split(key, 3)
    x = jax.random.normal(k1, (16, 256, 64, 64), dtype=jnp.float32)
    pe_x = jax.random.normal(k2, (MAX_W, DIM), dtype=jnp.float32)
    pe_y = jax.random.normal(k3, (MAX_H, DIM), dtype=jnp.float32)
    return {"x": x, "pe_x": pe_x, "pe_y": pe_y}

def reference(x, pe_x, pe_y):
    bsize, _, h, w = x.shape
    # embedding lookup: table[arange] -> gather
    px = jnp.take(pe_x, jnp.arange(w), axis=0)  # [w, dim]
    py = jnp.take(pe_y, jnp.arange(h), axis=0)  # [h, dim]
    px_b = jnp.broadcast_to(px[None, None, :, :], (bsize, h, w, DIM))
    py_b = jnp.broadcast_to(py[None, :, None, :], (bsize, h, w, DIM))
    pe = jnp.concatenate([px_b, py_b], axis=-1)  # [b, h, w, d_model]
    return pe.reshape(bsize, h * w, D_MODEL)

if __name__ == "__main__":
    import jax
    _d = setup_inputs()
    print(jax.jit(kernel)(*tuple(_d.values())))

</pallas_src>

<mosaic_0001>
#map = affine_map<(d0, d1) -> (0, 0)>
#map1 = affine_map<(d0, d1) -> (0, 0, 0)>
module attributes {stable_mosaic.version = 14 : i64} {
  func.func @_sc_body(%arg0: i32, %arg1: i32, %arg2: memref<64x384xf32, #tpu.memory_space<hbm>>, %arg3: memref<64x384xf32, #tpu.memory_space<hbm>>, %arg4: memref<16x4096x768xf32, #tpu.memory_space<hbm>>, %arg5: memref<64x384xf32, #tpu.memory_space<vmem>>, %arg6: memref<2x384xf32, #tpu.memory_space<vmem>>, %arg7: memref<128x768xf32, #tpu.memory_space<vmem>>, %arg8: memref<!tpu.dma_semaphore, #tpu.memory_space<semaphore_mem>>, %arg9: memref<!tpu.dma_semaphore, #tpu.memory_space<semaphore_mem>>) attributes {dimension_semantics = [#tpu.dimension_semantics<core_parallel>, #tpu.dimension_semantics<subcore_parallel>], iteration_bounds = array<i64: 2, 16>, scalar_prefetch = 0 : i64, scratch_operands = 5 : i64, tpu.core_type = #tpu.core_type<sc_vector_subcore>, window_params = [{transform_indices = #map}, {transform_indices = #map}, {transform_indices = #map1}]} {
    %mul3A = arith.constant 2 : i32
    %mul3A_0 = arith.muli %arg1, %mul3A : i32
    %add3A = arith.addi %mul3A_0, %arg0 : i32
    %mul3A_1 = arith.constant 128 : i32
    %mul3A_2 = arith.muli %add3A, %mul3A_1 : i32
    %mul3A_3 = arith.constant 2 : i32
    %mul3A_4 = arith.muli %add3A, %mul3A_3 : i32
    tpu.enqueue_dma source(%arg2 : memref<64x384xf32, #tpu.memory_space<hbm>>) target(%arg5 : memref<64x384xf32, #tpu.memory_space<vmem>>) target_semaphore(%arg9 : memref<!tpu.dma_semaphore, #tpu.memory_space<semaphore_mem>>)
    %dma_start3A = arith.constant 0 : i32
    %dma_start3A_5 = tpu.memref_slice %arg3[%mul3A_4, %dma_start3A] : memref<64x384xf32, #tpu.memory_space<hbm>> -> memref<2x384xf32, #tpu.memory_space<hbm>>
    %dma_start3A_6 = arith.constant 0 : i32
    %dma_start3A_7 = tpu.memref_slice %arg3[%mul3A_4, %dma_start3A_6] : memref<64x384xf32, #tpu.memory_space<hbm>> -> memref<2x384xf32, #tpu.memory_space<hbm>>
    tpu.enqueue_dma source(%dma_start3A_7 : memref<2x384xf32, #tpu.memory_space<hbm>>) target(%arg6 : memref<2x384xf32, #tpu.memory_space<vmem>>) target_semaphore(%arg9 : memref<!tpu.dma_semaphore, #tpu.memory_space<semaphore_mem>>)
    tpu.wait_dma2 semaphore(%arg9 : memref<!tpu.dma_semaphore, #tpu.memory_space<semaphore_mem>>) src(%arg2 : memref<64x384xf32, #tpu.memory_space<hbm>>) dst(%arg5 : memref<64x384xf32, #tpu.memory_space<vmem>>)
    %dma_wait3A = arith.constant 0 : i32
    %dma_wait3A_8 = tpu.memref_slice %arg3[%mul3A_4, %dma_wait3A] : memref<64x384xf32, #tpu.memory_space<hbm>> -> memref<2x384xf32, #tpu.memory_space<hbm>>
    %dma_wait3A_9 = arith.constant 0 : i32
    %dma_wait3A_10 = tpu.memref_slice %arg3[%mul3A_4, %dma_wait3A_9] : memref<64x384xf32, #tpu.memory_space<hbm>> -> memref<2x384xf32, #tpu.memory_space<hbm>>
    tpu.wait_dma2 semaphore(%arg9 : memref<!tpu.dma_semaphore, #tpu.memory_space<semaphore_mem>>) src(%dma_wait3A_10 : memref<2x384xf32, #tpu.memory_space<hbm>>) dst(%arg6 : memref<2x384xf32, #tpu.memory_space<vmem>>)
    %get3A = arith.constant 0 : i32
    %get3A_11 = arith.index_cast %get3A : i32 to index
    %get3A_12 = arith.constant 0 : index
    %get3A_13 = tpu.vector_load %arg6[%get3A_11, %get3A_12] {strides = array<i32>} : memref<2x384xf32, #tpu.memory_space<vmem>>, vector<1x16xf32>,
    %get3A_14 = vector.shape_cast %get3A_13 : vector<1x16xf32> to vector<16xf32>
    %get3A_15 = arith.constant 0 : i32
    %get3A_16 = arith.index_cast %get3A_15 : i32 to index
    %get3A_17 = arith.constant 16 : index
    %get3A_18 = tpu.vector_load %arg6[%get3A_16, %get3A_17] {strides = array<i32>} : memref<2x384xf32, #tpu.memory_space<vmem>>, vector<1x16xf32>,
    %get3A_19 = vector.shape_cast %get3A_18 : vector<1x16xf32> to vector<16xf32>
    %get3A_20 = arith.constant 0 : i32
    %get3A_21 = arith.index_cast %get3A_20 : i32 to index
    %get3A_22 = arith.constant 32 : index
    %get3A_23 = tpu.vector_load %arg6[%get3A_21, %get3A_22] {strides = array<i32>} : memref<2x384xf32, #tpu.memory_space<vmem>>, vector<1x16xf32>,
    %get3A_24 = vector.shape_cast %get3A_23 : vector<1x16xf32> to vector<16xf32>
    %get3A_25 = arith.constant 0 : i32
    %get3A_26 = arith.index_cast %get3A_25 : i32 to index
    %get3A_27 = arith.constant 48 : index
    %get3A_28 = tpu.vector_load %arg6[%get3A_26, %get3A_27] {strides = array<i32>} : memref<2x384xf32, #tpu.memory_space<vmem>>, vector<1x16xf32>,
    %get3A_29 = vector.shape_cast %get3A_28 : vector<1x16xf32> to vector<16xf32>
    %get3A_30 = arith.constant 0 : i32
    %get3A_31 = arith.index_cast %get3A_30 : i32 to index
    %get3A_32 = arith.constant 64 : index
    %get3A_33 = tpu.vector_load %arg6[%get3A_31, %get3A_32] {strides = array<i32>} : memref<2x384xf32, #tpu.memory_space<vmem>>, vector<1x16xf32>,
    %get3A_34 = vector.shape_cast %get3A_33 : vector<1x16xf32> to vector<16xf32>
    %get3A_35 = arith.constant 0 : i32
    %get3A_36 = arith.index_cast %get3A_35 : i32 to index
    %get3A_37 = arith.constant 80 : index
    %get3A_38 = tpu.vector_load %arg6[%get3A_36, %get3A_37] {strides = array<i32>} : memref<2x384xf32, #tpu.memory_space<vmem>>, vector<1x16xf32>,
    %get3A_39 = vector.shape_cast %get3A_38 : vector<1x16xf32> to vector<16xf32>
    %get3A_40 = arith.constant 0 : i32
    %get3A_41 = arith.index_cast %get3A_40 : i32 to index
    %get3A_42 = arith.constant 96 : index
    %get3A_43 = tpu.vector_load %arg6[%get3A_41, %get3A_42] {strides = array<i32>} : memref<2x384xf32, #tpu.memory_space<vmem>>, vector<1x16xf32>,
    %get3A_44 = vector.shape_cast %get3A_43 : vector<1x16xf32> to vector<16xf32>
    %get3A_45 = arith.constant 0 : i32
    %get3A_46 = arith.index_cast %get3A_45 : i32 to index
    %get3A_47 = arith.constant 112 : index
    %get3A_48 = tpu.vector_load %arg6[%get3A_46, %get3A_47] {strides = array<i32>} : memref<2x384xf32, #tpu.memory_space<vmem>>, vector<1x16xf32>,
    %get3A_49 = vector.shape_cast %get3A_48 : vector<1x16xf32> to vector<16xf32>
    %get3A_50 = arith.constant 0 : i32
    %get3A_51 = arith.index_cast %get3A_50 : i32 to index
    %get3A_52 = arith.constant 128 : index
    %get3A_53 = tpu.vector_load %arg6[%get3A_51, %get3A_52] {strides = array<i32>} : memref<2x384xf32, #tpu.memory_space<vmem>>, vector<1x16xf32>,
    %get3A_54 = vector.shape_cast %get3A_53 : vector<1x16xf32> to vector<16xf32>
    %get3A_55 = arith.constant 0 : i32
    %get3A_56 = arith.index_cast %get3A_55 : i32 to index
    %get3A_57 = arith.constant 144 : index
    %get3A_58 = tpu.vector_load %arg6[%get3A_56, %get3A_57] {strides = array<i32>} : memref<2x384xf32, #tpu.memory_space<vmem>>, vector<1x16xf32>,
    %get3A_59 = vector.shape_cast %get3A_58 : vector<1x16xf32> to vector<16xf32>
    %get3A_60 = arith.constant 0 : i32
    %get3A_61 = arith.index_cast %get3A_60 : i32 to index
    %get3A_62 = arith.constant 160 : index
    %get3A_63 = tpu.vector_load %arg6[%get3A_61, %get3A_62] {strides = array<i32>} : memref<2x384xf32, #tpu.memory_space<vmem>>, vector<1x16xf32>,
    %get3A_64 = vector.shape_cast %get3A_63 : vector<1x16xf32> to vector<16xf32>
    %get3A_65 = arith.constant 0 : i32
    %get3A_66 = arith.index_cast %get3A_65 : i32 to index
    %get3A_67 = arith.constant 176 : index
    %get3A_68 = tpu.vector_load %arg6[%get3A_66, %get3A_67] {strides = array<i32>} : memref<2x384xf32, #tpu.memory_space<vmem>>, vector<1x16xf32>,
    %get3A_69 = vector.shape_cast %get3A_68 : vector<1x16xf32> to vector<16xf32>
    %get3A_70 = arith.constant 0 : i32
    %get3A_71 = arith.index_cast %get3A_70 : i32 to index
    %get3A_72 = arith.constant 192 : index
    %get3A_73 = tpu.vector_load %arg6[%get3A_71, %get3A_72] {strides = array<i32>} : memref<2x384xf32, #tpu.memory_space<vmem>>, vector<1x16xf32>,
    %get3A_74 = vector.shape_cast %get3A_73 : vector<1x16xf32> to vector<16xf32>
    %get3A_75 = arith.constant 0 : i32
    %get3A_76 = arith.index_cast %get3A_75 : i32 to index
    %get3A_77 = arith.constant 208 : index
    %get3A_78 = tpu.vector_load %arg6[%get3A_76, %get3A_77] {strides = array<i32>} : memref<2x384xf32, #tpu.memory_space<vmem>>, vector<1x16xf32>,
    %get3A_79 = vector.shape_cast %get3A_78 : vector<1x16xf32> to vector<16xf32>
    %get3A_80 = arith.constant 0 : i32
    %get3A_81 = arith.index_cast %get3A_80 : i32 to index
    %get3A_82 = arith.constant 224 : index
    %get3A_83 = tpu.vector_load %arg6[%get3A_81, %get3A_82] {strides = array<i32>} : memref<2x384xf32, #tpu.memory_space<vmem>>, vector<1x16xf32>,
    %get3A_84 = vector.shape_cast %get3A_83 : vector<1x16xf32> to vector<16xf32>
    %get3A_85 = arith.constant 0 : i32
    %get3A_86 = arith.index_cast %get3A_85 : i32 to index
    %get3A_87 = arith.constant 240 : index
    %get3A_88 = tpu.vector_load %arg6[%get3A_86, %get3A_87] {strides = array<i32>} : memref<2x384xf32, #tpu.memory_space<vmem>>, vector<1x16xf32>,
    %get3A_89 = vector.shape_cast %get3A_88 : vector<1x16xf32> to vector<16xf32>
    %get3A_90 = arith.constant 0 : i32
    %get3A_91 = arith.index_cast %get3A_90 : i32 to index
    %get3A_92 = arith.constant 256 : index
    %get3A_93 = tpu.vector_load %arg6[%get3A_91, %get3A_92] {strides = array<i32>} : memref<2x384xf32, #tpu.memory_space<vmem>>, vector<1x16xf32>,
    %get3A_94 = vector.shape_cast %get3A_93 : vector<1x16xf32> to vector<16xf32>
    %get3A_95 = arith.constant 0 : i32
    %get3A_96 = arith.index_cast %get3A_95 : i32 to index
    %get3A_97 = arith.constant 272 : index
    %get3A_98 = tpu.vector_load %arg6[%get3A_96, %get3A_97] {strides = array<i32>} : memref<2x384xf32, #tpu.memory_space<vmem>>, vector<1x16xf32>,
    %get3A_99 = vector.shape_cast %get3A_98 : vector<1x16xf32> to vector<16xf32>
    %get3A_100 = arith.constant 0 : i32
    %get3A_101 = arith.index_cast %get3A_100 : i32 to index
    %get3A_102 = arith.constant 288 : index
    %get3A_103 = tpu.vector_load %arg6[%get3A_101, %get3A_102] {strides = array<i32>} : memref<2x384xf32, #tpu.memory_space<vmem>>, vector<1x16xf32>,
    %get3A_104 = vector.shape_cast %get3A_103 : vector<1x16xf32> to vector<16xf32>
    %get3A_105 = arith.constant 0 : i32
    %get3A_106 = arith.index_cast %get3A_105 : i32 to index
    %get3A_107 = arith.constant 304 : index
    %get3A_108 = tpu.vector_load %arg6[%get3A_106, %get3A_107] {strides = array<i32>} : memref<2x384xf32, #tpu.memory_space<vmem>>, vector<1x16xf32>,
    %get3A_109 = vector.shape_cast %get3A_108 : vector<1x16xf32> to vector<16xf32>
    %get3A_110 = arith.constant 0 : i32
    %get3A_111 = arith.index_cast %get3A_110 : i32 to index
    %get3A_112 = arith.constant 320 : index
    %get3A_113 = tpu.vector_load %arg6[%get3A_111, %get3A_112] {strides = array<i32>} : memref<2x384xf32, #tpu.memory_space<vmem>>, vector<1x16xf32>,
    %get3A_114 = vector.shape_cast %get3A_113 : vector<1x16xf32> to vector<16xf32>
    %get3A_115 = arith.constant 0 : i32
    %get3A_116 = arith.index_cast %get3A_115 : i32 to index
    %get3A_117 = arith.constant 336 : index
    %get3A_118 = tpu.vector_load %arg6[%get3A_116, %get3A_117] {strides = array<i32>} : memref<2x384xf32, #tpu.memory_space<vmem>>, vector<1x16xf32>,
    %get3A_119 = vector.shape_cast %get3A_118 : vector<1x16xf32> to vector<16xf32>
    %get3A_120 = arith.constant 0 : i32
    %get3A_121 = arith.index_cast %get3A_120 : i32 to index
    %get3A_122 = arith.constant 352 : index
    %get3A_123 = tpu.vector_load %arg6[%get3A_121, %get3A_122] {strides = array<i32>} : memref<2x384xf32, #tpu.memory_space<vmem>>, vector<1x16xf32>,
    %get3A_124 = vector.shape_cast %get3A_123 : vector<1x16xf32> to vector<16xf32>
    %get3A_125 = arith.constant 0 : i32
    %get3A_126 = arith.index_cast %get3A_125 : i32 to index
    %get3A_127 = arith.constant 368 : index
    %get3A_128 = tpu.vector_load %arg6[%get3A_126, %get3A_127] {strides = array<i32>} : memref<2x384xf32, #tpu.memory_space<vmem>>, vector<1x16xf32>,
    %get3A_129 = vector.shape_cast %get3A_128 : vector<1x16xf32> to vector<16xf32>
    %scan3A = arith.constant 0 : i32
    %scan3A_130 = arith.constant 0 : i32
    %scan3A_131 = arith.constant 16 : i32
    %scan3A_132 = arith.addi %scan3A_130, %scan3A_131 : i32
    %scan3A_133 = arith.constant 1 : i32
    scf.for %scan3A_2307 = %scan3A_130 to %scan3A_132 step %scan3A_133  : i32 {
      %add3A_2308 = arith.constant 0 : i32
      %add3A_2309 = arith.addi %add3A_2308, %scan3A_2307 : i32
      %add3A_2310 = arith.constant 0 : i32
      %add3A_2311 = arith.addi %add3A_2310, %scan3A_2307 : i32
      %get3A_2312 = arith.index_cast %add3A_2311 : i32 to index
      %get3A_2313 = arith.constant 0 : index
      %get3A_2314 = tpu.vector_load %arg5[%get3A_2312, %get3A_2313] {strides = array<i32>} : memref<64x384xf32, #tpu.memory_space<vmem>>, vector<1x16xf32>,
      %get3A_2315 = vector.shape_cast %get3A_2314 : vector<1x16xf32> to vector<16xf32>
      %swap3A = arith.index_cast %add3A_2309 : i32 to index
      %swap3A_2316 = arith.constant 0 : index
      %swap3A_2317 = tpu.vector_load %arg7[%swap3A, %swap3A_2316] {strides = array<i32>} : memref<128x768xf32, #tpu.memory_space<vmem>>, vector<1x16xf32>,
      %swap3A_2318 = vector.shape_cast %swap3A_2317 : vector<1x16xf32> to vector<16xf32>
      %swap3A_2319 = vector.shape_cast %get3A_2315 : vector<16xf32> to vector<1x16xf32>
      tpu.vector_store %arg7[%swap3A, %swap3A_2316], %swap3A_2319 {strides = array<i32>} : memref<128x768xf32, #tpu.memory_space<vmem>>, vector<1x16xf32>,
      %swap3A_2320 = arith.index_cast %add3A_2309 : i32 to index
      %swap3A_2321 = arith.constant 384 : index
      %swap3A_2322 = tpu.vector_load %arg7[%swap3A_2320, %swap3A_2321] {strides = array<i32>} : memref<128x768xf32, #tpu.memory_space<vmem>>, vector<1x16xf32>,
      %swap3A_2323 = vector.shape_cast %swap3A_2322 : vector<1x16xf32> to vector<16xf32>
      %swap3A_2324 = vector.shape_cast %get3A_14 : vector<16xf32> to vector<1x16xf32>
      tpu.vector_store %arg7[%swap3A_2320, %swap3A_2321], %swap3A_2324 {strides = array<i32>} : memref<128x768xf32, #tpu.memory_space<vmem>>, vector<1x16xf32>,
      %add3A_2325 = arith.constant 0 : i32
      %add3A_2326 = arith.addi %add3A_2325, %scan3A_2307 : i32
      %get3A_2327 = arith.index_cast %add3A_2326 : i32 to index
      %get3A_2328 = arith.constant 16 : index
      %get3A_2329 = tpu.vector_load %arg5[%get3A_2327, %get3A_2328] {strides = array<i32>} : memref<64x384xf32, #tpu.memory_space<vmem>>, vector<1x16xf32>,
      %get3A_2330 = vector.shape_cast %get3A_2329 : vector<1x16xf32> to vector<16xf32>
      %swap3A_2331 = arith.index_cast %add3A_2309 : i32 to index
      %swap3A_2332 = arith.constant 16 : index
      %swap3A_2333 = tpu.vector_load %arg7[%swap3A_2331, %swap3A_2332] {strides = array<i32>} : memref<128x768xf32, #tpu.memory_space<vmem>>, vector<1x16xf32>,
      %swap3A_2334 = vector.shape_cast %swap3A_2333 : vector<1x16xf32> to vector<16xf32>
      %swap3A_2335 = vector.shape_cast %get3A_2330 : vector<16xf32> to vector<1x16xf32>
      tpu.vector_store %arg7[%swap3A_2331, %swap3A_2332], %swap3A_2335 {strides = array<i32>} : memref<128x768xf32, #tpu.memory_space<vmem>>, vector<1x16xf32>,
      %swap3A_2336 = arith.index_cast %add3A_2309 : i32 to index
      %swap3A_2337 = arith.constant 400 : index
      %swap3A_2338 = tpu.vector_load %arg7[%swap3A_2336, %swap3A_2337] {strides = array<i32>} : memref<128x768xf32, #tpu.memory_space<vmem>>, vector<1x16xf32>,
      %swap3A_2339 = vector.shape_cast %swap3A_2338 : vector<1x16xf32> to vector<16xf32>
      %swap3A_2340 = vector.shape_cast %get3A_19 : vector<16xf32> to vector<1x16xf32>
      tpu.vector_store %arg7[%swap3A_2336, %swap3A_2337], %swap3A_2340 {strides = array<i32>} : memref<128x768xf32, #tpu.memory_space<vmem>>, vector<1x16xf32>,
      %add3A_2341 = arith.constant 0 : i32
      %add3A_2342 = arith.addi %add3A_2341, %scan3A_2307 : i32
      %get3A_2343 = arith.index_cast %add3A_2342 : i32 to index
      %get3A_2344 = arith.constant 32 : index
      %get3A_2345 = tpu.vector_load %arg5[%get3A_2343, %get3A_2344] {strides = array<i32>} : memref<64x384xf32, #tpu.memory_space<vmem>>, vector<1x16xf32>,
      %get3A_2346 = vector.shape_cast %get3A_2345 : vector<1x16xf32> to vector<16xf32>
      %swap3A_2347 = arith.index_cast %add3A_2309 : i32 to index
      %swap3A_2348 = arith.constant 32 : index
      %swap3A_2349 = tpu.vector_load %arg7[%swap3A_2347, %swap3A_2348] {strides = array<i32>} : memref<128x768xf32, #tpu.memory_space<vmem>>, vector<1x16xf32>,
      %swap3A_2350 = vector.shape_cast %swap3A_2349 : vector<1x16xf32> to vector<16xf32>
      %swap3A_2351 = vector.shape_cast %get3A_2346 : vector<16xf32> to vector<1x16xf32>
      tpu.vector_store %arg7[%swap3A_2347, %swap3A_2348], %swap3A_2351 {strides = array<i32>} : memref<128x768xf32, #tpu.memory_space<vmem>>, vector<1x16xf32>,
      %swap3A_2352 = arith.index_cast %add3A_2309 : i32 to index
      %swap3A_2353 = arith.constant 416 : index
      %swap3A_2354 = tpu.vector_load %arg7[%swap3A_2352, %swap3A_2353] {strides = array<i32>} : memref<128x768xf32, #tpu.memory_space<vmem>>, vector<1x16xf32>,
      %swap3A_2355 = vector.shape_cast %swap3A_2354 : vector<1x16xf32> to vector<16xf32>
      %swap3A_2356 = vector.shape_cast %get3A_24 : vector<16xf32> to vector<1x16xf32>
      tpu.vector_store %arg7[%swap3A_2352, %swap3A_2353], %swap3A_2356 {strides = array<i32>} : memref<128x768xf32, #tpu.memory_space<vmem>>, vector<1x16xf32>,
      %add3A_2357 = arith.constant 0 : i32
      %add3A_2358 = arith.addi %add3A_2357, %scan3A_2307 : i32
      %get3A_2359 = arith.index_cast %add3A_2358 : i32 to index
      %get3A_2360 = arith.constant 48 : index
      %get3A_2361 = tpu.vector_load %arg5[%get3A_2359, %get3A_2360] {strides = array<i32>} : memref<64x384xf32, #tpu.memory_space<vmem>>, vector<1x16xf32>,
      %get3A_2362 = vector.shape_cast %get3A_2361 : vector<1x16xf32> to vector<16xf32>
      %swap3A_2363 = arith.index_cast %add3A_2309 : i32 to index
      %swap3A_2364 = arith.constant 48 : index
      %swap3A_2365 = tpu.vector_load %arg7[%swap3A_2363, %swap3A_2364] {strides = array<i32>} : memref<128x768xf32, #tpu.memory_space<vmem>>, vector<1x16xf32>,
      %swap3A_2366 = vector.shape_cast %swap3A_2365 : vector<1x16xf32> to vector<16xf32>
      %swap3A_2367 = vector.shape_cast %get3A_2362 : vector<16xf32> to vector<1x16xf32>
      tpu.vector_store %arg7[%swap3A_2363, %swap3A_2364], %swap3A_2367 {strides = array<i32>} : memref<128x768xf32, #tpu.memory_space<vmem>>, vector<1x16xf32>,
      %swap3A_2368 = arith.index_cast %add3A_2309 : i32 to index
      %swap3A_2369 = arith.constant 432 : index
      %swap3A_2370 = tpu.vector_load %arg7[%swap3A_2368, %swap3A_2369] {strides = array<i32>} : memref<128x768xf32, #tpu.memory_space<vmem>>, vector<1x16xf32>,
      %swap3A_2371 = vector.shape_cast %swap3A_2370 : vector<1x16xf32> to vector<16xf32>
      %swap3A_2372 = vector.shape_cast %get3A_29 : vector<16xf32> to vector<1x16xf32>
      tpu.vector_store %arg7[%swap3A_2368, %swap3A_2369], %swap3A_2372 {strides = array<i32>} : memref<128x768xf32, #tpu.memory_space<vmem>>, vector<1x16xf32>,
      %add3A_2373 = arith.constant 0 : i32
      %add3A_2374 = arith.addi %add3A_2373, %scan3A_2307 : i32
      %get3A_2375 = arith.index_cast %add3A_2374 : i32 to index
      %get3A_2376 = arith.constant 64 : index
      %get3A_2377 = tpu.vector_load %arg5[%get3A_2375, %get3A_2376] {strides = array<i32>} : memref<64x384xf32, #tpu.memory_space<vmem>>, vector<1x16xf32>,
      %get3A_2378 = vector.shape_cast %get3A_2377 : vector<1x16xf32> to vector<16xf32>
      %swap3A_2379 = arith.index_cast %add3A_2309 : i32 to index
      %swap3A_2380 = arith.constant 64 : index
      %swap3A_2381 = tpu.vector_load %arg7[%swap3A_2379, %swap3A_2380] {strides = array<i32>} : memref<128x768xf32, #tpu.memory_space<vmem>>, vector<1x16xf32>,
      %swap3A_2382 = vector.shape_cast %swap3A_2381 : vector<1x16xf32> to vector<16xf32>
      %swap3A_2383 = vector.shape_cast %get3A_2378 : vector<16xf32> to vector<1x16xf32>
      tpu.vector_store %arg7[%swap3A_2379, %swap3A_2380], %swap3A_2383 {strides = array<i32>} : memref<128x768xf32, #tpu.memory_space<vmem>>, vector<1x16xf32>,
      %swap3A_2384 = arith.index_cast %add3A_2309 : i32 to index
      %swap3A_2385 = arith.constant 448 : index
      %swap3A_2386 = tpu.vector_load %arg7[%swap3A_2384, %swap3A_2385] {strides = array<i32>} : memref<128x768xf32, #tpu.memory_space<vmem>>, vector<1x16xf32>,
      %swap3A_2387 = vector.shape_cast %swap3A_2386 : vector<1x16xf32> to vector<16xf32>
      %swap3A_2388 = vector.shape_cast %get3A_34 : vector<16xf32> to vector<1x16xf32>
      tpu.vector_store %arg7[%swap3A_2384, %swap3A_2385], %swap3A_2388 {strides = array<i32>} : memref<128x768xf32, #tpu.memory_space<vmem>>, vector<1x16xf32>,
      %add3A_2389 = arith.constant 0 : i32
      %add3A_2390 = arith.addi %add3A_2389, %scan3A_2307 : i32
      %get3A_2391 = arith.index_cast %add3A_2390 : i32 to index
      %get3A_2392 = arith.constant 80 : index
      %get3A_2393 = tpu.vector_load %arg5[%get3A_2391, %get3A_2392] {strides = array<i32>} : memref<64x384xf32, #tpu.memory_space<vmem>>, vector<1x16xf32>,
      %get3A_2394 = vector.shape_cast %get3A_2393 : vector<1x16xf32> to vector<16xf32>
      %swap3A_2395 = arith.index_cast %add3A_2309 : i32 to index
      %swap3A_2396 = arith.constant 80 : index
      %swap3A_2397 = tpu.vector_load %arg7[%swap3A_2395, %swap3A_2396] {strides = array<i32>} : memref<128x768xf32, #tpu.memory_space<vmem>>, vector<1x16xf32>,
      %swap3A_2398 = vector.shape_cast %swap3A_2397 : vector<1x16xf32> to vector<16xf32>
      %swap3A_2399 = vector.shape_cast %get3A_2394 : vector<16xf32> to vector<1x16xf32>
      tpu.vector_store %arg7[%swap3A_2395, %swap3A_2396], %swap3A_2399 {strides = array<i32>} : memref<128x768xf32, #tpu.memory_space<vmem>>, vector<1x16xf32>,
      %swap3A_2400 = arith.index_cast %add3A_2309 : i32 to index
      %swap3A_2401 = arith.constant 464 : index
      %swap3A_2402 = tpu.vector_load %arg7[%swap3A_2400, %swap3A_2401] {strides = array<i32>} : memref<128x768xf32, #tpu.memory_space<vmem>>, vector<1x16xf32>,
      %swap3A_2403 = vector.shape_cast %swap3A_2402 : vector<1x16xf32> to vector<16xf32>
      %swap3A_2404 = vector.shape_cast %get3A_39 : vector<16xf32> to vector<1x16xf32>
      tpu.vector_store %arg7[%swap3A_2400, %swap3A_2401], %swap3A_2404 {strides = array<i32>} : memref<128x768xf32, #tpu.memory_space<vmem>>, vector<1x16xf32>,
      %add3A_2405 = arith.constant 0 : i32
      %add3A_2406 = arith.addi %add3A_2405, %scan3A_2307 : i32
      %get3A_2407 = arith.index_cast %add3A_2406 : i32 to index
      %get3A_2408 = arith.constant 96 : index
      %get3A_2409 = tpu.vector_load %arg5[%get3A_2407, %get3A_2408] {strides = array<i32>} : memref<64x384xf32, #tpu.memory_space<vmem>>, vector<1x16xf32>,
      %get3A_2410 = vector.shape_cast %get3A_2409 : vector<1x16xf32> to vector<16xf32>
      %swap3A_2411 = arith.index_cast %add3A_2309 : i32 to index
      %swap3A_2412 = arith.constant 96 : index
      %swap3A_2413 = tpu.vector_load %arg7[%swap3A_2411, %swap3A_2412] {strides = array<i32>} : memref<128x768xf32, #tpu.memory_space<vmem>>, vector<1x16xf32>,
      %swap3A_2414 = vector.shape_cast %swap3A_2413 : vector<1x16xf32> to vector<16xf32>
      %swap3A_2415 = vector.shape_cast %get3A_2410 : vector<16xf32> to vector<1x16xf32>
      tpu.vector_store %arg7[%swap3A_2411, %swap3A_2412], %swap3A_2415 {strides = array<i32>} : memref<128x768xf32, #tpu.memory_space<vmem>>, vector<1x16xf32>,
      %swap3A_2416 = arith.index_cast %add3A_2309 : i32 to index
      %swap3A_2417 = arith.constant 480 : index
      %swap3A_2418 = tpu.vector_load %arg7[%swap3A_2416, %swap3A_2417] {strides = array<i32>} : memref<128x768xf32, #tpu.memory_space<vmem>>, vector<1x16xf32>,
      %swap3A_2419 = vector.shape_cast %swap3A_2418 : vector<1x16xf32> to vector<16xf32>
      %swap3A_2420 = vector.shape_cast %get3A_44 : vector<16xf32> to vector<1x16xf32>
      tpu.vector_store %arg7[%swap3A_2416, %swap3A_2417], %swap3A_2420 {strides = array<i32>} : memref<128x768xf32, #tpu.memory_space<vmem>>, vector<1x16xf32>,
      %add3A_2421 = arith.constant 0 : i32
      %add3A_2422 = arith.addi %add3A_2421, %scan3A_2307 : i32
      %get3A_2423 = arith.index_cast %add3A_2422 : i32 to index
      %get3A_2424 = arith.constant 112 : index
      %get3A_2425 = tpu.vector_load %arg5[%get3A_2423, %get3A_2424] {strides = array<i32>} : memref<64x384xf32, #tpu.memory_space<vmem>>, vector<1x16xf32>,
      %get3A_2426 = vector.shape_cast %get3A_2425 : vector<1x16xf32> to vector<16xf32>
      %swap3A_2427 = arith.index_cast %add3A_2309 : i32 to index
      %swap3A_2428 = arith.constant 112 : index
      %swap3A_2429 = tpu.vector_load %arg7[%swap3A_2427, %swap3A_2428] {strides = array<i32>} : memref<128x768xf32, #tpu.memory_space<vmem>>, vector<1x16xf32>,
      %swap3A_2430 = vector.shape_cast %swap3A_2429 : vector<1x16xf32> to vector<16xf32>
      %swap3A_2431 = vector.shape_cast %get3A_2426 : vector<16xf32> to vector<1x16xf32>
      tpu.vector_store %arg7[%swap3A_2427, %swap3A_2428], %swap3A_2431 {strides = array<i32>} : memref<128x768xf32, #tpu.memory_space<vmem>>, vector<1x16xf32>,
      %swap3A_2432 = arith.index_cast %add3A_2309 : i32 to index
      %swap3A_2433 = arith.constant 496 : index
      %swap3A_2434 = tpu.vector_load %arg7[%swap3A_2432, %swap3A_2433] {strides = array<i32>} : memref<128x768xf32, #tpu.memory_space<vmem>>, vector<1x16xf32>,
      %swap3A_2435 = vector.shape_cast %swap3A_2434 : vector<1x16xf32> to vector<16xf32>
      %swap3A_2436 = vector.shape_cast %get3A_49 : vector<16xf32> to vector<1x16xf32>
      tpu.vector_store %arg7[%swap3A_2432, %swap3A_2433], %swap3A_2436 {strides = array<i32>} : memref<128x768xf32, #tpu.memory_space<vmem>>, vector<1x16xf32>,
      %add3A_2437 = arith.constant 0 : i32
      %add3A_2438 = arith.addi %add3A_2437, %scan3A_2307 : i32
      %get3A_2439 = arith.index_cast %add3A_2438 : i32 to index
      %get3A_2440 = arith.constant 128 : index
      %get3A_2441 = tpu.vector_load %arg5[%get3A_2439, %get3A_2440] {strides = array<i32>} : memref<64x384xf32, #tpu.memory_space<vmem>>, vector<1x16xf32>,
      %get3A_2442 = vector.shape_cast %get3A_2441 : vector<1x16xf32> to vector<16xf32>
      %swap3A_2443 = arith.index_cast %add3A_2309 : i32 to index
      %swap3A_2444 = arith.constant 128 : index
      %swap3A_2445 = tpu.vector_load %arg7[%swap3A_2443, %swap3A_2444] {strides = array<i32>} : memref<128x768xf32, #tpu.memory_space<vmem>>, vector<1x16xf32>,
      %swap3A_2446 = vector.shape_cast %swap3A_2445 : vector<1x16xf32> to vector<16xf32>
      %swap3A_2447 = vector.shape_cast %get3A_2442 : vector<16xf32> to vector<1x16xf32>
      tpu.vector_store %arg7[%swap3A_2443, %swap3A_2444], %swap3A_2447 {strides = array<i32>} : memref<128x768xf32, #tpu.memory_space<vmem>>, vector<1x16xf32>,
      %swap3A_2448 = arith.index_cast %add3A_2309 : i32 to index
      %swap3A_2449 = arith.constant 512 : index
      %swap3A_2450 = tpu.vector_load %arg7[%swap3A_2448, %swap3A_2449] {strides = array<i32>} : memref<128x768xf32, #tpu.memory_space<vmem>>, vector<1x16xf32>,
      %swap3A_2451 = vector.shape_cast %swap3A_2450 : vector<1x16xf32> to vector<16xf32>
      %swap3A_2452 = vector.shape_cast %get3A_54 : vector<16xf32> to vector<1x16xf32>
      tpu.vector_store %arg7[%swap3A_2448, %swap3A_2449], %swap3A_2452 {strides = array<i32>} : memref<128x768xf32, #tpu.memory_space<vmem>>, vector<1x16xf32>,
      %add3A_2453 = arith.constant 0 : i32
      %add3A_2454 = arith.addi %add3A_2453, %scan3A_2307 : i32
      %get3A_2455 = arith.index_cast %add3A_2454 : i32 to index
      %get3A_2456 = arith.constant 144 : index
      %get3A_2457 = tpu.vector_load %arg5[%get3A_2455, %get3A_2456] {strides = array<i32>} : memref<64x384xf32, #tpu.memory_space<vmem>>, vector<1x16xf32>,
      %get3A_2458 = vector.shape_cast %get3A_2457 : vector<1x16xf32> to vector<16xf32>
      %swap3A_2459 = arith.index_cast %add3A_2309 : i32 to index
      %swap3A_2460 = arith.constant 144 : index
      %swap3A_2461 = tpu.vector_load %arg7[%swap3A_2459, %swap3A_2460] {strides = array<i32>} : memref<128x768xf32, #tpu.memory_space<vmem>>, vector<1x16xf32>,
      %swap3A_2462 = vector.shape_cast %swap3A_2461 : vector<1x16xf32> to vector<16xf32>
      %swap3A_2463 = vector.shape_cast %get3A_2458 : vector<16xf32> to vector<1x16xf32>
      tpu.vector_store %arg7[%swap3A_2459, %swap3A_2460], %swap3A_2463 {strides = array<i32>} : memref<128x768xf32, #tpu.memory_space<vmem>>, vector<1x16xf32>,
      %swap3A_2464 = arith.index_cast %add3A_2309 : i32 to index
      %swap3A_2465 = arith.constant 528 : index
      %swap3A_2466 = tpu.vector_load %arg7[%swap3A_2464, %swap3A_2465] {strides = array<i32>} : memref<128x768xf32, #tpu.memory_space<vmem>>, vector<1x16xf32>,
      %swap3A_2467 = vector.shape_cast %swap3A_2466 : vector<1x16xf32> to vector<16xf32>
      %swap3A_2468 = vector.shape_cast %get3A_59 : vector<16xf32> to vector<1x16xf32>
      tpu.vector_store %arg7[%swap3A_2464, %swap3A_2465], %swap3A_2468 {strides = array<i32>} : memref<128x768xf32, #tpu.memory_space<vmem>>, vector<1x16xf32>,
      %add3A_2469 = arith.constant 0 : i32
      %add3A_2470 = arith.addi %add3A_2469, %scan3A_2307 : i32
      %get3A_2471 = arith.index_cast %add3A_2470 : i32 to index
      %get3A_2472 = arith.constant 160 : index
      %get3A_2473 = tpu.vector_load %arg5[%get3A_2471, %get3A_2472] {strides = array<i32>} : memref<64x384xf32, #tpu.memory_space<vmem>>, vector<1x16xf32>,
      %get3A_2474 = vector.shape_cast %get3A_2473 : vector<1x16xf32> to vector<16xf32>
      %swap3A_2475 = arith.index_cast %add3A_2309 : i32 to index
      %swap3A_2476 = arith.constant 160 : index
      %swap3A_2477 = tpu.vector_load %arg7[%swap3A_2475, %swap3A_2476] {strides = array<i32>} : memref<128x768xf32, #tpu.memory_space<vmem>>, vector<1x16xf32>,
      %swap3A_2478 = vector.shape_cast %swap3A_2477 : vector<1x16xf32> to vector<16xf32>
      %swap3A_2479 = vector.shape_cast %get3A_2474 : vector<16xf32> to vector<1x16xf32>
      tpu.vector_store %arg7[%swap3A_2475, %swap3A_2476], %swap3A_2479 {strides = array<i32>} : memref<128x768xf32, #tpu.memory_space<vmem>>, vector<1x16xf32>,
      %swap3A_2480 = arith.index_cast %add3A_2309 : i32 to index
      %swap3A_2481 = arith.constant 544 : index
      %swap3A_2482 = tpu.vector_load %arg7[%swap3A_2480, %swap3A_2481] {strides = array<i32>} : memref<128x768xf32, #tpu.memory_space<vmem>>, vector<1x16xf32>,
      %swap3A_2483 = vector.shape_cast %swap3A_2482 : vector<1x16xf32> to vector<16xf32>
      %swap3A_2484 = vector.shape_cast %get3A_64 : vector<16xf32> to vector<1x16xf32>
      tpu.vector_store %arg7[%swap3A_2480, %swap3A_2481], %swap3A_2484 {strides = array<i32>} : memref<128x768xf32, #tpu.memory_space<vmem>>, vector<1x16xf32>,
      %add3A_2485 = arith.constant 0 : i32
      %add3A_2486 = arith.addi %add3A_2485, %scan3A_2307 : i32
      %get3A_2487 = arith.index_cast %add3A_2486 : i32 to index
      %get3A_2488 = arith.constant 176 : index
      %get3A_2489 = tpu.vector_load %arg5[%get3A_2487, %get3A_2488] {strides = array<i32>} : memref<64x384xf32, #tpu.memory_space<vmem>>, vector<1x16xf32>,
      %get3A_2490 = vector.shape_cast %get3A_2489 : vector<1x16xf32> to vector<16xf32>
      %swap3A_2491 = arith.index_cast %add3A_2309 : i32 to index
      %swap3A_2492 = arith.constant 176 : index
      %swap3A_2493 = tpu.vector_load %arg7[%swap3A_2491, %swap3A_2492] {strides = array<i32>} : memref<128x768xf32, #tpu.memory_space<vmem>>, vector<1x16xf32>,
      %swap3A_2494 = vector.shape_cast %swap3A_2493 : vector<1x16xf32> to vector<16xf32>
      %swap3A_2495 = vector.shape_cast %get3A_2490 : vector<16xf32> to vector<1x16xf32>
      tpu.vector_store %arg7[%swap3A_2491, %swap3A_2492], %swap3A_2495 {strides = array<i32>} : memref<128x768xf32, #tpu.memory_space<vmem>>, vector<1x16xf32>,
      %swap3A_2496 = arith.index_cast %add3A_2309 : i32 to index
      %swap3A_2497 = arith.constant 560 : index
      %swap3A_2498 = tpu.vector_load %arg7[%swap3A_2496, %swap3A_2497] {strides = array<i32>} : memref<128x768xf32, #tpu.memory_space<vmem>>, vector<1x16xf32>,
      %swap3A_2499 = vector.shape_cast %swap3A_2498 : vector<1x16xf32> to vector<16xf32>
      %swap3A_2500 = vector.shape_cast %get3A_69 : vector<16xf32> to vector<1x16xf32>
      tpu.vector_store %arg7[%swap3A_2496, %swap3A_2497], %swap3A_2500 {strides = array<i32>} : memref<128x768xf32, #tpu.memory_space<vmem>>, vector<1x16xf32>,
      %add3A_2501 = arith.constant 0 : i32
      %add3A_2502 = arith.addi %add3A_2501, %scan3A_2307 : i32
      %get3A_2503 = arith.index_cast %add3A_2502 : i32 to index
      %get3A_2504 = arith.constant 192 : index
      %get3A_2505 = tpu.vector_load %arg5[%get3A_2503, %get3A_2504] {strides = array<i32>} : memref<64x384xf32, #tpu.memory_space<vmem>>, vector<1x16xf32>,
      %get3A_2506 = vector.shape_cast %get3A_2505 : vector<1x16xf32> to vector<16xf32>
      %swap3A_2507 = arith.index_cast %add3A_2309 : i32 to index
      %swap3A_2508 = arith.constant 192 : index
      %swap3A_2509 = tpu.vector_load %arg7[%swap3A_2507, %swap3A_2508] {strides = array<i32>} : memref<128x768xf32, #tpu.memory_space<vmem>>, vector<1x16xf32>,
      %swap3A_2510 = vector.shape_cast %swap3A_2509 : vector<1x16xf32> to vector<16xf32>
      %swap3A_2511 = vector.shape_cast %get3A_2506 : vector<16xf32> to vector<1x16xf32>
      tpu.vector_store %arg7[%swap3A_2507, %swap3A_2508], %swap3A_2511 {strides = array<i32>} : memref<128x768xf32, #tpu.memory_space<vmem>>, vector<1x16xf32>,
      %swap3A_2512 = arith.index_cast %add3A_2309 : i32 to index
      %swap3A_2513 = arith.constant 576 : index
      %swap3A_2514 = tpu.vector_load %arg7[%swap3A_2512, %swap3A_2513] {strides = array<i32>} : memref<128x768xf32, #tpu.memory_space<vmem>>, vector<1x16xf32>,
      %swap3A_2515 = vector.shape_cast %swap3A_2514 : vector<1x16xf32> to vector<16xf32>
      %swap3A_2516 = vector.shape_cast %get3A_74 : vector<16xf32> to vector<1x16xf32>
      tpu.vector_store %arg7[%swap3A_2512, %swap3A_2513], %swap3A_2516 {strides = array<i32>} : memref<128x768xf32, #tpu.memory_space<vmem>>, vector<1x16xf32>,
      %add3A_2517 = arith.constant 0 : i32
      %add3A_2518 = arith.addi %add3A_2517, %scan3A_2307 : i32
      %get3A_2519 = arith.index_cast %add3A_2518 : i32 to index
      %get3A_2520 = arith.constant 208 : index
      %get3A_2521 = tpu.vector_load %arg5[%get3A_2519, %get3A_2520] {strides = array<i32>} : memref<64x384xf32, #tpu.memory_space<vmem>>, vector<1x16xf32>,
      %get3A_2522 = vector.shape_cast %get3A_2521 : vector<1x16xf32> to vector<16xf32>
      %swap3A_2523 = arith.index_cast %add3A_2309 : i32 to index
      %swap3A_2524 = arith.constant 208 : index
      %swap3A_2525 = tpu.vector_load %arg7[%swap3A_2523, %swap3A_2524] {strides = array<i32>} : memref<128x768xf32, #tpu.memory_space<vmem>>, vector<1x16xf32>,
      %swap3A_2526 = vector.shape_cast %swap3A_2525 : vector<1x16xf32> to vector<16xf32>
      %swap3A_2527 = vector.shape_cast %get3A_2522 : vector<16xf32> to vector<1x16xf32>
      tpu.vector_store %arg7[%swap3A_2523, %swap3A_2524], %swap3A_2527 {strides = array<i32>} : memref<128x768xf32, #tpu.memory_space<vmem>>, vector<1x16xf32>,
      %swap3A_2528 = arith.index_cast %add3A_2309 : i32 to index
      %swap3A_2529 = arith.constant 592 : index
      %swap3A_2530 = tpu.vector_load %arg7[%swap3A_2528, %swap3A_2529] {strides = array<i32>} : memref<128x768xf32, #tpu.memory_space<vmem>>, vector<1x16xf32>,
      %swap3A_2531 = vector.shape_cast %swap3A_2530 : vector<1x16xf32> to vector<16xf32>
      %swap3A_2532 = vector.shape_cast %get3A_79 : vector<16xf32> to vector<1x16xf32>
      tpu.vector_store %arg7[%swap3A_2528, %swap3A_2529], %swap3A_2532 {strides = array<i32>} : memref<128x768xf32, #tpu.memory_space<vmem>>, vector<1x16xf32>,
      %add3A_2533 = arith.constant 0 : i32
      %add3A_2534 = arith.addi %add3A_2533, %scan3A_2307 : i32
      %get3A_2535 = arith.index_cast %add3A_2534 : i32 to index
      %get3A_2536 = arith.constant 224 : index
      %get3A_2537 = tpu.vector_load %arg5[%get3A_2535, %get3A_2536] {strides = array<i32>} : memref<64x384xf32, #tpu.memory_space<vmem>>, vector<1x16xf32>,
      %get3A_2538 = vector.shape_cast %get3A_2537 : vector<1x16xf32> to vector<16xf32>
      %swap3A_2539 = arith.index_cast %add3A_2309 : i32 to index
      %swap3A_2540 = arith.constant 224 : index
      %swap3A_2541 = tpu.vector_load %arg7[%swap3A_2539, %swap3A_2540] {strides = array<i32>} : memref<128x768xf32, #tpu.memory_space<vmem>>, vector<1x16xf32>,
      %swap3A_2542 = vector.shape_cast %swap3A_2541 : vector<1x16xf32> to vector<16xf32>
      %swap3A_2543 = vector.shape_cast %get3A_2538 : vector<16xf32> to vector<1x16xf32>
      tpu.vector_store %arg7[%swap3A_2539, %swap3A_2540], %swap3A_2543 {strides = array<i32>} : memref<128x768xf32, #tpu.memory_space<vmem>>, vector<1x16xf32>,
      %swap3A_2544 = arith.index_cast %add3A_2309 : i32 to index
      %swap3A_2545 = arith.constant 608 : index
      %swap3A_2546 = tpu.vector_load %arg7[%swap3A_2544, %swap3A_2545] {strides = array<i32>} : memref<128x768xf32, #tpu.memory_space<vmem>>, vector<1x16xf32>,
      %swap3A_2547 = vector.shape_cast %swap3A_2546 : vector<1x16xf32> to vector<16xf32>
      %swap3A_2548 = vector.shape_cast %get3A_84 : vector<16xf32> to vector<1x16xf32>
      tpu.vector_store %arg7[%swap3A_2544, %swap3A_2545], %swap3A_2548 {strides = array<i32>} : memref<128x768xf32, #tpu.memory_space<vmem>>, vector<1x16xf32>,
      %add3A_2549 = arith.constant 0 : i32
      %add3A_2550 = arith.addi %add3A_2549, %scan3A_2307 : i32
      %get3A_2551 = arith.index_cast %add3A_2550 : i32 to index
      %get3A_2552 = arith.constant 240 : index
      %get3A_2553 = tpu.vector_load %arg5[%get3A_2551, %get3A_2552] {strides = array<i32>} : memref<64x384xf32, #tpu.memory_space<vmem>>, vector<1x16xf32>,
      %get3A_2554 = vector.shape_cast %get3A_2553 : vector<1x16xf32> to vector<16xf32>
      %swap3A_2555 = arith.index_cast %add3A_2309 : i32 to index
      %swap3A_2556 = arith.constant 240 : index
      %swap3A_2557 = tpu.vector_load %arg7[%swap3A_2555, %swap3A_2556] {strides = array<i32>} : memref<128x768xf32, #tpu.memory_space<vmem>>, vector<1x16xf32>,
      %swap3A_2558 = vector.shape_cast %swap3A_2557 : vector<1x16xf32> to vector<16xf32>
      %swap3A_2559 = vector.shape_cast %get3A_2554 : vector<16xf32> to vector<1x16xf32>
      tpu.vector_store %arg7[%swap3A_2555, %swap3A_2556], %swap3A_2559 {strides = array<i32>} : memref<128x768xf32, #tpu.memory_space<vmem>>, vector<1x16xf32>,
      %swap3A_2560 = arith.index_cast %add3A_2309 : i32 to index
      %swap3A_2561 = arith.constant 624 : index
      %swap3A_2562 = tpu.vector_load %arg7[%swap3A_2560, %swap3A_2561] {strides = array<i32>} : memref<128x768xf32, #tpu.memory_space<vmem>>, vector<1x16xf32>,
      %swap3A_2563 = vector.shape_cast %swap3A_2562 : vector<1x16xf32> to vector<16xf32>
      %swap3A_2564 = vector.shape_cast %get3A_89 : vector<16xf32> to vector<1x16xf32>
      tpu.vector_store %arg7[%swap3A_2560, %swap3A_2561], %swap3A_2564 {strides = array<i32>} : memref<128x768xf32, #tpu.memory_space<vmem>>, vector<1x16xf32>,
      %add3A_2565 = arith.constant 0 : i32
      %add3A_2566 = arith.addi %add3A_2565, %scan3A_2307 : i32
      %get3A_2567 = arith.index_cast %add3A_2566 : i32 to index
      %get3A_2568 = arith.constant 256 : index
      %get3A_2569 = tpu.vector_load %arg5[%get3A_2567, %get3A_2568] {strides = array<i32>} : memref<64x384xf32, #tpu.memory_space<vmem>>, vector<1x16xf32>,
      %get3A_2570 = vector.shape_cast %get3A_2569 : vector<1x16xf32> to vector<16xf32>
      %swap3A_2571 = arith.index_cast %add3A_2309 : i32 to index
      %swap3A_2572 = arith.constant 256 : index
      %swap3A_2573 = tpu.vector_load %arg7[%swap3A_2571, %swap3A_2572] {strides = array<i32>} : memref<128x768xf32, #tpu.memory_space<vmem>>, vector<1x16xf32>,
      %swap3A_2574 = vector.shape_cast %swap3A_2573 : vector<1x16xf32> to vector<16xf32>
      %swap3A_2575 = vector.shape_cast %get3A_2570 : vector<16xf32> to vector<1x16xf32>
      tpu.vector_store %arg7[%swap3A_2571, %swap3A_2572], %swap3A_2575 {strides = array<i32>} : memref<128x768xf32, #tpu.memory_space<vmem>>, vector<1x16xf32>,
      %swap3A_2576 = arith.index_cast %add3A_2309 : i32 to index
      %swap3A_2577 = arith.constant 640 : index
      %swap3A_2578 = tpu.vector_load %arg7[%swap3A_2576, %swap3A_2577] {strides = array<i32>} : memref<128x768xf32, #tpu.memory_space<vmem>>, vector<1x16xf32>,
      %swap3A_2579 = vector.shape_cast %swap3A_2578 : vector<1x16xf32> to vector<16xf32>
      %swap3A_2580 = vector.shape_cast %get3A_94 : vector<16xf32> to vector<1x16xf32>
      tpu.vector_store %arg7[%swap3A_2576, %swap3A_2577], %swap3A_2580 {strides = array<i32>} : memref<128x768xf32, #tpu.memory_space<vmem>>, vector<1x16xf32>,
      %add3A_2581 = arith.constant 0 : i32
      %add3A_2582 = arith.addi %add3A_2581, %scan3A_2307 : i32
      %get3A_2583 = arith.index_cast %add3A_2582 : i32 to index
      %get3A_2584 = arith.constant 272 : index
      %get3A_2585 = tpu.vector_load %arg5[%get3A_2583, %get3A_2584] {strides = array<i32>} : memref<64x384xf32, #tpu.memory_space<vmem>>, vector<1x16xf32>,
      %get3A_2586 = vector.shape_cast %get3A_2585 : vector<1x16xf32> to vector<16xf32>
      %swap3A_2587 = arith.index_cast %add3A_2309 : i32 to index
      %swap3A_2588 = arith.constant 272 : index
      %swap3A_2589 = tpu.vector_load %arg7[%swap3A_2587, %swap3A_2588] {strides = array<i32>} : memref<128x768xf32, #tpu.memory_space<vmem>>, vector<1x16xf32>,
      %swap3A_2590 = vector.shape_cast %swap3A_2589 : vector<1x16xf32> to vector<16xf32>
      %swap3A_2591 = vector.shape_cast %get3A_2586 : vector<16xf32> to vector<1x16xf32>
      tpu.vector_store %arg7[%swap3A_2587, %swap3A_2588], %swap3A_2591 {strides = array<i32>} : memref<128x768xf32, #tpu.memory_space<vmem>>, vector<1x16xf32>,
      %swap3A_2592 = arith.index_cast %add3A_2309 : i32 to index
      %swap3A_2593 = arith.constant 656 : index
      %swap3A_2594 = tpu.vector_load %arg7[%swap3A_2592, %swap3A_2593] {strides = array<i32>} : memref<128x768xf32, #tpu.memory_space<vmem>>, vector<1x16xf32>,
      %swap3A_2595 = vector.shape_cast %swap3A_2594 : vector<1x16xf32> to vector<16xf32>
      %swap3A_2596 = vector.shape_cast %get3A_99 : vector<16xf32> to vector<1x16xf32>
      tpu.vector_store %arg7[%swap3A_2592, %swap3A_2593], %swap3A_2596 {strides = array<i32>} : memref<128x768xf32, #tpu.memory_space<vmem>>, vector<1x16xf32>,
      %add3A_2597 = arith.constant 0 : i32
      %add3A_2598 = arith.addi %add3A_2597, %scan3A_2307 : i32
      %get3A_2599 = arith.index_cast %add3A_2598 : i32 to index
      %get3A_2600 = arith.constant 288 : index
      %get3A_2601 = tpu.vector_load %arg5[%get3A_2599, %get3A_2600] {strides = array<i32>} : memref<64x384xf32, #tpu.memory_space<vmem>>, vector<1x16xf32>,
      %get3A_2602 = vector.shape_cast %get3A_2601 : vector<1x16xf32> to vector<16xf32>
      %swap3A_2603 = arith.index_cast %add3A_2309 : i32 to index
      %swap3A_2604 = arith.constant 288 : index
      %swap3A_2605 = tpu.vector_load %arg7[%swap3A_2603, %swap3A_2604] {strides = array<i32>} : memref<128x768xf32, #tpu.memory_space<vmem>>, vector<1x16xf32>,
      %swap3A_2606 = vector.shape_cast %swap3A_2605 : vector<1x16xf32> to vector<16xf32>
      %swap3A_2607 = vector.shape_cast %get3A_2602 : vector<16xf32> to vector<1x16xf32>
      tpu.vector_store %arg7[%swap3A_2603, %swap3A_2604], %swap3A_2607 {strides = array<i32>} : memref<128x768xf32, #tpu.memory_space<vmem>>, vector<1x16xf32>,
      %swap3A_2608 = arith.index_cast %add3A_2309 : i32 to index
      %swap3A_2609 = arith.constant 672 : index
      %swap3A_2610 = tpu.vector_load %arg7[%swap3A_2608, %swap3A_2609] {strides = array<i32>} : memref<128x768xf32, #tpu.memory_space<vmem>>, vector<1x16xf32>,
      %swap3A_2611 = vector.shape_cast %swap3A_2610 : vector<1x16xf32> to vector<16xf32>
      %swap3A_2612 = vector.shape_cast %get3A_104 : vector<16xf32> to vector<1x16xf32>
      tpu.vector_store %arg7[%swap3A_2608, %swap3A_2609], %swap3A_2612 {strides = array<i32>} : memref<128x768xf32, #tpu.memory_space<vmem>>, vector<1x16xf32>,
      %add3A_2613 = arith.constant 0 : i32
      %add3A_2614 = arith.addi %add3A_2613, %scan3A_2307 : i32
      %get3A_2615 = arith.index_cast %add3A_2614 : i32 to index
      %get3A_2616 = arith.constant 304 : index
      %get3A_2617 = tpu.vector_load %arg5[%get3A_2615, %get3A_2616] {strides = array<i32>} : memref<64x384xf32, #tpu.memory_space<vmem>>, vector<1x16xf32>,
      %get3A_2618 = vector.shape_cast %get3A_2617 : vector<1x16xf32> to vector<16xf32>
      %swap3A_2619 = arith.index_cast %add3A_2309 : i32 to index
      %swap3A_2620 = arith.constant 304 : index
      %swap3A_2621 = tpu.vector_load %arg7[%swap3A_2619, %swap3A_2620] {strides = array<i32>} : memref<128x768xf32, #tpu.memory_space<vmem>>, vector<1x16xf32>,
      %swap3A_2622 = vector.shape_cast %swap3A_2621 : vector<1x16xf32> to vector<16xf32>
      %swap3A_2623 = vector.shape_cast %get3A_2618 : vector<16xf32> to vector<1x16xf32>
      tpu.vector_store %arg7[%swap3A_2619, %swap3A_2620], %swap3A_2623 {strides = array<i32>} : memref<128x768xf32, #tpu.memory_space<vmem>>, vector<1x16xf32>,
      %swap3A_2624 = arith.index_cast %add3A_2309 : i32 to index
      %swap3A_2625 = arith.constant 688 : index
      %swap3A_2626 = tpu.vector_load %arg7[%swap3A_2624, %swap3A_2625] {strides = array<i32>} : memref<128x768xf32, #tpu.memory_space<vmem>>, vector<1x16xf32>,
      %swap3A_2627 = vector.shape_cast %swap3A_2626 : vector<1x16xf32> to vector<16xf32>
      %swap3A_2628 = vector.shape_cast %get3A_109 : vector<16xf32> to vector<1x16xf32>
      tpu.vector_store %arg7[%swap3A_2624, %swap3A_2625], %swap3A_2628 {strides = array<i32>} : memref<128x768xf32, #tpu.memory_space<vmem>>, vector<1x16xf32>,
      %add3A_2629 = arith.constant 0 : i32
      %add3A_2630 = arith.addi %add3A_2629, %scan3A_2307 : i32
      %get3A_2631 = arith.index_cast %add3A_2630 : i32 to index
      %get3A_2632 = arith.constant 320 : index
      %get3A_2633 = tpu.vector_load %arg5[%get3A_2631, %get3A_2632] {strides = array<i32>} : memref<64x384xf32, #tpu.memory_space<vmem>>, vector<1x16xf32>,
      %get3A_2634 = vector.shape_cast %get3A_2633 : vector<1x16xf32> to vector<16xf32>
      %swap3A_2635 = arith.index_cast %add3A_2309 : i32 to index
      %swap3A_2636 = arith.constant 320 : index
      %swap3A_2637 = tpu.vector_load %arg7[%swap3A_2635, %swap3A_2636] {strides = array<i32>} : memref<128x768xf32, #tpu.memory_space<vmem>>, vector<1x16xf32>,
      %swap3A_2638 = vector.shape_cast %swap3A_2637 : vector<1x16xf32> to vector<16xf32>
      %swap3A_2639 = vector.shape_cast %get3A_2634 : vector<16xf32> to vector<1x16xf32>
      tpu.vector_store %arg7[%swap3A_2635, %swap3A_2636], %swap3A_2639 {strides = array<i32>} : memref<128x768xf32, #tpu.memory_space<vmem>>, vector<1x16xf32>,
      %swap3A_2640 = arith.index_cast %add3A_2309 : i32 to index
      %swap3A_2641 = arith.constant 704 : index
      %swap3A_2642 = tpu.vector_load %arg7[%swap3A_2640, %swap3A_2641] {strides = array<i32>} : memref<128x768xf32, #tpu.memory_space<vmem>>, vector<1x16xf32>,
      %swap3A_2643 = vector.shape_cast %swap3A_2642 : vector<1x16xf32> to vector<16xf32>
      %swap3A_2644 = vector.shape_cast %get3A_114 : vector<16xf32> to vector<1x16xf32>
      tpu.vector_store %arg7[%swap3A_2640, %swap3A_2641], %swap3A_2644 {strides = array<i32>} : memref<128x768xf32, #tpu.memory_space<vmem>>, vector<1x16xf32>,
      %add3A_2645 = arith.constant 0 : i32
      %add3A_2646 = arith.addi %add3A_2645, %scan3A_2307 : i32
      %get3A_2647 = arith.index_cast %add3A_2646 : i32 to index
      %get3A_2648 = arith.constant 336 : index
      %get3A_2649 = tpu.vector_load %arg5[%get3A_2647, %get3A_2648] {strides = array<i32>} : memref<64x384xf32, #tpu.memory_space<vmem>>, vector<1x16xf32>,
      %get3A_2650 = vector.shape_cast %get3A_2649 : vector<1x16xf32> to vector<16xf32>
      %swap3A_2651 = arith.index_cast %add3A_2309 : i32 to index
      %swap3A_2652 = arith.constant 336 : index
      %swap3A_2653 = tpu.vector_load %arg7[%swap3A_2651, %swap3A_2652] {strides = array<i32>} : memref<128x768xf32, #tpu.memory_space<vmem>>, vector<1x16xf32>,
      %swap3A_2654 = vector.shape_cast %swap3A_2653 : vector<1x16xf32> to vector<16xf32>
      %swap3A_2655 = vector.shape_cast %get3A_2650 : vector<16xf32> to vector<1x16xf32>
      tpu.vector_store %arg7[%swap3A_2651, %swap3A_2652], %swap3A_2655 {strides = array<i32>} : memref<128x768xf32, #tpu.memory_space<vmem>>, vector<1x16xf32>,
      %swap3A_2656 = arith.index_cast %add3A_2309 : i32 to index
      %swap3A_2657 = arith.constant 720 : index
      %swap3A_2658 = tpu.vector_load %arg7[%swap3A_2656, %swap3A_2657] {strides = array<i32>} : memref<128x768xf32, #tpu.memory_space<vmem>>, vector<1x16xf32>,
      %swap3A_2659 = vector.shape_cast %swap3A_2658 : vector<1x16xf32> to vector<16xf32>
      %swap3A_2660 = vector.shape_cast %get3A_119 : vector<16xf32> to vector<1x16xf32>
      tpu.vector_store %arg7[%swap3A_2656, %swap3A_2657], %swap3A_2660 {strides = array<i32>} : memref<128x768xf32, #tpu.memory_space<vmem>>, vector<1x16xf32>,
      %add3A_2661 = arith.constant 0 : i32
      %add3A_2662 = arith.addi %add3A_2661, %scan3A_2307 : i32
      %get3A_2663 = arith.index_cast %add3A_2662 : i32 to index
      %get3A_2664 = arith.constant 352 : index
      %get3A_2665 = tpu.vector_load %arg5[%get3A_2663, %get3A_2664] {strides = array<i32>} : memref<64x384xf32, #tpu.memory_space<vmem>>, vector<1x16xf32>,
      %get3A_2666 = vector.shape_cast %get3A_2665 : vector<1x16xf32> to vector<16xf32>
      %swap3A_2667 = arith.index_cast %add3A_2309 : i32 to index
      %swap3A_2668 = arith.constant 352 : index
      %swap3A_2669 = tpu.vector_load %arg7[%swap3A_2667, %swap3A_2668] {strides = array<i32>} : memref<128x768xf32, #tpu.memory_space<vmem>>, vector<1x16xf32>,
      %swap3A_2670 = vector.shape_cast %swap3A_2669 : vector<1x16xf32> to vector<16xf32>
      %swap3A_2671 = vector.shape_cast %get3A_2666 : vector<16xf32> to vector<1x16xf32>
      tpu.vector_store %arg7[%swap3A_2667, %swap3A_2668], %swap3A_2671 {strides = array<i32>} : memref<128x768xf32, #tpu.memory_space<vmem>>, vector<1x16xf32>,
      %swap3A_2672 = arith.index_cast %add3A_2309 : i32 to index
      %swap3A_2673 = arith.constant 736 : index
      %swap3A_2674 = tpu.vector_load %arg7[%swap3A_2672, %swap3A_2673] {strides = array<i32>} : memref<128x768xf32, #tpu.memory_space<vmem>>, vector<1x16xf32>,
      %swap3A_2675 = vector.shape_cast %swap3A_2674 : vector<1x16xf32> to vector<16xf32>
      %swap3A_2676 = vector.shape_cast %get3A_124 : vector<16xf32> to vector<1x16xf32>
      tpu.vector_store %arg7[%swap3A_2672, %swap3A_2673], %swap3A_2676 {strides = array<i32>} : memref<128x768xf32, #tpu.memory_space<vmem>>, vector<1x16xf32>,
      %add3A_2677 = arith.constant 0 : i32
      %add3A_2678 = arith.addi %add3A_2677, %scan3A_2307 : i32
      %get3A_2679 = arith.index_cast %add3A_2678 : i32 to index
      %get3A_2680 = arith.constant 368 : index
      %get3A_2681 = tpu.vector_load %arg5[%get3A_2679, %get3A_2680] {strides = array<i32>} : memref<64x384xf32, #tpu.memory_space<vmem>>, vector<1x16xf32>,
      %get3A_2682 = vector.shape_cast %get3A_2681 : vector<1x16xf32> to vector<16xf32>
      %swap3A_2683 = arith.index_cast %add3A_2309 : i32 to index
      %swap3A_2684 = arith.constant 368 : index
      %swap3A_2685 = tpu.vector_load %arg7[%swap3A_2683, %swap3A_2684] {strides = array<i32>} : memref<128x768xf32, #tpu.memory_space<vmem>>, vector<1x16xf32>,
      %swap3A_2686 = vector.shape_cast %swap3A_2685 : vector<1x16xf32> to vector<16xf32>
      %swap3A_2687 = vector.shape_cast %get3A_2682 : vector<16xf32> to vector<1x16xf32>
      tpu.vector_store %arg7[%swap3A_2683, %swap3A_2684], %swap3A_2687 {strides = array<i32>} : memref<128x768xf32, #tpu.memory_space<vmem>>, vector<1x16xf32>,
      %swap3A_2688 = arith.index_cast %add3A_2309 : i32 to index
      %swap3A_2689 = arith.constant 752 : index
      %swap3A_2690 = tpu.vector_load %arg7[%swap3A_2688, %swap3A_2689] {strides = array<i32>} : memref<128x768xf32, #tpu.memory_space<vmem>>, vector<1x16xf32>,
      %swap3A_2691 = vector.shape_cast %swap3A_2690 : vector<1x16xf32> to vector<16xf32>
      %swap3A_2692 = vector.shape_cast %get3A_129 : vector<16xf32> to vector<1x16xf32>
      tpu.vector_store %arg7[%swap3A_2688, %swap3A_2689], %swap3A_2692 {strides = array<i32>} : memref<128x768xf32, #tpu.memory_space<vmem>>, vector<1x16xf32>,
    }
    %scan3A_134 = arith.constant 16 : i32
    %add3A_135 = arith.constant 0 : i32
    %add3A_136 = arith.addi %mul3A_2, %add3A_135 : i32
    %dma_start3A_137 = arith.constant 0 : i32
    %dma_start3A_138 = arith.constant 0 : i32
    %dma_start3A_139 = arith.constant 0 : i32
    %dma_start3A_140 = tpu.memref_slice %arg7[%dma_start3A_138, %dma_start3A_139] : memref<128x768xf32, #tpu.memory_space<vmem>> -> memref<16x768xf32, #tpu.memory_space<vmem>>
    %dma_start3A_141 = arith.constant 0 : i32
    %dma_start3A_142 = arith.constant 0 : i32
    %dma_start3A_143 = tpu.memref_slice %arg4[%dma_start3A_137, %dma_start3A_141, %dma_start3A_142] : memref<16x4096x768xf32, #tpu.memory_space<hbm>> -> memref<1x4096x768xf32, #tpu.memory_space<hbm>>
    %dma_start3A_144 = tpu.memref_squeeze %dma_start3A_143 : memref<1x4096x768xf32, #tpu.memory_space<hbm>> -> memref<4096x768xf32, #tpu.memory_space<hbm>>
    %dma_start3A_145 = arith.constant 0 : i32
    %dma_start3A_146 = tpu.memref_slice %dma_start3A_144[%add3A_136, %dma_start3A_145] : memref<4096x768xf32, #tpu.memory_space<hbm>> -> memref<16x768xf32, #tpu.memory_space<hbm>>
    %dma_start3A_147 = arith.constant 0 : i32
    %dma_start3A_148 = arith.constant 0 : i32
    %dma_start3A_149 = tpu.memref_slice %arg4[%dma_start3A_137, %dma_start3A_147, %dma_start3A_148] : memref<16x4096x768xf32, #tpu.memory_space<hbm>> -> memref<1x4096x768xf32, #tpu.memory_space<hbm>>
    %dma_start3A_150 = tpu.memref_squeeze %dma_start3A_149 : memref<1x4096x768xf32, #tpu.memory_space<hbm>> -> memref<4096x768xf32, #tpu.memory_space<hbm>>
    %dma_start3A_151 = arith.constant 0 : i32
    %dma_start3A_152 = tpu.memref_slice %dma_start3A_150[%add3A_136, %dma_start3A_151] : memref<4096x768xf32, #tpu.memory_space<hbm>> -> memref<16x768xf32, #tpu.memory_space<hbm>>
    %dma_start3A_153 = arith.constant 0 : i32
    %dma_start3A_154 = arith.constant 0 : i32
    %dma_start3A_155 = tpu.memref_slice %arg7[%dma_start3A_153, %dma_start3A_154] : memref<128x768xf32, #tpu.memory_space<vmem>> -> memref<16x768xf32, #tpu.memory_space<vmem>>
    tpu.enqueue_dma source(%dma_start3A_155 : memref<16x768xf32, #tpu.memory_space<vmem>>) target(%dma_start3A_152 : memref<16x768xf32, #tpu.memory_space<hbm>>) target_semaphore(%arg8 : memref<!tpu.dma_semaphore, #tpu.memory_space<semaphore_mem>>)
    %add3A_156 = arith.constant 0 : i32
    %add3A_157 = arith.addi %mul3A_2, %add3A_156 : i32
    %dma_start3A_158 = arith.constant 1 : i32
    %dma_start3A_159 = arith.constant 0 : i32
    %dma_start3A_160 = arith.constant 0 : i32
    %dma_start3A_161 = tpu.memref_slice %arg7[%dma_start3A_159, %dma_start3A_160] : memref<128x768xf32, #tpu.memory_space<vmem>> -> memref<16x768xf32, #tpu.memory_space<vmem>>
    %dma_start3A_162 = arith.constant 0 : i32
    %dma_start3A_163 = arith.constant 0 : i32
    %dma_start3A_164 = tpu.memref_slice %arg4[%dma_start3A_158, %dma_start3A_162, %dma_start3A_163] : memref<16x4096x768xf32, #tpu.memory_space<hbm>> -> memref<1x4096x768xf32, #tpu.memory_space<hbm>>
    %dma_start3A_165 = tpu.memref_squeeze %dma_start3A_164 : memref<1x4096x768xf32, #tpu.memory_space<hbm>> -> memref<4096x768xf32, #tpu.memory_space<hbm>>
    %dma_start3A_166 = arith.constant 0 : i32
    %dma_start3A_167 = tpu.memref_slice %dma_start3A_165[%add3A_157, %dma_start3A_166] : memref<4096x768xf32, #tpu.memory_space<hbm>> -> memref<16x768xf32, #tpu.memory_space<hbm>>
    %dma_start3A_168 = arith.constant 0 : i32
    %dma_start3A_169 = arith.constant 0 : i32
    %dma_start3A_170 = tpu.memref_slice %arg4[%dma_start3A_158, %dma_start3A_168, %dma_start3A_169] : memref<16x4096x768xf32, #tpu.memory_space<hbm>> -> memref<1x4096x768xf32, #tpu.memory_space<hbm>>
    %dma_start3A_171 = tpu.memref_squeeze %dma_start3A_170 : memref<1x4096x768xf32, #tpu.memory_space<hbm>> -> memref<4096x768xf32, #tpu.memory_space<hbm>>
    %dma_start3A_172 = arith.constant 0 : i32
    %dma_start3A_173 = tpu.memref_slice %dma_start3A_171[%add3A_157, %dma_start3A_172] : memref<4096x768xf32, #tpu.memory_space<hbm>> -> memref<16x768xf32, #tpu.memory_space<hbm>>
    %dma_start3A_174 = arith.constant 0 : i32
    %dma_start3A_175 = arith.constant 0 : i32
    %dma_start3A_176 = tpu.memref_slice %arg7[%dma_start3A_174, %dma_start3A_175] : memref<128x768xf32, #tpu.memory_space<vmem>> -> memref<16x768xf32, #tpu.memory_space<vmem>>
    tpu.enqueue_dma source(%dma_start3A_176 : memref<16x768xf32, #tpu.memory_space<vmem>>) target(%dma_start3A_173 : memref<16x768xf32, #tpu.memory_space<hbm>>) target_semaphore(%arg8 : memref<!tpu.dma_semaphore, #tpu.memory_space<semaphore_mem>>)
    %add3A_177 = arith.constant 0 : i32
    %add3A_178 = arith.addi %mul3A_2, %add3A_177 : i32
    %dma_start3A_179 = arith.constant 2 : i32
    %dma_start3A_180 = arith.constant 0 : i32
    %dma_start3A_181 = arith.constant 0 : i32
    %dma_start3A_182 = tpu.memref_slice %arg7[%dma_start3A_180, %dma_start3A_181] : memref<128x768xf32, #tpu.memory_space<vmem>> -> memref<16x768xf32, #tpu.memory_space<vmem>>
    %dma_start3A_183 = arith.constant 0 : i32
    %dma_start3A_184 = arith.constant 0 : i32
    %dma_start3A_185 = tpu.memref_slice %arg4[%dma_start3A_179, %dma_start3A_183, %dma_start3A_184] : memref<16x4096x768xf32, #tpu.memory_space<hbm>> -> memref<1x4096x768xf32, #tpu.memory_space<hbm>>
    %dma_start3A_186 = tpu.memref_squeeze %dma_start3A_185 : memref<1x4096x768xf32, #tpu.memory_space<hbm>> -> memref<4096x768xf32, #tpu.memory_space<hbm>>
    %dma_start3A_187 = arith.constant 0 : i32
    %dma_start3A_188 = tpu.memref_slice %dma_start3A_186[%add3A_178, %dma_start3A_187] : memref<4096x768xf32, #tpu.memory_space<hbm>> -> memref<16x768xf32, #tpu.memory_space<hbm>>
    %dma_start3A_189 = arith.constant 0 : i32
    %dma_start3A_190 = arith.constant 0 : i32
    %dma_start3A_191 = tpu.memref_slice %arg4[%dma_start3A_179, %dma_start3A_189, %dma_start3A_190] : memref<16x4096x768xf32, #tpu.memory_space<hbm>> -> memref<1x4096x768xf32, #tpu.memory_space<hbm>>
    %dma_start3A_192 = tpu.memref_squeeze %dma_start3A_191 : memref<1x4096x768xf32, #tpu.memory_space<hbm>> -> memref<4096x768xf32, #tpu.memory_space<hbm>>
    %dma_start3A_193 = arith.constant 0 : i32
    %dma_start3A_194 = tpu.memref_slice %dma_start3A_192[%add3A_178, %dma_start3A_193] : memref<4096x768xf32, #tpu.memory_space<hbm>> -> memref<16x768xf32, #tpu.memory_space<hbm>>
    %dma_start3A_195 = arith.constant 0 : i32
    %dma_start3A_196 = arith.constant 0 : i32
    %dma_start3A_197 = tpu.memref_slice %arg7[%dma_start3A_195, %dma_start3A_196] : memref<128x768xf32, #tpu.memory_space<vmem>> -> memref<16x768xf32, #tpu.memory_space<vmem>>
    tpu.enqueue_dma source(%dma_start3A_197 : memref<16x768xf32, #tpu.memory_space<vmem>>) target(%dma_start3A_194 : memref<16x768xf32, #tpu.memory_space<hbm>>) target_semaphore(%arg8 : memref<!tpu.dma_semaphore, #tpu.memory_space<semaphore_mem>>)
    %add3A_198 = arith.constant 0 : i32
    %add3A_199 = arith.addi %mul3A_2, %add3A_198 : i32
    %dma_start3A_200 = arith.constant 3 : i32
    %dma_start3A_201 = arith.constant 0 : i32
    %dma_start3A_202 = arith.constant 0 : i32
    %dma_start3A_203 = tpu.memref_slice %arg7[%dma_start3A_201, %dma_start3A_202] : memref<128x768xf32, #tpu.memory_space<vmem>> -> memref<16x768xf32, #tpu.memory_space<vmem>>
    %dma_start3A_204 = arith.constant 0 : i32
    %dma_start3A_205 = arith.constant 0 : i32
    %dma_start3A_206 = tpu.memref_slice %arg4[%dma_start3A_200, %dma_start3A_204, %dma_start3A_205] : memref<16x4096x768xf32, #tpu.memory_space<hbm>> -> memref<1x4096x768xf32, #tpu.memory_space<hbm>>
    %dma_start3A_207 = tpu.memref_squeeze %dma_start3A_206 : memref<1x4096x768xf32, #tpu.memory_space<hbm>> -> memref<4096x768xf32, #tpu.memory_space<hbm>>
    %dma_start3A_208 = arith.constant 0 : i32
    %dma_start3A_209 = tpu.memref_slice %dma_start3A_207[%add3A_199, %dma_start3A_208] : memref<4096x768xf32, #tpu.memory_space<hbm>> -> memref<16x768xf32, #tpu.memory_space<hbm>>
    %dma_start3A_210 = arith.constant 0 : i32
    %dma_start3A_211 = arith.constant 0 : i32
    %dma_start3A_212 = tpu.memref_slice %arg4[%dma_start3A_200, %dma_start3A_210, %dma_start3A_211] : memref<16x4096x768xf32, #tpu.memory_space<hbm>> -> memref<1x4096x768xf32, #tpu.memory_space<hbm>>
    %dma_start3A_213 = tpu.memref_squeeze %dma_start3A_212 : memref<1x4096x768xf32, #tpu.memory_space<hbm>> -> memref<4096x768xf32, #tpu.memory_space<hbm>>
    %dma_start3A_214 = arith.constant 0 : i32
    %dma_start3A_215 = tpu.memref_slice %dma_start3A_213[%add3A_199, %dma_start3A_214] : memref<4096x768xf32, #tpu.memory_space<hbm>> -> memref<16x768xf32, #tpu.memory_space<hbm>>
    %dma_start3A_216 = arith.constant 0 : i32
    %dma_start3A_217 = arith.constant 0 : i32
    %dma_start3A_218 = tpu.memref_slice %arg7[%dma_start3A_216, %dma_start3A_217] : memref<128x768xf32, #tpu.memory_space<vmem>> -> memref<16x768xf32, #tpu.memory_space<vmem>>
    tpu.enqueue_dma source(%dma_start3A_218 : memref<16x768xf32, #tpu.memory_space<vmem>>) target(%dma_start3A_215 : memref<16x768xf32, #tpu.memory_space<hbm>>) target_semaphore(%arg8 : memref<!tpu.dma_semaphore, #tpu.memory_space<semaphore_mem>>)
    %add3A_219 = arith.constant 0 : i32
    %add3A_220 = arith.addi %mul3A_2, %add3A_219 : i32
    %dma_start3A_221 = arith.constant 4 : i32
    %dma_start3A_222 = arith.constant 0 : i32
    %dma_start3A_223 = arith.constant 0 : i32
    %dma_start3A_224 = tpu.memref_slice %arg7[%dma_start3A_222, %dma_start3A_223] : memref<128x768xf32, #tpu.memory_space<vmem>> -> memref<16x768xf32, #tpu.memory_space<vmem>>
    %dma_start3A_225 = arith.constant 0 : i32
    %dma_start3A_226 = arith.constant 0 : i32
    %dma_start3A_227 = tpu.memref_slice %arg4[%dma_start3A_221, %dma_start3A_225, %dma_start3A_226] : memref<16x4096x768xf32, #tpu.memory_space<hbm>> -> memref<1x4096x768xf32, #tpu.memory_space<hbm>>
    %dma_start3A_228 = tpu.memref_squeeze %dma_start3A_227 : memref<1x4096x768xf32, #tpu.memory_space<hbm>> -> memref<4096x768xf32, #tpu.memory_space<hbm>>
    %dma_start3A_229 = arith.constant 0 : i32
    %dma_start3A_230 = tpu.memref_slice %dma_start3A_228[%add3A_220, %dma_start3A_229] : memref<4096x768xf32, #tpu.memory_space<hbm>> -> memref<16x768xf32, #tpu.memory_space<hbm>>
    %dma_start3A_231 = arith.constant 0 : i32
    %dma_start3A_232 = arith.constant 0 : i32
    %dma_start3A_233 = tpu.memref_slice %arg4[%dma_start3A_221, %dma_start3A_231, %dma_start3A_232] : memref<16x4096x768xf32, #tpu.memory_space<hbm>> -> memref<1x4096x768xf32, #tpu.memory_space<hbm>>
    %dma_start3A_234 = tpu.memref_squeeze %dma_start3A_233 : memref<1x4096x768xf32, #tpu.memory_space<hbm>> -> memref<4096x768xf32, #tpu.memory_space<hbm>>
    %dma_start3A_235 = arith.constant 0 : i32
    %dma_start3A_236 = tpu.memref_slice %dma_start3A_234[%add3A_220, %dma_start3A_235] : memref<4096x768xf32, #tpu.memory_space<hbm>> -> memref<16x768xf32, #tpu.memory_space<hbm>>
    %dma_start3A_237 = arith.constant 0 : i32
    %dma_start3A_238 = arith.constant 0 : i32
    %dma_start3A_239 = tpu.memref_slice %arg7[%dma_start3A_237, %dma_start3A_238] : memref<128x768xf32, #tpu.memory_space<vmem>> -> memref<16x768xf32, #tpu.memory_space<vmem>>
    tpu.enqueue_dma source(%dma_start3A_239 : memref<16x768xf32, #tpu.memory_space<vmem>>) target(%dma_start3A_236 : memref<16x768xf32, #tpu.memory_space<hbm>>) target_semaphore(%arg8 : memref<!tpu.dma_semaphore, #tpu.memory_space<semaphore_mem>>)
    %add3A_240 = arith.constant 0 : i32
    %add3A_241 = arith.addi %mul3A_2, %add3A_240 : i32
    %dma_start3A_242 = arith.constant 5 : i32
    %dma_start3A_243 = arith.constant 0 : i32
    %dma_start3A_244 = arith.constant 0 : i32
    %dma_start3A_245 = tpu.memref_slice %arg7[%dma_start3A_243, %dma_start3A_244] : memref<128x768xf32, #tpu.memory_space<vmem>> -> memref<16x768xf32, #tpu.memory_space<vmem>>
    %dma_start3A_246 = arith.constant 0 : i32
    %dma_start3A_247 = arith.constant 0 : i32
    %dma_start3A_248 = tpu.memref_slice %arg4[%dma_start3A_242, %dma_start3A_246, %dma_start3A_247] : memref<16x4096x768xf32, #tpu.memory_space<hbm>> -> memref<1x4096x768xf32, #tpu.memory_space<hbm>>
    %dma_start3A_249 = tpu.memref_squeeze %dma_start3A_248 : memref<1x4096x768xf32, #tpu.memory_space<hbm>> -> memref<4096x768xf32, #tpu.memory_space<hbm>>
    %dma_start3A_250 = arith.constant 0 : i32
    %dma_start3A_251 = tpu.memref_slice %dma_start3A_249[%add3A_241, %dma_start3A_250] : memref<4096x768xf32, #tpu.memory_space<hbm>> -> memref<16x768xf32, #tpu.memory_space<hbm>>
    %dma_start3A_252 = arith.constant 0 : i32
    %dma_start3A_253 = arith.constant 0 : i32
    %dma_start3A_254 = tpu.memref_slice %arg4[%dma_start3A_242, %dma_start3A_252, %dma_start3A_253] : memref<16x4096x768xf32, #tpu.memory_space<hbm>> -> memref<1x4096x768xf32, #tpu.memory_space<hbm>>
    %dma_start3A_255 = tpu.memref_squeeze %dma_start3A_254 : memref<1x4096x768xf32, #tpu.memory_space<hbm>> -> memref<4096x768xf32, #tpu.memory_space<hbm>>
    %dma_start3A_256 = arith.constant 0 : i32
    %dma_start3A_257 = tpu.memref_slice %dma_start3A_255[%add3A_241, %dma_start3A_256] : memref<4096x768xf32, #tpu.memory_space<hbm>> -> memref<16x768xf32, #tpu.memory_space<hbm>>
    %dma_start3A_258 = arith.constant 0 : i32
    %dma_start3A_259 = arith.constant 0 : i32
    %dma_start3A_260 = tpu.memref_slice %arg7[%dma_start3A_258, %dma_start3A_259] : memref<128x768xf32, #tpu.memory_space<vmem>> -> memref<16x768xf32, #tpu.memory_space<vmem>>
    tpu.enqueue_dma source(%dma_start3A_260 : memref<16x768xf32, #tpu.memory_space<vmem>>) target(%dma_start3A_257 : memref<16x768xf32, #tpu.memory_space<hbm>>) target_semaphore(%arg8 : memref<!tpu.dma_semaphore, #tpu.memory_space<semaphore_mem>>)
    %add3A_261 = arith.constant 0 : i32
    %add3A_262 = arith.addi %mul3A_2, %add3A_261 : i32
    %dma_start3A_263 = arith.constant 6 : i32
    %dma_start3A_264 = arith.constant 0 : i32
    %dma_start3A_265 = arith.constant 0 : i32
    %dma_start3A_266 = tpu.memref_slice %arg7[%dma_start3A_264, %dma_start3A_265] : memref<128x768xf32, #tpu.memory_space<vmem>> -> memref<16x768xf32, #tpu.memory_space<vmem>>
    %dma_start3A_267 = arith.constant 0 : i32
    %dma_start3A_268 = arith.constant 0 : i32
    %dma_start3A_269 = tpu.memref_slice %arg4[%dma_start3A_263, %dma_start3A_267, %dma_start3A_268] : memref<16x4096x768xf32, #tpu.memory_space<hbm>> -> memref<1x4096x768xf32, #tpu.memory_space<hbm>>
    %dma_start3A_270 = tpu.memref_squeeze %dma_start3A_269 : memref<1x4096x768xf32, #tpu.memory_space<hbm>> -> memref<4096x768xf32, #tpu.memory_space<hbm>>
    %dma_start3A_271 = arith.constant 0 : i32
    %dma_start3A_272 = tpu.memref_slice %dma_start3A_270[%add3A_262, %dma_start3A_271] : memref<4096x768xf32, #tpu.memory_space<hbm>> -> memref<16x768xf32, #tpu.memory_space<hbm>>
    %dma_start3A_273 = arith.constant 0 : i32
    %dma_start3A_274 = arith.constant 0 : i32
    %dma_start3A_275 = tpu.memref_slice %arg4[%dma_start3A_263, %dma_start3A_273, %dma_start3A_274] : memref<16x4096x768xf32, #tpu.memory_space<hbm>> -> memref<1x4096x768xf32, #tpu.memory_space<hbm>>
    %dma_start3A_276 = tpu.memref_squeeze %dma_start3A_275 : memref<1x4096x768xf32, #tpu.memory_space<hbm>> -> memref<4096x768xf32, #tpu.memory_space<hbm>>
    %dma_start3A_277 = arith.constant 0 : i32
    %dma_start3A_278 = tpu.memref_slice %dma_start3A_276[%add3A_262, %dma_start3A_277] : memref<4096x768xf32, #tpu.memory_space<hbm>> -> memref<16x768xf32, #tpu.memory_space<hbm>>
    %dma_start3A_279 = arith.constant 0 : i32
    %dma_start3A_280 = arith.constant 0 : i32
    %dma_start3A_281 = tpu.memref_slice %arg7[%dma_start3A_279, %dma_start3A_280] : memref<128x768xf32, #tpu.memory_space<vmem>> -> memref<16x768xf32, #tpu.memory_space<vmem>>
    tpu.enqueue_dma source(%dma_start3A_281 : memref<16x768xf32, #tpu.memory_space<vmem>>) target(%dma_start3A_278 : memref<16x768xf32, #tpu.memory_space<hbm>>) target_semaphore(%arg8 : memref<!tpu.dma_semaphore, #tpu.memory_space<semaphore_mem>>)
    %add3A_282 = arith.constant 0 : i32
    %add3A_283 = arith.addi %mul3A_2, %add3A_282 : i32
    %dma_start3A_284 = arith.constant 7 : i32
    %dma_start3A_285 = arith.constant 0 : i32
    %dma_start3A_286 = arith.constant 0 : i32
    %dma_start3A_287 = tpu.memref_slice %arg7[%dma_start3A_285, %dma_start3A_286] : memref<128x768xf32, #tpu.memory_space<vmem>> -> memref<16x768xf32, #tpu.memory_space<vmem>>
    %dma_start3A_288 = arith.constant 0 : i32
    %dma_start3A_289 = arith.constant 0 : i32
    %dma_start3A_290 = tpu.memref_slice %arg4[%dma_start3A_284, %dma_start3A_288, %dma_start3A_289] : memref<16x4096x768xf32, #tpu.memory_space<hbm>> -> memref<1x4096x768xf32, #tpu.memory_space<hbm>>
    %dma_start3A_291 = tpu.memref_squeeze %dma_start3A_290 : memref<1x4096x768xf32, #tpu.memory_space<hbm>> -> memref<4096x768xf32, #tpu.memory_space<hbm>>
    %dma_start3A_292 = arith.constant 0 : i32
    %dma_start3A_293 = tpu.memref_slice %dma_start3A_291[%add3A_283, %dma_start3A_292] : memref<4096x768xf32, #tpu.memory_space<hbm>> -> memref<16x768xf32, #tpu.memory_space<hbm>>
    %dma_start3A_294 = arith.constant 0 : i32
    %dma_start3A_295 = arith.constant 0 : i32
    %dma_start3A_296 = tpu.memref_slice %arg4[%dma_start3A_284, %dma_start3A_294, %dma_start3A_295] : memref<16x4096x768xf32, #tpu.memory_space<hbm>> -> memref<1x4096x768xf32, #tpu.memory_space<hbm>>
    %dma_start3A_297 = tpu.memref_squeeze %dma_start3A_296 : memref<1x4096x768xf32, #tpu.memory_space<hbm>> -> memref<4096x768xf32, #tpu.memory_space<hbm>>
    %dma_start3A_298 = arith.constant 0 : i32
    %dma_start3A_299 = tpu.memref_slice %dma_start3A_297[%add3A_283, %dma_start3A_298] : memref<4096x768xf32, #tpu.memory_space<hbm>> -> memref<16x768xf32, #tpu.memory_space<hbm>>
    %dma_start3A_300 = arith.constant 0 : i32
    %dma_start3A_301 = arith.constant 0 : i32
    %dma_start3A_302 = tpu.memref_slice %arg7[%dma_start3A_300, %dma_start3A_301] : memref<128x768xf32, #tpu.memory_space<vmem>> -> memref<16x768xf32, #tpu.memory_space<vmem>>
    tpu.enqueue_dma source(%dma_start3A_302 : memref<16x768xf32, #tpu.memory_space<vmem>>) target(%dma_start3A_299 : memref<16x768xf32, #tpu.memory_space<hbm>>) target_semaphore(%arg8 : memref<!tpu.dma_semaphore, #tpu.memory_space<semaphore_mem>>)
    %add3A_303 = arith.constant 0 : i32
    %add3A_304 = arith.addi %mul3A_2, %add3A_303 : i32
    %dma_start3A_305 = arith.constant 8 : i32
    %dma_start3A_306 = arith.constant 0 : i32
    %dma_start3A_307 = arith.constant 0 : i32
    %dma_start3A_308 = tpu.memref_slice %arg7[%dma_start3A_306, %dma_start3A_307] : memref<128x768xf32, #tpu.memory_space<vmem>> -> memref<16x768xf32, #tpu.memory_space<vmem>>
    %dma_start3A_309 = arith.constant 0 : i32
    %dma_start3A_310 = arith.constant 0 : i32
    %dma_start3A_311 = tpu.memref_slice %arg4[%dma_start3A_305, %dma_start3A_309, %dma_start3A_310] : memref<16x4096x768xf32, #tpu.memory_space<hbm>> -> memref<1x4096x768xf32, #tpu.memory_space<hbm>>
    %dma_start3A_312 = tpu.memref_squeeze %dma_start3A_311 : memref<1x4096x768xf32, #tpu.memory_space<hbm>> -> memref<4096x768xf32, #tpu.memory_space<hbm>>
    %dma_start3A_313 = arith.constant 0 : i32
    %dma_start3A_314 = tpu.memref_slice %dma_start3A_312[%add3A_304, %dma_start3A_313] : memref<4096x768xf32, #tpu.memory_space<hbm>> -> memref<16x768xf32, #tpu.memory_space<hbm>>
    %dma_start3A_315 = arith.constant 0 : i32
    %dma_start3A_316 = arith.constant 0 : i32
    %dma_start3A_317 = tpu.memref_slice %arg4[%dma_start3A_305, %dma_start3A_315, %dma_start3A_316] : memref<16x4096x768xf32, #tpu.memory_space<hbm>> -> memref<1x4096x768xf32, #tpu.memory_space<hbm>>
    %dma_start3A_318 = tpu.memref_squeeze %dma_start3A_317 : memref<1x4096x768xf32, #tpu.memory_space<hbm>> -> memref<4096x768xf32, #tpu.memory_space<hbm>>
    %dma_start3A_319 = arith.constant 0 : i32
    %dma_start3A_320 = tpu.memref_slice %dma_start3A_318[%add3A_304, %dma_start3A_319] : memref<4096x768xf32, #tpu.memory_space<hbm>> -> memref<16x768xf32, #tpu.memory_space<hbm>>
    %dma_start3A_321 = arith.constant 0 : i32
    %dma_start3A_322 = arith.constant 0 : i32
    %dma_start3A_323 = tpu.memref_slice %arg7[%dma_start3A_321, %dma_start3A_322] : memref<128x768xf32, #tpu.memory_space<vmem>> -> memref<16x768xf32, #tpu.memory_space<vmem>>
    tpu.enqueue_dma source(%dma_start3A_323 : memref<16x768xf32, #tpu.memory_space<vmem>>) target(%dma_start3A_320 : memref<16x768xf32, #tpu.memory_space<hbm>>) target_semaphore(%arg8 : memref<!tpu.dma_semaphore, #tpu.memory_space<semaphore_mem>>)
    %add3A_324 = arith.constant 0 : i32
    %add3A_325 = arith.addi %mul3A_2, %add3A_324 : i32
    %dma_start3A_326 = arith.constant 9 : i32
    %dma_start3A_327 = arith.constant 0 : i32
    %dma_start3A_328 = arith.constant 0 : i32
    %dma_start3A_329 = tpu.memref_slice %arg7[%dma_start3A_327, %dma_start3A_328] : memref<128x768xf32, #tpu.memory_space<vmem>> -> memref<16x768xf32, #tpu.memory_space<vmem>>
    %dma_start3A_330 = arith.constant 0 : i32
    %dma_start3A_331 = arith.constant 0 : i32
    %dma_start3A_332 = tpu.memref_slice %arg4[%dma_start3A_326, %dma_start3A_330, %dma_start3A_331] : memref<16x4096x768xf32, #tpu.memory_space<hbm>> -> memref<1x4096x768xf32, #tpu.memory_space<hbm>>
    %dma_start3A_333 = tpu.memref_squeeze %dma_start3A_332 : memref<1x4096x768xf32, #tpu.memory_space<hbm>> -> memref<4096x768xf32, #tpu.memory_space<hbm>>
    %dma_start3A_334 = arith.constant 0 : i32
    %dma_start3A_335 = tpu.memref_slice %dma_start3A_333[%add3A_325, %dma_start3A_334] : memref<4096x768xf32, #tpu.memory_space<hbm>> -> memref<16x768xf32, #tpu.memory_space<hbm>>
    %dma_start3A_336 = arith.constant 0 : i32
    %dma_start3A_337 = arith.constant 0 : i32
    %dma_start3A_338 = tpu.memref_slice %arg4[%dma_start3A_326, %dma_start3A_336, %dma_start3A_337] : memref<16x4096x768xf32, #tpu.memory_space<hbm>> -> memref<1x4096x768xf32, #tpu.memory_space<hbm>>
    %dma_start3A_339 = tpu.memref_squeeze %dma_start3A_338 : memref<1x4096x768xf32, #tpu.memory_space<hbm>> -> memref<4096x768xf32, #tpu.memory_space<hbm>>
    %dma_start3A_340 = arith.constant 0 : i32
    %dma_start3A_341 = tpu.memref_slice %dma_start3A_339[%add3A_325, %dma_start3A_340] : memref<4096x768xf32, #tpu.memory_space<hbm>> -> memref<16x768xf32, #tpu.memory_space<hbm>>
    %dma_start3A_342 = arith.constant 0 : i32
    %dma_start3A_343 = arith.constant 0 : i32
    %dma_start3A_344 = tpu.memref_slice %arg7[%dma_start3A_342, %dma_start3A_343] : memref<128x768xf32, #tpu.memory_space<vmem>> -> memref<16x768xf32, #tpu.memory_space<vmem>>
    tpu.enqueue_dma source(%dma_start3A_344 : memref<16x768xf32, #tpu.memory_space<vmem>>) target(%dma_start3A_341 : memref<16x768xf32, #tpu.memory_space<hbm>>) target_semaphore(%arg8 : memref<!tpu.dma_semaphore, #tpu.memory_space<semaphore_mem>>)
    %add3A_345 = arith.constant 0 : i32
    %add3A_346 = arith.addi %mul3A_2, %add3A_345 : i32
    %dma_start3A_347 = arith.constant 10 : i32
    %dma_start3A_348 = arith.constant 0 : i32
    %dma_start3A_349 = arith.constant 0 : i32
    %dma_start3A_350 = tpu.memref_slice %arg7[%dma_start3A_348, %dma_start3A_349] : memref<128x768xf32, #tpu.memory_space<vmem>> -> memref<16x768xf32, #tpu.memory_space<vmem>>
    %dma_start3A_351 = arith.constant 0 : i32
    %dma_start3A_352 = arith.constant 0 : i32
    %dma_start3A_353 = tpu.memref_slice %arg4[%dma_start3A_347, %dma_start3A_351, %dma_start3A_352] : memref<16x4096x768xf32, #tpu.memory_space<hbm>> -> memref<1x4096x768xf32, #tpu.memory_space<hbm>>
    %dma_start3A_354 = tpu.memref_squeeze %dma_start3A_353 : memref<1x4096x768xf32, #tpu.memory_space<hbm>> -> memref<4096x768xf32, #tpu.memory_space<hbm>>
    %dma_start3A_355 = arith.constant 0 : i32
    %dma_start3A_356 = tpu.memref_slice %dma_start3A_354[%add3A_346, %dma_start3A_355] : memref<4096x768xf32, #tpu.memory_space<hbm>> -> memref<16x768xf32, #tpu.memory_space<hbm>>
    %dma_start3A_357 = arith.constant 0 : i32
    %dma_start3A_358 = arith.constant 0 : i32
    %dma_start3A_359 = tpu.memref_slice %arg4[%dma_start3A_347, %dma_start3A_357, %dma_start3A_358] : memref<16x4096x768xf32, #tpu.memory_space<hbm>> -> memref<1x4096x768xf32, #tpu.memory_space<hbm>>
    %dma_start3A_360 = tpu.memref_squeeze %dma_start3A_359 : memref<1x4096x768xf32, #tpu.memory_space<hbm>> -> memref<4096x768xf32, #tpu.memory_space<hbm>>
    %dma_start3A_361 = arith.constant 0 : i32
    %dma_start3A_362 = tpu.memref_slice %dma_start3A_360[%add3A_346, %dma_start3A_361] : memref<4096x768xf32, #tpu.memory_space<hbm>> -> memref<16x768xf32, #tpu.memory_space<hbm>>
    %dma_start3A_363 = arith.constant 0 : i32
    %dma_start3A_364 = arith.constant 0 : i32
    %dma_start3A_365 = tpu.memref_slice %arg7[%dma_start3A_363, %dma_start3A_364] : memref<128x768xf32, #tpu.memory_space<vmem>> -> memref<16x768xf32, #tpu.memory_space<vmem>>
    tpu.enqueue_dma source(%dma_start3A_365 : memref<16x768xf32, #tpu.memory_space<vmem>>) target(%dma_start3A_362 : memref<16x768xf32, #tpu.memory_space<hbm>>) target_semaphore(%arg8 : memref<!tpu.dma_semaphore, #tpu.memory_space<semaphore_mem>>)
    %add3A_366 = arith.constant 0 : i32
    %add3A_367 = arith.addi %mul3A_2, %add3A_366 : i32
    %dma_start3A_368 = arith.constant 11 : i32
    %dma_start3A_369 = arith.constant 0 : i32
    %dma_start3A_370 = arith.constant 0 : i32
    %dma_start3A_371 = tpu.memref_slice %arg7[%dma_start3A_369, %dma_start3A_370] : memref<128x768xf32, #tpu.memory_space<vmem>> -> memref<16x768xf32, #tpu.memory_space<vmem>>
    %dma_start3A_372 = arith.constant 0 : i32
    %dma_start3A_373 = arith.constant 0 : i32
    %dma_start3A_374 = tpu.memref_slice %arg4[%dma_start3A_368, %dma_start3A_372, %dma_start3A_373] : memref<16x4096x768xf32, #tpu.memory_space<hbm>> -> memref<1x4096x768xf32, #tpu.memory_space<hbm>>
    %dma_start3A_375 = tpu.memref_squeeze %dma_start3A_374 : memref<1x4096x768xf32, #tpu.memory_space<hbm>> -> memref<4096x768xf32, #tpu.memory_space<hbm>>
    %dma_start3A_376 = arith.constant 0 : i32
    %dma_start3A_377 = tpu.memref_slice %dma_start3A_375[%add3A_367, %dma_start3A_376] : memref<4096x768xf32, #tpu.memory_space<hbm>> -> memref<16x768xf32, #tpu.memory_space<hbm>>
    %dma_start3A_378 = arith.constant 0 : i32
    %dma_start3A_379 = arith.constant 0 : i32
    %dma_start3A_380 = tpu.memref_slice %arg4[%dma_start3A_368, %dma_start3A_378, %dma_start3A_379] : memref<16x4096x768xf32, #tpu.memory_space<hbm>> -> memref<1x4096x768xf32, #tpu.memory_space<hbm>>
    %dma_start3A_381 = tpu.memref_squeeze %dma_start3A_380 : memref<1x4096x768xf32, #tpu.memory_space<hbm>> -> memref<4096x768xf32, #tpu.memory_space<hbm>>
    %dma_start3A_382 = arith.constant 0 : i32
    %dma_start3A_383 = tpu.memref_slice %dma_start3A_381[%add3A_367, %dma_start3A_382] : memref<4096x768xf32, #tpu.memory_space<hbm>> -> memref<16x768xf32, #tpu.memory_space<hbm>>
    %dma_start3A_384 = arith.constant 0 : i32
    %dma_start3A_385 = arith.constant 0 : i32
    %dma_start3A_386 = tpu.memref_slice %arg7[%dma_start3A_384, %dma_start3A_385] : memref<128x768xf32, #tpu.memory_space<vmem>> -> memref<16x768xf32, #tpu.memory_space<vmem>>
    tpu.enqueue_dma source(%dma_start3A_386 : memref<16x768xf32, #tpu.memory_space<vmem>>) target(%dma_start3A_383 : memref<16x768xf32, #tpu.memory_space<hbm>>) target_semaphore(%arg8 : memref<!tpu.dma_semaphore, #tpu.memory_space<semaphore_mem>>)
    %add3A_387 = arith.constant 0 : i32
    %add3A_388 = arith.addi %mul3A_2, %add3A_387 : i32
    %dma_start3A_389 = arith.constant 12 : i32
    %dma_start3A_390 = arith.constant 0 : i32
    %dma_start3A_391 = arith.constant 0 : i32
    %dma_start3A_392 = tpu.memref_slice %arg7[%dma_start3A_390, %dma_start3A_391] : memref<128x768xf32, #tpu.memory_space<vmem>> -> memref<16x768xf32, #tpu.memory_space<vmem>>
    %dma_start3A_393 = arith.constant 0 : i32
    %dma_start3A_394 = arith.constant 0 : i32
    %dma_start3A_395 = tpu.memref_slice %arg4[%dma_start3A_389, %dma_start3A_393, %dma_start3A_394] : memref<16x4096x768xf32, #tpu.memory_space<hbm>> -> memref<1x4096x768xf32, #tpu.memory_space<hbm>>
    %dma_start3A_396 = tpu.memref_squeeze %dma_start3A_395 : memref<1x4096x768xf32, #tpu.memory_space<hbm>> -> memref<4096x768xf32, #tpu.memory_space<hbm>>
    %dma_start3A_397 = arith.constant 0 : i32
    %dma_start3A_398 = tpu.memref_slice %dma_start3A_396[%add3A_388, %dma_start3A_397] : memref<4096x768xf32, #tpu.memory_space<hbm>> -> memref<16x768xf32, #tpu.memory_space<hbm>>
    %dma_start3A_399 = arith.constant 0 : i32
    %dma_start3A_400 = arith.constant 0 : i32
    %dma_start3A_401 = tpu.memref_slice %arg4[%dma_start3A_389, %dma_start3A_399, %dma_start3A_400] : memref<16x4096x768xf32, #tpu.memory_space<hbm>> -> memref<1x4096x768xf32, #tpu.memory_space<hbm>>
    %dma_start3A_402 = tpu.memref_squeeze %dma_start3A_401 : memref<1x4096x768xf32, #tpu.memory_space<hbm>> -> memref<4096x768xf32, #tpu.memory_space<hbm>>
    %dma_start3A_403 = arith.constant 0 : i32
    %dma_start3A_404 = tpu.memref_slice %dma_start3A_402[%add3A_388, %dma_start3A_403] : memref<4096x768xf32, #tpu.memory_space<hbm>> -> memref<16x768xf32, #tpu.memory_space<hbm>>
    %dma_start3A_405 = arith.constant 0 : i32
    %dma_start3A_406 = arith.constant 0 : i32
    %dma_start3A_407 = tpu.memref_slice %arg7[%dma_start3A_405, %dma_start3A_406] : memref<128x768xf32, #tpu.memory_space<vmem>> -> memref<16x768xf32, #tpu.memory_space<vmem>>
    tpu.enqueue_dma source(%dma_start3A_407 : memref<16x768xf32, #tpu.memory_space<vmem>>) target(%dma_start3A_404 : memref<16x768xf32, #tpu.memory_space<hbm>>) target_semaphore(%arg8 : memref<!tpu.dma_semaphore, #tpu.memory_space<semaphore_mem>>)
    %add3A_408 = arith.constant 0 : i32
    %add3A_409 = arith.addi %mul3A_2, %add3A_408 : i32
    %dma_start3A_410 = arith.constant 13 : i32
    %dma_start3A_411 = arith.constant 0 : i32
    %dma_start3A_412 = arith.constant 0 : i32
    %dma_start3A_413 = tpu.memref_slice %arg7[%dma_start3A_411, %dma_start3A_412] : memref<128x768xf32, #tpu.memory_space<vmem>> -> memref<16x768xf32, #tpu.memory_space<vmem>>
    %dma_start3A_414 = arith.constant 0 : i32
    %dma_start3A_415 = arith.constant 0 : i32
    %dma_start3A_416 = tpu.memref_slice %arg4[%dma_start3A_410, %dma_start3A_414, %dma_start3A_415] : memref<16x4096x768xf32, #tpu.memory_space<hbm>> -> memref<1x4096x768xf32, #tpu.memory_space<hbm>>
    %dma_start3A_417 = tpu.memref_squeeze %dma_start3A_416 : memref<1x4096x768xf32, #tpu.memory_space<hbm>> -> memref<4096x768xf32, #tpu.memory_space<hbm>>
    %dma_start3A_418 = arith.constant 0 : i32
    %dma_start3A_419 = tpu.memref_slice %dma_start3A_417[%add3A_409, %dma_start3A_418] : memref<4096x768xf32, #tpu.memory_space<hbm>> -> memref<16x768xf32, #tpu.memory_space<hbm>>
    %dma_start3A_420 = arith.constant 0 : i32
    %dma_start3A_421 = arith.constant 0 : i32
    %dma_start3A_422 = tpu.memref_slice %arg4[%dma_start3A_410, %dma_start3A_420, %dma_start3A_421] : memref<16x4096x768xf32, #tpu.memory_space<hbm>> -> memref<1x4096x768xf32, #tpu.memory_space<hbm>>
    %dma_start3A_423 = tpu.memref_squeeze %dma_start3A_422 : memref<1x4096x768xf32, #tpu.memory_space<hbm>> -> memref<4096x768xf32, #tpu.memory_space<hbm>>
    %dma_start3A_424 = arith.constant 0 : i32
    %dma_start3A_425 = tpu.memref_slice %dma_start3A_423[%add3A_409, %dma_start3A_424] : memref<4096x768xf32, #tpu.memory_space<hbm>> -> memref<16x768xf32, #tpu.memory_space<hbm>>
    %dma_start3A_426 = arith.constant 0 : i32
    %dma_start3A_427 = arith.constant 0 : i32
    %dma_start3A_428 = tpu.memref_slice %arg7[%dma_start3A_426, %dma_start3A_427] : memref<128x768xf32, #tpu.memory_space<vmem>> -> memref<16x768xf32, #tpu.memory_space<vmem>>
    tpu.enqueue_dma source(%dma_start3A_428 : memref<16x768xf32, #tpu.memory_space<vmem>>) target(%dma_start3A_425 : memref<16x768xf32, #tpu.memory_space<hbm>>) target_semaphore(%arg8 : memref<!tpu.dma_semaphore, #tpu.memory_space<semaphore_mem>>)
    %add3A_429 = arith.constant 0 : i32
    %add3A_430 = arith.addi %mul3A_2, %add3A_429 : i32
    %dma_start3A_431 = arith.constant 14 : i32
    %dma_start3A_432 = arith.constant 0 : i32
    %dma_start3A_433 = arith.constant 0 : i32
    %dma_start3A_434 = tpu.memref_slice %arg7[%dma_start3A_432, %dma_start3A_433] : memref<128x768xf32, #tpu.memory_space<vmem>> -> memref<16x768xf32, #tpu.memory_space<vmem>>
    %dma_start3A_435 = arith.constant 0 : i32
    %dma_start3A_436 = arith.constant 0 : i32
    %dma_start3A_437 = tpu.memref_slice %arg4[%dma_start3A_431, %dma_start3A_435, %dma_start3A_436] : memref<16x4096x768xf32, #tpu.memory_space<hbm>> -> memref<1x4096x768xf32, #tpu.memory_space<hbm>>
    %dma_start3A_438 = tpu.memref_squeeze %dma_start3A_437 : memref<1x4096x768xf32, #tpu.memory_space<hbm>> -> memref<4096x768xf32, #tpu.memory_space<hbm>>
    %dma_start3A_439 = arith.constant 0 : i32
    %dma_start3A_440 = tpu.memref_slice %dma_start3A_438[%add3A_430, %dma_start3A_439] : memref<4096x768xf32, #tpu.memory_space<hbm>> -> memref<16x768xf32, #tpu.memory_space<hbm>>
    %dma_start3A_441 = arith.constant 0 : i32
    %dma_start3A_442 = arith.constant 0 : i32
    %dma_start3A_443 = tpu.memref_slice %arg4[%dma_start3A_431, %dma_start3A_441, %dma_start3A_442] : memref<16x4096x768xf32, #tpu.memory_space<hbm>> -> memref<1x4096x768xf32, #tpu.memory_space<hbm>>
    %dma_start3A_444 = tpu.memref_squeeze %dma_start3A_443 : memref<1x4096x768xf32, #tpu.memory_space<hbm>> -> memref<4096x768xf32, #tpu.memory_space<hbm>>
    %dma_start3A_445 = arith.constant 0 : i32
    %dma_start3A_446 = tpu.memref_slice %dma_start3A_444[%add3A_430, %dma_start3A_445] : memref<4096x768xf32, #tpu.memory_space<hbm>> -> memref<16x768xf32, #tpu.memory_space<hbm>>
    %dma_start3A_447 = arith.constant 0 : i32
    %dma_start3A_448 = arith.constant 0 : i32
    %dma_start3A_449 = tpu.memref_slice %arg7[%dma_start3A_447, %dma_start3A_448] : memref<128x768xf32, #tpu.memory_space<vmem>> -> memref<16x768xf32, #tpu.memory_space<vmem>>
    tpu.enqueue_dma source(%dma_start3A_449 : memref<16x768xf32, #tpu.memory_space<vmem>>) target(%dma_start3A_446 : memref<16x768xf32, #tpu.memory_space<hbm>>) target_semaphore(%arg8 : memref<!tpu.dma_semaphore, #tpu.memory_space<semaphore_mem>>)
    %add3A_450 = arith.constant 0 : i32
    %add3A_451 = arith.addi %mul3A_2, %add3A_450 : i32
    %dma_start3A_452 = arith.constant 15 : i32
    %dma_start3A_453 = arith.constant 0 : i32
    %dma_start3A_454 = arith.constant 0 : i32
    %dma_start3A_455 = tpu.memref_slice %arg7[%dma_start3A_453, %dma_start3A_454] : memref<128x768xf32, #tpu.memory_space<vmem>> -> memref<16x768xf32, #tpu.memory_space<vmem>>
    %dma_start3A_456 = arith.constant 0 : i32
    %dma_start3A_457 = arith.constant 0 : i32
    %dma_start3A_458 = tpu.memref_slice %arg4[%dma_start3A_452, %dma_start3A_456, %dma_start3A_457] : memref<16x4096x768xf32, #tpu.memory_space<hbm>> -> memref<1x4096x768xf32, #tpu.memory_space<hbm>>
    %dma_start3A_459 = tpu.memref_squeeze %dma_start3A_458 : memref<1x4096x768xf32, #tpu.memory_space<hbm>> -> memref<4096x768xf32, #tpu.memory_space<hbm>>
    %dma_start3A_460 = arith.constant 0 : i32
    %dma_start3A_461 = tpu.memref_slice %dma_start3A_459[%add3A_451, %dma_start3A_460] : memref<4096x768xf32, #tpu.memory_space<hbm>> -> memref<16x768xf32, #tpu.memory_space<hbm>>
    %dma_start3A_462 = arith.constant 0 : i32
    %dma_start3A_463 = arith.constant 0 : i32
    %dma_start3A_464 = tpu.memref_slice %arg4[%dma_start3A_452, %dma_start3A_462, %dma_start3A_463] : memref<16x4096x768xf32, #tpu.memory_space<hbm>> -> memref<1x4096x768xf32, #tpu.memory_space<hbm>>
    %dma_start3A_465 = tpu.memref_squeeze %dma_start3A_464 : memref<1x4096x768xf32, #tpu.memory_space<hbm>> -> memref<4096x768xf32, #tpu.memory_space<hbm>>
    %dma_start3A_466 = arith.constant 0 : i32
    %dma_start3A_467 = tpu.memref_slice %dma_start3A_465[%add3A_451, %dma_start3A_466] : memref<4096x768xf32, #tpu.memory_space<hbm>> -> memref<16x768xf32, #tpu.memory_space<hbm>>
    %dma_start3A_468 = arith.constant 0 : i32
    %dma_start3A_469 = arith.constant 0 : i32
    %dma_start3A_470 = tpu.memref_slice %arg7[%dma_start3A_468, %dma_start3A_469] : memref<128x768xf32, #tpu.memory_space<vmem>> -> memref<16x768xf32, #tpu.memory_space<vmem>>
    tpu.enqueue_dma source(%dma_start3A_470 : memref<16x768xf32, #tpu.memory_space<vmem>>) target(%dma_start3A_467 : memref<16x768xf32, #tpu.memory_space<hbm>>) target_semaphore(%arg8 : memref<!tpu.dma_semaphore, #tpu.memory_space<semaphore_mem>>)
    %get3A_471 = arith.constant 0 : i32
    %get3A_472 = arith.index_cast %get3A_471 : i32 to index
    %get3A_473 = arith.constant 0 : index
    %get3A_474 = tpu.vector_load %arg6[%get3A_472, %get3A_473] {strides = array<i32>} : memref<2x384xf32, #tpu.memory_space<vmem>>, vector<1x16xf32>,
    %get3A_475 = vector.shape_cast %get3A_474 : vector<1x16xf32> to vector<16xf32>
    %get3A_476 = arith.constant 0 : i32
    %get3A_477 = arith.index_cast %get3A_476 : i32 to index
    %get3A_478 = arith.constant 16 : index
    %get3A_479 = tpu.vector_load %arg6[%get3A_477, %get3A_478] {strides = array<i32>} : memref<2x384xf32, #tpu.memory_space<vmem>>, vector<1x16xf32>,
    %get3A_480 = vector.shape_cast %get3A_479 : vector<1x16xf32> to vector<16xf32>
    %get3A_481 = arith.constant 0 : i32
    %get3A_482 = arith.index_cast %get3A_481 : i32 to index
    %get3A_483 = arith.constant 32 : index
    %get3A_484 = tpu.vector_load %arg6[%get3A_482, %get3A_483] {strides = array<i32>} : memref<2x384xf32, #tpu.memory_space<vmem>>, vector<1x16xf32>,
    %get3A_485 = vector.shape_cast %get3A_484 : vector<1x16xf32> to vector<16xf32>
    %get3A_486 = arith.constant 0 : i32
    %get3A_487 = arith.index_cast %get3A_486 : i32 to index
    %get3A_488 = arith.constant 48 : index
    %get3A_489 = tpu.vector_load %arg6[%get3A_487, %get3A_488] {strides = array<i32>} : memref<2x384xf32, #tpu.memory_space<vmem>>, vector<1x16xf32>,
    %get3A_490 = vector.shape_cast %get3A_489 : vector<1x16xf32> to vector<16xf32>
    %get3A_491 = arith.constant 0 : i32
    %get3A_492 = arith.index_cast %get3A_491 : i32 to index
    %get3A_493 = arith.constant 64 : index
    %get3A_494 = tpu.vector_load %arg6[%get3A_492, %get3A_493] {strides = array<i32>} : memref<2x384xf32, #tpu.memory_space<vmem>>, vector<1x16xf32>,
    %get3A_495 = vector.shape_cast %get3A_494 : vector<1x16xf32> to vector<16xf32>
    %get3A_496 = arith.constant 0 : i32
    %get3A_497 = arith.index_cast %get3A_496 : i32 to index
    %get3A_498 = arith.constant 80 : index
    %get3A_499 = tpu.vector_load %arg6[%get3A_497, %get3A_498] {strides = array<i32>} : memref<2x384xf32, #tpu.memory_space<vmem>>, vector<1x16xf32>,
    %get3A_500 = vector.shape_cast %get3A_499 : vector<1x16xf32> to vector<16xf32>
    %get3A_501 = arith.constant 0 : i32
    %get3A_502 = arith.index_cast %get3A_501 : i32 to index
    %get3A_503 = arith.constant 96 : index
    %get3A_504 = tpu.vector_load %arg6[%get3A_502, %get3A_503] {strides = array<i32>} : memref<2x384xf32, #tpu.memory_space<vmem>>, vector<1x16xf32>,
    %get3A_505 = vector.shape_cast %get3A_504 : vector<1x16xf32> to vector<16xf32>
    %get3A_506 = arith.constant 0 : i32
    %get3A_507 = arith.index_cast %get3A_506 : i32 to index
    %get3A_508 = arith.constant 112 : index
    %get3A_509 = tpu.vector_load %arg6[%get3A_507, %get3A_508] {strides = array<i32>} : memref<2x384xf32, #tpu.memory_space<vmem>>, vector<1x16xf32>,
    %get3A_510 = vector.shape_cast %get3A_509 : vector<1x16xf32> to vector<16xf32>
    %get3A_511 = arith.constant 0 : i32
    %get3A_512 = arith.index_cast %get3A_511 : i32 to index
    %get3A_513 = arith.constant 128 : index
    %get3A_514 = tpu.vector_load %arg6[%get3A_512, %get3A_513] {strides = array<i32>} : memref<2x384xf32, #tpu.memory_space<vmem>>, vector<1x16xf32>,
    %get3A_515 = vector.shape_cast %get3A_514 : vector<1x16xf32> to vector<16xf32>
    %get3A_516 = arith.constant 0 : i32
    %get3A_517 = arith.index_cast %get3A_516 : i32 to index
    %get3A_518 = arith.constant 144 : index
    %get3A_519 = tpu.vector_load %arg6[%get3A_517, %get3A_518] {strides = array<i32>} : memref<2x384xf32, #tpu.memory_space<vmem>>, vector<1x16xf32>,
    %get3A_520 = vector.shape_cast %get3A_519 : vector<1x16xf32> to vector<16xf32>
    %get3A_521 = arith.constant 0 : i32
    %get3A_522 = arith.index_cast %get3A_521 : i32 to index
    %get3A_523 = arith.constant 160 : index
    %get3A_524 = tpu.vector_load %arg6[%get3A_522, %get3A_523] {strides = array<i32>} : memref<2x384xf32, #tpu.memory_space<vmem>>, vector<1x16xf32>,
    %get3A_525 = vector.shape_cast %get3A_524 : vector<1x16xf32> to vector<16xf32>
    %get3A_526 = arith.constant 0 : i32
    %get3A_527 = arith.index_cast %get3A_526 : i32 to index
    %get3A_528 = arith.constant 176 : index
    %get3A_529 = tpu.vector_load %arg6[%get3A_527, %get3A_528] {strides = array<i32>} : memref<2x384xf32, #tpu.memory_space<vmem>>, vector<1x16xf32>,
    %get3A_530 = vector.shape_cast %get3A_529 : vector<1x16xf32> to vector<16xf32>
    %get3A_531 = arith.constant 0 : i32
    %get3A_532 = arith.index_cast %get3A_531 : i32 to index
    %get3A_533 = arith.constant 192 : index
    %get3A_534 = tpu.vector_load %arg6[%get3A_532, %get3A_533] {strides = array<i32>} : memref<2x384xf32, #tpu.memory_space<vmem>>, vector<1x16xf32>,
    %get3A_535 = vector.shape_cast %get3A_534 : vector<1x16xf32> to vector<16xf32>
    %get3A_536 = arith.constant 0 : i32
    %get3A_537 = arith.index_cast %get3A_536 : i32 to index
    %get3A_538 = arith.constant 208 : index
    %get3A_539 = tpu.vector_load %arg6[%get3A_537, %get3A_538] {strides = array<i32>} : memref<2x384xf32, #tpu.memory_space<vmem>>, vector<1x16xf32>,
    %get3A_540 = vector.shape_cast %get3A_539 : vector<1x16xf32> to vector<16xf32>
    %get3A_541 = arith.constant 0 : i32
    %get3A_542 = arith.index_cast %get3A_541 : i32 to index
    %get3A_543 = arith.constant 224 : index
    %get3A_544 = tpu.vector_load %arg6[%get3A_542, %get3A_543] {strides = array<i32>} : memref<2x384xf32, #tpu.memory_space<vmem>>, vector<1x16xf32>,
    %get3A_545 = vector.shape_cast %get3A_544 : vector<1x16xf32> to vector<16xf32>
    %get3A_546 = arith.constant 0 : i32
    %get3A_547 = arith.index_cast %get3A_546 : i32 to index
    %get3A_548 = arith.constant 240 : index
    %get3A_549 = tpu.vector_load %arg6[%get3A_547, %get3A_548] {strides = array<i32>} : memref<2x384xf32, #tpu.memory_space<vmem>>, vector<1x16xf32>,
    %get3A_550 = vector.shape_cast %get3A_549 : vector<1x16xf32> to vector<16xf32>
    %get3A_551 = arith.constant 0 : i32
    %get3A_552 = arith.index_cast %get3A_551 : i32 to index
    %get3A_553 = arith.constant 256 : index
    %get3A_554 = tpu.vector_load %arg6[%get3A_552, %get3A_553] {strides = array<i32>} : memref<2x384xf32, #tpu.memory_space<vmem>>, vector<1x16xf32>,
    %get3A_555 = vector.shape_cast %get3A_554 : vector<1x16xf32> to vector<16xf32>
    %get3A_556 = arith.constant 0 : i32
    %get3A_557 = arith.index_cast %get3A_556 : i32 to index
    %get3A_558 = arith.constant 272 : index
    %get3A_559 = tpu.vector_load %arg6[%get3A_557, %get3A_558] {strides = array<i32>} : memref<2x384xf32, #tpu.memory_space<vmem>>, vector<1x16xf32>,
    %get3A_560 = vector.shape_cast %get3A_559 : vector<1x16xf32> to vector<16xf32>
    %get3A_561 = arith.constant 0 : i32
    %get3A_562 = arith.index_cast %get3A_561 : i32 to index
    %get3A_563 = arith.constant 288 : index
    %get3A_564 = tpu.vector_load %arg6[%get3A_562, %get3A_563] {strides = array<i32>} : memref<2x384xf32, #tpu.memory_space<vmem>>, vector<1x16xf32>,
    %get3A_565 = vector.shape_cast %get3A_564 : vector<1x16xf32> to vector<16xf32>
    %get3A_566 = arith.constant 0 : i32
    %get3A_567 = arith.index_cast %get3A_566 : i32 to index
    %get3A_568 = arith.constant 304 : index
    %get3A_569 = tpu.vector_load %arg6[%get3A_567, %get3A_568] {strides = array<i32>} : memref<2x384xf32, #tpu.memory_space<vmem>>, vector<1x16xf32>,
    %get3A_570 = vector.shape_cast %get3A_569 : vector<1x16xf32> to vector<16xf32>
    %get3A_571 = arith.constant 0 : i32
    %get3A_572 = arith.index_cast %get3A_571 : i32 to index
    %get3A_573 = arith.constant 320 : index
    %get3A_574 = tpu.vector_load %arg6[%get3A_572, %get3A_573] {strides = array<i32>} : memref<2x384xf32, #tpu.memory_space<vmem>>, vector<1x16xf32>,
    %get3A_575 = vector.shape_cast %get3A_574 : vector<1x16xf32> to vector<16xf32>
    %get3A_576 = arith.constant 0 : i32
    %get3A_577 = arith.index_cast %get3A_576 : i32 to index
    %get3A_578 = arith.constant 336 : index
    %get3A_579 = tpu.vector_load %arg6[%get3A_577, %get3A_578] {strides = array<i32>} : memref<2x384xf32, #tpu.memory_space<vmem>>, vector<1x16xf32>,
    %get3A_580 = vector.shape_cast %get3A_579 : vector<1x16xf32> to vector<16xf32>
    %get3A_581 = arith.constant 0 : i32
    %get3A_582 = arith.index_cast %get3A_581 : i32 to index
    %get3A_583 = arith.constant 352 : index
    %get3A_584 = tpu.vector_load %arg6[%get3A_582, %get3A_583] {strides = array<i32>} : memref<2x384xf32, #tpu.memory_space<vmem>>, vector<1x16xf32>,
    %get3A_585 = vector.shape_cast %get3A_584 : vector<1x16xf32> to vector<16xf32>
    %get3A_586 = arith.constant 0 : i32
    %get3A_587 = arith.index_cast %get3A_586 : i32 to index
    %get3A_588 = arith.constant 368 : index
    %get3A_589 = tpu.vector_load %arg6[%get3A_587, %get3A_588] {strides = array<i32>} : memref<2x384xf32, #tpu.memory_space<vmem>>, vector<1x16xf32>,
    %get3A_590 = vector.shape_cast %get3A_589 : vector<1x16xf32> to vector<16xf32>
    %scan3A_591 = arith.constant 0 : i32
    %scan3A_592 = arith.constant 0 : i32
    %scan3A_593 = arith.constant 48 : i32
    %scan3A_594 = arith.addi %scan3A_592, %scan3A_593 : i32
    %scan3A_595 = arith.constant 1 : i32
    scf.for %scan3A_2307 = %scan3A_592 to %scan3A_594 step %scan3A_595  : i32 {
      %add3A_2308 = arith.constant 16 : i32
      %add3A_2309 = arith.addi %add3A_2308, %scan3A_2307 : i32
      %add3A_2310 = arith.constant 16 : i32
      %add3A_2311 = arith.addi %add3A_2310, %scan3A_2307 : i32
      %get3A_2312 = arith.index_cast %add3A_2311 : i32 to index
      %get3A_2313 = arith.constant 0 : index
      %get3A_2314 = tpu.vector_load %arg5[%get3A_2312, %get3A_2313] {strides = array<i32>} : memref<64x384xf32, #tpu.memory_space<vmem>>, vector<1x16xf32>,
      %get3A_2315 = vector.shape_cast %get3A_2314 : vector<1x16xf32> to vector<16xf32>
      %swap3A = arith.index_cast %add3A_2309 : i32 to index
      %swap3A_2316 = arith.constant 0 : index
      %swap3A_2317 = tpu.vector_load %arg7[%swap3A, %swap3A_2316] {strides = array<i32>} : memref<128x768xf32, #tpu.memory_space<vmem>>, vector<1x16xf32>,
      %swap3A_2318 = vector.shape_cast %swap3A_2317 : vector<1x16xf32> to vector<16xf32>
      %swap3A_2319 = vector.shape_cast %get3A_2315 : vector<16xf32> to vector<1x16xf32>
      tpu.vector_store %arg7[%swap3A, %swap3A_2316], %swap3A_2319 {strides = array<i32>} : memref<128x768xf32, #tpu.memory_space<vmem>>, vector<1x16xf32>,
      %swap3A_2320 = arith.index_cast %add3A_2309 : i32 to index
      %swap3A_2321 = arith.constant 384 : index
      %swap3A_2322 = tpu.vector_load %arg7[%swap3A_2320, %swap3A_2321] {strides = array<i32>} : memref<128x768xf32, #tpu.memory_space<vmem>>, vector<1x16xf32>,
      %swap3A_2323 = vector.shape_cast %swap3A_2322 : vector<1x16xf32> to vector<16xf32>
      %swap3A_2324 = vector.shape_cast %get3A_475 : vector<16xf32> to vector<1x16xf32>
      tpu.vector_store %arg7[%swap3A_2320, %swap3A_2321], %swap3A_2324 {strides = array<i32>} : memref<128x768xf32, #tpu.memory_space<vmem>>, vector<1x16xf32>,
      %add3A_2325 = arith.constant 16 : i32
      %add3A_2326 = arith.addi %add3A_2325, %scan3A_2307 : i32
      %get3A_2327 = arith.index_cast %add3A_2326 : i32 to index
      %get3A_2328 = arith.constant 16 : index
      %get3A_2329 = tpu.vector_load %arg5[%get3A_2327, %get3A_2328] {strides = array<i32>} : memref<64x384xf32, #tpu.memory_space<vmem>>, vector<1x16xf32>,
      %get3A_2330 = vector.shape_cast %get3A_2329 : vector<1x16xf32> to vector<16xf32>
      %swap3A_2331 = arith.index_cast %add3A_2309 : i32 to index
      %swap3A_2332 = arith.constant 16 : index
      %swap3A_2333 = tpu.vector_load %arg7[%swap3A_2331, %swap3A_2332] {strides = array<i32>} : memref<128x768xf32, #tpu.memory_space<vmem>>, vector<1x16xf32>,
      %swap3A_2334 = vector.shape_cast %swap3A_2333 : vector<1x16xf32> to vector<16xf32>
      %swap3A_2335 = vector.shape_cast %get3A_2330 : vector<16xf32> to vector<1x16xf32>
      tpu.vector_store %arg7[%swap3A_2331, %swap3A_2332], %swap3A_2335 {strides = array<i32>} : memref<128x768xf32, #tpu.memory_space<vmem>>, vector<1x16xf32>,
      %swap3A_2336 = arith.index_cast %add3A_2309 : i32 to index
      %swap3A_2337 = arith.constant 400 : index
      %swap3A_2338 = tpu.vector_load %arg7[%swap3A_2336, %swap3A_2337] {strides = array<i32>} : memref<128x768xf32, #tpu.memory_space<vmem>>, vector<1x16xf32>,
      %swap3A_2339 = vector.shape_cast %swap3A_2338 : vector<1x16xf32> to vector<16xf32>
      %swap3A_2340 = vector.shape_cast %get3A_480 : vector<16xf32> to vector<1x16xf32>
      tpu.vector_store %arg7[%swap3A_2336, %swap3A_2337], %swap3A_2340 {strides = array<i32>} : memref<128x768xf32, #tpu.memory_space<vmem>>, vector<1x16xf32>,
      %add3A_2341 = arith.constant 16 : i32
      %add3A_2342 = arith.addi %add3A_2341, %scan3A_2307 : i32
      %get3A_2343 = arith.index_cast %add3A_2342 : i32 to index
      %get3A_2344 = arith.constant 32 : index
      %get3A_2345 = tpu.vector_load %arg5[%get3A_2343, %get3A_2344] {strides = array<i32>} : memref<64x384xf32, #tpu.memory_space<vmem>>, vector<1x16xf32>,
      %get3A_2346 = vector.shape_cast %get3A_2345 : vector<1x16xf32> to vector<16xf32>
      %swap3A_2347 = arith.index_cast %add3A_2309 : i32 to index
      %swap3A_2348 = arith.constant 32 : index
      %swap3A_2349 = tpu.vector_load %arg7[%swap3A_2347, %swap3A_2348] {strides = array<i32>} : memref<128x768xf32, #tpu.memory_space<vmem>>, vector<1x16xf32>,
      %swap3A_2350 = vector.shape_cast %swap3A_2349 : vector<1x16xf32> to vector<16xf32>
      %swap3A_2351 = vector.shape_cast %get3A_2346 : vector<16xf32> to vector<1x16xf32>
      tpu.vector_store %arg7[%swap3A_2347, %swap3A_2348], %swap3A_2351 {strides = array<i32>} : memref<128x768xf32, #tpu.memory_space<vmem>>, vector<1x16xf32>,
      %swap3A_2352 = arith.index_cast %add3A_2309 : i32 to index
      %swap3A_2353 = arith.constant 416 : index
      %swap3A_2354 = tpu.vector_load %arg7[%swap3A_2352, %swap3A_2353] {strides = array<i32>} : memref<128x768xf32, #tpu.memory_space<vmem>>, vector<1x16xf32>,
      %swap3A_2355 = vector.shape_cast %swap3A_2354 : vector<1x16xf32> to vector<16xf32>
      %swap3A_2356 = vector.shape_cast %get3A_485 : vector<16xf32> to vector<1x16xf32>
      tpu.vector_store %arg7[%swap3A_2352, %swap3A_2353], %swap3A_2356 {strides = array<i32>} : memref<128x768xf32, #tpu.memory_space<vmem>>, vector<1x16xf32>,
      %add3A_2357 = arith.constant 16 : i32
      %add3A_2358 = arith.addi %add3A_2357, %scan3A_2307 : i32
      %get3A_2359 = arith.index_cast %add3A_2358 : i32 to index
      %get3A_2360 = arith.constant 48 : index
      %get3A_2361 = tpu.vector_load %arg5[%get3A_2359, %get3A_2360] {strides = array<i32>} : memref<64x384xf32, #tpu.memory_space<vmem>>, vector<1x16xf32>,
      %get3A_2362 = vector.shape_cast %get3A_2361 : vector<1x16xf32> to vector<16xf32>
      %swap3A_2363 = arith.index_cast %add3A_2309 : i32 to index
      %swap3A_2364 = arith.constant 48 : index
      %swap3A_2365 = tpu.vector_load %arg7[%swap3A_2363, %swap3A_2364] {strides = array<i32>} : memref<128x768xf32, #tpu.memory_space<vmem>>, vector<1x16xf32>,
      %swap3A_2366 = vector.shape_cast %swap3A_2365 : vector<1x16xf32> to vector<16xf32>
      %swap3A_2367 = vector.shape_cast %get3A_2362 : vector<16xf32> to vector<1x16xf32>
      tpu.vector_store %arg7[%swap3A_2363, %swap3A_2364], %swap3A_2367 {strides = array<i32>} : memref<128x768xf32, #tpu.memory_space<vmem>>, vector<1x16xf32>,
      %swap3A_2368 = arith.index_cast %add3A_2309 : i32 to index
      %swap3A_2369 = arith.constant 432 : index
      %swap3A_2370 = tpu.vector_load %arg7[%swap3A_2368, %swap3A_2369] {strides = array<i32>} : memref<128x768xf32, #tpu.memory_space<vmem>>, vector<1x16xf32>,
      %swap3A_2371 = vector.shape_cast %swap3A_2370 : vector<1x16xf32> to vector<16xf32>
      %swap3A_2372 = vector.shape_cast %get3A_490 : vector<16xf32> to vector<1x16xf32>
      tpu.vector_store %arg7[%swap3A_2368, %swap3A_2369], %swap3A_2372 {strides = array<i32>} : memref<128x768xf32, #tpu.memory_space<vmem>>, vector<1x16xf32>,
      %add3A_2373 = arith.constant 16 : i32
      %add3A_2374 = arith.addi %add3A_2373, %scan3A_2307 : i32
      %get3A_2375 = arith.index_cast %add3A_2374 : i32 to index
      %get3A_2376 = arith.constant 64 : index
      %get3A_2377 = tpu.vector_load %arg5[%get3A_2375, %get3A_2376] {strides = array<i32>} : memref<64x384xf32, #tpu.memory_space<vmem>>, vector<1x16xf32>,
      %get3A_2378 = vector.shape_cast %get3A_2377 : vector<1x16xf32> to vector<16xf32>
      %swap3A_2379 = arith.index_cast %add3A_2309 : i32 to index
      %swap3A_2380 = arith.constant 64 : index
      %swap3A_2381 = tpu.vector_load %arg7[%swap3A_2379, %swap3A_2380] {strides = array<i32>} : memref<128x768xf32, #tpu.memory_space<vmem>>, vector<1x16xf32>,
      %swap3A_2382 = vector.shape_cast %swap3A_2381 : vector<1x16xf32> to vector<16xf32>
      %swap3A_2383 = vector.shape_cast %get3A_2378 : vector<16xf32> to vector<1x16xf32>
      tpu.vector_store %arg7[%swap3A_2379, %swap3A_2380], %swap3A_2383 {strides = array<i32>} : memref<128x768xf32, #tpu.memory_space<vmem>>, vector<1x16xf32>,
      %swap3A_2384 = arith.index_cast %add3A_2309 : i32 to index
      %swap3A_2385 = arith.constant 448 : index
      %swap3A_2386 = tpu.vector_load %arg7[%swap3A_2384, %swap3A_2385] {strides = array<i32>} : memref<128x768xf32, #tpu.memory_space<vmem>>, vector<1x16xf32>,
      %swap3A_2387 = vector.shape_cast %swap3A_2386 : vector<1x16xf32> to vector<16xf32>
      %swap3A_2388 = vector.shape_cast %get3A_495 : vector<16xf32> to vector<1x16xf32>
      tpu.vector_store %arg7[%swap3A_2384, %swap3A_2385], %swap3A_2388 {strides = array<i32>} : memref<128x768xf32, #tpu.memory_space<vmem>>, vector<1x16xf32>,
      %add3A_2389 = arith.constant 16 : i32
      %add3A_2390 = arith.addi %add3A_2389, %scan3A_2307 : i32
      %get3A_2391 = arith.index_cast %add3A_2390 : i32 to index
      %get3A_2392 = arith.constant 80 : index
      %get3A_2393 = tpu.vector_load %arg5[%get3A_2391, %get3A_2392] {strides = array<i32>} : memref<64x384xf32, #tpu.memory_space<vmem>>, vector<1x16xf32>,
      %get3A_2394 = vector.shape_cast %get3A_2393 : vector<1x16xf32> to vector<16xf32>
      %swap3A_2395 = arith.index_cast %add3A_2309 : i32 to index
      %swap3A_2396 = arith.constant 80 : index
      %swap3A_2397 = tpu.vector_load %arg7[%swap3A_2395, %swap3A_2396] {strides = array<i32>} : memref<128x768xf32, #tpu.memory_space<vmem>>, vector<1x16xf32>,
      %swap3A_2398 = vector.shape_cast %swap3A_2397 : vector<1x16xf32> to vector<16xf32>
      %swap3A_2399 = vector.shape_cast %get3A_2394 : vector<16xf32> to vector<1x16xf32>
      tpu.vector_store %arg7[%swap3A_2395, %swap3A_2396], %swap3A_2399 {strides = array<i32>} : memref<128x768xf32, #tpu.memory_space<vmem>>, vector<1x16xf32>,
      %swap3A_2400 = arith.index_cast %add3A_2309 : i32 to index
      %swap3A_2401 = arith.constant 464 : index
      %swap3A_2402 = tpu.vector_load %arg7[%swap3A_2400, %swap3A_2401] {strides = array<i32>} : memref<128x768xf32, #tpu.memory_space<vmem>>, vector<1x16xf32>,
      %swap3A_2403 = vector.shape_cast %swap3A_2402 : vector<1x16xf32> to vector<16xf32>
      %swap3A_2404 = vector.shape_cast %get3A_500 : vector<16xf32> to vector<1x16xf32>
      tpu.vector_store %arg7[%swap3A_2400, %swap3A_2401], %swap3A_2404 {strides = array<i32>} : memref<128x768xf32, #tpu.memory_space<vmem>>, vector<1x16xf32>,
      %add3A_2405 = arith.constant 16 : i32
      %add3A_2406 = arith.addi %add3A_2405, %scan3A_2307 : i32
      %get3A_2407 = arith.index_cast %add3A_2406 : i32 to index
      %get3A_2408 = arith.constant 96 : index
      %get3A_2409 = tpu.vector_load %arg5[%get3A_2407, %get3A_2408] {strides = array<i32>} : memref<64x384xf32, #tpu.memory_space<vmem>>, vector<1x16xf32>,
      %get3A_2410 = vector.shape_cast %get3A_2409 : vector<1x16xf32> to vector<16xf32>
      %swap3A_2411 = arith.index_cast %add3A_2309 : i32 to index
      %swap3A_2412 = arith.constant 96 : index
      %swap3A_2413 = tpu.vector_load %arg7[%swap3A_2411, %swap3A_2412] {strides = array<i32>} : memref<128x768xf32, #tpu.memory_space<vmem>>, vector<1x16xf32>,
      %swap3A_2414 = vector.shape_cast %swap3A_2413 : vector<1x16xf32> to vector<16xf32>
      %swap3A_2415 = vector.shape_cast %get3A_2410 : vector<16xf32> to vector<1x16xf32>
      tpu.vector_store %arg7[%swap3A_2411, %swap3A_2412], %swap3A_2415 {strides = array<i32>} : memref<128x768xf32, #tpu.memory_space<vmem>>, vector<1x16xf32>,
      %swap3A_2416 = arith.index_cast %add3A_2309 : i32 to index
      %swap3A_2417 = arith.constant 480 : index
      %swap3A_2418 = tpu.vector_load %arg7[%swap3A_2416, %swap3A_2417] {strides = array<i32>} : memref<128x768xf32, #tpu.memory_space<vmem>>, vector<1x16xf32>,
      %swap3A_2419 = vector.shape_cast %swap3A_2418 : vector<1x16xf32> to vector<16xf32>
      %swap3A_2420 = vector.shape_cast %get3A_505 : vector<16xf32> to vector<1x16xf32>
      tpu.vector_store %arg7[%swap3A_2416, %swap3A_2417], %swap3A_2420 {strides = array<i32>} : memref<128x768xf32, #tpu.memory_space<vmem>>, vector<1x16xf32>,
      %add3A_2421 = arith.constant 16 : i32
      %add3A_2422 = arith.addi %add3A_2421, %scan3A_2307 : i32
      %get3A_2423 = arith.index_cast %add3A_2422 : i32 to index
      %get3A_2424 = arith.constant 112 : index
      %get3A_2425 = tpu.vector_load %arg5[%get3A_2423, %get3A_2424] {strides = array<i32>} : memref<64x384xf32, #tpu.memory_space<vmem>>, vector<1x16xf32>,
      %get3A_2426 = vector.shape_cast %get3A_2425 : vector<1x16xf32> to vector<16xf32>
      %swap3A_2427 = arith.index_cast %add3A_2309 : i32 to index
      %swap3A_2428 = arith.constant 112 : index
      %swap3A_2429 = tpu.vector_load %arg7[%swap3A_2427, %swap3A_2428] {strides = array<i32>} : memref<128x768xf32, #tpu.memory_space<vmem>>, vector<1x16xf32>,
      %swap3A_2430 = vector.shape_cast %swap3A_2429 : vector<1x16xf32> to vector<16xf32>
      %swap3A_2431 = vector.shape_cast %get3A_2426 : vector<16xf32> to vector<1x16xf32>
      tpu.vector_store %arg7[%swap3A_2427, %swap3A_2428], %swap3A_2431 {strides = array<i32>} : memref<128x768xf32, #tpu.memory_space<vmem>>, vector<1x16xf32>,
      %swap3A_2432 = arith.index_cast %add3A_2309 : i32 to index
      %swap3A_2433 = arith.constant 496 : index
      %swap3A_2434 = tpu.vector_load %arg7[%swap3A_2432, %swap3A_2433] {strides = array<i32>} : memref<128x768xf32, #tpu.memory_space<vmem>>, vector<1x16xf32>,
      %swap3A_2435 = vector.shape_cast %swap3A_2434 : vector<1x16xf32> to vector<16xf32>
      %swap3A_2436 = vector.shape_cast %get3A_510 : vector<16xf32> to vector<1x16xf32>
      tpu.vector_store %arg7[%swap3A_2432, %swap3A_2433], %swap3A_2436 {strides = array<i32>} : memref<128x768xf32, #tpu.memory_space<vmem>>, vector<1x16xf32>,
      %add3A_2437 = arith.constant 16 : i32
      %add3A_2438 = arith.addi %add3A_2437, %scan3A_2307 : i32
      %get3A_2439 = arith.index_cast %add3A_2438 : i32 to index
      %get3A_2440 = arith.constant 128 : index
      %get3A_2441 = tpu.vector_load %arg5[%get3A_2439, %get3A_2440] {strides = array<i32>} : memref<64x384xf32, #tpu.memory_space<vmem>>, vector<1x16xf32>,
      %get3A_2442 = vector.shape_cast %get3A_2441 : vector<1x16xf32> to vector<16xf32>
      %swap3A_2443 = arith.index_cast %add3A_2309 : i32 to index
      %swap3A_2444 = arith.constant 128 : index
      %swap3A_2445 = tpu.vector_load %arg7[%swap3A_2443, %swap3A_2444] {strides = array<i32>} : memref<128x768xf32, #tpu.memory_space<vmem>>, vector<1x16xf32>,
      %swap3A_2446 = vector.shape_cast %swap3A_2445 : vector<1x16xf32> to vector<16xf32>
      %swap3A_2447 = vector.shape_cast %get3A_2442 : vector<16xf32> to vector<1x16xf32>
      tpu.vector_store %arg7[%swap3A_2443, %swap3A_2444], %swap3A_2447 {strides = array<i32>} : memref<128x768xf32, #tpu.memory_space<vmem>>, vector<1x16xf32>,
      %swap3A_2448 = arith.index_cast %add3A_2309 : i32 to index
      %swap3A_2449 = arith.constant 512 : index
      %swap3A_2450 = tpu.vector_load %arg7[%swap3A_2448, %swap3A_2449] {strides = array<i32>} : memref<128x768xf32, #tpu.memory_space<vmem>>, vector<1x16xf32>,
      %swap3A_2451 = vector.shape_cast %swap3A_2450 : vector<1x16xf32> to vector<16xf32>
      %swap3A_2452 = vector.shape_cast %get3A_515 : vector<16xf32> to vector<1x16xf32>
      tpu.vector_store %arg7[%swap3A_2448, %swap3A_2449], %swap3A_2452 {strides = array<i32>} : memref<128x768xf32, #tpu.memory_space<vmem>>, vector<1x16xf32>,
      %add3A_2453 = arith.constant 16 : i32
      %add3A_2454 = arith.addi %add3A_2453, %scan3A_2307 : i32
      %get3A_2455 = arith.index_cast %add3A_2454 : i32 to index
      %get3A_2456 = arith.constant 144 : index
      %get3A_2457 = tpu.vector_load %arg5[%get3A_2455, %get3A_2456] {strides = array<i32>} : memref<64x384xf32, #tpu.memory_space<vmem>>, vector<1x16xf32>,
      %get3A_2458 = vector.shape_cast %get3A_2457 : vector<1x16xf32> to vector<16xf32>
      %swap3A_2459 = arith.index_cast %add3A_2309 : i32 to index
      %swap3A_2460 = arith.constant 144 : index
      %swap3A_2461 = tpu.vector_load %arg7[%swap3A_2459, %swap3A_2460] {strides = array<i32>} : memref<128x768xf32, #tpu.memory_space<vmem>>, vector<1x16xf32>,
      %swap3A_2462 = vector.shape_cast %swap3A_2461 : vector<1x16xf32> to vector<16xf32>
      %swap3A_2463 = vector.shape_cast %get3A_2458 : vector<16xf32> to vector<1x16xf32>
      tpu.vector_store %arg7[%swap3A_2459, %swap3A_2460], %swap3A_2463 {strides = array<i32>} : memref<128x768xf32, #tpu.memory_space<vmem>>, vector<1x16xf32>,
      %swap3A_2464 = arith.index_cast %add3A_2309 : i32 to index
      %swap3A_2465 = arith.constant 528 : index
      %swap3A_2466 = tpu.vector_load %arg7[%swap3A_2464, %swap3A_2465] {strides = array<i32>} : memref<128x768xf32, #tpu.memory_space<vmem>>, vector<1x16xf32>,
      %swap3A_2467 = vector.shape_cast %swap3A_2466 : vector<1x16xf32> to vector<16xf32>
      %swap3A_2468 = vector.shape_cast %get3A_520 : vector<16xf32> to vector<1x16xf32>
      tpu.vector_store %arg7[%swap3A_2464, %swap3A_2465], %swap3A_2468 {strides = array<i32>} : memref<128x768xf32, #tpu.memory_space<vmem>>, vector<1x16xf32>,
      %add3A_2469 = arith.constant 16 : i32
      %add3A_2470 = arith.addi %add3A_2469, %scan3A_2307 : i32
      %get3A_2471 = arith.index_cast %add3A_2470 : i32 to index
      %get3A_2472 = arith.constant 160 : index
      %get3A_2473 = tpu.vector_load %arg5[%get3A_2471, %get3A_2472] {strides = array<i32>} : memref<64x384xf32, #tpu.memory_space<vmem>>, vector<1x16xf32>,
      %get3A_2474 = vector.shape_cast %get3A_2473 : vector<1x16xf32> to vector<16xf32>
      %swap3A_2475 = arith.index_cast %add3A_2309 : i32 to index
      %swap3A_2476 = arith.constant 160 : index
      %swap3A_2477 = tpu.vector_load %arg7[%swap3A_2475, %swap3A_2476] {strides = array<i32>} : memref<128x768xf32, #tpu.memory_space<vmem>>, vector<1x16xf32>,
      %swap3A_2478 = vector.shape_cast %swap3A_2477 : vector<1x16xf32> to vector<16xf32>
      %swap3A_2479 = vector.shape_cast %get3A_2474 : vector<16xf32> to vector<1x16xf32>
      tpu.vector_store %arg7[%swap3A_2475, %swap3A_2476], %swap3A_2479 {strides = array<i32>} : memref<128x768xf32, #tpu.memory_space<vmem>>, vector<1x16xf32>,
      %swap3A_2480 = arith.index_cast %add3A_2309 : i32 to index
      %swap3A_2481 = arith.constant 544 : index
      %swap3A_2482 = tpu.vector_load %arg7[%swap3A_2480, %swap3A_2481] {strides = array<i32>} : memref<128x768xf32, #tpu.memory_space<vmem>>, vector<1x16xf32>,
      %swap3A_2483 = vector.shape_cast %swap3A_2482 : vector<1x16xf32> to vector<16xf32>
      %swap3A_2484 = vector.shape_cast %get3A_525 : vector<16xf32> to vector<1x16xf32>
      tpu.vector_store %arg7[%swap3A_2480, %swap3A_2481], %swap3A_2484 {strides = array<i32>} : memref<128x768xf32, #tpu.memory_space<vmem>>, vector<1x16xf32>,
      %add3A_2485 = arith.constant 16 : i32
      %add3A_2486 = arith.addi %add3A_2485, %scan3A_2307 : i32
      %get3A_2487 = arith.index_cast %add3A_2486 : i32 to index
      %get3A_2488 = arith.constant 176 : index
      %get3A_2489 = tpu.vector_load %arg5[%get3A_2487, %get3A_2488] {strides = array<i32>} : memref<64x384xf32, #tpu.memory_space<vmem>>, vector<1x16xf32>,
      %get3A_2490 = vector.shape_cast %get3A_2489 : vector<1x16xf32> to vector<16xf32>
      %swap3A_2491 = arith.index_cast %add3A_2309 : i32 to index
      %swap3A_2492 = arith.constant 176 : index
      %swap3A_2493 = tpu.vector_load %arg7[%swap3A_2491, %swap3A_2492] {strides = array<i32>} : memref<128x768xf32, #tpu.memory_space<vmem>>, vector<1x16xf32>,
      %swap3A_2494 = vector.shape_cast %swap3A_2493 : vector<1x16xf32> to vector<16xf32>
      %swap3A_2495 = vector.shape_cast %get3A_2490 : vector<16xf32> to vector<1x16xf32>
      tpu.vector_store %arg7[%swap3A_2491, %swap3A_2492], %swap3A_2495 {strides = array<i32>} : memref<128x768xf32, #tpu.memory_space<vmem>>, vector<1x16xf32>,
      %swap3A_2496 = arith.index_cast %add3A_2309 : i32 to index
      %swap3A_2497 = arith.constant 560 : index
      %swap3A_2498 = tpu.vector_load %arg7[%swap3A_2496, %swap3A_2497] {strides = array<i32>} : memref<128x768xf32, #tpu.memory_space<vmem>>, vector<1x16xf32>,
      %swap3A_2499 = vector.shape_cast %swap3A_2498 : vector<1x16xf32> to vector<16xf32>
      %swap3A_2500 = vector.shape_cast %get3A_530 : vector<16xf32> to vector<1x16xf32>
      tpu.vector_store %arg7[%swap3A_2496, %swap3A_2497], %swap3A_2500 {strides = array<i32>} : memref<128x768xf32, #tpu.memory_space<vmem>>, vector<1x16xf32>,
      %add3A_2501 = arith.constant 16 : i32
      %add3A_2502 = arith.addi %add3A_2501, %scan3A_2307 : i32
      %get3A_2503 = arith.index_cast %add3A_2502 : i32 to index
      %get3A_2504 = arith.constant 192 : index
      %get3A_2505 = tpu.vector_load %arg5[%get3A_2503, %get3A_2504] {strides = array<i32>} : memref<64x384xf32, #tpu.memory_space<vmem>>, vector<1x16xf32>,
      %get3A_2506 = vector.shape_cast %get3A_2505 : vector<1x16xf32> to vector<16xf32>
      %swap3A_2507 = arith.index_cast %add3A_2309 : i32 to index
      %swap3A_2508 = arith.constant 192 : index
      %swap3A_2509 = tpu.vector_load %arg7[%swap3A_2507, %swap3A_2508] {strides = array<i32>} : memref<128x768xf32, #tpu.memory_space<vmem>>, vector<1x16xf32>,
      %swap3A_2510 = vector.shape_cast %swap3A_2509 : vector<1x16xf32> to vector<16xf32>
      %swap3A_2511 = vector.shape_cast %get3A_2506 : vector<16xf32> to vector<1x16xf32>
      tpu.vector_store %arg7[%swap3A_2507, %swap3A_2508], %swap3A_2511 {strides = array<i32>} : memref<128x768xf32, #tpu.memory_space<vmem>>, vector<1x16xf32>,
      %swap3A_2512 = arith.index_cast %add3A_2309 : i32 to index
      %swap3A_2513 = arith.constant 576 : index
      %swap3A_2514 = tpu.vector_load %arg7[%swap3A_2512, %swap3A_2513] {strides = array<i32>} : memref<128x768xf32, #tpu.memory_space<vmem>>, vector<1x16xf32>,
      %swap3A_2515 = vector.shape_cast %swap3A_2514 : vector<1x16xf32> to vector<16xf32>
      %swap3A_2516 = vector.shape_cast %get3A_535 : vector<16xf32> to vector<1x16xf32>
      tpu.vector_store %arg7[%swap3A_2512, %swap3A_2513], %swap3A_2516 {strides = array<i32>} : memref<128x768xf32, #tpu.memory_space<vmem>>, vector<1x16xf32>,
      %add3A_2517 = arith.constant 16 : i32
      %add3A_2518 = arith.addi %add3A_2517, %scan3A_2307 : i32
      %get3A_2519 = arith.index_cast %add3A_2518 : i32 to index
      %get3A_2520 = arith.constant 208 : index
      %get3A_2521 = tpu.vector_load %arg5[%get3A_2519, %get3A_2520] {strides = array<i32>} : memref<64x384xf32, #tpu.memory_space<vmem>>, vector<1x16xf32>,
      %get3A_2522 = vector.shape_cast %get3A_2521 : vector<1x16xf32> to vector<16xf32>
      %swap3A_2523 = arith.index_cast %add3A_2309 : i32 to index
      %swap3A_2524 = arith.constant 208 : index
      %swap3A_2525 = tpu.vector_load %arg7[%swap3A_2523, %swap3A_2524] {strides = array<i32>} : memref<128x768xf32, #tpu.memory_space<vmem>>, vector<1x16xf32>,
      %swap3A_2526 = vector.shape_cast %swap3A_2525 : vector<1x16xf32> to vector<16xf32>
      %swap3A_2527 = vector.shape_cast %get3A_2522 : vector<16xf32> to vector<1x16xf32>
      tpu.vector_store %arg7[%swap3A_2523, %swap3A_2524], %swap3A_2527 {strides = array<i32>} : memref<128x768xf32, #tpu.memory_space<vmem>>, vector<1x16xf32>,
      %swap3A_2528 = arith.index_cast %add3A_2309 : i32 to index
      %swap3A_2529 = arith.constant 592 : index
      %swap3A_2530 = tpu.vector_load %arg7[%swap3A_2528, %swap3A_2529] {strides = array<i32>} : memref<128x768xf32, #tpu.memory_space<vmem>>, vector<1x16xf32>,
      %swap3A_2531 = vector.shape_cast %swap3A_2530 : vector<1x16xf32> to vector<16xf32>
      %swap3A_2532 = vector.shape_cast %get3A_540 : vector<16xf32> to vector<1x16xf32>
      tpu.vector_store %arg7[%swap3A_2528, %swap3A_2529], %swap3A_2532 {strides = array<i32>} : memref<128x768xf32, #tpu.memory_space<vmem>>, vector<1x16xf32>,
      %add3A_2533 = arith.constant 16 : i32
      %add3A_2534 = arith.addi %add3A_2533, %scan3A_2307 : i32
      %get3A_2535 = arith.index_cast %add3A_2534 : i32 to index
      %get3A_2536 = arith.constant 224 : index
      %get3A_2537 = tpu.vector_load %arg5[%get3A_2535, %get3A_2536] {strides = array<i32>} : memref<64x384xf32, #tpu.memory_space<vmem>>, vector<1x16xf32>,
      %get3A_2538 = vector.shape_cast %get3A_2537 : vector<1x16xf32> to vector<16xf32>
      %swap3A_2539 = arith.index_cast %add3A_2309 : i32 to index
      %swap3A_2540 = arith.constant 224 : index
      %swap3A_2541 = tpu.vector_load %arg7[%swap3A_2539, %swap3A_2540] {strides = array<i32>} : memref<128x768xf32, #tpu.memory_space<vmem>>, vector<1x16xf32>,
      %swap3A_2542 = vector.shape_cast %swap3A_2541 : vector<1x16xf32> to vector<16xf32>
      %swap3A_2543 = vector.shape_cast %get3A_2538 : vector<16xf32> to vector<1x16xf32>
      tpu.vector_store %arg7[%swap3A_2539, %swap3A_2540], %swap3A_2543 {strides = array<i32>} : memref<128x768xf32, #tpu.memory_space<vmem>>, vector<1x16xf32>,
      %swap3A_2544 = arith.index_cast %add3A_2309 : i32 to index
      %swap3A_2545 = arith.constant 608 : index
      %swap3A_2546 = tpu.vector_load %arg7[%swap3A_2544, %swap3A_2545] {strides = array<i32>} : memref<128x768xf32, #tpu.memory_space<vmem>>, vector<1x16xf32>,
      %swap3A_2547 = vector.shape_cast %swap3A_2546 : vector<1x16xf32> to vector<16xf32>
      %swap3A_2548 = vector.shape_cast %get3A_545 : vector<16xf32> to vector<1x16xf32>
      tpu.vector_store %arg7[%swap3A_2544, %swap3A_2545], %swap3A_2548 {strides = array<i32>} : memref<128x768xf32, #tpu.memory_space<vmem>>, vector<1x16xf32>,
      %add3A_2549 = arith.constant 16 : i32
      %add3A_2550 = arith.addi %add3A_2549, %scan3A_2307 : i32
      %get3A_2551 = arith.index_cast %add3A_2550 : i32 to index
      %get3A_2552 = arith.constant 240 : index
      %get3A_2553 = tpu.vector_load %arg5[%get3A_2551, %get3A_2552] {strides = array<i32>} : memref<64x384xf32, #tpu.memory_space<vmem>>, vector<1x16xf32>,
      %get3A_2554 = vector.shape_cast %get3A_2553 : vector<1x16xf32> to vector<16xf32>
      %swap3A_2555 = arith.index_cast %add3A_2309 : i32 to index
      %swap3A_2556 = arith.constant 240 : index
      %swap3A_2557 = tpu.vector_load %arg7[%swap3A_2555, %swap3A_2556] {strides = array<i32>} : memref<128x768xf32, #tpu.memory_space<vmem>>, vector<1x16xf32>,
      %swap3A_2558 = vector.shape_cast %swap3A_2557 : vector<1x16xf32> to vector<16xf32>
      %swap3A_2559 = vector.shape_cast %get3A_2554 : vector<16xf32> to vector<1x16xf32>
      tpu.vector_store %arg7[%swap3A_2555, %swap3A_2556], %swap3A_2559 {strides = array<i32>} : memref<128x768xf32, #tpu.memory_space<vmem>>, vector<1x16xf32>,
      %swap3A_2560 = arith.index_cast %add3A_2309 : i32 to index
      %swap3A_2561 = arith.constant 624 : index
      %swap3A_2562 = tpu.vector_load %arg7[%swap3A_2560, %swap3A_2561] {strides = array<i32>} : memref<128x768xf32, #tpu.memory_space<vmem>>, vector<1x16xf32>,
      %swap3A_2563 = vector.shape_cast %swap3A_2562 : vector<1x16xf32> to vector<16xf32>
      %swap3A_2564 = vector.shape_cast %get3A_550 : vector<16xf32> to vector<1x16xf32>
      tpu.vector_store %arg7[%swap3A_2560, %swap3A_2561], %swap3A_2564 {strides = array<i32>} : memref<128x768xf32, #tpu.memory_space<vmem>>, vector<1x16xf32>,
      %add3A_2565 = arith.constant 16 : i32
      %add3A_2566 = arith.addi %add3A_2565, %scan3A_2307 : i32
      %get3A_2567 = arith.index_cast %add3A_2566 : i32 to index
      %get3A_2568 = arith.constant 256 : index
      %get3A_2569 = tpu.vector_load %arg5[%get3A_2567, %get3A_2568] {strides = array<i32>} : memref<64x384xf32, #tpu.memory_space<vmem>>, vector<1x16xf32>,
      %get3A_2570 = vector.shape_cast %get3A_2569 : vector<1x16xf32> to vector<16xf32>
      %swap3A_2571 = arith.index_cast %add3A_2309 : i32 to index
      %swap3A_2572 = arith.constant 256 : index
      %swap3A_2573 = tpu.vector_load %arg7[%swap3A_2571, %swap3A_2572] {strides = array<i32>} : memref<128x768xf32, #tpu.memory_space<vmem>>, vector<1x16xf32>,
      %swap3A_2574 = vector.shape_cast %swap3A_2573 : vector<1x16xf32> to vector<16xf32>
      %swap3A_2575 = vector.shape_cast %get3A_2570 : vector<16xf32> to vector<1x16xf32>
      tpu.vector_store %arg7[%swap3A_2571, %swap3A_2572], %swap3A_2575 {strides = array<i32>} : memref<128x768xf32, #tpu.memory_space<vmem>>, vector<1x16xf32>,
      %swap3A_2576 = arith.index_cast %add3A_2309 : i32 to index
      %swap3A_2577 = arith.constant 640 : index
      %swap3A_2578 = tpu.vector_load %arg7[%swap3A_2576, %swap3A_2577] {strides = array<i32>} : memref<128x768xf32, #tpu.memory_space<vmem>>, vector<1x16xf32>,
      %swap3A_2579 = vector.shape_cast %swap3A_2578 : vector<1x16xf32> to vector<16xf32>
      %swap3A_2580 = vector.shape_cast %get3A_555 : vector<16xf32> to vector<1x16xf32>
      tpu.vector_store %arg7[%swap3A_2576, %swap3A_2577], %swap3A_2580 {strides = array<i32>} : memref<128x768xf32, #tpu.memory_space<vmem>>, vector<1x16xf32>,
      %add3A_2581 = arith.constant 16 : i32
      %add3A_2582 = arith.addi %add3A_2581, %scan3A_2307 : i32
      %get3A_2583 = arith.index_cast %add3A_2582 : i32 to index
      %get3A_2584 = arith.constant 272 : index
      %get3A_2585 = tpu.vector_load %arg5[%get3A_2583, %get3A_2584] {strides = array<i32>} : memref<64x384xf32, #tpu.memory_space<vmem>>, vector<1x16xf32>,
      %get3A_2586 = vector.shape_cast %get3A_2585 : vector<1x16xf32> to vector<16xf32>
      %swap3A_2587 = arith.index_cast %add3A_2309 : i32 to index
      %swap3A_2588 = arith.constant 272 : index
      %swap3A_2589 = tpu.vector_load %arg7[%swap3A_2587, %swap3A_2588] {strides = array<i32>} : memref<128x768xf32, #tpu.memory_space<vmem>>, vector<1x16xf32>,
      %swap3A_2590 = vector.shape_cast %swap3A_2589 : vector<1x16xf32> to vector<16xf32>
      %swap3A_2591 = vector.shape_cast %get3A_2586 : vector<16xf32> to vector<1x16xf32>
      tpu.vector_store %arg7[%swap3A_2587, %swap3A_2588], %swap3A_2591 {strides = array<i32>} : memref<128x768xf32, #tpu.memory_space<vmem>>, vector<1x16xf32>,
      %swap3A_2592 = arith.index_cast %add3A_2309 : i32 to index
      %swap3A_2593 = arith.constant 656 : index
      %swap3A_2594 = tpu.vector_load %arg7[%swap3A_2592, %swap3A_2593] {strides = array<i32>} : memref<128x768xf32, #tpu.memory_space<vmem>>, vector<1x16xf32>,
      %swap3A_2595 = vector.shape_cast %swap3A_2594 : vector<1x16xf32> to vector<16xf32>
      %swap3A_2596 = vector.shape_cast %get3A_560 : vector<16xf32> to vector<1x16xf32>
      tpu.vector_store %arg7[%swap3A_2592, %swap3A_2593], %swap3A_2596 {strides = array<i32>} : memref<128x768xf32, #tpu.memory_space<vmem>>, vector<1x16xf32>,
      %add3A_2597 = arith.constant 16 : i32
      %add3A_2598 = arith.addi %add3A_2597, %scan3A_2307 : i32
      %get3A_2599 = arith.index_cast %add3A_2598 : i32 to index
      %get3A_2600 = arith.constant 288 : index
      %get3A_2601 = tpu.vector_load %arg5[%get3A_2599, %get3A_2600] {strides = array<i32>} : memref<64x384xf32, #tpu.memory_space<vmem>>, vector<1x16xf32>,
      %get3A_2602 = vector.shape_cast %get3A_2601 : vector<1x16xf32> to vector<16xf32>
      %swap3A_2603 = arith.index_cast %add3A_2309 : i32 to index
      %swap3A_2604 = arith.constant 288 : index
      %swap3A_2605 = tpu.vector_load %arg7[%swap3A_2603, %swap3A_2604] {strides = array<i32>} : memref<128x768xf32, #tpu.memory_space<vmem>>, vector<1x16xf32>,
      %swap3A_2606 = vector.shape_cast %swap3A_2605 : vector<1x16xf32> to vector<16xf32>
      %swap3A_2607 = vector.shape_cast %get3A_2602 : vector<16xf32> to vector<1x16xf32>
      tpu.vector_store %arg7[%swap3A_2603, %swap3A_2604], %swap3A_2607 {strides = array<i32>} : memref<128x768xf32, #tpu.memory_space<vmem>>, vector<1x16xf32>,
      %swap3A_2608 = arith.index_cast %add3A_2309 : i32 to index
      %swap3A_2609 = arith.constant 672 : index
      %swap3A_2610 = tpu.vector_load %arg7[%swap3A_2608, %swap3A_2609] {strides = array<i32>} : memref<128x768xf32, #tpu.memory_space<vmem>>, vector<1x16xf32>,
      %swap3A_2611 = vector.shape_cast %swap3A_2610 : vector<1x16xf32> to vector<16xf32>
      %swap3A_2612 = vector.shape_cast %get3A_565 : vector<16xf32> to vector<1x16xf32>
      tpu.vector_store %arg7[%swap3A_2608, %swap3A_2609], %swap3A_2612 {strides = array<i32>} : memref<128x768xf32, #tpu.memory_space<vmem>>, vector<1x16xf32>,
      %add3A_2613 = arith.constant 16 : i32
      %add3A_2614 = arith.addi %add3A_2613, %scan3A_2307 : i32
      %get3A_2615 = arith.index_cast %add3A_2614 : i32 to index
      %get3A_2616 = arith.constant 304 : index
      %get3A_2617 = tpu.vector_load %arg5[%get3A_2615, %get3A_2616] {strides = array<i32>} : memref<64x384xf32, #tpu.memory_space<vmem>>, vector<1x16xf32>,
      %get3A_2618 = vector.shape_cast %get3A_2617 : vector<1x16xf32> to vector<16xf32>
      %swap3A_2619 = arith.index_cast %add3A_2309 : i32 to index
      %swap3A_2620 = arith.constant 304 : index
      %swap3A_2621 = tpu.vector_load %arg7[%swap3A_2619, %swap3A_2620] {strides = array<i32>} : memref<128x768xf32, #tpu.memory_space<vmem>>, vector<1x16xf32>,
      %swap3A_2622 = vector.shape_cast %swap3A_2621 : vector<1x16xf32> to vector<16xf32>
      %swap3A_2623 = vector.shape_cast %get3A_2618 : vector<16xf32> to vector<1x16xf32>
      tpu.vector_store %arg7[%swap3A_2619, %swap3A_2620], %swap3A_2623 {strides = array<i32>} : memref<128x768xf32, #tpu.memory_space<vmem>>, vector<1x16xf32>,
      %swap3A_2624 = arith.index_cast %add3A_2309 : i32 to index
      %swap3A_2625 = arith.constant 688 : index
      %swap3A_2626 = tpu.vector_load %arg7[%swap3A_2624, %swap3A_2625] {strides = array<i32>} : memref<128x768xf32, #tpu.memory_space<vmem>>, vector<1x16xf32>,
      %swap3A_2627 = vector.shape_cast %swap3A_2626 : vector<1x16xf32> to vector<16xf32>
      %swap3A_2628 = vector.shape_cast %get3A_570 : vector<16xf32> to vector<1x16xf32>
      tpu.vector_store %arg7[%swap3A_2624, %swap3A_2625], %swap3A_2628 {strides = array<i32>} : memref<128x768xf32, #tpu.memory_space<vmem>>, vector<1x16xf32>,
      %add3A_2629 = arith.constant 16 : i32
      %add3A_2630 = arith.addi %add3A_2629, %scan3A_2307 : i32
      %get3A_2631 = arith.index_cast %add3A_2630 : i32 to index
      %get3A_2632 = arith.constant 320 : index
      %get3A_2633 = tpu.vector_load %arg5[%get3A_2631, %get3A_2632] {strides = array<i32>} : memref<64x384xf32, #tpu.memory_space<vmem>>, vector<1x16xf32>,
      %get3A_2634 = vector.shape_cast %get3A_2633 : vector<1x16xf32> to vector<16xf32>
      %swap3A_2635 = arith.index_cast %add3A_2309 : i32 to index
      %swap3A_2636 = arith.constant 320 : index
      %swap3A_2637 = tpu.vector_load %arg7[%swap3A_2635, %swap3A_2636] {strides = array<i32>} : memref<128x768xf32, #tpu.memory_space<vmem>>, vector<1x16xf32>,
      %swap3A_2638 = vector.shape_cast %swap3A_2637 : vector<1x16xf32> to vector<16xf32>
      %swap3A_2639 = vector.shape_cast %get3A_2634 : vector<16xf32> to vector<1x16xf32>
      tpu.vector_store %arg7[%swap3A_2635, %swap3A_2636], %swap3A_2639 {strides = array<i32>} : memref<128x768xf32, #tpu.memory_space<vmem>>, vector<1x16xf32>,
      %swap3A_2640 = arith.index_cast %add3A_2309 : i32 to index
      %swap3A_2641 = arith.constant 704 : index
      %swap3A_2642 = tpu.vector_load %arg7[%swap3A_2640, %swap3A_2641] {strides = array<i32>} : memref<128x768xf32, #tpu.memory_space<vmem>>, vector<1x16xf32>,
      %swap3A_2643 = vector.shape_cast %swap3A_2642 : vector<1x16xf32> to vector<16xf32>
      %swap3A_2644 = vector.shape_cast %get3A_575 : vector<16xf32> to vector<1x16xf32>
      tpu.vector_store %arg7[%swap3A_2640, %swap3A_2641], %swap3A_2644 {strides = array<i32>} : memref<128x768xf32, #tpu.memory_space<vmem>>, vector<1x16xf32>,
      %add3A_2645 = arith.constant 16 : i32
      %add3A_2646 = arith.addi %add3A_2645, %scan3A_2307 : i32
      %get3A_2647 = arith.index_cast %add3A_2646 : i32 to index
      %get3A_2648 = arith.constant 336 : index
      %get3A_2649 = tpu.vector_load %arg5[%get3A_2647, %get3A_2648] {strides = array<i32>} : memref<64x384xf32, #tpu.memory_space<vmem>>, vector<1x16xf32>,
      %get3A_2650 = vector.shape_cast %get3A_2649 : vector<1x16xf32> to vector<16xf32>
      %swap3A_2651 = arith.index_cast %add3A_2309 : i32 to index
      %swap3A_2652 = arith.constant 336 : index
      %swap3A_2653 = tpu.vector_load %arg7[%swap3A_2651, %swap3A_2652] {strides = array<i32>} : memref<128x768xf32, #tpu.memory_space<vmem>>, vector<1x16xf32>,
      %swap3A_2654 = vector.shape_cast %swap3A_2653 : vector<1x16xf32> to vector<16xf32>
      %swap3A_2655 = vector.shape_cast %get3A_2650 : vector<16xf32> to vector<1x16xf32>
      tpu.vector_store %arg7[%swap3A_2651, %swap3A_2652], %swap3A_2655 {strides = array<i32>} : memref<128x768xf32, #tpu.memory_space<vmem>>, vector<1x16xf32>,
      %swap3A_2656 = arith.index_cast %add3A_2309 : i32 to index
      %swap3A_2657 = arith.constant 720 : index
      %swap3A_2658 = tpu.vector_load %arg7[%swap3A_2656, %swap3A_2657] {strides = array<i32>} : memref<128x768xf32, #tpu.memory_space<vmem>>, vector<1x16xf32>,
      %swap3A_2659 = vector.shape_cast %swap3A_2658 : vector<1x16xf32> to vector<16xf32>
      %swap3A_2660 = vector.shape_cast %get3A_580 : vector<16xf32> to vector<1x16xf32>
      tpu.vector_store %arg7[%swap3A_2656, %swap3A_2657], %swap3A_2660 {strides = array<i32>} : memref<128x768xf32, #tpu.memory_space<vmem>>, vector<1x16xf32>,
      %add3A_2661 = arith.constant 16 : i32
      %add3A_2662 = arith.addi %add3A_2661, %scan3A_2307 : i32
      %get3A_2663 = arith.index_cast %add3A_2662 : i32 to index
      %get3A_2664 = arith.constant 352 : index
      %get3A_2665 = tpu.vector_load %arg5[%get3A_2663, %get3A_2664] {strides = array<i32>} : memref<64x384xf32, #tpu.memory_space<vmem>>, vector<1x16xf32>,
      %get3A_2666 = vector.shape_cast %get3A_2665 : vector<1x16xf32> to vector<16xf32>
      %swap3A_2667 = arith.index_cast %add3A_2309 : i32 to index
      %swap3A_2668 = arith.constant 352 : index
      %swap3A_2669 = tpu.vector_load %arg7[%swap3A_2667, %swap3A_2668] {strides = array<i32>} : memref<128x768xf32, #tpu.memory_space<vmem>>, vector<1x16xf32>,
      %swap3A_2670 = vector.shape_cast %swap3A_2669 : vector<1x16xf32> to vector<16xf32>
      %swap3A_2671 = vector.shape_cast %get3A_2666 : vector<16xf32> to vector<1x16xf32>
      tpu.vector_store %arg7[%swap3A_2667, %swap3A_2668], %swap3A_2671 {strides = array<i32>} : memref<128x768xf32, #tpu.memory_space<vmem>>, vector<1x16xf32>,
      %swap3A_2672 = arith.index_cast %add3A_2309 : i32 to index
      %swap3A_2673 = arith.constant 736 : index
      %swap3A_2674 = tpu.vector_load %arg7[%swap3A_2672, %swap3A_2673] {strides = array<i32>} : memref<128x768xf32, #tpu.memory_space<vmem>>, vector<1x16xf32>,
      %swap3A_2675 = vector.shape_cast %swap3A_2674 : vector<1x16xf32> to vector<16xf32>
      %swap3A_2676 = vector.shape_cast %get3A_585 : vector<16xf32> to vector<1x16xf32>
      tpu.vector_store %arg7[%swap3A_2672, %swap3A_2673], %swap3A_2676 {strides = array<i32>} : memref<128x768xf32, #tpu.memory_space<vmem>>, vector<1x16xf32>,
      %add3A_2677 = arith.constant 16 : i32
      %add3A_2678 = arith.addi %add3A_2677, %scan3A_2307 : i32
      %get3A_2679 = arith.index_cast %add3A_2678 : i32 to index
      %get3A_2680 = arith.constant 368 : index
      %get3A_2681 = tpu.vector_load %arg5[%get3A_2679, %get3A_2680] {strides = array<i32>} : memref<64x384xf32, #tpu.memory_space<vmem>>, vector<1x16xf32>,
      %get3A_2682 = vector.shape_cast %get3A_2681 : vector<1x16xf32> to vector<16xf32>
      %swap3A_2683 = arith.index_cast %add3A_2309 : i32 to index
      %swap3A_2684 = arith.constant 368 : index
      %swap3A_2685 = tpu.vector_load %arg7[%swap3A_2683, %swap3A_2684] {strides = array<i32>} : memref<128x768xf32, #tpu.memory_space<vmem>>, vector<1x16xf32>,
      %swap3A_2686 = vector.shape_cast %swap3A_2685 : vector<1x16xf32> to vector<16xf32>
      %swap3A_2687 = vector.shape_cast %get3A_2682 : vector<16xf32> to vector<1x16xf32>
      tpu.vector_store %arg7[%swap3A_2683, %swap3A_2684], %swap3A_2687 {strides = array<i32>} : memref<128x768xf32, #tpu.memory_space<vmem>>, vector<1x16xf32>,
      %swap3A_2688 = arith.index_cast %add3A_2309 : i32 to index
      %swap3A_2689 = arith.constant 752 : index
      %swap3A_2690 = tpu.vector_load %arg7[%swap3A_2688, %swap3A_2689] {strides = array<i32>} : memref<128x768xf32, #tpu.memory_space<vmem>>, vector<1x16xf32>,
      %swap3A_2691 = vector.shape_cast %swap3A_2690 : vector<1x16xf32> to vector<16xf32>
      %swap3A_2692 = vector.shape_cast %get3A_590 : vector<16xf32> to vector<1x16xf32>
      tpu.vector_store %arg7[%swap3A_2688, %swap3A_2689], %swap3A_2692 {strides = array<i32>} : memref<128x768xf32, #tpu.memory_space<vmem>>, vector<1x16xf32>,
    }
    %scan3A_596 = arith.constant 48 : i32
    %add3A_597 = arith.constant 16 : i32
    %add3A_598 = arith.addi %mul3A_2, %add3A_597 : i32
    %dma_start3A_599 = arith.constant 0 : i32
    %dma_start3A_600 = arith.constant 16 : i32
    %dma_start3A_601 = arith.constant 0 : i32
    %dma_start3A_602 = tpu.memref_slice %arg7[%dma_start3A_600, %dma_start3A_601] : memref<128x768xf32, #tpu.memory_space<vmem>> -> memref<48x768xf32, #tpu.memory_space<vmem>>
    %dma_start3A_603 = arith.constant 0 : i32
    %dma_start3A_604 = arith.constant 0 : i32
    %dma_start3A_605 = tpu.memref_slice %arg4[%dma_start3A_599, %dma_start3A_603, %dma_start3A_604] : memref<16x4096x768xf32, #tpu.memory_space<hbm>> -> memref<1x4096x768xf32, #tpu.memory_space<hbm>>
    %dma_start3A_606 = tpu.memref_squeeze %dma_start3A_605 : memref<1x4096x768xf32, #tpu.memory_space<hbm>> -> memref<4096x768xf32, #tpu.memory_space<hbm>>
    %dma_start3A_607 = arith.constant 0 : i32
    %dma_start3A_608 = tpu.memref_slice %dma_start3A_606[%add3A_598, %dma_start3A_607] : memref<4096x768xf32, #tpu.memory_space<hbm>> -> memref<48x768xf32, #tpu.memory_space<hbm>>
    %dma_start3A_609 = arith.constant 0 : i32
    %dma_start3A_610 = arith.constant 0 : i32
    %dma_start3A_611 = tpu.memref_slice %arg4[%dma_start3A_599, %dma_start3A_609, %dma_start3A_610] : memref<16x4096x768xf32, #tpu.memory_space<hbm>> -> memref<1x4096x768xf32, #tpu.memory_space<hbm>>
    %dma_start3A_612 = tpu.memref_squeeze %dma_start3A_611 : memref<1x4096x768xf32, #tpu.memory_space<hbm>> -> memref<4096x768xf32, #tpu.memory_space<hbm>>
    %dma_start3A_613 = arith.constant 0 : i32
    %dma_start3A_614 = tpu.memref_slice %dma_start3A_612[%add3A_598, %dma_start3A_613] : memref<4096x768xf32, #tpu.memory_space<hbm>> -> memref<48x768xf32, #tpu.memory_space<hbm>>
    %dma_start3A_615 = arith.constant 16 : i32
    %dma_start3A_616 = arith.constant 0 : i32
    %dma_start3A_617 = tpu.memref_slice %arg7[%dma_start3A_615, %dma_start3A_616] : memref<128x768xf32, #tpu.memory_space<vmem>> -> memref<48x768xf32, #tpu.memory_space<vmem>>
    tpu.enqueue_dma source(%dma_start3A_617 : memref<48x768xf32, #tpu.memory_space<vmem>>) target(%dma_start3A_614 : memref<48x768xf32, #tpu.memory_space<hbm>>) target_semaphore(%arg8 : memref<!tpu.dma_semaphore, #tpu.memory_space<semaphore_mem>>)
    %add3A_618 = arith.constant 16 : i32
    %add3A_619 = arith.addi %mul3A_2, %add3A_618 : i32
    %dma_start3A_620 = arith.constant 1 : i32
    %dma_start3A_621 = arith.constant 16 : i32
    %dma_start3A_622 = arith.constant 0 : i32
    %dma_start3A_623 = tpu.memref_slice %arg7[%dma_start3A_621, %dma_start3A_622] : memref<128x768xf32, #tpu.memory_space<vmem>> -> memref<48x768xf32, #tpu.memory_space<vmem>>
    %dma_start3A_624 = arith.constant 0 : i32
    %dma_start3A_625 = arith.constant 0 : i32
    %dma_start3A_626 = tpu.memref_slice %arg4[%dma_start3A_620, %dma_start3A_624, %dma_start3A_625] : memref<16x4096x768xf32, #tpu.memory_space<hbm>> -> memref<1x4096x768xf32, #tpu.memory_space<hbm>>
    %dma_start3A_627 = tpu.memref_squeeze %dma_start3A_626 : memref<1x4096x768xf32, #tpu.memory_space<hbm>> -> memref<4096x768xf32, #tpu.memory_space<hbm>>
    %dma_start3A_628 = arith.constant 0 : i32
    %dma_start3A_629 = tpu.memref_slice %dma_start3A_627[%add3A_619, %dma_start3A_628] : memref<4096x768xf32, #tpu.memory_space<hbm>> -> memref<48x768xf32, #tpu.memory_space<hbm>>
    %dma_start3A_630 = arith.constant 0 : i32
    %dma_start3A_631 = arith.constant 0 : i32
    %dma_start3A_632 = tpu.memref_slice %arg4[%dma_start3A_620, %dma_start3A_630, %dma_start3A_631] : memref<16x4096x768xf32, #tpu.memory_space<hbm>> -> memref<1x4096x768xf32, #tpu.memory_space<hbm>>
    %dma_start3A_633 = tpu.memref_squeeze %dma_start3A_632 : memref<1x4096x768xf32, #tpu.memory_space<hbm>> -> memref<4096x768xf32, #tpu.memory_space<hbm>>
    %dma_start3A_634 = arith.constant 0 : i32
    %dma_start3A_635 = tpu.memref_slice %dma_start3A_633[%add3A_619, %dma_start3A_634] : memref<4096x768xf32, #tpu.memory_space<hbm>> -> memref<48x768xf32, #tpu.memory_space<hbm>>
    %dma_start3A_636 = arith.constant 16 : i32
    %dma_start3A_637 = arith.constant 0 : i32
    %dma_start3A_638 = tpu.memref_slice %arg7[%dma_start3A_636, %dma_start3A_637] : memref<128x768xf32, #tpu.memory_space<vmem>> -> memref<48x768xf32, #tpu.memory_space<vmem>>
    tpu.enqueue_dma source(%dma_start3A_638 : memref<48x768xf32, #tpu.memory_space<vmem>>) target(%dma_start3A_635 : memref<48x768xf32, #tpu.memory_space<hbm>>) target_semaphore(%arg8 : memref<!tpu.dma_semaphore, #tpu.memory_space<semaphore_mem>>)
    %add3A_639 = arith.constant 16 : i32
    %add3A_640 = arith.addi %mul3A_2, %add3A_639 : i32
    %dma_start3A_641 = arith.constant 2 : i32
    %dma_start3A_642 = arith.constant 16 : i32
    %dma_start3A_643 = arith.constant 0 : i32
    %dma_start3A_644 = tpu.memref_slice %arg7[%dma_start3A_642, %dma_start3A_643] : memref<128x768xf32, #tpu.memory_space<vmem>> -> memref<48x768xf32, #tpu.memory_space<vmem>>
    %dma_start3A_645 = arith.constant 0 : i32
    %dma_start3A_646 = arith.constant 0 : i32
    %dma_start3A_647 = tpu.memref_slice %arg4[%dma_start3A_641, %dma_start3A_645, %dma_start3A_646] : memref<16x4096x768xf32, #tpu.memory_space<hbm>> -> memref<1x4096x768xf32, #tpu.memory_space<hbm>>
    %dma_start3A_648 = tpu.memref_squeeze %dma_start3A_647 : memref<1x4096x768xf32, #tpu.memory_space<hbm>> -> memref<4096x768xf32, #tpu.memory_space<hbm>>
    %dma_start3A_649 = arith.constant 0 : i32
    %dma_start3A_650 = tpu.memref_slice %dma_start3A_648[%add3A_640, %dma_start3A_649] : memref<4096x768xf32, #tpu.memory_space<hbm>> -> memref<48x768xf32, #tpu.memory_space<hbm>>
    %dma_start3A_651 = arith.constant 0 : i32
    %dma_start3A_652 = arith.constant 0 : i32
    %dma_start3A_653 = tpu.memref_slice %arg4[%dma_start3A_641, %dma_start3A_651, %dma_start3A_652] : memref<16x4096x768xf32, #tpu.memory_space<hbm>> -> memref<1x4096x768xf32, #tpu.memory_space<hbm>>
    %dma_start3A_654 = tpu.memref_squeeze %dma_start3A_653 : memref<1x4096x768xf32, #tpu.memory_space<hbm>> -> memref<4096x768xf32, #tpu.memory_space<hbm>>
    %dma_start3A_655 = arith.constant 0 : i32
    %dma_start3A_656 = tpu.memref_slice %dma_start3A_654[%add3A_640, %dma_start3A_655] : memref<4096x768xf32, #tpu.memory_space<hbm>> -> memref<48x768xf32, #tpu.memory_space<hbm>>
    %dma_start3A_657 = arith.constant 16 : i32
    %dma_start3A_658 = arith.constant 0 : i32
    %dma_start3A_659 = tpu.memref_slice %arg7[%dma_start3A_657, %dma_start3A_658] : memref<128x768xf32, #tpu.memory_space<vmem>> -> memref<48x768xf32, #tpu.memory_space<vmem>>
    tpu.enqueue_dma source(%dma_start3A_659 : memref<48x768xf32, #tpu.memory_space<vmem>>) target(%dma_start3A_656 : memref<48x768xf32, #tpu.memory_space<hbm>>) target_semaphore(%arg8 : memref<!tpu.dma_semaphore, #tpu.memory_space<semaphore_mem>>)
    %add3A_660 = arith.constant 16 : i32
    %add3A_661 = arith.addi %mul3A_2, %add3A_660 : i32
    %dma_start3A_662 = arith.constant 3 : i32
    %dma_start3A_663 = arith.constant 16 : i32
    %dma_start3A_664 = arith.constant 0 : i32
    %dma_start3A_665 = tpu.memref_slice %arg7[%dma_start3A_663, %dma_start3A_664] : memref<128x768xf32, #tpu.memory_space<vmem>> -> memref<48x768xf32, #tpu.memory_space<vmem>>
    %dma_start3A_666 = arith.constant 0 : i32
    %dma_start3A_667 = arith.constant 0 : i32
    %dma_start3A_668 = tpu.memref_slice %arg4[%dma_start3A_662, %dma_start3A_666, %dma_start3A_667] : memref<16x4096x768xf32, #tpu.memory_space<hbm>> -> memref<1x4096x768xf32, #tpu.memory_space<hbm>>
    %dma_start3A_669 = tpu.memref_squeeze %dma_start3A_668 : memref<1x4096x768xf32, #tpu.memory_space<hbm>> -> memref<4096x768xf32, #tpu.memory_space<hbm>>
    %dma_start3A_670 = arith.constant 0 : i32
    %dma_start3A_671 = tpu.memref_slice %dma_start3A_669[%add3A_661, %dma_start3A_670] : memref<4096x768xf32, #tpu.memory_space<hbm>> -> memref<48x768xf32, #tpu.memory_space<hbm>>
    %dma_start3A_672 = arith.constant 0 : i32
    %dma_start3A_673 = arith.constant 0 : i32
    %dma_start3A_674 = tpu.memref_slice %arg4[%dma_start3A_662, %dma_start3A_672, %dma_start3A_673] : memref<16x4096x768xf32, #tpu.memory_space<hbm>> -> memref<1x4096x768xf32, #tpu.memory_space<hbm>>
    %dma_start3A_675 = tpu.memref_squeeze %dma_start3A_674 : memref<1x4096x768xf32, #tpu.memory_space<hbm>> -> memref<4096x768xf32, #tpu.memory_space<hbm>>
    %dma_start3A_676 = arith.constant 0 : i32
    %dma_start3A_677 = tpu.memref_slice %dma_start3A_675[%add3A_661, %dma_start3A_676] : memref<4096x768xf32, #tpu.memory_space<hbm>> -> memref<48x768xf32, #tpu.memory_space<hbm>>
    %dma_start3A_678 = arith.constant 16 : i32
    %dma_start3A_679 = arith.constant 0 : i32
    %dma_start3A_680 = tpu.memref_slice %arg7[%dma_start3A_678, %dma_start3A_679] : memref<128x768xf32, #tpu.memory_space<vmem>> -> memref<48x768xf32, #tpu.memory_space<vmem>>
    tpu.enqueue_dma source(%dma_start3A_680 : memref<48x768xf32, #tpu.memory_space<vmem>>) target(%dma_start3A_677 : memref<48x768xf32, #tpu.memory_space<hbm>>) target_semaphore(%arg8 : memref<!tpu.dma_semaphore, #tpu.memory_space<semaphore_mem>>)
    %add3A_681 = arith.constant 16 : i32
    %add3A_682 = arith.addi %mul3A_2, %add3A_681 : i32
    %dma_start3A_683 = arith.constant 4 : i32
    %dma_start3A_684 = arith.constant 16 : i32
    %dma_start3A_685 = arith.constant 0 : i32
    %dma_start3A_686 = tpu.memref_slice %arg7[%dma_start3A_684, %dma_start3A_685] : memref<128x768xf32, #tpu.memory_space<vmem>> -> memref<48x768xf32, #tpu.memory_space<vmem>>
    %dma_start3A_687 = arith.constant 0 : i32
    %dma_start3A_688 = arith.constant 0 : i32
    %dma_start3A_689 = tpu.memref_slice %arg4[%dma_start3A_683, %dma_start3A_687, %dma_start3A_688] : memref<16x4096x768xf32, #tpu.memory_space<hbm>> -> memref<1x4096x768xf32, #tpu.memory_space<hbm>>
    %dma_start3A_690 = tpu.memref_squeeze %dma_start3A_689 : memref<1x4096x768xf32, #tpu.memory_space<hbm>> -> memref<4096x768xf32, #tpu.memory_space<hbm>>
    %dma_start3A_691 = arith.constant 0 : i32
    %dma_start3A_692 = tpu.memref_slice %dma_start3A_690[%add3A_682, %dma_start3A_691] : memref<4096x768xf32, #tpu.memory_space<hbm>> -> memref<48x768xf32, #tpu.memory_space<hbm>>
    %dma_start3A_693 = arith.constant 0 : i32
    %dma_start3A_694 = arith.constant 0 : i32
    %dma_start3A_695 = tpu.memref_slice %arg4[%dma_start3A_683, %dma_start3A_693, %dma_start3A_694] : memref<16x4096x768xf32, #tpu.memory_space<hbm>> -> memref<1x4096x768xf32, #tpu.memory_space<hbm>>
    %dma_start3A_696 = tpu.memref_squeeze %dma_start3A_695 : memref<1x4096x768xf32, #tpu.memory_space<hbm>> -> memref<4096x768xf32, #tpu.memory_space<hbm>>
    %dma_start3A_697 = arith.constant 0 : i32
    %dma_start3A_698 = tpu.memref_slice %dma_start3A_696[%add3A_682, %dma_start3A_697] : memref<4096x768xf32, #tpu.memory_space<hbm>> -> memref<48x768xf32, #tpu.memory_space<hbm>>
    %dma_start3A_699 = arith.constant 16 : i32
    %dma_start3A_700 = arith.constant 0 : i32
    %dma_start3A_701 = tpu.memref_slice %arg7[%dma_start3A_699, %dma_start3A_700] : memref<128x768xf32, #tpu.memory_space<vmem>> -> memref<48x768xf32, #tpu.memory_space<vmem>>
    tpu.enqueue_dma source(%dma_start3A_701 : memref<48x768xf32, #tpu.memory_space<vmem>>) target(%dma_start3A_698 : memref<48x768xf32, #tpu.memory_space<hbm>>) target_semaphore(%arg8 : memref<!tpu.dma_semaphore, #tpu.memory_space<semaphore_mem>>)
    %add3A_702 = arith.constant 16 : i32
    %add3A_703 = arith.addi %mul3A_2, %add3A_702 : i32
    %dma_start3A_704 = arith.constant 5 : i32
    %dma_start3A_705 = arith.constant 16 : i32
    %dma_start3A_706 = arith.constant 0 : i32
    %dma_start3A_707 = tpu.memref_slice %arg7[%dma_start3A_705, %dma_start3A_706] : memref<128x768xf32, #tpu.memory_space<vmem>> -> memref<48x768xf32, #tpu.memory_space<vmem>>
    %dma_start3A_708 = arith.constant 0 : i32
    %dma_start3A_709 = arith.constant 0 : i32
    %dma_start3A_710 = tpu.memref_slice %arg4[%dma_start3A_704, %dma_start3A_708, %dma_start3A_709] : memref<16x4096x768xf32, #tpu.memory_space<hbm>> -> memref<1x4096x768xf32, #tpu.memory_space<hbm>>
    %dma_start3A_711 = tpu.memref_squeeze %dma_start3A_710 : memref<1x4096x768xf32, #tpu.memory_space<hbm>> -> memref<4096x768xf32, #tpu.memory_space<hbm>>
    %dma_start3A_712 = arith.constant 0 : i32
    %dma_start3A_713 = tpu.memref_slice %dma_start3A_711[%add3A_703, %dma_start3A_712] : memref<4096x768xf32, #tpu.memory_space<hbm>> -> memref<48x768xf32, #tpu.memory_space<hbm>>
    %dma_start3A_714 = arith.constant 0 : i32
    %dma_start3A_715 = arith.constant 0 : i32
    %dma_start3A_716 = tpu.memref_slice %arg4[%dma_start3A_704, %dma_start3A_714, %dma_start3A_715] : memref<16x4096x768xf32, #tpu.memory_space<hbm>> -> memref<1x4096x768xf32, #tpu.memory_space<hbm>>
    %dma_start3A_717 = tpu.memref_squeeze %dma_start3A_716 : memref<1x4096x768xf32, #tpu.memory_space<hbm>> -> memref<4096x768xf32, #tpu.memory_space<hbm>>
    %dma_start3A_718 = arith.constant 0 : i32
    %dma_start3A_719 = tpu.memref_slice %dma_start3A_717[%add3A_703, %dma_start3A_718] : memref<4096x768xf32, #tpu.memory_space<hbm>> -> memref<48x768xf32, #tpu.memory_space<hbm>>
    %dma_start3A_720 = arith.constant 16 : i32
    %dma_start3A_721 = arith.constant 0 : i32
    %dma_start3A_722 = tpu.memref_slice %arg7[%dma_start3A_720, %dma_start3A_721] : memref<128x768xf32, #tpu.memory_space<vmem>> -> memref<48x768xf32, #tpu.memory_space<vmem>>
    tpu.enqueue_dma source(%dma_start3A_722 : memref<48x768xf32, #tpu.memory_space<vmem>>) target(%dma_start3A_719 : memref<48x768xf32, #tpu.memory_space<hbm>>) target_semaphore(%arg8 : memref<!tpu.dma_semaphore, #tpu.memory_space<semaphore_mem>>)
    %add3A_723 = arith.constant 16 : i32
    %add3A_724 = arith.addi %mul3A_2, %add3A_723 : i32
    %dma_start3A_725 = arith.constant 6 : i32
    %dma_start3A_726 = arith.constant 16 : i32
    %dma_start3A_727 = arith.constant 0 : i32
    %dma_start3A_728 = tpu.memref_slice %arg7[%dma_start3A_726, %dma_start3A_727] : memref<128x768xf32, #tpu.memory_space<vmem>> -> memref<48x768xf32, #tpu.memory_space<vmem>>
    %dma_start3A_729 = arith.constant 0 : i32
    %dma_start3A_730 = arith.constant 0 : i32
    %dma_start3A_731 = tpu.memref_slice %arg4[%dma_start3A_725, %dma_start3A_729, %dma_start3A_730] : memref<16x4096x768xf32, #tpu.memory_space<hbm>> -> memref<1x4096x768xf32, #tpu.memory_space<hbm>>
    %dma_start3A_732 = tpu.memref_squeeze %dma_start3A_731 : memref<1x4096x768xf32, #tpu.memory_space<hbm>> -> memref<4096x768xf32, #tpu.memory_space<hbm>>
    %dma_start3A_733 = arith.constant 0 : i32
    %dma_start3A_734 = tpu.memref_slice %dma_start3A_732[%add3A_724, %dma_start3A_733] : memref<4096x768xf32, #tpu.memory_space<hbm>> -> memref<48x768xf32, #tpu.memory_space<hbm>>
    %dma_start3A_735 = arith.constant 0 : i32
    %dma_start3A_736 = arith.constant 0 : i32
    %dma_start3A_737 = tpu.memref_slice %arg4[%dma_start3A_725, %dma_start3A_735, %dma_start3A_736] : memref<16x4096x768xf32, #tpu.memory_space<hbm>> -> memref<1x4096x768xf32, #tpu.memory_space<hbm>>
    %dma_start3A_738 = tpu.memref_squeeze %dma_start3A_737 : memref<1x4096x768xf32, #tpu.memory_space<hbm>> -> memref<4096x768xf32, #tpu.memory_space<hbm>>
    %dma_start3A_739 = arith.constant 0 : i32
    %dma_start3A_740 = tpu.memref_slice %dma_start3A_738[%add3A_724, %dma_start3A_739] : memref<4096x768xf32, #tpu.memory_space<hbm>> -> memref<48x768xf32, #tpu.memory_space<hbm>>
    %dma_start3A_741 = arith.constant 16 : i32
    %dma_start3A_742 = arith.constant 0 : i32
    %dma_start3A_743 = tpu.memref_slice %arg7[%dma_start3A_741, %dma_start3A_742] : memref<128x768xf32, #tpu.memory_space<vmem>> -> memref<48x768xf32, #tpu.memory_space<vmem>>
    tpu.enqueue_dma source(%dma_start3A_743 : memref<48x768xf32, #tpu.memory_space<vmem>>) target(%dma_start3A_740 : memref<48x768xf32, #tpu.memory_space<hbm>>) target_semaphore(%arg8 : memref<!tpu.dma_semaphore, #tpu.memory_space<semaphore_mem>>)
    %add3A_744 = arith.constant 16 : i32
    %add3A_745 = arith.addi %mul3A_2, %add3A_744 : i32
    %dma_start3A_746 = arith.constant 7 : i32
    %dma_start3A_747 = arith.constant 16 : i32
    %dma_start3A_748 = arith.constant 0 : i32
    %dma_start3A_749 = tpu.memref_slice %arg7[%dma_start3A_747, %dma_start3A_748] : memref<128x768xf32, #tpu.memory_space<vmem>> -> memref<48x768xf32, #tpu.memory_space<vmem>>
    %dma_start3A_750 = arith.constant 0 : i32
    %dma_start3A_751 = arith.constant 0 : i32
    %dma_start3A_752 = tpu.memref_slice %arg4[%dma_start3A_746, %dma_start3A_750, %dma_start3A_751] : memref<16x4096x768xf32, #tpu.memory_space<hbm>> -> memref<1x4096x768xf32, #tpu.memory_space<hbm>>
    %dma_start3A_753 = tpu.memref_squeeze %dma_start3A_752 : memref<1x4096x768xf32, #tpu.memory_space<hbm>> -> memref<4096x768xf32, #tpu.memory_space<hbm>>
    %dma_start3A_754 = arith.constant 0 : i32
    %dma_start3A_755 = tpu.memref_slice %dma_start3A_753[%add3A_745, %dma_start3A_754] : memref<4096x768xf32, #tpu.memory_space<hbm>> -> memref<48x768xf32, #tpu.memory_space<hbm>>
    %dma_start3A_756 = arith.constant 0 : i32
    %dma_start3A_757 = arith.constant 0 : i32
    %dma_start3A_758 = tpu.memref_slice %arg4[%dma_start3A_746, %dma_start3A_756, %dma_start3A_757] : memref<16x4096x768xf32, #tpu.memory_space<hbm>> -> memref<1x4096x768xf32, #tpu.memory_space<hbm>>
    %dma_start3A_759 = tpu.memref_squeeze %dma_start3A_758 : memref<1x4096x768xf32, #tpu.memory_space<hbm>> -> memref<4096x768xf32, #tpu.memory_space<hbm>>
    %dma_start3A_760 = arith.constant 0 : i32
    %dma_start3A_761 = tpu.memref_slice %dma_start3A_759[%add3A_745, %dma_start3A_760] : memref<4096x768xf32, #tpu.memory_space<hbm>> -> memref<48x768xf32, #tpu.memory_space<hbm>>
    %dma_start3A_762 = arith.constant 16 : i32
    %dma_start3A_763 = arith.constant 0 : i32
    %dma_start3A_764 = tpu.memref_slice %arg7[%dma_start3A_762, %dma_start3A_763] : memref<128x768xf32, #tpu.memory_space<vmem>> -> memref<48x768xf32, #tpu.memory_space<vmem>>
    tpu.enqueue_dma source(%dma_start3A_764 : memref<48x768xf32, #tpu.memory_space<vmem>>) target(%dma_start3A_761 : memref<48x768xf32, #tpu.memory_space<hbm>>) target_semaphore(%arg8 : memref<!tpu.dma_semaphore, #tpu.memory_space<semaphore_mem>>)
    %add3A_765 = arith.constant 16 : i32
    %add3A_766 = arith.addi %mul3A_2, %add3A_765 : i32
    %dma_start3A_767 = arith.constant 8 : i32
    %dma_start3A_768 = arith.constant 16 : i32
    %dma_start3A_769 = arith.constant 0 : i32
    %dma_start3A_770 = tpu.memref_slice %arg7[%dma_start3A_768, %dma_start3A_769] : memref<128x768xf32, #tpu.memory_space<vmem>> -> memref<48x768xf32, #tpu.memory_space<vmem>>
    %dma_start3A_771 = arith.constant 0 : i32
    %dma_start3A_772 = arith.constant 0 : i32
    %dma_start3A_773 = tpu.memref_slice %arg4[%dma_start3A_767, %dma_start3A_771, %dma_start3A_772] : memref<16x4096x768xf32, #tpu.memory_space<hbm>> -> memref<1x4096x768xf32, #tpu.memory_space<hbm>>
    %dma_start3A_774 = tpu.memref_squeeze %dma_start3A_773 : memref<1x4096x768xf32, #tpu.memory_space<hbm>> -> memref<4096x768xf32, #tpu.memory_space<hbm>>
    %dma_start3A_775 = arith.constant 0 : i32
    %dma_start3A_776 = tpu.memref_slice %dma_start3A_774[%add3A_766, %dma_start3A_775] : memref<4096x768xf32, #tpu.memory_space<hbm>> -> memref<48x768xf32, #tpu.memory_space<hbm>>
    %dma_start3A_777 = arith.constant 0 : i32
    %dma_start3A_778 = arith.constant 0 : i32
    %dma_start3A_779 = tpu.memref_slice %arg4[%dma_start3A_767, %dma_start3A_777, %dma_start3A_778] : memref<16x4096x768xf32, #tpu.memory_space<hbm>> -> memref<1x4096x768xf32, #tpu.memory_space<hbm>>
    %dma_start3A_780 = tpu.memref_squeeze %dma_start3A_779 : memref<1x4096x768xf32, #tpu.memory_space<hbm>> -> memref<4096x768xf32, #tpu.memory_space<hbm>>
    %dma_start3A_781 = arith.constant 0 : i32
    %dma_start3A_782 = tpu.memref_slice %dma_start3A_780[%add3A_766, %dma_start3A_781] : memref<4096x768xf32, #tpu.memory_space<hbm>> -> memref<48x768xf32, #tpu.memory_space<hbm>>
    %dma_start3A_783 = arith.constant 16 : i32
    %dma_start3A_784 = arith.constant 0 : i32
    %dma_start3A_785 = tpu.memref_slice %arg7[%dma_start3A_783, %dma_start3A_784] : memref<128x768xf32, #tpu.memory_space<vmem>> -> memref<48x768xf32, #tpu.memory_space<vmem>>
    tpu.enqueue_dma source(%dma_start3A_785 : memref<48x768xf32, #tpu.memory_space<vmem>>) target(%dma_start3A_782 : memref<48x768xf32, #tpu.memory_space<hbm>>) target_semaphore(%arg8 : memref<!tpu.dma_semaphore, #tpu.memory_space<semaphore_mem>>)
    %add3A_786 = arith.constant 16 : i32
    %add3A_787 = arith.addi %mul3A_2, %add3A_786 : i32
    %dma_start3A_788 = arith.constant 9 : i32
    %dma_start3A_789 = arith.constant 16 : i32
    %dma_start3A_790 = arith.constant 0 : i32
    %dma_start3A_791 = tpu.memref_slice %arg7[%dma_start3A_789, %dma_start3A_790] : memref<128x768xf32, #tpu.memory_space<vmem>> -> memref<48x768xf32, #tpu.memory_space<vmem>>
    %dma_start3A_792 = arith.constant 0 : i32
    %dma_start3A_793 = arith.constant 0 : i32
    %dma_start3A_794 = tpu.memref_slice %arg4[%dma_start3A_788, %dma_start3A_792, %dma_start3A_793] : memref<16x4096x768xf32, #tpu.memory_space<hbm>> -> memref<1x4096x768xf32, #tpu.memory_space<hbm>>
    %dma_start3A_795 = tpu.memref_squeeze %dma_start3A_794 : memref<1x4096x768xf32, #tpu.memory_space<hbm>> -> memref<4096x768xf32, #tpu.memory_space<hbm>>
    %dma_start3A_796 = arith.constant 0 : i32
    %dma_start3A_797 = tpu.memref_slice %dma_start3A_795[%add3A_787, %dma_start3A_796] : memref<4096x768xf32, #tpu.memory_space<hbm>> -> memref<48x768xf32, #tpu.memory_space<hbm>>
    %dma_start3A_798 = arith.constant 0 : i32
    %dma_start3A_799 = arith.constant 0 : i32
    %dma_start3A_800 = tpu.memref_slice %arg4[%dma_start3A_788, %dma_start3A_798, %dma_start3A_799] : memref<16x4096x768xf32, #tpu.memory_space<hbm>> -> memref<1x4096x768xf32, #tpu.memory_space<hbm>>
    %dma_start3A_801 = tpu.memref_squeeze %dma_start3A_800 : memref<1x4096x768xf32, #tpu.memory_space<hbm>> -> memref<4096x768xf32, #tpu.memory_space<hbm>>
    %dma_start3A_802 = arith.constant 0 : i32
    %dma_start3A_803 = tpu.memref_slice %dma_start3A_801[%add3A_787, %dma_start3A_802] : memref<4096x768xf32, #tpu.memory_space<hbm>> -> memref<48x768xf32, #tpu.memory_space<hbm>>
    %dma_start3A_804 = arith.constant 16 : i32
    %dma_start3A_805 = arith.constant 0 : i32
    %dma_start3A_806 = tpu.memref_slice %arg7[%dma_start3A_804, %dma_start3A_805] : memref<128x768xf32, #tpu.memory_space<vmem>> -> memref<48x768xf32, #tpu.memory_space<vmem>>
    tpu.enqueue_dma source(%dma_start3A_806 : memref<48x768xf32, #tpu.memory_space<vmem>>) target(%dma_start3A_803 : memref<48x768xf32, #tpu.memory_space<hbm>>) target_semaphore(%arg8 : memref<!tpu.dma_semaphore, #tpu.memory_space<semaphore_mem>>)
    %add3A_807 = arith.constant 16 : i32
    %add3A_808 = arith.addi %mul3A_2, %add3A_807 : i32
    %dma_start3A_809 = arith.constant 10 : i32
    %dma_start3A_810 = arith.constant 16 : i32
    %dma_start3A_811 = arith.constant 0 : i32
    %dma_start3A_812 = tpu.memref_slice %arg7[%dma_start3A_810, %dma_start3A_811] : memref<128x768xf32, #tpu.memory_space<vmem>> -> memref<48x768xf32, #tpu.memory_space<vmem>>
    %dma_start3A_813 = arith.constant 0 : i32
    %dma_start3A_814 = arith.constant 0 : i32
    %dma_start3A_815 = tpu.memref_slice %arg4[%dma_start3A_809, %dma_start3A_813, %dma_start3A_814] : memref<16x4096x768xf32, #tpu.memory_space<hbm>> -> memref<1x4096x768xf32, #tpu.memory_space<hbm>>
    %dma_start3A_816 = tpu.memref_squeeze %dma_start3A_815 : memref<1x4096x768xf32, #tpu.memory_space<hbm>> -> memref<4096x768xf32, #tpu.memory_space<hbm>>
    %dma_start3A_817 = arith.constant 0 : i32
    %dma_start3A_818 = tpu.memref_slice %dma_start3A_816[%add3A_808, %dma_start3A_817] : memref<4096x768xf32, #tpu.memory_space<hbm>> -> memref<48x768xf32, #tpu.memory_space<hbm>>
    %dma_start3A_819 = arith.constant 0 : i32
    %dma_start3A_820 = arith.constant 0 : i32
    %dma_start3A_821 = tpu.memref_slice %arg4[%dma_start3A_809, %dma_start3A_819, %dma_start3A_820] : memref<16x4096x768xf32, #tpu.memory_space<hbm>> -> memref<1x4096x768xf32, #tpu.memory_space<hbm>>
    %dma_start3A_822 = tpu.memref_squeeze %dma_start3A_821 : memref<1x4096x768xf32, #tpu.memory_space<hbm>> -> memref<4096x768xf32, #tpu.memory_space<hbm>>
    %dma_start3A_823 = arith.constant 0 : i32
    %dma_start3A_824 = tpu.memref_slice %dma_start3A_822[%add3A_808, %dma_start3A_823] : memref<4096x768xf32, #tpu.memory_space<hbm>> -> memref<48x768xf32, #tpu.memory_space<hbm>>
    %dma_start3A_825 = arith.constant 16 : i32
    %dma_start3A_826 = arith.constant 0 : i32
    %dma_start3A_827 = tpu.memref_slice %arg7[%dma_start3A_825, %dma_start3A_826] : memref<128x768xf32, #tpu.memory_space<vmem>> -> memref<48x768xf32, #tpu.memory_space<vmem>>
    tpu.enqueue_dma source(%dma_start3A_827 : memref<48x768xf32, #tpu.memory_space<vmem>>) target(%dma_start3A_824 : memref<48x768xf32, #tpu.memory_space<hbm>>) target_semaphore(%arg8 : memref<!tpu.dma_semaphore, #tpu.memory_space<semaphore_mem>>)
    %add3A_828 = arith.constant 16 : i32
    %add3A_829 = arith.addi %mul3A_2, %add3A_828 : i32
    %dma_start3A_830 = arith.constant 11 : i32
    %dma_start3A_831 = arith.constant 16 : i32
    %dma_start3A_832 = arith.constant 0 : i32
    %dma_start3A_833 = tpu.memref_slice %arg7[%dma_start3A_831, %dma_start3A_832] : memref<128x768xf32, #tpu.memory_space<vmem>> -> memref<48x768xf32, #tpu.memory_space<vmem>>
    %dma_start3A_834 = arith.constant 0 : i32
    %dma_start3A_835 = arith.constant 0 : i32
    %dma_start3A_836 = tpu.memref_slice %arg4[%dma_start3A_830, %dma_start3A_834, %dma_start3A_835] : memref<16x4096x768xf32, #tpu.memory_space<hbm>> -> memref<1x4096x768xf32, #tpu.memory_space<hbm>>
    %dma_start3A_837 = tpu.memref_squeeze %dma_start3A_836 : memref<1x4096x768xf32, #tpu.memory_space<hbm>> -> memref<4096x768xf32, #tpu.memory_space<hbm>>
    %dma_start3A_838 = arith.constant 0 : i32
    %dma_start3A_839 = tpu.memref_slice %dma_start3A_837[%add3A_829, %dma_start3A_838] : memref<4096x768xf32, #tpu.memory_space<hbm>> -> memref<48x768xf32, #tpu.memory_space<hbm>>
    %dma_start3A_840 = arith.constant 0 : i32
    %dma_start3A_841 = arith.constant 0 : i32
    %dma_start3A_842 = tpu.memref_slice %arg4[%dma_start3A_830, %dma_start3A_840, %dma_start3A_841] : memref<16x4096x768xf32, #tpu.memory_space<hbm>> -> memref<1x4096x768xf32, #tpu.memory_space<hbm>>
    %dma_start3A_843 = tpu.memref_squeeze %dma_start3A_842 : memref<1x4096x768xf32, #tpu.memory_space<hbm>> -> memref<4096x768xf32, #tpu.memory_space<hbm>>
    %dma_start3A_844 = arith.constant 0 : i32
    %dma_start3A_845 = tpu.memref_slice %dma_start3A_843[%add3A_829, %dma_start3A_844] : memref<4096x768xf32, #tpu.memory_space<hbm>> -> memref<48x768xf32, #tpu.memory_space<hbm>>
    %dma_start3A_846 = arith.constant 16 : i32
    %dma_start3A_847 = arith.constant 0 : i32
    %dma_start3A_848 = tpu.memref_slice %arg7[%dma_start3A_846, %dma_start3A_847] : memref<128x768xf32, #tpu.memory_space<vmem>> -> memref<48x768xf32, #tpu.memory_space<vmem>>
    tpu.enqueue_dma source(%dma_start3A_848 : memref<48x768xf32, #tpu.memory_space<vmem>>) target(%dma_start3A_845 : memref<48x768xf32, #tpu.memory_space<hbm>>) target_semaphore(%arg8 : memref<!tpu.dma_semaphore, #tpu.memory_space<semaphore_mem>>)
    %add3A_849 = arith.constant 16 : i32
    %add3A_850 = arith.addi %mul3A_2, %add3A_849 : i32
    %dma_start3A_851 = arith.constant 12 : i32
    %dma_start3A_852 = arith.constant 16 : i32
    %dma_start3A_853 = arith.constant 0 : i32
    %dma_start3A_854 = tpu.memref_slice %arg7[%dma_start3A_852, %dma_start3A_853] : memref<128x768xf32, #tpu.memory_space<vmem>> -> memref<48x768xf32, #tpu.memory_space<vmem>>
    %dma_start3A_855 = arith.constant 0 : i32
    %dma_start3A_856 = arith.constant 0 : i32
    %dma_start3A_857 = tpu.memref_slice %arg4[%dma_start3A_851, %dma_start3A_855, %dma_start3A_856] : memref<16x4096x768xf32, #tpu.memory_space<hbm>> -> memref<1x4096x768xf32, #tpu.memory_space<hbm>>
    %dma_start3A_858 = tpu.memref_squeeze %dma_start3A_857 : memref<1x4096x768xf32, #tpu.memory_space<hbm>> -> memref<4096x768xf32, #tpu.memory_space<hbm>>
    %dma_start3A_859 = arith.constant 0 : i32
    %dma_start3A_860 = tpu.memref_slice %dma_start3A_858[%add3A_850, %dma_start3A_859] : memref<4096x768xf32, #tpu.memory_space<hbm>> -> memref<48x768xf32, #tpu.memory_space<hbm>>
    %dma_start3A_861 = arith.constant 0 : i32
    %dma_start3A_862 = arith.constant 0 : i32
    %dma_start3A_863 = tpu.memref_slice %arg4[%dma_start3A_851, %dma_start3A_861, %dma_start3A_862] : memref<16x4096x768xf32, #tpu.memory_space<hbm>> -> memref<1x4096x768xf32, #tpu.memory_space<hbm>>
    %dma_start3A_864 = tpu.memref_squeeze %dma_start3A_863 : memref<1x4096x768xf32, #tpu.memory_space<hbm>> -> memref<4096x768xf32, #tpu.memory_space<hbm>>
    %dma_start3A_865 = arith.constant 0 : i32
    %dma_start3A_866 = tpu.memref_slice %dma_start3A_864[%add3A_850, %dma_start3A_865] : memref<4096x768xf32, #tpu.memory_space<hbm>> -> memref<48x768xf32, #tpu.memory_space<hbm>>
    %dma_start3A_867 = arith.constant 16 : i32
    %dma_start3A_868 = arith.constant 0 : i32
    %dma_start3A_869 = tpu.memref_slice %arg7[%dma_start3A_867, %dma_start3A_868] : memref<128x768xf32, #tpu.memory_space<vmem>> -> memref<48x768xf32, #tpu.memory_space<vmem>>
    tpu.enqueue_dma source(%dma_start3A_869 : memref<48x768xf32, #tpu.memory_space<vmem>>) target(%dma_start3A_866 : memref<48x768xf32, #tpu.memory_space<hbm>>) target_semaphore(%arg8 : memref<!tpu.dma_semaphore, #tpu.memory_space<semaphore_mem>>)
    %add3A_870 = arith.constant 16 : i32
    %add3A_871 = arith.addi %mul3A_2, %add3A_870 : i32
    %dma_start3A_872 = arith.constant 13 : i32
    %dma_start3A_873 = arith.constant 16 : i32
    %dma_start3A_874 = arith.constant 0 : i32
    %dma_start3A_875 = tpu.memref_slice %arg7[%dma_start3A_873, %dma_start3A_874] : memref<128x768xf32, #tpu.memory_space<vmem>> -> memref<48x768xf32, #tpu.memory_space<vmem>>
    %dma_start3A_876 = arith.constant 0 : i32
    %dma_start3A_877 = arith.constant 0 : i32
    %dma_start3A_878 = tpu.memref_slice %arg4[%dma_start3A_872, %dma_start3A_876, %dma_start3A_877] : memref<16x4096x768xf32, #tpu.memory_space<hbm>> -> memref<1x4096x768xf32, #tpu.memory_space<hbm>>
    %dma_start3A_879 = tpu.memref_squeeze %dma_start3A_878 : memref<1x4096x768xf32, #tpu.memory_space<hbm>> -> memref<4096x768xf32, #tpu.memory_space<hbm>>
    %dma_start3A_880 = arith.constant 0 : i32
    %dma_start3A_881 = tpu.memref_slice %dma_start3A_879[%add3A_871, %dma_start3A_880] : memref<4096x768xf32, #tpu.memory_space<hbm>> -> memref<48x768xf32, #tpu.memory_space<hbm>>
    %dma_start3A_882 = arith.constant 0 : i32
    %dma_start3A_883 = arith.constant 0 : i32
    %dma_start3A_884 = tpu.memref_slice %arg4[%dma_start3A_872, %dma_start3A_882, %dma_start3A_883] : memref<16x4096x768xf32, #tpu.memory_space<hbm>> -> memref<1x4096x768xf32, #tpu.memory_space<hbm>>
    %dma_start3A_885 = tpu.memref_squeeze %dma_start3A_884 : memref<1x4096x768xf32, #tpu.memory_space<hbm>> -> memref<4096x768xf32, #tpu.memory_space<hbm>>
    %dma_start3A_886 = arith.constant 0 : i32
    %dma_start3A_887 = tpu.memref_slice %dma_start3A_885[%add3A_871, %dma_start3A_886] : memref<4096x768xf32, #tpu.memory_space<hbm>> -> memref<48x768xf32, #tpu.memory_space<hbm>>
    %dma_start3A_888 = arith.constant 16 : i32
    %dma_start3A_889 = arith.constant 0 : i32
    %dma_start3A_890 = tpu.memref_slice %arg7[%dma_start3A_888, %dma_start3A_889] : memref<128x768xf32, #tpu.memory_space<vmem>> -> memref<48x768xf32, #tpu.memory_space<vmem>>
    tpu.enqueue_dma source(%dma_start3A_890 : memref<48x768xf32, #tpu.memory_space<vmem>>) target(%dma_start3A_887 : memref<48x768xf32, #tpu.memory_space<hbm>>) target_semaphore(%arg8 : memref<!tpu.dma_semaphore, #tpu.memory_space<semaphore_mem>>)
    %add3A_891 = arith.constant 16 : i32
    %add3A_892 = arith.addi %mul3A_2, %add3A_891 : i32
    %dma_start3A_893 = arith.constant 14 : i32
    %dma_start3A_894 = arith.constant 16 : i32
    %dma_start3A_895 = arith.constant 0 : i32
    %dma_start3A_896 = tpu.memref_slice %arg7[%dma_start3A_894, %dma_start3A_895] : memref<128x768xf32, #tpu.memory_space<vmem>> -> memref<48x768xf32, #tpu.memory_space<vmem>>
    %dma_start3A_897 = arith.constant 0 : i32
    %dma_start3A_898 = arith.constant 0 : i32
    %dma_start3A_899 = tpu.memref_slice %arg4[%dma_start3A_893, %dma_start3A_897, %dma_start3A_898] : memref<16x4096x768xf32, #tpu.memory_space<hbm>> -> memref<1x4096x768xf32, #tpu.memory_space<hbm>>
    %dma_start3A_900 = tpu.memref_squeeze %dma_start3A_899 : memref<1x4096x768xf32, #tpu.memory_space<hbm>> -> memref<4096x768xf32, #tpu.memory_space<hbm>>
    %dma_start3A_901 = arith.constant 0 : i32
    %dma_start3A_902 = tpu.memref_slice %dma_start3A_900[%add3A_892, %dma_start3A_901] : memref<4096x768xf32, #tpu.memory_space<hbm>> -> memref<48x768xf32, #tpu.memory_space<hbm>>
    %dma_start3A_903 = arith.constant 0 : i32
    %dma_start3A_904 = arith.constant 0 : i32
    %dma_start3A_905 = tpu.memref_slice %arg4[%dma_start3A_893, %dma_start3A_903, %dma_start3A_904] : memref<16x4096x768xf32, #tpu.memory_space<hbm>> -> memref<1x4096x768xf32, #tpu.memory_space<hbm>>
    %dma_start3A_906 = tpu.memref_squeeze %dma_start3A_905 : memref<1x4096x768xf32, #tpu.memory_space<hbm>> -> memref<4096x768xf32, #tpu.memory_space<hbm>>
    %dma_start3A_907 = arith.constant 0 : i32
    %dma_start3A_908 = tpu.memref_slice %dma_start3A_906[%add3A_892, %dma_start3A_907] : memref<4096x768xf32, #tpu.memory_space<hbm>> -> memref<48x768xf32, #tpu.memory_space<hbm>>
    %dma_start3A_909 = arith.constant 16 : i32
    %dma_start3A_910 = arith.constant 0 : i32
    %dma_start3A_911 = tpu.memref_slice %arg7[%dma_start3A_909, %dma_start3A_910] : memref<128x768xf32, #tpu.memory_space<vmem>> -> memref<48x768xf32, #tpu.memory_space<vmem>>
    tpu.enqueue_dma source(%dma_start3A_911 : memref<48x768xf32, #tpu.memory_space<vmem>>) target(%dma_start3A_908 : memref<48x768xf32, #tpu.memory_space<hbm>>) target_semaphore(%arg8 : memref<!tpu.dma_semaphore, #tpu.memory_space<semaphore_mem>>)
    %add3A_912 = arith.constant 16 : i32
    %add3A_913 = arith.addi %mul3A_2, %add3A_912 : i32
    %dma_start3A_914 = arith.constant 15 : i32
    %dma_start3A_915 = arith.constant 16 : i32
    %dma_start3A_916 = arith.constant 0 : i32
    %dma_start3A_917 = tpu.memref_slice %arg7[%dma_start3A_915, %dma_start3A_916] : memref<128x768xf32, #tpu.memory_space<vmem>> -> memref<48x768xf32, #tpu.memory_space<vmem>>
    %dma_start3A_918 = arith.constant 0 : i32
    %dma_start3A_919 = arith.constant 0 : i32
    %dma_start3A_920 = tpu.memref_slice %arg4[%dma_start3A_914, %dma_start3A_918, %dma_start3A_919] : memref<16x4096x768xf32, #tpu.memory_space<hbm>> -> memref<1x4096x768xf32, #tpu.memory_space<hbm>>
    %dma_start3A_921 = tpu.memref_squeeze %dma_start3A_920 : memref<1x4096x768xf32, #tpu.memory_space<hbm>> -> memref<4096x768xf32, #tpu.memory_space<hbm>>
    %dma_start3A_922 = arith.constant 0 : i32
    %dma_start3A_923 = tpu.memref_slice %dma_start3A_921[%add3A_913, %dma_start3A_922] : memref<4096x768xf32, #tpu.memory_space<hbm>> -> memref<48x768xf32, #tpu.memory_space<hbm>>
    %dma_start3A_924 = arith.constant 0 : i32
    %dma_start3A_925 = arith.constant 0 : i32
    %dma_start3A_926 = tpu.memref_slice %arg4[%dma_start3A_914, %dma_start3A_924, %dma_start3A_925] : memref<16x4096x768xf32, #tpu.memory_space<hbm>> -> memref<1x4096x768xf32, #tpu.memory_space<hbm>>
    %dma_start3A_927 = tpu.memref_squeeze %dma_start3A_926 : memref<1x4096x768xf32, #tpu.memory_space<hbm>> -> memref<4096x768xf32, #tpu.memory_space<hbm>>
    %dma_start3A_928 = arith.constant 0 : i32
    %dma_start3A_929 = tpu.memref_slice %dma_start3A_927[%add3A_913, %dma_start3A_928] : memref<4096x768xf32, #tpu.memory_space<hbm>> -> memref<48x768xf32, #tpu.memory_space<hbm>>
    %dma_start3A_930 = arith.constant 16 : i32
    %dma_start3A_931 = arith.constant 0 : i32
    %dma_start3A_932 = tpu.memref_slice %arg7[%dma_start3A_930, %dma_start3A_931] : memref<128x768xf32, #tpu.memory_space<vmem>> -> memref<48x768xf32, #tpu.memory_space<vmem>>
    tpu.enqueue_dma source(%dma_start3A_932 : memref<48x768xf32, #tpu.memory_space<vmem>>) target(%dma_start3A_929 : memref<48x768xf32, #tpu.memory_space<hbm>>) target_semaphore(%arg8 : memref<!tpu.dma_semaphore, #tpu.memory_space<semaphore_mem>>)
    %get3A_933 = arith.constant 1 : i32
    %get3A_934 = arith.index_cast %get3A_933 : i32 to index
    %get3A_935 = arith.constant 0 : index
    %get3A_936 = tpu.vector_load %arg6[%get3A_934, %get3A_935] {strides = array<i32>} : memref<2x384xf32, #tpu.memory_space<vmem>>, vector<1x16xf32>,
    %get3A_937 = vector.shape_cast %get3A_936 : vector<1x16xf32> to vector<16xf32>
    %get3A_938 = arith.constant 1 : i32
    %get3A_939 = arith.index_cast %get3A_938 : i32 to index
    %get3A_940 = arith.constant 16 : index
    %get3A_941 = tpu.vector_load %arg6[%get3A_939, %get3A_940] {strides = array<i32>} : memref<2x384xf32, #tpu.memory_space<vmem>>, vector<1x16xf32>,
    %get3A_942 = vector.shape_cast %get3A_941 : vector<1x16xf32> to vector<16xf32>
    %get3A_943 = arith.constant 1 : i32
    %get3A_944 = arith.index_cast %get3A_943 : i32 to index
    %get3A_945 = arith.constant 32 : index
    %get3A_946 = tpu.vector_load %arg6[%get3A_944, %get3A_945] {strides = array<i32>} : memref<2x384xf32, #tpu.memory_space<vmem>>, vector<1x16xf32>,
    %get3A_947 = vector.shape_cast %get3A_946 : vector<1x16xf32> to vector<16xf32>
    %get3A_948 = arith.constant 1 : i32
    %get3A_949 = arith.index_cast %get3A_948 : i32 to index
    %get3A_950 = arith.constant 48 : index
    %get3A_951 = tpu.vector_load %arg6[%get3A_949, %get3A_950] {strides = array<i32>} : memref<2x384xf32, #tpu.memory_space<vmem>>, vector<1x16xf32>,
    %get3A_952 = vector.shape_cast %get3A_951 : vector<1x16xf32> to vector<16xf32>
    %get3A_953 = arith.constant 1 : i32
    %get3A_954 = arith.index_cast %get3A_953 : i32 to index
    %get3A_955 = arith.constant 64 : index
    %get3A_956 = tpu.vector_load %arg6[%get3A_954, %get3A_955] {strides = array<i32>} : memref<2x384xf32, #tpu.memory_space<vmem>>, vector<1x16xf32>,
    %get3A_957 = vector.shape_cast %get3A_956 : vector<1x16xf32> to vector<16xf32>
    %get3A_958 = arith.constant 1 : i32
    %get3A_959 = arith.index_cast %get3A_958 : i32 to index
    %get3A_960 = arith.constant 80 : index
    %get3A_961 = tpu.vector_load %arg6[%get3A_959, %get3A_960] {strides = array<i32>} : memref<2x384xf32, #tpu.memory_space<vmem>>, vector<1x16xf32>,
    %get3A_962 = vector.shape_cast %get3A_961 : vector<1x16xf32> to vector<16xf32>
    %get3A_963 = arith.constant 1 : i32
    %get3A_964 = arith.index_cast %get3A_963 : i32 to index
    %get3A_965 = arith.constant 96 : index
    %get3A_966 = tpu.vector_load %arg6[%get3A_964, %get3A_965] {strides = array<i32>} : memref<2x384xf32, #tpu.memory_space<vmem>>, vector<1x16xf32>,
    %get3A_967 = vector.shape_cast %get3A_966 : vector<1x16xf32> to vector<16xf32>
    %get3A_968 = arith.constant 1 : i32
    %get3A_969 = arith.index_cast %get3A_968 : i32 to index
    %get3A_970 = arith.constant 112 : index
    %get3A_971 = tpu.vector_load %arg6[%get3A_969, %get3A_970] {strides = array<i32>} : memref<2x384xf32, #tpu.memory_space<vmem>>, vector<1x16xf32>,
    %get3A_972 = vector.shape_cast %get3A_971 : vector<1x16xf32> to vector<16xf32>
    %get3A_973 = arith.constant 1 : i32
    %get3A_974 = arith.index_cast %get3A_973 : i32 to index
    %get3A_975 = arith.constant 128 : index
    %get3A_976 = tpu.vector_load %arg6[%get3A_974, %get3A_975] {strides = array<i32>} : memref<2x384xf32, #tpu.memory_space<vmem>>, vector<1x16xf32>,
    %get3A_977 = vector.shape_cast %get3A_976 : vector<1x16xf32> to vector<16xf32>
    %get3A_978 = arith.constant 1 : i32
    %get3A_979 = arith.index_cast %get3A_978 : i32 to index
    %get3A_980 = arith.constant 144 : index
    %get3A_981 = tpu.vector_load %arg6[%get3A_979, %get3A_980] {strides = array<i32>} : memref<2x384xf32, #tpu.memory_space<vmem>>, vector<1x16xf32>,
    %get3A_982 = vector.shape_cast %get3A_981 : vector<1x16xf32> to vector<16xf32>
    %get3A_983 = arith.constant 1 : i32
    %get3A_984 = arith.index_cast %get3A_983 : i32 to index
    %get3A_985 = arith.constant 160 : index
    %get3A_986 = tpu.vector_load %arg6[%get3A_984, %get3A_985] {strides = array<i32>} : memref<2x384xf32, #tpu.memory_space<vmem>>, vector<1x16xf32>,
    %get3A_987 = vector.shape_cast %get3A_986 : vector<1x16xf32> to vector<16xf32>
    %get3A_988 = arith.constant 1 : i32
    %get3A_989 = arith.index_cast %get3A_988 : i32 to index
    %get3A_990 = arith.constant 176 : index
    %get3A_991 = tpu.vector_load %arg6[%get3A_989, %get3A_990] {strides = array<i32>} : memref<2x384xf32, #tpu.memory_space<vmem>>, vector<1x16xf32>,
    %get3A_992 = vector.shape_cast %get3A_991 : vector<1x16xf32> to vector<16xf32>
    %get3A_993 = arith.constant 1 : i32
    %get3A_994 = arith.index_cast %get3A_993 : i32 to index
    %get3A_995 = arith.constant 192 : index
    %get3A_996 = tpu.vector_load %arg6[%get3A_994, %get3A_995] {strides = array<i32>} : memref<2x384xf32, #tpu.memory_space<vmem>>, vector<1x16xf32>,
    %get3A_997 = vector.shape_cast %get3A_996 : vector<1x16xf32> to vector<16xf32>
    %get3A_998 = arith.constant 1 : i32
    %get3A_999 = arith.index_cast %get3A_998 : i32 to index
    %get3A_1000 = arith.constant 208 : index
    %get3A_1001 = tpu.vector_load %arg6[%get3A_999, %get3A_1000] {strides = array<i32>} : memref<2x384xf32, #tpu.memory_space<vmem>>, vector<1x16xf32>,
    %get3A_1002 = vector.shape_cast %get3A_1001 : vector<1x16xf32> to vector<16xf32>
    %get3A_1003 = arith.constant 1 : i32
    %get3A_1004 = arith.index_cast %get3A_1003 : i32 to index
    %get3A_1005 = arith.constant 224 : index
    %get3A_1006 = tpu.vector_load %arg6[%get3A_1004, %get3A_1005] {strides = array<i32>} : memref<2x384xf32, #tpu.memory_space<vmem>>, vector<1x16xf32>,
    %get3A_1007 = vector.shape_cast %get3A_1006 : vector<1x16xf32> to vector<16xf32>
    %get3A_1008 = arith.constant 1 : i32
    %get3A_1009 = arith.index_cast %get3A_1008 : i32 to index
    %get3A_1010 = arith.constant 240 : index
    %get3A_1011 = tpu.vector_load %arg6[%get3A_1009, %get3A_1010] {strides = array<i32>} : memref<2x384xf32, #tpu.memory_space<vmem>>, vector<1x16xf32>,
    %get3A_1012 = vector.shape_cast %get3A_1011 : vector<1x16xf32> to vector<16xf32>
    %get3A_1013 = arith.constant 1 : i32
    %get3A_1014 = arith.index_cast %get3A_1013 : i32 to index
    %get3A_1015 = arith.constant 256 : index
    %get3A_1016 = tpu.vector_load %arg6[%get3A_1014, %get3A_1015] {strides = array<i32>} : memref<2x384xf32, #tpu.memory_space<vmem>>, vector<1x16xf32>,
    %get3A_1017 = vector.shape_cast %get3A_1016 : vector<1x16xf32> to vector<16xf32>
    %get3A_1018 = arith.constant 1 : i32
    %get3A_1019 = arith.index_cast %get3A_1018 : i32 to index
    %get3A_1020 = arith.constant 272 : index
    %get3A_1021 = tpu.vector_load %arg6[%get3A_1019, %get3A_1020] {strides = array<i32>} : memref<2x384xf32, #tpu.memory_space<vmem>>, vector<1x16xf32>,
    %get3A_1022 = vector.shape_cast %get3A_1021 : vector<1x16xf32> to vector<16xf32>
    %get3A_1023 = arith.constant 1 : i32
    %get3A_1024 = arith.index_cast %get3A_1023 : i32 to index
    %get3A_1025 = arith.constant 288 : index
    %get3A_1026 = tpu.vector_load %arg6[%get3A_1024, %get3A_1025] {strides = array<i32>} : memref<2x384xf32, #tpu.memory_space<vmem>>, vector<1x16xf32>,
    %get3A_1027 = vector.shape_cast %get3A_1026 : vector<1x16xf32> to vector<16xf32>
    %get3A_1028 = arith.constant 1 : i32
    %get3A_1029 = arith.index_cast %get3A_1028 : i32 to index
    %get3A_1030 = arith.constant 304 : index
    %get3A_1031 = tpu.vector_load %arg6[%get3A_1029, %get3A_1030] {strides = array<i32>} : memref<2x384xf32, #tpu.memory_space<vmem>>, vector<1x16xf32>,
    %get3A_1032 = vector.shape_cast %get3A_1031 : vector<1x16xf32> to vector<16xf32>
    %get3A_1033 = arith.constant 1 : i32
    %get3A_1034 = arith.index_cast %get3A_1033 : i32 to index
    %get3A_1035 = arith.constant 320 : index
    %get3A_1036 = tpu.vector_load %arg6[%get3A_1034, %get3A_1035] {strides = array<i32>} : memref<2x384xf32, #tpu.memory_space<vmem>>, vector<1x16xf32>,
    %get3A_1037 = vector.shape_cast %get3A_1036 : vector<1x16xf32> to vector<16xf32>
    %get3A_1038 = arith.constant 1 : i32
    %get3A_1039 = arith.index_cast %get3A_1038 : i32 to index
    %get3A_1040 = arith.constant 336 : index
    %get3A_1041 = tpu.vector_load %arg6[%get3A_1039, %get3A_1040] {strides = array<i32>} : memref<2x384xf32, #tpu.memory_space<vmem>>, vector<1x16xf32>,
    %get3A_1042 = vector.shape_cast %get3A_1041 : vector<1x16xf32> to vector<16xf32>
    %get3A_1043 = arith.constant 1 : i32
    %get3A_1044 = arith.index_cast %get3A_1043 : i32 to index
    %get3A_1045 = arith.constant 352 : index
    %get3A_1046 = tpu.vector_load %arg6[%get3A_1044, %get3A_1045] {strides = array<i32>} : memref<2x384xf32, #tpu.memory_space<vmem>>, vector<1x16xf32>,
    %get3A_1047 = vector.shape_cast %get3A_1046 : vector<1x16xf32> to vector<16xf32>
    %get3A_1048 = arith.constant 1 : i32
    %get3A_1049 = arith.index_cast %get3A_1048 : i32 to index
    %get3A_1050 = arith.constant 368 : index
    %get3A_1051 = tpu.vector_load %arg6[%get3A_1049, %get3A_1050] {strides = array<i32>} : memref<2x384xf32, #tpu.memory_space<vmem>>, vector<1x16xf32>,
    %get3A_1052 = vector.shape_cast %get3A_1051 : vector<1x16xf32> to vector<16xf32>
    %scan3A_1053 = arith.constant 0 : i32
    %scan3A_1054 = arith.constant 0 : i32
    %scan3A_1055 = arith.constant 64 : i32
    %scan3A_1056 = arith.addi %scan3A_1054, %scan3A_1055 : i32
    %scan3A_1057 = arith.constant 1 : i32
    scf.for %scan3A_2307 = %scan3A_1054 to %scan3A_1056 step %scan3A_1057  : i32 {
      %add3A_2308 = arith.constant 64 : i32
      %add3A_2309 = arith.addi %add3A_2308, %scan3A_2307 : i32
      %add3A_2310 = arith.constant 0 : i32
      %add3A_2311 = arith.addi %add3A_2310, %scan3A_2307 : i32
      %get3A_2312 = arith.index_cast %add3A_2311 : i32 to index
      %get3A_2313 = arith.constant 0 : index
      %get3A_2314 = tpu.vector_load %arg5[%get3A_2312, %get3A_2313] {strides = array<i32>} : memref<64x384xf32, #tpu.memory_space<vmem>>, vector<1x16xf32>,
      %get3A_2315 = vector.shape_cast %get3A_2314 : vector<1x16xf32> to vector<16xf32>
      %swap3A = arith.index_cast %add3A_2309 : i32 to index
      %swap3A_2316 = arith.constant 0 : index
      %swap3A_2317 = tpu.vector_load %arg7[%swap3A, %swap3A_2316] {strides = array<i32>} : memref<128x768xf32, #tpu.memory_space<vmem>>, vector<1x16xf32>,
      %swap3A_2318 = vector.shape_cast %swap3A_2317 : vector<1x16xf32> to vector<16xf32>
      %swap3A_2319 = vector.shape_cast %get3A_2315 : vector<16xf32> to vector<1x16xf32>
      tpu.vector_store %arg7[%swap3A, %swap3A_2316], %swap3A_2319 {strides = array<i32>} : memref<128x768xf32, #tpu.memory_space<vmem>>, vector<1x16xf32>,
      %swap3A_2320 = arith.index_cast %add3A_2309 : i32 to index
      %swap3A_2321 = arith.constant 384 : index
      %swap3A_2322 = tpu.vector_load %arg7[%swap3A_2320, %swap3A_2321] {strides = array<i32>} : memref<128x768xf32, #tpu.memory_space<vmem>>, vector<1x16xf32>,
      %swap3A_2323 = vector.shape_cast %swap3A_2322 : vector<1x16xf32> to vector<16xf32>
      %swap3A_2324 = vector.shape_cast %get3A_937 : vector<16xf32> to vector<1x16xf32>
      tpu.vector_store %arg7[%swap3A_2320, %swap3A_2321], %swap3A_2324 {strides = array<i32>} : memref<128x768xf32, #tpu.memory_space<vmem>>, vector<1x16xf32>,
      %add3A_2325 = arith.constant 0 : i32
      %add3A_2326 = arith.addi %add3A_2325, %scan3A_2307 : i32
      %get3A_2327 = arith.index_cast %add3A_2326 : i32 to index
      %get3A_2328 = arith.constant 16 : index
      %get3A_2329 = tpu.vector_load %arg5[%get3A_2327, %get3A_2328] {strides = array<i32>} : memref<64x384xf32, #tpu.memory_space<vmem>>, vector<1x16xf32>,
      %get3A_2330 = vector.shape_cast %get3A_2329 : vector<1x16xf32> to vector<16xf32>
      %swap3A_2331 = arith.index_cast %add3A_2309 : i32 to index
      %swap3A_2332 = arith.constant 16 : index
      %swap3A_2333 = tpu.vector_load %arg7[%swap3A_2331, %swap3A_2332] {strides = array<i32>} : memref<128x768xf32, #tpu.memory_space<vmem>>, vector<1x16xf32>,
      %swap3A_2334 = vector.shape_cast %swap3A_2333 : vector<1x16xf32> to vector<16xf32>
      %swap3A_2335 = vector.shape_cast %get3A_2330 : vector<16xf32> to vector<1x16xf32>
      tpu.vector_store %arg7[%swap3A_2331, %swap3A_2332], %swap3A_2335 {strides = array<i32>} : memref<128x768xf32, #tpu.memory_space<vmem>>, vector<1x16xf32>,
      %swap3A_2336 = arith.index_cast %add3A_2309 : i32 to index
      %swap3A_2337 = arith.constant 400 : index
      %swap3A_2338 = tpu.vector_load %arg7[%swap3A_2336, %swap3A_2337] {strides = array<i32>} : memref<128x768xf32, #tpu.memory_space<vmem>>, vector<1x16xf32>,
      %swap3A_2339 = vector.shape_cast %swap3A_2338 : vector<1x16xf32> to vector<16xf32>
      %swap3A_2340 = vector.shape_cast %get3A_942 : vector<16xf32> to vector<1x16xf32>
      tpu.vector_store %arg7[%swap3A_2336, %swap3A_2337], %swap3A_2340 {strides = array<i32>} : memref<128x768xf32, #tpu.memory_space<vmem>>, vector<1x16xf32>,
      %add3A_2341 = arith.constant 0 : i32
      %add3A_2342 = arith.addi %add3A_2341, %scan3A_2307 : i32
      %get3A_2343 = arith.index_cast %add3A_2342 : i32 to index
      %get3A_2344 = arith.constant 32 : index
      %get3A_2345 = tpu.vector_load %arg5[%get3A_2343, %get3A_2344] {strides = array<i32>} : memref<64x384xf32, #tpu.memory_space<vmem>>, vector<1x16xf32>,
      %get3A_2346 = vector.shape_cast %get3A_2345 : vector<1x16xf32> to vector<16xf32>
      %swap3A_2347 = arith.index_cast %add3A_2309 : i32 to index
      %swap3A_2348 = arith.constant 32 : index
      %swap3A_2349 = tpu.vector_load %arg7[%swap3A_2347, %swap3A_2348] {strides = array<i32>} : memref<128x768xf32, #tpu.memory_space<vmem>>, vector<1x16xf32>,
      %swap3A_2350 = vector.shape_cast %swap3A_2349 : vector<1x16xf32> to vector<16xf32>
      %swap3A_2351 = vector.shape_cast %get3A_2346 : vector<16xf32> to vector<1x16xf32>
      tpu.vector_store %arg7[%swap3A_2347, %swap3A_2348], %swap3A_2351 {strides = array<i32>} : memref<128x768xf32, #tpu.memory_space<vmem>>, vector<1x16xf32>,
      %swap3A_2352 = arith.index_cast %add3A_2309 : i32 to index
      %swap3A_2353 = arith.constant 416 : index
      %swap3A_2354 = tpu.vector_load %arg7[%swap3A_2352, %swap3A_2353] {strides = array<i32>} : memref<128x768xf32, #tpu.memory_space<vmem>>, vector<1x16xf32>,
      %swap3A_2355 = vector.shape_cast %swap3A_2354 : vector<1x16xf32> to vector<16xf32>
      %swap3A_2356 = vector.shape_cast %get3A_947 : vector<16xf32> to vector<1x16xf32>
      tpu.vector_store %arg7[%swap3A_2352, %swap3A_2353], %swap3A_2356 {strides = array<i32>} : memref<128x768xf32, #tpu.memory_space<vmem>>, vector<1x16xf32>,
      %add3A_2357 = arith.constant 0 : i32
      %add3A_2358 = arith.addi %add3A_2357, %scan3A_2307 : i32
      %get3A_2359 = arith.index_cast %add3A_2358 : i32 to index
      %get3A_2360 = arith.constant 48 : index
      %get3A_2361 = tpu.vector_load %arg5[%get3A_2359, %get3A_2360] {strides = array<i32>} : memref<64x384xf32, #tpu.memory_space<vmem>>, vector<1x16xf32>,
      %get3A_2362 = vector.shape_cast %get3A_2361 : vector<1x16xf32> to vector<16xf32>
      %swap3A_2363 = arith.index_cast %add3A_2309 : i32 to index
      %swap3A_2364 = arith.constant 48 : index
      %swap3A_2365 = tpu.vector_load %arg7[%swap3A_2363, %swap3A_2364] {strides = array<i32>} : memref<128x768xf32, #tpu.memory_space<vmem>>, vector<1x16xf32>,
      %swap3A_2366 = vector.shape_cast %swap3A_2365 : vector<1x16xf32> to vector<16xf32>
      %swap3A_2367 = vector.shape_cast %get3A_2362 : vector<16xf32> to vector<1x16xf32>
      tpu.vector_store %arg7[%swap3A_2363, %swap3A_2364], %swap3A_2367 {strides = array<i32>} : memref<128x768xf32, #tpu.memory_space<vmem>>, vector<1x16xf32>,
      %swap3A_2368 = arith.index_cast %add3A_2309 : i32 to index
      %swap3A_2369 = arith.constant 432 : index
      %swap3A_2370 = tpu.vector_load %arg7[%swap3A_2368, %swap3A_2369] {strides = array<i32>} : memref<128x768xf32, #tpu.memory_space<vmem>>, vector<1x16xf32>,
      %swap3A_2371 = vector.shape_cast %swap3A_2370 : vector<1x16xf32> to vector<16xf32>
      %swap3A_2372 = vector.shape_cast %get3A_952 : vector<16xf32> to vector<1x16xf32>
      tpu.vector_store %arg7[%swap3A_2368, %swap3A_2369], %swap3A_2372 {strides = array<i32>} : memref<128x768xf32, #tpu.memory_space<vmem>>, vector<1x16xf32>,
      %add3A_2373 = arith.constant 0 : i32
      %add3A_2374 = arith.addi %add3A_2373, %scan3A_2307 : i32
      %get3A_2375 = arith.index_cast %add3A_2374 : i32 to index
      %get3A_2376 = arith.constant 64 : index
      %get3A_2377 = tpu.vector_load %arg5[%get3A_2375, %get3A_2376] {strides = array<i32>} : memref<64x384xf32, #tpu.memory_space<vmem>>, vector<1x16xf32>,
      %get3A_2378 = vector.shape_cast %get3A_2377 : vector<1x16xf32> to vector<16xf32>
      %swap3A_2379 = arith.index_cast %add3A_2309 : i32 to index
      %swap3A_2380 = arith.constant 64 : index
      %swap3A_2381 = tpu.vector_load %arg7[%swap3A_2379, %swap3A_2380] {strides = array<i32>} : memref<128x768xf32, #tpu.memory_space<vmem>>, vector<1x16xf32>,
      %swap3A_2382 = vector.shape_cast %swap3A_2381 : vector<1x16xf32> to vector<16xf32>
      %swap3A_2383 = vector.shape_cast %get3A_2378 : vector<16xf32> to vector<1x16xf32>
      tpu.vector_store %arg7[%swap3A_2379, %swap3A_2380], %swap3A_2383 {strides = array<i32>} : memref<128x768xf32, #tpu.memory_space<vmem>>, vector<1x16xf32>,
      %swap3A_2384 = arith.index_cast %add3A_2309 : i32 to index
      %swap3A_2385 = arith.constant 448 : index
      %swap3A_2386 = tpu.vector_load %arg7[%swap3A_2384, %swap3A_2385] {strides = array<i32>} : memref<128x768xf32, #tpu.memory_space<vmem>>, vector<1x16xf32>,
      %swap3A_2387 = vector.shape_cast %swap3A_2386 : vector<1x16xf32> to vector<16xf32>
      %swap3A_2388 = vector.shape_cast %get3A_957 : vector<16xf32> to vector<1x16xf32>
      tpu.vector_store %arg7[%swap3A_2384, %swap3A_2385], %swap3A_2388 {strides = array<i32>} : memref<128x768xf32, #tpu.memory_space<vmem>>, vector<1x16xf32>,
      %add3A_2389 = arith.constant 0 : i32
      %add3A_2390 = arith.addi %add3A_2389, %scan3A_2307 : i32
      %get3A_2391 = arith.index_cast %add3A_2390 : i32 to index
      %get3A_2392 = arith.constant 80 : index
      %get3A_2393 = tpu.vector_load %arg5[%get3A_2391, %get3A_2392] {strides = array<i32>} : memref<64x384xf32, #tpu.memory_space<vmem>>, vector<1x16xf32>,
      %get3A_2394 = vector.shape_cast %get3A_2393 : vector<1x16xf32> to vector<16xf32>
      %swap3A_2395 = arith.index_cast %add3A_2309 : i32 to index
      %swap3A_2396 = arith.constant 80 : index
      %swap3A_2397 = tpu.vector_load %arg7[%swap3A_2395, %swap3A_2396] {strides = array<i32>} : memref<128x768xf32, #tpu.memory_space<vmem>>, vector<1x16xf32>,
      %swap3A_2398 = vector.shape_cast %swap3A_2397 : vector<1x16xf32> to vector<16xf32>
      %swap3A_2399 = vector.shape_cast %get3A_2394 : vector<16xf32> to vector<1x16xf32>
      tpu.vector_store %arg7[%swap3A_2395, %swap3A_2396], %swap3A_2399 {strides = array<i32>} : memref<128x768xf32, #tpu.memory_space<vmem>>, vector<1x16xf32>,
      %swap3A_2400 = arith.index_cast %add3A_2309 : i32 to index
      %swap3A_2401 = arith.constant 464 : index
      %swap3A_2402 = tpu.vector_load %arg7[%swap3A_2400, %swap3A_2401] {strides = array<i32>} : memref<128x768xf32, #tpu.memory_space<vmem>>, vector<1x16xf32>,
      %swap3A_2403 = vector.shape_cast %swap3A_2402 : vector<1x16xf32> to vector<16xf32>
      %swap3A_2404 = vector.shape_cast %get3A_962 : vector<16xf32> to vector<1x16xf32>
      tpu.vector_store %arg7[%swap3A_2400, %swap3A_2401], %swap3A_2404 {strides = array<i32>} : memref<128x768xf32, #tpu.memory_space<vmem>>, vector<1x16xf32>,
      %add3A_2405 = arith.constant 0 : i32
      %add3A_2406 = arith.addi %add3A_2405, %scan3A_2307 : i32
      %get3A_2407 = arith.index_cast %add3A_2406 : i32 to index
      %get3A_2408 = arith.constant 96 : index
      %get3A_2409 = tpu.vector_load %arg5[%get3A_2407, %get3A_2408] {strides = array<i32>} : memref<64x384xf32, #tpu.memory_space<vmem>>, vector<1x16xf32>,
      %get3A_2410 = vector.shape_cast %get3A_2409 : vector<1x16xf32> to vector<16xf32>
      %swap3A_2411 = arith.index_cast %add3A_2309 : i32 to index
      %swap3A_2412 = arith.constant 96 : index
      %swap3A_2413 = tpu.vector_load %arg7[%swap3A_2411, %swap3A_2412] {strides = array<i32>} : memref<128x768xf32, #tpu.memory_space<vmem>>, vector<1x16xf32>,
      %swap3A_2414 = vector.shape_cast %swap3A_2413 : vector<1x16xf32> to vector<16xf32>
      %swap3A_2415 = vector.shape_cast %get3A_2410 : vector<16xf32> to vector<1x16xf32>
      tpu.vector_store %arg7[%swap3A_2411, %swap3A_2412], %swap3A_2415 {strides = array<i32>} : memref<128x768xf32, #tpu.memory_space<vmem>>, vector<1x16xf32>,
      %swap3A_2416 = arith.index_cast %add3A_2309 : i32 to index
      %swap3A_2417 = arith.constant 480 : index
      %swap3A_2418 = tpu.vector_load %arg7[%swap3A_2416, %swap3A_2417] {strides = array<i32>} : memref<128x768xf32, #tpu.memory_space<vmem>>, vector<1x16xf32>,
      %swap3A_2419 = vector.shape_cast %swap3A_2418 : vector<1x16xf32> to vector<16xf32>
      %swap3A_2420 = vector.shape_cast %get3A_967 : vector<16xf32> to vector<1x16xf32>
      tpu.vector_store %arg7[%swap3A_2416, %swap3A_2417], %swap3A_2420 {strides = array<i32>} : memref<128x768xf32, #tpu.memory_space<vmem>>, vector<1x16xf32>,
      %add3A_2421 = arith.constant 0 : i32
      %add3A_2422 = arith.addi %add3A_2421, %scan3A_2307 : i32
      %get3A_2423 = arith.index_cast %add3A_2422 : i32 to index
      %get3A_2424 = arith.constant 112 : index
      %get3A_2425 = tpu.vector_load %arg5[%get3A_2423, %get3A_2424] {strides = array<i32>} : memref<64x384xf32, #tpu.memory_space<vmem>>, vector<1x16xf32>,
      %get3A_2426 = vector.shape_cast %get3A_2425 : vector<1x16xf32> to vector<16xf32>
      %swap3A_2427 = arith.index_cast %add3A_2309 : i32 to index
      %swap3A_2428 = arith.constant 112 : index
      %swap3A_2429 = tpu.vector_load %arg7[%swap3A_2427, %swap3A_2428] {strides = array<i32>} : memref<128x768xf32, #tpu.memory_space<vmem>>, vector<1x16xf32>,
      %swap3A_2430 = vector.shape_cast %swap3A_2429 : vector<1x16xf32> to vector<16xf32>
      %swap3A_2431 = vector.shape_cast %get3A_2426 : vector<16xf32> to vector<1x16xf32>
      tpu.vector_store %arg7[%swap3A_2427, %swap3A_2428], %swap3A_2431 {strides = array<i32>} : memref<128x768xf32, #tpu.memory_space<vmem>>, vector<1x16xf32>,
      %swap3A_2432 = arith.index_cast %add3A_2309 : i32 to index
      %swap3A_2433 = arith.constant 496 : index
      %swap3A_2434 = tpu.vector_load %arg7[%swap3A_2432, %swap3A_2433] {strides = array<i32>} : memref<128x768xf32, #tpu.memory_space<vmem>>, vector<1x16xf32>,
      %swap3A_2435 = vector.shape_cast %swap3A_2434 : vector<1x16xf32> to vector<16xf32>
      %swap3A_2436 = vector.shape_cast %get3A_972 : vector<16xf32> to vector<1x16xf32>
      tpu.vector_store %arg7[%swap3A_2432, %swap3A_2433], %swap3A_2436 {strides = array<i32>} : memref<128x768xf32, #tpu.memory_space<vmem>>, vector<1x16xf32>,
      %add3A_2437 = arith.constant 0 : i32
      %add3A_2438 = arith.addi %add3A_2437, %scan3A_2307 : i32
      %get3A_2439 = arith.index_cast %add3A_2438 : i32 to index
      %get3A_2440 = arith.constant 128 : index
      %get3A_2441 = tpu.vector_load %arg5[%get3A_2439, %get3A_2440] {strides = array<i32>} : memref<64x384xf32, #tpu.memory_space<vmem>>, vector<1x16xf32>,
      %get3A_2442 = vector.shape_cast %get3A_2441 : vector<1x16xf32> to vector<16xf32>
      %swap3A_2443 = arith.index_cast %add3A_2309 : i32 to index
      %swap3A_2444 = arith.constant 128 : index
      %swap3A_2445 = tpu.vector_load %arg7[%swap3A_2443, %swap3A_2444] {strides = array<i32>} : memref<128x768xf32, #tpu.memory_space<vmem>>, vector<1x16xf32>,
      %swap3A_2446 = vector.shape_cast %swap3A_2445 : vector<1x16xf32> to vector<16xf32>
      %swap3A_2447 = vector.shape_cast %get3A_2442 : vector<16xf32> to vector<1x16xf32>
      tpu.vector_store %arg7[%swap3A_2443, %swap3A_2444], %swap3A_2447 {strides = array<i32>} : memref<128x768xf32, #tpu.memory_space<vmem>>, vector<1x16xf32>,
      %swap3A_2448 = arith.index_cast %add3A_2309 : i32 to index
      %swap3A_2449 = arith.constant 512 : index
      %swap3A_2450 = tpu.vector_load %arg7[%swap3A_2448, %swap3A_2449] {strides = array<i32>} : memref<128x768xf32, #tpu.memory_space<vmem>>, vector<1x16xf32>,
      %swap3A_2451 = vector.shape_cast %swap3A_2450 : vector<1x16xf32> to vector<16xf32>
      %swap3A_2452 = vector.shape_cast %get3A_977 : vector<16xf32> to vector<1x16xf32>
      tpu.vector_store %arg7[%swap3A_2448, %swap3A_2449], %swap3A_2452 {strides = array<i32>} : memref<128x768xf32, #tpu.memory_space<vmem>>, vector<1x16xf32>,
      %add3A_2453 = arith.constant 0 : i32
      %add3A_2454 = arith.addi %add3A_2453, %scan3A_2307 : i32
      %get3A_2455 = arith.index_cast %add3A_2454 : i32 to index
      %get3A_2456 = arith.constant 144 : index
      %get3A_2457 = tpu.vector_load %arg5[%get3A_2455, %get3A_2456] {strides = array<i32>} : memref<64x384xf32, #tpu.memory_space<vmem>>, vector<1x16xf32>,
      %get3A_2458 = vector.shape_cast %get3A_2457 : vector<1x16xf32> to vector<16xf32>
      %swap3A_2459 = arith.index_cast %add3A_2309 : i32 to index
      %swap3A_2460 = arith.constant 144 : index
      %swap3A_2461 = tpu.vector_load %arg7[%swap3A_2459, %swap3A_2460] {strides = array<i32>} : memref<128x768xf32, #tpu.memory_space<vmem>>, vector<1x16xf32>,
      %swap3A_2462 = vector.shape_cast %swap3A_2461 : vector<1x16xf32> to vector<16xf32>
      %swap3A_2463 = vector.shape_cast %get3A_2458 : vector<16xf32> to vector<1x16xf32>
      tpu.vector_store %arg7[%swap3A_2459, %swap3A_2460], %swap3A_2463 {strides = array<i32>} : memref<128x768xf32, #tpu.memory_space<vmem>>, vector<1x16xf32>,
      %swap3A_2464 = arith.index_cast %add3A_2309 : i32 to index
      %swap3A_2465 = arith.constant 528 : index
      %swap3A_2466 = tpu.vector_load %arg7[%swap3A_2464, %swap3A_2465] {strides = array<i32>} : memref<128x768xf32, #tpu.memory_space<vmem>>, vector<1x16xf32>,
      %swap3A_2467 = vector.shape_cast %swap3A_2466 : vector<1x16xf32> to vector<16xf32>
      %swap3A_2468 = vector.shape_cast %get3A_982 : vector<16xf32> to vector<1x16xf32>
      tpu.vector_store %arg7[%swap3A_2464, %swap3A_2465], %swap3A_2468 {strides = array<i32>} : memref<128x768xf32, #tpu.memory_space<vmem>>, vector<1x16xf32>,
      %add3A_2469 = arith.constant 0 : i32
      %add3A_2470 = arith.addi %add3A_2469, %scan3A_2307 : i32
      %get3A_2471 = arith.index_cast %add3A_2470 : i32 to index
      %get3A_2472 = arith.constant 160 : index
      %get3A_2473 = tpu.vector_load %arg5[%get3A_2471, %get3A_2472] {strides = array<i32>} : memref<64x384xf32, #tpu.memory_space<vmem>>, vector<1x16xf32>,
      %get3A_2474 = vector.shape_cast %get3A_2473 : vector<1x16xf32> to vector<16xf32>
      %swap3A_2475 = arith.index_cast %add3A_2309 : i32 to index
      %swap3A_2476 = arith.constant 160 : index
      %swap3A_2477 = tpu.vector_load %arg7[%swap3A_2475, %swap3A_2476] {strides = array<i32>} : memref<128x768xf32, #tpu.memory_space<vmem>>, vector<1x16xf32>,
      %swap3A_2478 = vector.shape_cast %swap3A_2477 : vector<1x16xf32> to vector<16xf32>
      %swap3A_2479 = vector.shape_cast %get3A_2474 : vector<16xf32> to vector<1x16xf32>
      tpu.vector_store %arg7[%swap3A_2475, %swap3A_2476], %swap3A_2479 {strides = array<i32>} : memref<128x768xf32, #tpu.memory_space<vmem>>, vector<1x16xf32>,
      %swap3A_2480 = arith.index_cast %add3A_2309 : i32 to index
      %swap3A_2481 = arith.constant 544 : index
      %swap3A_2482 = tpu.vector_load %arg7[%swap3A_2480, %swap3A_2481] {strides = array<i32>} : memref<128x768xf32, #tpu.memory_space<vmem>>, vector<1x16xf32>,
      %swap3A_2483 = vector.shape_cast %swap3A_2482 : vector<1x16xf32> to vector<16xf32>
      %swap3A_2484 = vector.shape_cast %get3A_987 : vector<16xf32> to vector<1x16xf32>
      tpu.vector_store %arg7[%swap3A_2480, %swap3A_2481], %swap3A_2484 {strides = array<i32>} : memref<128x768xf32, #tpu.memory_space<vmem>>, vector<1x16xf32>,
      %add3A_2485 = arith.constant 0 : i32
      %add3A_2486 = arith.addi %add3A_2485, %scan3A_2307 : i32
      %get3A_2487 = arith.index_cast %add3A_2486 : i32 to index
      %get3A_2488 = arith.constant 176 : index
      %get3A_2489 = tpu.vector_load %arg5[%get3A_2487, %get3A_2488] {strides = array<i32>} : memref<64x384xf32, #tpu.memory_space<vmem>>, vector<1x16xf32>,
      %get3A_2490 = vector.shape_cast %get3A_2489 : vector<1x16xf32> to vector<16xf32>
      %swap3A_2491 = arith.index_cast %add3A_2309 : i32 to index
      %swap3A_2492 = arith.constant 176 : index
      %swap3A_2493 = tpu.vector_load %arg7[%swap3A_2491, %swap3A_2492] {strides = array<i32>} : memref<128x768xf32, #tpu.memory_space<vmem>>, vector<1x16xf32>,
      %swap3A_2494 = vector.shape_cast %swap3A_2493 : vector<1x16xf32> to vector<16xf32>
      %swap3A_2495 = vector.shape_cast %get3A_2490 : vector<16xf32> to vector<1x16xf32>
      tpu.vector_store %arg7[%swap3A_2491, %swap3A_2492], %swap3A_2495 {strides = array<i32>} : memref<128x768xf32, #tpu.memory_space<vmem>>, vector<1x16xf32>,
      %swap3A_2496 = arith.index_cast %add3A_2309 : i32 to index
      %swap3A_2497 = arith.constant 560 : index
      %swap3A_2498 = tpu.vector_load %arg7[%swap3A_2496, %swap3A_2497] {strides = array<i32>} : memref<128x768xf32, #tpu.memory_space<vmem>>, vector<1x16xf32>,
      %swap3A_2499 = vector.shape_cast %swap3A_2498 : vector<1x16xf32> to vector<16xf32>
      %swap3A_2500 = vector.shape_cast %get3A_992 : vector<16xf32> to vector<1x16xf32>
      tpu.vector_store %arg7[%swap3A_2496, %swap3A_2497], %swap3A_2500 {strides = array<i32>} : memref<128x768xf32, #tpu.memory_space<vmem>>, vector<1x16xf32>,
      %add3A_2501 = arith.constant 0 : i32
      %add3A_2502 = arith.addi %add3A_2501, %scan3A_2307 : i32
      %get3A_2503 = arith.index_cast %add3A_2502 : i32 to index
      %get3A_2504 = arith.constant 192 : index
      %get3A_2505 = tpu.vector_load %arg5[%get3A_2503, %get3A_2504] {strides = array<i32>} : memref<64x384xf32, #tpu.memory_space<vmem>>, vector<1x16xf32>,
      %get3A_2506 = vector.shape_cast %get3A_2505 : vector<1x16xf32> to vector<16xf32>
      %swap3A_2507 = arith.index_cast %add3A_2309 : i32 to index
      %swap3A_2508 = arith.constant 192 : index
      %swap3A_2509 = tpu.vector_load %arg7[%swap3A_2507, %swap3A_2508] {strides = array<i32>} : memref<128x768xf32, #tpu.memory_space<vmem>>, vector<1x16xf32>,
      %swap3A_2510 = vector.shape_cast %swap3A_2509 : vector<1x16xf32> to vector<16xf32>
      %swap3A_2511 = vector.shape_cast %get3A_2506 : vector<16xf32> to vector<1x16xf32>
      tpu.vector_store %arg7[%swap3A_2507, %swap3A_2508], %swap3A_2511 {strides = array<i32>} : memref<128x768xf32, #tpu.memory_space<vmem>>, vector<1x16xf32>,
      %swap3A_2512 = arith.index_cast %add3A_2309 : i32 to index
      %swap3A_2513 = arith.constant 576 : index
      %swap3A_2514 = tpu.vector_load %arg7[%swap3A_2512, %swap3A_2513] {strides = array<i32>} : memref<128x768xf32, #tpu.memory_space<vmem>>, vector<1x16xf32>,
      %swap3A_2515 = vector.shape_cast %swap3A_2514 : vector<1x16xf32> to vector<16xf32>
      %swap3A_2516 = vector.shape_cast %get3A_997 : vector<16xf32> to vector<1x16xf32>
      tpu.vector_store %arg7[%swap3A_2512, %swap3A_2513], %swap3A_2516 {strides = array<i32>} : memref<128x768xf32, #tpu.memory_space<vmem>>, vector<1x16xf32>,
      %add3A_2517 = arith.constant 0 : i32
      %add3A_2518 = arith.addi %add3A_2517, %scan3A_2307 : i32
      %get3A_2519 = arith.index_cast %add3A_2518 : i32 to index
      %get3A_2520 = arith.constant 208 : index
      %get3A_2521 = tpu.vector_load %arg5[%get3A_2519, %get3A_2520] {strides = array<i32>} : memref<64x384xf32, #tpu.memory_space<vmem>>, vector<1x16xf32>,
      %get3A_2522 = vector.shape_cast %get3A_2521 : vector<1x16xf32> to vector<16xf32>
      %swap3A_2523 = arith.index_cast %add3A_2309 : i32 to index
      %swap3A_2524 = arith.constant 208 : index
      %swap3A_2525 = tpu.vector_load %arg7[%swap3A_2523, %swap3A_2524] {strides = array<i32>} : memref<128x768xf32, #tpu.memory_space<vmem>>, vector<1x16xf32>,
      %swap3A_2526 = vector.shape_cast %swap3A_2525 : vector<1x16xf32> to vector<16xf32>
      %swap3A_2527 = vector.shape_cast %get3A_2522 : vector<16xf32> to vector<1x16xf32>
      tpu.vector_store %arg7[%swap3A_2523, %swap3A_2524], %swap3A_2527 {strides = array<i32>} : memref<128x768xf32, #tpu.memory_space<vmem>>, vector<1x16xf32>,
      %swap3A_2528 = arith.index_cast %add3A_2309 : i32 to index
      %swap3A_2529 = arith.constant 592 : index
      %swap3A_2530 = tpu.vector_load %arg7[%swap3A_2528, %swap3A_2529] {strides = array<i32>} : memref<128x768xf32, #tpu.memory_space<vmem>>, vector<1x16xf32>,
      %swap3A_2531 = vector.shape_cast %swap3A_2530 : vector<1x16xf32> to vector<16xf32>
      %swap3A_2532 = vector.shape_cast %get3A_1002 : vector<16xf32> to vector<1x16xf32>
      tpu.vector_store %arg7[%swap3A_2528, %swap3A_2529], %swap3A_2532 {strides = array<i32>} : memref<128x768xf32, #tpu.memory_space<vmem>>, vector<1x16xf32>,
      %add3A_2533 = arith.constant 0 : i32
      %add3A_2534 = arith.addi %add3A_2533, %scan3A_2307 : i32
      %get3A_2535 = arith.index_cast %add3A_2534 : i32 to index
      %get3A_2536 = arith.constant 224 : index
      %get3A_2537 = tpu.vector_load %arg5[%get3A_2535, %get3A_2536] {strides = array<i32>} : memref<64x384xf32, #tpu.memory_space<vmem>>, vector<1x16xf32>,
      %get3A_2538 = vector.shape_cast %get3A_2537 : vector<1x16xf32> to vector<16xf32>
      %swap3A_2539 = arith.index_cast %add3A_2309 : i32 to index
      %swap3A_2540 = arith.constant 224 : index
      %swap3A_2541 = tpu.vector_load %arg7[%swap3A_2539, %swap3A_2540] {strides = array<i32>} : memref<128x768xf32, #tpu.memory_space<vmem>>, vector<1x16xf32>,
      %swap3A_2542 = vector.shape_cast %swap3A_2541 : vector<1x16xf32> to vector<16xf32>
      %swap3A_2543 = vector.shape_cast %get3A_2538 : vector<16xf32> to vector<1x16xf32>
      tpu.vector_store %arg7[%swap3A_2539, %swap3A_2540], %swap3A_2543 {strides = array<i32>} : memref<128x768xf32, #tpu.memory_space<vmem>>, vector<1x16xf32>,
      %swap3A_2544 = arith.index_cast %add3A_2309 : i32 to index
      %swap3A_2545 = arith.constant 608 : index
      %swap3A_2546 = tpu.vector_load %arg7[%swap3A_2544, %swap3A_2545] {strides = array<i32>} : memref<128x768xf32, #tpu.memory_space<vmem>>, vector<1x16xf32>,
      %swap3A_2547 = vector.shape_cast %swap3A_2546 : vector<1x16xf32> to vector<16xf32>
      %swap3A_2548 = vector.shape_cast %get3A_1007 : vector<16xf32> to vector<1x16xf32>
      tpu.vector_store %arg7[%swap3A_2544, %swap3A_2545], %swap3A_2548 {strides = array<i32>} : memref<128x768xf32, #tpu.memory_space<vmem>>, vector<1x16xf32>,
      %add3A_2549 = arith.constant 0 : i32
      %add3A_2550 = arith.addi %add3A_2549, %scan3A_2307 : i32
      %get3A_2551 = arith.index_cast %add3A_2550 : i32 to index
      %get3A_2552 = arith.constant 240 : index
      %get3A_2553 = tpu.vector_load %arg5[%get3A_2551, %get3A_2552] {strides = array<i32>} : memref<64x384xf32, #tpu.memory_space<vmem>>, vector<1x16xf32>,
      %get3A_2554 = vector.shape_cast %get3A_2553 : vector<1x16xf32> to vector<16xf32>
      %swap3A_2555 = arith.index_cast %add3A_2309 : i32 to index
      %swap3A_2556 = arith.constant 240 : index
      %swap3A_2557 = tpu.vector_load %arg7[%swap3A_2555, %swap3A_2556] {strides = array<i32>} : memref<128x768xf32, #tpu.memory_space<vmem>>, vector<1x16xf32>,
      %swap3A_2558 = vector.shape_cast %swap3A_2557 : vector<1x16xf32> to vector<16xf32>
      %swap3A_2559 = vector.shape_cast %get3A_2554 : vector<16xf32> to vector<1x16xf32>
      tpu.vector_store %arg7[%swap3A_2555, %swap3A_2556], %swap3A_2559 {strides = array<i32>} : memref<128x768xf32, #tpu.memory_space<vmem>>, vector<1x16xf32>,
      %swap3A_2560 = arith.index_cast %add3A_2309 : i32 to index
      %swap3A_2561 = arith.constant 624 : index
      %swap3A_2562 = tpu.vector_load %arg7[%swap3A_2560, %swap3A_2561] {strides = array<i32>} : memref<128x768xf32, #tpu.memory_space<vmem>>, vector<1x16xf32>,
      %swap3A_2563 = vector.shape_cast %swap3A_2562 : vector<1x16xf32> to vector<16xf32>
      %swap3A_2564 = vector.shape_cast %get3A_1012 : vector<16xf32> to vector<1x16xf32>
      tpu.vector_store %arg7[%swap3A_2560, %swap3A_2561], %swap3A_2564 {strides = array<i32>} : memref<128x768xf32, #tpu.memory_space<vmem>>, vector<1x16xf32>,
      %add3A_2565 = arith.constant 0 : i32
      %add3A_2566 = arith.addi %add3A_2565, %scan3A_2307 : i32
      %get3A_2567 = arith.index_cast %add3A_2566 : i32 to index
      %get3A_2568 = arith.constant 256 : index
      %get3A_2569 = tpu.vector_load %arg5[%get3A_2567, %get3A_2568] {strides = array<i32>} : memref<64x384xf32, #tpu.memory_space<vmem>>, vector<1x16xf32>,
      %get3A_2570 = vector.shape_cast %get3A_2569 : vector<1x16xf32> to vector<16xf32>
      %swap3A_2571 = arith.index_cast %add3A_2309 : i32 to index
      %swap3A_2572 = arith.constant 256 : index
      %swap3A_2573 = tpu.vector_load %arg7[%swap3A_2571, %swap3A_2572] {strides = array<i32>} : memref<128x768xf32, #tpu.memory_space<vmem>>, vector<1x16xf32>,
      %swap3A_2574 = vector.shape_cast %swap3A_2573 : vector<1x16xf32> to vector<16xf32>
      %swap3A_2575 = vector.shape_cast %get3A_2570 : vector<16xf32> to vector<1x16xf32>
      tpu.vector_store %arg7[%swap3A_2571, %swap3A_2572], %swap3A_2575 {strides = array<i32>} : memref<128x768xf32, #tpu.memory_space<vmem>>, vector<1x16xf32>,
      %swap3A_2576 = arith.index_cast %add3A_2309 : i32 to index
      %swap3A_2577 = arith.constant 640 : index
      %swap3A_2578 = tpu.vector_load %arg7[%swap3A_2576, %swap3A_2577] {strides = array<i32>} : memref<128x768xf32, #tpu.memory_space<vmem>>, vector<1x16xf32>,
      %swap3A_2579 = vector.shape_cast %swap3A_2578 : vector<1x16xf32> to vector<16xf32>
      %swap3A_2580 = vector.shape_cast %get3A_1017 : vector<16xf32> to vector<1x16xf32>
      tpu.vector_store %arg7[%swap3A_2576, %swap3A_2577], %swap3A_2580 {strides = array<i32>} : memref<128x768xf32, #tpu.memory_space<vmem>>, vector<1x16xf32>,
      %add3A_2581 = arith.constant 0 : i32
      %add3A_2582 = arith.addi %add3A_2581, %scan3A_2307 : i32
      %get3A_2583 = arith.index_cast %add3A_2582 : i32 to index
      %get3A_2584 = arith.constant 272 : index
      %get3A_2585 = tpu.vector_load %arg5[%get3A_2583, %get3A_2584] {strides = array<i32>} : memref<64x384xf32, #tpu.memory_space<vmem>>, vector<1x16xf32>,
      %get3A_2586 = vector.shape_cast %get3A_2585 : vector<1x16xf32> to vector<16xf32>
      %swap3A_2587 = arith.index_cast %add3A_2309 : i32 to index
      %swap3A_2588 = arith.constant 272 : index
      %swap3A_2589 = tpu.vector_load %arg7[%swap3A_2587, %swap3A_2588] {strides = array<i32>} : memref<128x768xf32, #tpu.memory_space<vmem>>, vector<1x16xf32>,
      %swap3A_2590 = vector.shape_cast %swap3A_2589 : vector<1x16xf32> to vector<16xf32>
      %swap3A_2591 = vector.shape_cast %get3A_2586 : vector<16xf32> to vector<1x16xf32>
      tpu.vector_store %arg7[%swap3A_2587, %swap3A_2588], %swap3A_2591 {strides = array<i32>} : memref<128x768xf32, #tpu.memory_space<vmem>>, vector<1x16xf32>,
      %swap3A_2592 = arith.index_cast %add3A_2309 : i32 to index
      %swap3A_2593 = arith.constant 656 : index
      %swap3A_2594 = tpu.vector_load %arg7[%swap3A_2592, %swap3A_2593] {strides = array<i32>} : memref<128x768xf32, #tpu.memory_space<vmem>>, vector<1x16xf32>,
      %swap3A_2595 = vector.shape_cast %swap3A_2594 : vector<1x16xf32> to vector<16xf32>
      %swap3A_2596 = vector.shape_cast %get3A_1022 : vector<16xf32> to vector<1x16xf32>
      tpu.vector_store %arg7[%swap3A_2592, %swap3A_2593], %swap3A_2596 {strides = array<i32>} : memref<128x768xf32, #tpu.memory_space<vmem>>, vector<1x16xf32>,
      %add3A_2597 = arith.constant 0 : i32
      %add3A_2598 = arith.addi %add3A_2597, %scan3A_2307 : i32
      %get3A_2599 = arith.index_cast %add3A_2598 : i32 to index
      %get3A_2600 = arith.constant 288 : index
      %get3A_2601 = tpu.vector_load %arg5[%get3A_2599, %get3A_2600] {strides = array<i32>} : memref<64x384xf32, #tpu.memory_space<vmem>>, vector<1x16xf32>,
      %get3A_2602 = vector.shape_cast %get3A_2601 : vector<1x16xf32> to vector<16xf32>
      %swap3A_2603 = arith.index_cast %add3A_2309 : i32 to index
      %swap3A_2604 = arith.constant 288 : index
      %swap3A_2605 = tpu.vector_load %arg7[%swap3A_2603, %swap3A_2604] {strides = array<i32>} : memref<128x768xf32, #tpu.memory_space<vmem>>, vector<1x16xf32>,
      %swap3A_2606 = vector.shape_cast %swap3A_2605 : vector<1x16xf32> to vector<16xf32>
      %swap3A_2607 = vector.shape_cast %get3A_2602 : vector<16xf32> to vector<1x16xf32>
      tpu.vector_store %arg7[%swap3A_2603, %swap3A_2604], %swap3A_2607 {strides = array<i32>} : memref<128x768xf32, #tpu.memory_space<vmem>>, vector<1x16xf32>,
      %swap3A_2608 = arith.index_cast %add3A_2309 : i32 to index
      %swap3A_2609 = arith.constant 672 : index
      %swap3A_2610 = tpu.vector_load %arg7[%swap3A_2608, %swap3A_2609] {strides = array<i32>} : memref<128x768xf32, #tpu.memory_space<vmem>>, vector<1x16xf32>,
      %swap3A_2611 = vector.shape_cast %swap3A_2610 : vector<1x16xf32> to vector<16xf32>
      %swap3A_2612 = vector.shape_cast %get3A_1027 : vector<16xf32> to vector<1x16xf32>
      tpu.vector_store %arg7[%swap3A_2608, %swap3A_2609], %swap3A_2612 {strides = array<i32>} : memref<128x768xf32, #tpu.memory_space<vmem>>, vector<1x16xf32>,
      %add3A_2613 = arith.constant 0 : i32
      %add3A_2614 = arith.addi %add3A_2613, %scan3A_2307 : i32
      %get3A_2615 = arith.index_cast %add3A_2614 : i32 to index
      %get3A_2616 = arith.constant 304 : index
      %get3A_2617 = tpu.vector_load %arg5[%get3A_2615, %get3A_2616] {strides = array<i32>} : memref<64x384xf32, #tpu.memory_space<vmem>>, vector<1x16xf32>,
      %get3A_2618 = vector.shape_cast %get3A_2617 : vector<1x16xf32> to vector<16xf32>
      %swap3A_2619 = arith.index_cast %add3A_2309 : i32 to index
      %swap3A_2620 = arith.constant 304 : index
      %swap3A_2621 = tpu.vector_load %arg7[%swap3A_2619, %swap3A_2620] {strides = array<i32>} : memref<128x768xf32, #tpu.memory_space<vmem>>, vector<1x16xf32>,
      %swap3A_2622 = vector.shape_cast %swap3A_2621 : vector<1x16xf32> to vector<16xf32>
      %swap3A_2623 = vector.shape_cast %get3A_2618 : vector<16xf32> to vector<1x16xf32>
      tpu.vector_store %arg7[%swap3A_2619, %swap3A_2620], %swap3A_2623 {strides = array<i32>} : memref<128x768xf32, #tpu.memory_space<vmem>>, vector<1x16xf32>,
      %swap3A_2624 = arith.index_cast %add3A_2309 : i32 to index
      %swap3A_2625 = arith.constant 688 : index
      %swap3A_2626 = tpu.vector_load %arg7[%swap3A_2624, %swap3A_2625] {strides = array<i32>} : memref<128x768xf32, #tpu.memory_space<vmem>>, vector<1x16xf32>,
      %swap3A_2627 = vector.shape_cast %swap3A_2626 : vector<1x16xf32> to vector<16xf32>
      %swap3A_2628 = vector.shape_cast %get3A_1032 : vector<16xf32> to vector<1x16xf32>
      tpu.vector_store %arg7[%swap3A_2624, %swap3A_2625], %swap3A_2628 {strides = array<i32>} : memref<128x768xf32, #tpu.memory_space<vmem>>, vector<1x16xf32>,
      %add3A_2629 = arith.constant 0 : i32
      %add3A_2630 = arith.addi %add3A_2629, %scan3A_2307 : i32
      %get3A_2631 = arith.index_cast %add3A_2630 : i32 to index
      %get3A_2632 = arith.constant 320 : index
      %get3A_2633 = tpu.vector_load %arg5[%get3A_2631, %get3A_2632] {strides = array<i32>} : memref<64x384xf32, #tpu.memory_space<vmem>>, vector<1x16xf32>,
      %get3A_2634 = vector.shape_cast %get3A_2633 : vector<1x16xf32> to vector<16xf32>
      %swap3A_2635 = arith.index_cast %add3A_2309 : i32 to index
      %swap3A_2636 = arith.constant 320 : index
      %swap3A_2637 = tpu.vector_load %arg7[%swap3A_2635, %swap3A_2636] {strides = array<i32>} : memref<128x768xf32, #tpu.memory_space<vmem>>, vector<1x16xf32>,
      %swap3A_2638 = vector.shape_cast %swap3A_2637 : vector<1x16xf32> to vector<16xf32>
      %swap3A_2639 = vector.shape_cast %get3A_2634 : vector<16xf32> to vector<1x16xf32>
      tpu.vector_store %arg7[%swap3A_2635, %swap3A_2636], %swap3A_2639 {strides = array<i32>} : memref<128x768xf32, #tpu.memory_space<vmem>>, vector<1x16xf32>,
      %swap3A_2640 = arith.index_cast %add3A_2309 : i32 to index
      %swap3A_2641 = arith.constant 704 : index
      %swap3A_2642 = tpu.vector_load %arg7[%swap3A_2640, %swap3A_2641] {strides = array<i32>} : memref<128x768xf32, #tpu.memory_space<vmem>>, vector<1x16xf32>,
      %swap3A_2643 = vector.shape_cast %swap3A_2642 : vector<1x16xf32> to vector<16xf32>
      %swap3A_2644 = vector.shape_cast %get3A_1037 : vector<16xf32> to vector<1x16xf32>
      tpu.vector_store %arg7[%swap3A_2640, %swap3A_2641], %swap3A_2644 {strides = array<i32>} : memref<128x768xf32, #tpu.memory_space<vmem>>, vector<1x16xf32>,
      %add3A_2645 = arith.constant 0 : i32
      %add3A_2646 = arith.addi %add3A_2645, %scan3A_2307 : i32
      %get3A_2647 = arith.index_cast %add3A_2646 : i32 to index
      %get3A_2648 = arith.constant 336 : index
      %get3A_2649 = tpu.vector_load %arg5[%get3A_2647, %get3A_2648] {strides = array<i32>} : memref<64x384xf32, #tpu.memory_space<vmem>>, vector<1x16xf32>,
      %get3A_2650 = vector.shape_cast %get3A_2649 : vector<1x16xf32> to vector<16xf32>
      %swap3A_2651 = arith.index_cast %add3A_2309 : i32 to index
      %swap3A_2652 = arith.constant 336 : index
      %swap3A_2653 = tpu.vector_load %arg7[%swap3A_2651, %swap3A_2652] {strides = array<i32>} : memref<128x768xf32, #tpu.memory_space<vmem>>, vector<1x16xf32>,
      %swap3A_2654 = vector.shape_cast %swap3A_2653 : vector<1x16xf32> to vector<16xf32>
      %swap3A_2655 = vector.shape_cast %get3A_2650 : vector<16xf32> to vector<1x16xf32>
      tpu.vector_store %arg7[%swap3A_2651, %swap3A_2652], %swap3A_2655 {strides = array<i32>} : memref<128x768xf32, #tpu.memory_space<vmem>>, vector<1x16xf32>,
      %swap3A_2656 = arith.index_cast %add3A_2309 : i32 to index
      %swap3A_2657 = arith.constant 720 : index
      %swap3A_2658 = tpu.vector_load %arg7[%swap3A_2656, %swap3A_2657] {strides = array<i32>} : memref<128x768xf32, #tpu.memory_space<vmem>>, vector<1x16xf32>,
      %swap3A_2659 = vector.shape_cast %swap3A_2658 : vector<1x16xf32> to vector<16xf32>
      %swap3A_2660 = vector.shape_cast %get3A_1042 : vector<16xf32> to vector<1x16xf32>
      tpu.vector_store %arg7[%swap3A_2656, %swap3A_2657], %swap3A_2660 {strides = array<i32>} : memref<128x768xf32, #tpu.memory_space<vmem>>, vector<1x16xf32>,
      %add3A_2661 = arith.constant 0 : i32
      %add3A_2662 = arith.addi %add3A_2661, %scan3A_2307 : i32
      %get3A_2663 = arith.index_cast %add3A_2662 : i32 to index
      %get3A_2664 = arith.constant 352 : index
      %get3A_2665 = tpu.vector_load %arg5[%get3A_2663, %get3A_2664] {strides = array<i32>} : memref<64x384xf32, #tpu.memory_space<vmem>>, vector<1x16xf32>,
      %get3A_2666 = vector.shape_cast %get3A_2665 : vector<1x16xf32> to vector<16xf32>
      %swap3A_2667 = arith.index_cast %add3A_2309 : i32 to index
      %swap3A_2668 = arith.constant 352 : index
      %swap3A_2669 = tpu.vector_load %arg7[%swap3A_2667, %swap3A_2668] {strides = array<i32>} : memref<128x768xf32, #tpu.memory_space<vmem>>, vector<1x16xf32>,
      %swap3A_2670 = vector.shape_cast %swap3A_2669 : vector<1x16xf32> to vector<16xf32>
      %swap3A_2671 = vector.shape_cast %get3A_2666 : vector<16xf32> to vector<1x16xf32>
      tpu.vector_store %arg7[%swap3A_2667, %swap3A_2668], %swap3A_2671 {strides = array<i32>} : memref<128x768xf32, #tpu.memory_space<vmem>>, vector<1x16xf32>,
      %swap3A_2672 = arith.index_cast %add3A_2309 : i32 to index
      %swap3A_2673 = arith.constant 736 : index
      %swap3A_2674 = tpu.vector_load %arg7[%swap3A_2672, %swap3A_2673] {strides = array<i32>} : memref<128x768xf32, #tpu.memory_space<vmem>>, vector<1x16xf32>,
      %swap3A_2675 = vector.shape_cast %swap3A_2674 : vector<1x16xf32> to vector<16xf32>
      %swap3A_2676 = vector.shape_cast %get3A_1047 : vector<16xf32> to vector<1x16xf32>
      tpu.vector_store %arg7[%swap3A_2672, %swap3A_2673], %swap3A_2676 {strides = array<i32>} : memref<128x768xf32, #tpu.memory_space<vmem>>, vector<1x16xf32>,
      %add3A_2677 = arith.constant 0 : i32
      %add3A_2678 = arith.addi %add3A_2677, %scan3A_2307 : i32
      %get3A_2679 = arith.index_cast %add3A_2678 : i32 to index
      %get3A_2680 = arith.constant 368 : index
      %get3A_2681 = tpu.vector_load %arg5[%get3A_2679, %get3A_2680] {strides = array<i32>} : memref<64x384xf32, #tpu.memory_space<vmem>>, vector<1x16xf32>,
      %get3A_2682 = vector.shape_cast %get3A_2681 : vector<1x16xf32> to vector<16xf32>
      %swap3A_2683 = arith.index_cast %add3A_2309 : i32 to index
      %swap3A_2684 = arith.constant 368 : index
      %swap3A_2685 = tpu.vector_load %arg7[%swap3A_2683, %swap3A_2684] {strides = array<i32>} : memref<128x768xf32, #tpu.memory_space<vmem>>, vector<1x16xf32>,
      %swap3A_2686 = vector.shape_cast %swap3A_2685 : vector<1x16xf32> to vector<16xf32>
      %swap3A_2687 = vector.shape_cast %get3A_2682 : vector<16xf32> to vector<1x16xf32>
      tpu.vector_store %arg7[%swap3A_2683, %swap3A_2684], %swap3A_2687 {strides = array<i32>} : memref<128x768xf32, #tpu.memory_space<vmem>>, vector<1x16xf32>,
      %swap3A_2688 = arith.index_cast %add3A_2309 : i32 to index
      %swap3A_2689 = arith.constant 752 : index
      %swap3A_2690 = tpu.vector_load %arg7[%swap3A_2688, %swap3A_2689] {strides = array<i32>} : memref<128x768xf32, #tpu.memory_space<vmem>>, vector<1x16xf32>,
      %swap3A_2691 = vector.shape_cast %swap3A_2690 : vector<1x16xf32> to vector<16xf32>
      %swap3A_2692 = vector.shape_cast %get3A_1052 : vector<16xf32> to vector<1x16xf32>
      tpu.vector_store %arg7[%swap3A_2688, %swap3A_2689], %swap3A_2692 {strides = array<i32>} : memref<128x768xf32, #tpu.memory_space<vmem>>, vector<1x16xf32>,
    }
    %scan3A_1058 = arith.constant 64 : i32
    %add3A_1059 = arith.constant 64 : i32
    %add3A_1060 = arith.addi %mul3A_2, %add3A_1059 : i32
    %dma_start3A_1061 = arith.constant 0 : i32
    %dma_start3A_1062 = arith.constant 64 : i32
    %dma_start3A_1063 = arith.constant 0 : i32
    %dma_start3A_1064 = tpu.memref_slice %arg7[%dma_start3A_1062, %dma_start3A_1063] : memref<128x768xf32, #tpu.memory_space<vmem>> -> memref<64x768xf32, #tpu.memory_space<vmem>>
    %dma_start3A_1065 = arith.constant 0 : i32
    %dma_start3A_1066 = arith.constant 0 : i32
    %dma_start3A_1067 = tpu.memref_slice %arg4[%dma_start3A_1061, %dma_start3A_1065, %dma_start3A_1066] : memref<16x4096x768xf32, #tpu.memory_space<hbm>> -> memref<1x4096x768xf32, #tpu.memory_space<hbm>>
    %dma_start3A_1068 = tpu.memref_squeeze %dma_start3A_1067 : memref<1x4096x768xf32, #tpu.memory_space<hbm>> -> memref<4096x768xf32, #tpu.memory_space<hbm>>
    %dma_start3A_1069 = arith.constant 0 : i32
    %dma_start3A_1070 = tpu.memref_slice %dma_start3A_1068[%add3A_1060, %dma_start3A_1069] : memref<4096x768xf32, #tpu.memory_space<hbm>> -> memref<64x768xf32, #tpu.memory_space<hbm>>
    %dma_start3A_1071 = arith.constant 0 : i32
    %dma_start3A_1072 = arith.constant 0 : i32
    %dma_start3A_1073 = tpu.memref_slice %arg4[%dma_start3A_1061, %dma_start3A_1071, %dma_start3A_1072] : memref<16x4096x768xf32, #tpu.memory_space<hbm>> -> memref<1x4096x768xf32, #tpu.memory_space<hbm>>
    %dma_start3A_1074 = tpu.memref_squeeze %dma_start3A_1073 : memref<1x4096x768xf32, #tpu.memory_space<hbm>> -> memref<4096x768xf32, #tpu.memory_space<hbm>>
    %dma_start3A_1075 = arith.constant 0 : i32
    %dma_start3A_1076 = tpu.memref_slice %dma_start3A_1074[%add3A_1060, %dma_start3A_1075] : memref<4096x768xf32, #tpu.memory_space<hbm>> -> memref<64x768xf32, #tpu.memory_space<hbm>>
    %dma_start3A_1077 = arith.constant 64 : i32
    %dma_start3A_1078 = arith.constant 0 : i32
    %dma_start3A_1079 = tpu.memref_slice %arg7[%dma_start3A_1077, %dma_start3A_1078] : memref<128x768xf32, #tpu.memory_space<vmem>> -> memref<64x768xf32, #tpu.memory_space<vmem>>
    tpu.enqueue_dma source(%dma_start3A_1079 : memref<64x768xf32, #tpu.memory_space<vmem>>) target(%dma_start3A_1076 : memref<64x768xf32, #tpu.memory_space<hbm>>) target_semaphore(%arg8 : memref<!tpu.dma_semaphore, #tpu.memory_space<semaphore_mem>>)
    %add3A_1080 = arith.constant 64 : i32
    %add3A_1081 = arith.addi %mul3A_2, %add3A_1080 : i32
    %dma_start3A_1082 = arith.constant 1 : i32
    %dma_start3A_1083 = arith.constant 64 : i32
    %dma_start3A_1084 = arith.constant 0 : i32
    %dma_start3A_1085 = tpu.memref_slice %arg7[%dma_start3A_1083, %dma_start3A_1084] : memref<128x768xf32, #tpu.memory_space<vmem>> -> memref<64x768xf32, #tpu.memory_space<vmem>>
    %dma_start3A_1086 = arith.constant 0 : i32
    %dma_start3A_1087 = arith.constant 0 : i32
    %dma_start3A_1088 = tpu.memref_slice %arg4[%dma_start3A_1082, %dma_start3A_1086, %dma_start3A_1087] : memref<16x4096x768xf32, #tpu.memory_space<hbm>> -> memref<1x4096x768xf32, #tpu.memory_space<hbm>>
    %dma_start3A_1089 = tpu.memref_squeeze %dma_start3A_1088 : memref<1x4096x768xf32, #tpu.memory_space<hbm>> -> memref<4096x768xf32, #tpu.memory_space<hbm>>
    %dma_start3A_1090 = arith.constant 0 : i32
    %dma_start3A_1091 = tpu.memref_slice %dma_start3A_1089[%add3A_1081, %dma_start3A_1090] : memref<4096x768xf32, #tpu.memory_space<hbm>> -> memref<64x768xf32, #tpu.memory_space<hbm>>
    %dma_start3A_1092 = arith.constant 0 : i32
    %dma_start3A_1093 = arith.constant 0 : i32
    %dma_start3A_1094 = tpu.memref_slice %arg4[%dma_start3A_1082, %dma_start3A_1092, %dma_start3A_1093] : memref<16x4096x768xf32, #tpu.memory_space<hbm>> -> memref<1x4096x768xf32, #tpu.memory_space<hbm>>
    %dma_start3A_1095 = tpu.memref_squeeze %dma_start3A_1094 : memref<1x4096x768xf32, #tpu.memory_space<hbm>> -> memref<4096x768xf32, #tpu.memory_space<hbm>>
    %dma_start3A_1096 = arith.constant 0 : i32
    %dma_start3A_1097 = tpu.memref_slice %dma_start3A_1095[%add3A_1081, %dma_start3A_1096] : memref<4096x768xf32, #tpu.memory_space<hbm>> -> memref<64x768xf32, #tpu.memory_space<hbm>>
    %dma_start3A_1098 = arith.constant 64 : i32
    %dma_start3A_1099 = arith.constant 0 : i32
    %dma_start3A_1100 = tpu.memref_slice %arg7[%dma_start3A_1098, %dma_start3A_1099] : memref<128x768xf32, #tpu.memory_space<vmem>> -> memref<64x768xf32, #tpu.memory_space<vmem>>
    tpu.enqueue_dma source(%dma_start3A_1100 : memref<64x768xf32, #tpu.memory_space<vmem>>) target(%dma_start3A_1097 : memref<64x768xf32, #tpu.memory_space<hbm>>) target_semaphore(%arg8 : memref<!tpu.dma_semaphore, #tpu.memory_space<semaphore_mem>>)
    %add3A_1101 = arith.constant 64 : i32
    %add3A_1102 = arith.addi %mul3A_2, %add3A_1101 : i32
    %dma_start3A_1103 = arith.constant 2 : i32
    %dma_start3A_1104 = arith.constant 64 : i32
    %dma_start3A_1105 = arith.constant 0 : i32
    %dma_start3A_1106 = tpu.memref_slice %arg7[%dma_start3A_1104, %dma_start3A_1105] : memref<128x768xf32, #tpu.memory_space<vmem>> -> memref<64x768xf32, #tpu.memory_space<vmem>>
    %dma_start3A_1107 = arith.constant 0 : i32
    %dma_start3A_1108 = arith.constant 0 : i32
    %dma_start3A_1109 = tpu.memref_slice %arg4[%dma_start3A_1103, %dma_start3A_1107, %dma_start3A_1108] : memref<16x4096x768xf32, #tpu.memory_space<hbm>> -> memref<1x4096x768xf32, #tpu.memory_space<hbm>>
    %dma_start3A_1110 = tpu.memref_squeeze %dma_start3A_1109 : memref<1x4096x768xf32, #tpu.memory_space<hbm>> -> memref<4096x768xf32, #tpu.memory_space<hbm>>
    %dma_start3A_1111 = arith.constant 0 : i32
    %dma_start3A_1112 = tpu.memref_slice %dma_start3A_1110[%add3A_1102, %dma_start3A_1111] : memref<4096x768xf32, #tpu.memory_space<hbm>> -> memref<64x768xf32, #tpu.memory_space<hbm>>
    %dma_start3A_1113 = arith.constant 0 : i32
    %dma_start3A_1114 = arith.constant 0 : i32
    %dma_start3A_1115 = tpu.memref_slice %arg4[%dma_start3A_1103, %dma_start3A_1113, %dma_start3A_1114] : memref<16x4096x768xf32, #tpu.memory_space<hbm>> -> memref<1x4096x768xf32, #tpu.memory_space<hbm>>
    %dma_start3A_1116 = tpu.memref_squeeze %dma_start3A_1115 : memref<1x4096x768xf32, #tpu.memory_space<hbm>> -> memref<4096x768xf32, #tpu.memory_space<hbm>>
    %dma_start3A_1117 = arith.constant 0 : i32
    %dma_start3A_1118 = tpu.memref_slice %dma_start3A_1116[%add3A_1102, %dma_start3A_1117] : memref<4096x768xf32, #tpu.memory_space<hbm>> -> memref<64x768xf32, #tpu.memory_space<hbm>>
    %dma_start3A_1119 = arith.constant 64 : i32
    %dma_start3A_1120 = arith.constant 0 : i32
    %dma_start3A_1121 = tpu.memref_slice %arg7[%dma_start3A_1119, %dma_start3A_1120] : memref<128x768xf32, #tpu.memory_space<vmem>> -> memref<64x768xf32, #tpu.memory_space<vmem>>
    tpu.enqueue_dma source(%dma_start3A_1121 : memref<64x768xf32, #tpu.memory_space<vmem>>) target(%dma_start3A_1118 : memref<64x768xf32, #tpu.memory_space<hbm>>) target_semaphore(%arg8 : memref<!tpu.dma_semaphore, #tpu.memory_space<semaphore_mem>>)
    %add3A_1122 = arith.constant 64 : i32
    %add3A_1123 = arith.addi %mul3A_2, %add3A_1122 : i32
    %dma_start3A_1124 = arith.constant 3 : i32
    %dma_start3A_1125 = arith.constant 64 : i32
    %dma_start3A_1126 = arith.constant 0 : i32
    %dma_start3A_1127 = tpu.memref_slice %arg7[%dma_start3A_1125, %dma_start3A_1126] : memref<128x768xf32, #tpu.memory_space<vmem>> -> memref<64x768xf32, #tpu.memory_space<vmem>>
    %dma_start3A_1128 = arith.constant 0 : i32
    %dma_start3A_1129 = arith.constant 0 : i32
    %dma_start3A_1130 = tpu.memref_slice %arg4[%dma_start3A_1124, %dma_start3A_1128, %dma_start3A_1129] : memref<16x4096x768xf32, #tpu.memory_space<hbm>> -> memref<1x4096x768xf32, #tpu.memory_space<hbm>>
    %dma_start3A_1131 = tpu.memref_squeeze %dma_start3A_1130 : memref<1x4096x768xf32, #tpu.memory_space<hbm>> -> memref<4096x768xf32, #tpu.memory_space<hbm>>
    %dma_start3A_1132 = arith.constant 0 : i32
    %dma_start3A_1133 = tpu.memref_slice %dma_start3A_1131[%add3A_1123, %dma_start3A_1132] : memref<4096x768xf32, #tpu.memory_space<hbm>> -> memref<64x768xf32, #tpu.memory_space<hbm>>
    %dma_start3A_1134 = arith.constant 0 : i32
    %dma_start3A_1135 = arith.constant 0 : i32
    %dma_start3A_1136 = tpu.memref_slice %arg4[%dma_start3A_1124, %dma_start3A_1134, %dma_start3A_1135] : memref<16x4096x768xf32, #tpu.memory_space<hbm>> -> memref<1x4096x768xf32, #tpu.memory_space<hbm>>
    %dma_start3A_1137 = tpu.memref_squeeze %dma_start3A_1136 : memref<1x4096x768xf32, #tpu.memory_space<hbm>> -> memref<4096x768xf32, #tpu.memory_space<hbm>>
    %dma_start3A_1138 = arith.constant 0 : i32
    %dma_start3A_1139 = tpu.memref_slice %dma_start3A_1137[%add3A_1123, %dma_start3A_1138] : memref<4096x768xf32, #tpu.memory_space<hbm>> -> memref<64x768xf32, #tpu.memory_space<hbm>>
    %dma_start3A_1140 = arith.constant 64 : i32
    %dma_start3A_1141 = arith.constant 0 : i32
    %dma_start3A_1142 = tpu.memref_slice %arg7[%dma_start3A_1140, %dma_start3A_1141] : memref<128x768xf32, #tpu.memory_space<vmem>> -> memref<64x768xf32, #tpu.memory_space<vmem>>
    tpu.enqueue_dma source(%dma_start3A_1142 : memref<64x768xf32, #tpu.memory_space<vmem>>) target(%dma_start3A_1139 : memref<64x768xf32, #tpu.memory_space<hbm>>) target_semaphore(%arg8 : memref<!tpu.dma_semaphore, #tpu.memory_space<semaphore_mem>>)
    %add3A_1143 = arith.constant 64 : i32
    %add3A_1144 = arith.addi %mul3A_2, %add3A_1143 : i32
    %dma_start3A_1145 = arith.constant 4 : i32
    %dma_start3A_1146 = arith.constant 64 : i32
    %dma_start3A_1147 = arith.constant 0 : i32
    %dma_start3A_1148 = tpu.memref_slice %arg7[%dma_start3A_1146, %dma_start3A_1147] : memref<128x768xf32, #tpu.memory_space<vmem>> -> memref<64x768xf32, #tpu.memory_space<vmem>>
    %dma_start3A_1149 = arith.constant 0 : i32
    %dma_start3A_1150 = arith.constant 0 : i32
    %dma_start3A_1151 = tpu.memref_slice %arg4[%dma_start3A_1145, %dma_start3A_1149, %dma_start3A_1150] : memref<16x4096x768xf32, #tpu.memory_space<hbm>> -> memref<1x4096x768xf32, #tpu.memory_space<hbm>>
    %dma_start3A_1152 = tpu.memref_squeeze %dma_start3A_1151 : memref<1x4096x768xf32, #tpu.memory_space<hbm>> -> memref<4096x768xf32, #tpu.memory_space<hbm>>
    %dma_start3A_1153 = arith.constant 0 : i32
    %dma_start3A_1154 = tpu.memref_slice %dma_start3A_1152[%add3A_1144, %dma_start3A_1153] : memref<4096x768xf32, #tpu.memory_space<hbm>> -> memref<64x768xf32, #tpu.memory_space<hbm>>
    %dma_start3A_1155 = arith.constant 0 : i32
    %dma_start3A_1156 = arith.constant 0 : i32
    %dma_start3A_1157 = tpu.memref_slice %arg4[%dma_start3A_1145, %dma_start3A_1155, %dma_start3A_1156] : memref<16x4096x768xf32, #tpu.memory_space<hbm>> -> memref<1x4096x768xf32, #tpu.memory_space<hbm>>
    %dma_start3A_1158 = tpu.memref_squeeze %dma_start3A_1157 : memref<1x4096x768xf32, #tpu.memory_space<hbm>> -> memref<4096x768xf32, #tpu.memory_space<hbm>>
    %dma_start3A_1159 = arith.constant 0 : i32
    %dma_start3A_1160 = tpu.memref_slice %dma_start3A_1158[%add3A_1144, %dma_start3A_1159] : memref<4096x768xf32, #tpu.memory_space<hbm>> -> memref<64x768xf32, #tpu.memory_space<hbm>>
    %dma_start3A_1161 = arith.constant 64 : i32
    %dma_start3A_1162 = arith.constant 0 : i32
    %dma_start3A_1163 = tpu.memref_slice %arg7[%dma_start3A_1161, %dma_start3A_1162] : memref<128x768xf32, #tpu.memory_space<vmem>> -> memref<64x768xf32, #tpu.memory_space<vmem>>
    tpu.enqueue_dma source(%dma_start3A_1163 : memref<64x768xf32, #tpu.memory_space<vmem>>) target(%dma_start3A_1160 : memref<64x768xf32, #tpu.memory_space<hbm>>) target_semaphore(%arg8 : memref<!tpu.dma_semaphore, #tpu.memory_space<semaphore_mem>>)
    %add3A_1164 = arith.constant 64 : i32
    %add3A_1165 = arith.addi %mul3A_2, %add3A_1164 : i32
    %dma_start3A_1166 = arith.constant 5 : i32
    %dma_start3A_1167 = arith.constant 64 : i32
    %dma_start3A_1168 = arith.constant 0 : i32
    %dma_start3A_1169 = tpu.memref_slice %arg7[%dma_start3A_1167, %dma_start3A_1168] : memref<128x768xf32, #tpu.memory_space<vmem>> -> memref<64x768xf32, #tpu.memory_space<vmem>>
    %dma_start3A_1170 = arith.constant 0 : i32
    %dma_start3A_1171 = arith.constant 0 : i32
    %dma_start3A_1172 = tpu.memref_slice %arg4[%dma_start3A_1166, %dma_start3A_1170, %dma_start3A_1171] : memref<16x4096x768xf32, #tpu.memory_space<hbm>> -> memref<1x4096x768xf32, #tpu.memory_space<hbm>>
    %dma_start3A_1173 = tpu.memref_squeeze %dma_start3A_1172 : memref<1x4096x768xf32, #tpu.memory_space<hbm>> -> memref<4096x768xf32, #tpu.memory_space<hbm>>
    %dma_start3A_1174 = arith.constant 0 : i32
    %dma_start3A_1175 = tpu.memref_slice %dma_start3A_1173[%add3A_1165, %dma_start3A_1174] : memref<4096x768xf32, #tpu.memory_space<hbm>> -> memref<64x768xf32, #tpu.memory_space<hbm>>
    %dma_start3A_1176 = arith.constant 0 : i32
    %dma_start3A_1177 = arith.constant 0 : i32
    %dma_start3A_1178 = tpu.memref_slice %arg4[%dma_start3A_1166, %dma_start3A_1176, %dma_start3A_1177] : memref<16x4096x768xf32, #tpu.memory_space<hbm>> -> memref<1x4096x768xf32, #tpu.memory_space<hbm>>
    %dma_start3A_1179 = tpu.memref_squeeze %dma_start3A_1178 : memref<1x4096x768xf32, #tpu.memory_space<hbm>> -> memref<4096x768xf32, #tpu.memory_space<hbm>>
    %dma_start3A_1180 = arith.constant 0 : i32
    %dma_start3A_1181 = tpu.memref_slice %dma_start3A_1179[%add3A_1165, %dma_start3A_1180] : memref<4096x768xf32, #tpu.memory_space<hbm>> -> memref<64x768xf32, #tpu.memory_space<hbm>>
    %dma_start3A_1182 = arith.constant 64 : i32
    %dma_start3A_1183 = arith.constant 0 : i32
    %dma_start3A_1184 = tpu.memref_slice %arg7[%dma_start3A_1182, %dma_start3A_1183] : memref<128x768xf32, #tpu.memory_space<vmem>> -> memref<64x768xf32, #tpu.memory_space<vmem>>
    tpu.enqueue_dma source(%dma_start3A_1184 : memref<64x768xf32, #tpu.memory_space<vmem>>) target(%dma_start3A_1181 : memref<64x768xf32, #tpu.memory_space<hbm>>) target_semaphore(%arg8 : memref<!tpu.dma_semaphore, #tpu.memory_space<semaphore_mem>>)
    %add3A_1185 = arith.constant 64 : i32
    %add3A_1186 = arith.addi %mul3A_2, %add3A_1185 : i32
    %dma_start3A_1187 = arith.constant 6 : i32
    %dma_start3A_1188 = arith.constant 64 : i32
    %dma_start3A_1189 = arith.constant 0 : i32
    %dma_start3A_1190 = tpu.memref_slice %arg7[%dma_start3A_1188, %dma_start3A_1189] : memref<128x768xf32, #tpu.memory_space<vmem>> -> memref<64x768xf32, #tpu.memory_space<vmem>>
    %dma_start3A_1191 = arith.constant 0 : i32
    %dma_start3A_1192 = arith.constant 0 : i32
    %dma_start3A_1193 = tpu.memref_slice %arg4[%dma_start3A_1187, %dma_start3A_1191, %dma_start3A_1192] : memref<16x4096x768xf32, #tpu.memory_space<hbm>> -> memref<1x4096x768xf32, #tpu.memory_space<hbm>>
    %dma_start3A_1194 = tpu.memref_squeeze %dma_start3A_1193 : memref<1x4096x768xf32, #tpu.memory_space<hbm>> -> memref<4096x768xf32, #tpu.memory_space<hbm>>
    %dma_start3A_1195 = arith.constant 0 : i32
    %dma_start3A_1196 = tpu.memref_slice %dma_start3A_1194[%add3A_1186, %dma_start3A_1195] : memref<4096x768xf32, #tpu.memory_space<hbm>> -> memref<64x768xf32, #tpu.memory_space<hbm>>
    %dma_start3A_1197 = arith.constant 0 : i32
    %dma_start3A_1198 = arith.constant 0 : i32
    %dma_start3A_1199 = tpu.memref_slice %arg4[%dma_start3A_1187, %dma_start3A_1197, %dma_start3A_1198] : memref<16x4096x768xf32, #tpu.memory_space<hbm>> -> memref<1x4096x768xf32, #tpu.memory_space<hbm>>
    %dma_start3A_1200 = tpu.memref_squeeze %dma_start3A_1199 : memref<1x4096x768xf32, #tpu.memory_space<hbm>> -> memref<4096x768xf32, #tpu.memory_space<hbm>>
    %dma_start3A_1201 = arith.constant 0 : i32
    %dma_start3A_1202 = tpu.memref_slice %dma_start3A_1200[%add3A_1186, %dma_start3A_1201] : memref<4096x768xf32, #tpu.memory_space<hbm>> -> memref<64x768xf32, #tpu.memory_space<hbm>>
    %dma_start3A_1203 = arith.constant 64 : i32
    %dma_start3A_1204 = arith.constant 0 : i32
    %dma_start3A_1205 = tpu.memref_slice %arg7[%dma_start3A_1203, %dma_start3A_1204] : memref<128x768xf32, #tpu.memory_space<vmem>> -> memref<64x768xf32, #tpu.memory_space<vmem>>
    tpu.enqueue_dma source(%dma_start3A_1205 : memref<64x768xf32, #tpu.memory_space<vmem>>) target(%dma_start3A_1202 : memref<64x768xf32, #tpu.memory_space<hbm>>) target_semaphore(%arg8 : memref<!tpu.dma_semaphore, #tpu.memory_space<semaphore_mem>>)
    %add3A_1206 = arith.constant 64 : i32
    %add3A_1207 = arith.addi %mul3A_2, %add3A_1206 : i32
    %dma_start3A_1208 = arith.constant 7 : i32
    %dma_start3A_1209 = arith.constant 64 : i32
    %dma_start3A_1210 = arith.constant 0 : i32
    %dma_start3A_1211 = tpu.memref_slice %arg7[%dma_start3A_1209, %dma_start3A_1210] : memref<128x768xf32, #tpu.memory_space<vmem>> -> memref<64x768xf32, #tpu.memory_space<vmem>>
    %dma_start3A_1212 = arith.constant 0 : i32
    %dma_start3A_1213 = arith.constant 0 : i32
    %dma_start3A_1214 = tpu.memref_slice %arg4[%dma_start3A_1208, %dma_start3A_1212, %dma_start3A_1213] : memref<16x4096x768xf32, #tpu.memory_space<hbm>> -> memref<1x4096x768xf32, #tpu.memory_space<hbm>>
    %dma_start3A_1215 = tpu.memref_squeeze %dma_start3A_1214 : memref<1x4096x768xf32, #tpu.memory_space<hbm>> -> memref<4096x768xf32, #tpu.memory_space<hbm>>
    %dma_start3A_1216 = arith.constant 0 : i32
    %dma_start3A_1217 = tpu.memref_slice %dma_start3A_1215[%add3A_1207, %dma_start3A_1216] : memref<4096x768xf32, #tpu.memory_space<hbm>> -> memref<64x768xf32, #tpu.memory_space<hbm>>
    %dma_start3A_1218 = arith.constant 0 : i32
    %dma_start3A_1219 = arith.constant 0 : i32
    %dma_start3A_1220 = tpu.memref_slice %arg4[%dma_start3A_1208, %dma_start3A_1218, %dma_start3A_1219] : memref<16x4096x768xf32, #tpu.memory_space<hbm>> -> memref<1x4096x768xf32, #tpu.memory_space<hbm>>
    %dma_start3A_1221 = tpu.memref_squeeze %dma_start3A_1220 : memref<1x4096x768xf32, #tpu.memory_space<hbm>> -> memref<4096x768xf32, #tpu.memory_space<hbm>>
    %dma_start3A_1222 = arith.constant 0 : i32
    %dma_start3A_1223 = tpu.memref_slice %dma_start3A_1221[%add3A_1207, %dma_start3A_1222] : memref<4096x768xf32, #tpu.memory_space<hbm>> -> memref<64x768xf32, #tpu.memory_space<hbm>>
    %dma_start3A_1224 = arith.constant 64 : i32
    %dma_start3A_1225 = arith.constant 0 : i32
    %dma_start3A_1226 = tpu.memref_slice %arg7[%dma_start3A_1224, %dma_start3A_1225] : memref<128x768xf32, #tpu.memory_space<vmem>> -> memref<64x768xf32, #tpu.memory_space<vmem>>
    tpu.enqueue_dma source(%dma_start3A_1226 : memref<64x768xf32, #tpu.memory_space<vmem>>) target(%dma_start3A_1223 : memref<64x768xf32, #tpu.memory_space<hbm>>) target_semaphore(%arg8 : memref<!tpu.dma_semaphore, #tpu.memory_space<semaphore_mem>>)
    %add3A_1227 = arith.constant 64 : i32
    %add3A_1228 = arith.addi %mul3A_2, %add3A_1227 : i32
    %dma_start3A_1229 = arith.constant 8 : i32
    %dma_start3A_1230 = arith.constant 64 : i32
    %dma_start3A_1231 = arith.constant 0 : i32
    %dma_start3A_1232 = tpu.memref_slice %arg7[%dma_start3A_1230, %dma_start3A_1231] : memref<128x768xf32, #tpu.memory_space<vmem>> -> memref<64x768xf32, #tpu.memory_space<vmem>>
    %dma_start3A_1233 = arith.constant 0 : i32
    %dma_start3A_1234 = arith.constant 0 : i32
    %dma_start3A_1235 = tpu.memref_slice %arg4[%dma_start3A_1229, %dma_start3A_1233, %dma_start3A_1234] : memref<16x4096x768xf32, #tpu.memory_space<hbm>> -> memref<1x4096x768xf32, #tpu.memory_space<hbm>>
    %dma_start3A_1236 = tpu.memref_squeeze %dma_start3A_1235 : memref<1x4096x768xf32, #tpu.memory_space<hbm>> -> memref<4096x768xf32, #tpu.memory_space<hbm>>
    %dma_start3A_1237 = arith.constant 0 : i32
    %dma_start3A_1238 = tpu.memref_slice %dma_start3A_1236[%add3A_1228, %dma_start3A_1237] : memref<4096x768xf32, #tpu.memory_space<hbm>> -> memref<64x768xf32, #tpu.memory_space<hbm>>
    %dma_start3A_1239 = arith.constant 0 : i32
    %dma_start3A_1240 = arith.constant 0 : i32
    %dma_start3A_1241 = tpu.memref_slice %arg4[%dma_start3A_1229, %dma_start3A_1239, %dma_start3A_1240] : memref<16x4096x768xf32, #tpu.memory_space<hbm>> -> memref<1x4096x768xf32, #tpu.memory_space<hbm>>
    %dma_start3A_1242 = tpu.memref_squeeze %dma_start3A_1241 : memref<1x4096x768xf32, #tpu.memory_space<hbm>> -> memref<4096x768xf32, #tpu.memory_space<hbm>>
    %dma_start3A_1243 = arith.constant 0 : i32
    %dma_start3A_1244 = tpu.memref_slice %dma_start3A_1242[%add3A_1228, %dma_start3A_1243] : memref<4096x768xf32, #tpu.memory_space<hbm>> -> memref<64x768xf32, #tpu.memory_space<hbm>>
    %dma_start3A_1245 = arith.constant 64 : i32
    %dma_start3A_1246 = arith.constant 0 : i32
    %dma_start3A_1247 = tpu.memref_slice %arg7[%dma_start3A_1245, %dma_start3A_1246] : memref<128x768xf32, #tpu.memory_space<vmem>> -> memref<64x768xf32, #tpu.memory_space<vmem>>
    tpu.enqueue_dma source(%dma_start3A_1247 : memref<64x768xf32, #tpu.memory_space<vmem>>) target(%dma_start3A_1244 : memref<64x768xf32, #tpu.memory_space<hbm>>) target_semaphore(%arg8 : memref<!tpu.dma_semaphore, #tpu.memory_space<semaphore_mem>>)
    %add3A_1248 = arith.constant 64 : i32
    %add3A_1249 = arith.addi %mul3A_2, %add3A_1248 : i32
    %dma_start3A_1250 = arith.constant 9 : i32
    %dma_start3A_1251 = arith.constant 64 : i32
    %dma_start3A_1252 = arith.constant 0 : i32
    %dma_start3A_1253 = tpu.memref_slice %arg7[%dma_start3A_1251, %dma_start3A_1252] : memref<128x768xf32, #tpu.memory_space<vmem>> -> memref<64x768xf32, #tpu.memory_space<vmem>>
    %dma_start3A_1254 = arith.constant 0 : i32
    %dma_start3A_1255 = arith.constant 0 : i32
    %dma_start3A_1256 = tpu.memref_slice %arg4[%dma_start3A_1250, %dma_start3A_1254, %dma_start3A_1255] : memref<16x4096x768xf32, #tpu.memory_space<hbm>> -> memref<1x4096x768xf32, #tpu.memory_space<hbm>>
    %dma_start3A_1257 = tpu.memref_squeeze %dma_start3A_1256 : memref<1x4096x768xf32, #tpu.memory_space<hbm>> -> memref<4096x768xf32, #tpu.memory_space<hbm>>
    %dma_start3A_1258 = arith.constant 0 : i32
    %dma_start3A_1259 = tpu.memref_slice %dma_start3A_1257[%add3A_1249, %dma_start3A_1258] : memref<4096x768xf32, #tpu.memory_space<hbm>> -> memref<64x768xf32, #tpu.memory_space<hbm>>
    %dma_start3A_1260 = arith.constant 0 : i32
    %dma_start3A_1261 = arith.constant 0 : i32
    %dma_start3A_1262 = tpu.memref_slice %arg4[%dma_start3A_1250, %dma_start3A_1260, %dma_start3A_1261] : memref<16x4096x768xf32, #tpu.memory_space<hbm>> -> memref<1x4096x768xf32, #tpu.memory_space<hbm>>
    %dma_start3A_1263 = tpu.memref_squeeze %dma_start3A_1262 : memref<1x4096x768xf32, #tpu.memory_space<hbm>> -> memref<4096x768xf32, #tpu.memory_space<hbm>>
    %dma_start3A_1264 = arith.constant 0 : i32
    %dma_start3A_1265 = tpu.memref_slice %dma_start3A_1263[%add3A_1249, %dma_start3A_1264] : memref<4096x768xf32, #tpu.memory_space<hbm>> -> memref<64x768xf32, #tpu.memory_space<hbm>>
    %dma_start3A_1266 = arith.constant 64 : i32
    %dma_start3A_1267 = arith.constant 0 : i32
    %dma_start3A_1268 = tpu.memref_slice %arg7[%dma_start3A_1266, %dma_start3A_1267] : memref<128x768xf32, #tpu.memory_space<vmem>> -> memref<64x768xf32, #tpu.memory_space<vmem>>
    tpu.enqueue_dma source(%dma_start3A_1268 : memref<64x768xf32, #tpu.memory_space<vmem>>) target(%dma_start3A_1265 : memref<64x768xf32, #tpu.memory_space<hbm>>) target_semaphore(%arg8 : memref<!tpu.dma_semaphore, #tpu.memory_space<semaphore_mem>>)
    %add3A_1269 = arith.constant 64 : i32
    %add3A_1270 = arith.addi %mul3A_2, %add3A_1269 : i32
    %dma_start3A_1271 = arith.constant 10 : i32
    %dma_start3A_1272 = arith.constant 64 : i32
    %dma_start3A_1273 = arith.constant 0 : i32
    %dma_start3A_1274 = tpu.memref_slice %arg7[%dma_start3A_1272, %dma_start3A_1273] : memref<128x768xf32, #tpu.memory_space<vmem>> -> memref<64x768xf32, #tpu.memory_space<vmem>>
    %dma_start3A_1275 = arith.constant 0 : i32
    %dma_start3A_1276 = arith.constant 0 : i32
    %dma_start3A_1277 = tpu.memref_slice %arg4[%dma_start3A_1271, %dma_start3A_1275, %dma_start3A_1276] : memref<16x4096x768xf32, #tpu.memory_space<hbm>> -> memref<1x4096x768xf32, #tpu.memory_space<hbm>>
    %dma_start3A_1278 = tpu.memref_squeeze %dma_start3A_1277 : memref<1x4096x768xf32, #tpu.memory_space<hbm>> -> memref<4096x768xf32, #tpu.memory_space<hbm>>
    %dma_start3A_1279 = arith.constant 0 : i32
    %dma_start3A_1280 = tpu.memref_slice %dma_start3A_1278[%add3A_1270, %dma_start3A_1279] : memref<4096x768xf32, #tpu.memory_space<hbm>> -> memref<64x768xf32, #tpu.memory_space<hbm>>
    %dma_start3A_1281 = arith.constant 0 : i32
    %dma_start3A_1282 = arith.constant 0 : i32
    %dma_start3A_1283 = tpu.memref_slice %arg4[%dma_start3A_1271, %dma_start3A_1281, %dma_start3A_1282] : memref<16x4096x768xf32, #tpu.memory_space<hbm>> -> memref<1x4096x768xf32, #tpu.memory_space<hbm>>
    %dma_start3A_1284 = tpu.memref_squeeze %dma_start3A_1283 : memref<1x4096x768xf32, #tpu.memory_space<hbm>> -> memref<4096x768xf32, #tpu.memory_space<hbm>>
    %dma_start3A_1285 = arith.constant 0 : i32
    %dma_start3A_1286 = tpu.memref_slice %dma_start3A_1284[%add3A_1270, %dma_start3A_1285] : memref<4096x768xf32, #tpu.memory_space<hbm>> -> memref<64x768xf32, #tpu.memory_space<hbm>>
    %dma_start3A_1287 = arith.constant 64 : i32
    %dma_start3A_1288 = arith.constant 0 : i32
    %dma_start3A_1289 = tpu.memref_slice %arg7[%dma_start3A_1287, %dma_start3A_1288] : memref<128x768xf32, #tpu.memory_space<vmem>> -> memref<64x768xf32, #tpu.memory_space<vmem>>
    tpu.enqueue_dma source(%dma_start3A_1289 : memref<64x768xf32, #tpu.memory_space<vmem>>) target(%dma_start3A_1286 : memref<64x768xf32, #tpu.memory_space<hbm>>) target_semaphore(%arg8 : memref<!tpu.dma_semaphore, #tpu.memory_space<semaphore_mem>>)
    %add3A_1290 = arith.constant 64 : i32
    %add3A_1291 = arith.addi %mul3A_2, %add3A_1290 : i32
    %dma_start3A_1292 = arith.constant 11 : i32
    %dma_start3A_1293 = arith.constant 64 : i32
    %dma_start3A_1294 = arith.constant 0 : i32
    %dma_start3A_1295 = tpu.memref_slice %arg7[%dma_start3A_1293, %dma_start3A_1294] : memref<128x768xf32, #tpu.memory_space<vmem>> -> memref<64x768xf32, #tpu.memory_space<vmem>>
    %dma_start3A_1296 = arith.constant 0 : i32
    %dma_start3A_1297 = arith.constant 0 : i32
    %dma_start3A_1298 = tpu.memref_slice %arg4[%dma_start3A_1292, %dma_start3A_1296, %dma_start3A_1297] : memref<16x4096x768xf32, #tpu.memory_space<hbm>> -> memref<1x4096x768xf32, #tpu.memory_space<hbm>>
    %dma_start3A_1299 = tpu.memref_squeeze %dma_start3A_1298 : memref<1x4096x768xf32, #tpu.memory_space<hbm>> -> memref<4096x768xf32, #tpu.memory_space<hbm>>
    %dma_start3A_1300 = arith.constant 0 : i32
    %dma_start3A_1301 = tpu.memref_slice %dma_start3A_1299[%add3A_1291, %dma_start3A_1300] : memref<4096x768xf32, #tpu.memory_space<hbm>> -> memref<64x768xf32, #tpu.memory_space<hbm>>
    %dma_start3A_1302 = arith.constant 0 : i32
    %dma_start3A_1303 = arith.constant 0 : i32
    %dma_start3A_1304 = tpu.memref_slice %arg4[%dma_start3A_1292, %dma_start3A_1302, %dma_start3A_1303] : memref<16x4096x768xf32, #tpu.memory_space<hbm>> -> memref<1x4096x768xf32, #tpu.memory_space<hbm>>
    %dma_start3A_1305 = tpu.memref_squeeze %dma_start3A_1304 : memref<1x4096x768xf32, #tpu.memory_space<hbm>> -> memref<4096x768xf32, #tpu.memory_space<hbm>>
    %dma_start3A_1306 = arith.constant 0 : i32
    %dma_start3A_1307 = tpu.memref_slice %dma_start3A_1305[%add3A_1291, %dma_start3A_1306] : memref<4096x768xf32, #tpu.memory_space<hbm>> -> memref<64x768xf32, #tpu.memory_space<hbm>>
    %dma_start3A_1308 = arith.constant 64 : i32
    %dma_start3A_1309 = arith.constant 0 : i32
    %dma_start3A_1310 = tpu.memref_slice %arg7[%dma_start3A_1308, %dma_start3A_1309] : memref<128x768xf32, #tpu.memory_space<vmem>> -> memref<64x768xf32, #tpu.memory_space<vmem>>
    tpu.enqueue_dma source(%dma_start3A_1310 : memref<64x768xf32, #tpu.memory_space<vmem>>) target(%dma_start3A_1307 : memref<64x768xf32, #tpu.memory_space<hbm>>) target_semaphore(%arg8 : memref<!tpu.dma_semaphore, #tpu.memory_space<semaphore_mem>>)
    %add3A_1311 = arith.constant 64 : i32
    %add3A_1312 = arith.addi %mul3A_2, %add3A_1311 : i32
    %dma_start3A_1313 = arith.constant 12 : i32
    %dma_start3A_1314 = arith.constant 64 : i32
    %dma_start3A_1315 = arith.constant 0 : i32
    %dma_start3A_1316 = tpu.memref_slice %arg7[%dma_start3A_1314, %dma_start3A_1315] : memref<128x768xf32, #tpu.memory_space<vmem>> -> memref<64x768xf32, #tpu.memory_space<vmem>>
    %dma_start3A_1317 = arith.constant 0 : i32
    %dma_start3A_1318 = arith.constant 0 : i32
    %dma_start3A_1319 = tpu.memref_slice %arg4[%dma_start3A_1313, %dma_start3A_1317, %dma_start3A_1318] : memref<16x4096x768xf32, #tpu.memory_space<hbm>> -> memref<1x4096x768xf32, #tpu.memory_space<hbm>>
    %dma_start3A_1320 = tpu.memref_squeeze %dma_start3A_1319 : memref<1x4096x768xf32, #tpu.memory_space<hbm>> -> memref<4096x768xf32, #tpu.memory_space<hbm>>
    %dma_start3A_1321 = arith.constant 0 : i32
    %dma_start3A_1322 = tpu.memref_slice %dma_start3A_1320[%add3A_1312, %dma_start3A_1321] : memref<4096x768xf32, #tpu.memory_space<hbm>> -> memref<64x768xf32, #tpu.memory_space<hbm>>
    %dma_start3A_1323 = arith.constant 0 : i32
    %dma_start3A_1324 = arith.constant 0 : i32
    %dma_start3A_1325 = tpu.memref_slice %arg4[%dma_start3A_1313, %dma_start3A_1323, %dma_start3A_1324] : memref<16x4096x768xf32, #tpu.memory_space<hbm>> -> memref<1x4096x768xf32, #tpu.memory_space<hbm>>
    %dma_start3A_1326 = tpu.memref_squeeze %dma_start3A_1325 : memref<1x4096x768xf32, #tpu.memory_space<hbm>> -> memref<4096x768xf32, #tpu.memory_space<hbm>>
    %dma_start3A_1327 = arith.constant 0 : i32
    %dma_start3A_1328 = tpu.memref_slice %dma_start3A_1326[%add3A_1312, %dma_start3A_1327] : memref<4096x768xf32, #tpu.memory_space<hbm>> -> memref<64x768xf32, #tpu.memory_space<hbm>>
    %dma_start3A_1329 = arith.constant 64 : i32
    %dma_start3A_1330 = arith.constant 0 : i32
    %dma_start3A_1331 = tpu.memref_slice %arg7[%dma_start3A_1329, %dma_start3A_1330] : memref<128x768xf32, #tpu.memory_space<vmem>> -> memref<64x768xf32, #tpu.memory_space<vmem>>
    tpu.enqueue_dma source(%dma_start3A_1331 : memref<64x768xf32, #tpu.memory_space<vmem>>) target(%dma_start3A_1328 : memref<64x768xf32, #tpu.memory_space<hbm>>) target_semaphore(%arg8 : memref<!tpu.dma_semaphore, #tpu.memory_space<semaphore_mem>>)
    %add3A_1332 = arith.constant 64 : i32
    %add3A_1333 = arith.addi %mul3A_2, %add3A_1332 : i32
    %dma_start3A_1334 = arith.constant 13 : i32
    %dma_start3A_1335 = arith.constant 64 : i32
    %dma_start3A_1336 = arith.constant 0 : i32
    %dma_start3A_1337 = tpu.memref_slice %arg7[%dma_start3A_1335, %dma_start3A_1336] : memref<128x768xf32, #tpu.memory_space<vmem>> -> memref<64x768xf32, #tpu.memory_space<vmem>>
    %dma_start3A_1338 = arith.constant 0 : i32
    %dma_start3A_1339 = arith.constant 0 : i32
    %dma_start3A_1340 = tpu.memref_slice %arg4[%dma_start3A_1334, %dma_start3A_1338, %dma_start3A_1339] : memref<16x4096x768xf32, #tpu.memory_space<hbm>> -> memref<1x4096x768xf32, #tpu.memory_space<hbm>>
    %dma_start3A_1341 = tpu.memref_squeeze %dma_start3A_1340 : memref<1x4096x768xf32, #tpu.memory_space<hbm>> -> memref<4096x768xf32, #tpu.memory_space<hbm>>
    %dma_start3A_1342 = arith.constant 0 : i32
    %dma_start3A_1343 = tpu.memref_slice %dma_start3A_1341[%add3A_1333, %dma_start3A_1342] : memref<4096x768xf32, #tpu.memory_space<hbm>> -> memref<64x768xf32, #tpu.memory_space<hbm>>
    %dma_start3A_1344 = arith.constant 0 : i32
    %dma_start3A_1345 = arith.constant 0 : i32
    %dma_start3A_1346 = tpu.memref_slice %arg4[%dma_start3A_1334, %dma_start3A_1344, %dma_start3A_1345] : memref<16x4096x768xf32, #tpu.memory_space<hbm>> -> memref<1x4096x768xf32, #tpu.memory_space<hbm>>
    %dma_start3A_1347 = tpu.memref_squeeze %dma_start3A_1346 : memref<1x4096x768xf32, #tpu.memory_space<hbm>> -> memref<4096x768xf32, #tpu.memory_space<hbm>>
    %dma_start3A_1348 = arith.constant 0 : i32
    %dma_start3A_1349 = tpu.memref_slice %dma_start3A_1347[%add3A_1333, %dma_start3A_1348] : memref<4096x768xf32, #tpu.memory_space<hbm>> -> memref<64x768xf32, #tpu.memory_space<hbm>>
    %dma_start3A_1350 = arith.constant 64 : i32
    %dma_start3A_1351 = arith.constant 0 : i32
    %dma_start3A_1352 = tpu.memref_slice %arg7[%dma_start3A_1350, %dma_start3A_1351] : memref<128x768xf32, #tpu.memory_space<vmem>> -> memref<64x768xf32, #tpu.memory_space<vmem>>
    tpu.enqueue_dma source(%dma_start3A_1352 : memref<64x768xf32, #tpu.memory_space<vmem>>) target(%dma_start3A_1349 : memref<64x768xf32, #tpu.memory_space<hbm>>) target_semaphore(%arg8 : memref<!tpu.dma_semaphore, #tpu.memory_space<semaphore_mem>>)
    %add3A_1353 = arith.constant 64 : i32
    %add3A_1354 = arith.addi %mul3A_2, %add3A_1353 : i32
    %dma_start3A_1355 = arith.constant 14 : i32
    %dma_start3A_1356 = arith.constant 64 : i32
    %dma_start3A_1357 = arith.constant 0 : i32
    %dma_start3A_1358 = tpu.memref_slice %arg7[%dma_start3A_1356, %dma_start3A_1357] : memref<128x768xf32, #tpu.memory_space<vmem>> -> memref<64x768xf32, #tpu.memory_space<vmem>>
    %dma_start3A_1359 = arith.constant 0 : i32
    %dma_start3A_1360 = arith.constant 0 : i32
    %dma_start3A_1361 = tpu.memref_slice %arg4[%dma_start3A_1355, %dma_start3A_1359, %dma_start3A_1360] : memref<16x4096x768xf32, #tpu.memory_space<hbm>> -> memref<1x4096x768xf32, #tpu.memory_space<hbm>>
    %dma_start3A_1362 = tpu.memref_squeeze %dma_start3A_1361 : memref<1x4096x768xf32, #tpu.memory_space<hbm>> -> memref<4096x768xf32, #tpu.memory_space<hbm>>
    %dma_start3A_1363 = arith.constant 0 : i32
    %dma_start3A_1364 = tpu.memref_slice %dma_start3A_1362[%add3A_1354, %dma_start3A_1363] : memref<4096x768xf32, #tpu.memory_space<hbm>> -> memref<64x768xf32, #tpu.memory_space<hbm>>
    %dma_start3A_1365 = arith.constant 0 : i32
    %dma_start3A_1366 = arith.constant 0 : i32
    %dma_start3A_1367 = tpu.memref_slice %arg4[%dma_start3A_1355, %dma_start3A_1365, %dma_start3A_1366] : memref<16x4096x768xf32, #tpu.memory_space<hbm>> -> memref<1x4096x768xf32, #tpu.memory_space<hbm>>
    %dma_start3A_1368 = tpu.memref_squeeze %dma_start3A_1367 : memref<1x4096x768xf32, #tpu.memory_space<hbm>> -> memref<4096x768xf32, #tpu.memory_space<hbm>>
    %dma_start3A_1369 = arith.constant 0 : i32
    %dma_start3A_1370 = tpu.memref_slice %dma_start3A_1368[%add3A_1354, %dma_start3A_1369] : memref<4096x768xf32, #tpu.memory_space<hbm>> -> memref<64x768xf32, #tpu.memory_space<hbm>>
    %dma_start3A_1371 = arith.constant 64 : i32
    %dma_start3A_1372 = arith.constant 0 : i32
    %dma_start3A_1373 = tpu.memref_slice %arg7[%dma_start3A_1371, %dma_start3A_1372] : memref<128x768xf32, #tpu.memory_space<vmem>> -> memref<64x768xf32, #tpu.memory_space<vmem>>
    tpu.enqueue_dma source(%dma_start3A_1373 : memref<64x768xf32, #tpu.memory_space<vmem>>) target(%dma_start3A_1370 : memref<64x768xf32, #tpu.memory_space<hbm>>) target_semaphore(%arg8 : memref<!tpu.dma_semaphore, #tpu.memory_space<semaphore_mem>>)
    %add3A_1374 = arith.constant 64 : i32
    %add3A_1375 = arith.addi %mul3A_2, %add3A_1374 : i32
    %dma_start3A_1376 = arith.constant 15 : i32
    %dma_start3A_1377 = arith.constant 64 : i32
    %dma_start3A_1378 = arith.constant 0 : i32
    %dma_start3A_1379 = tpu.memref_slice %arg7[%dma_start3A_1377, %dma_start3A_1378] : memref<128x768xf32, #tpu.memory_space<vmem>> -> memref<64x768xf32, #tpu.memory_space<vmem>>
    %dma_start3A_1380 = arith.constant 0 : i32
    %dma_start3A_1381 = arith.constant 0 : i32
    %dma_start3A_1382 = tpu.memref_slice %arg4[%dma_start3A_1376, %dma_start3A_1380, %dma_start3A_1381] : memref<16x4096x768xf32, #tpu.memory_space<hbm>> -> memref<1x4096x768xf32, #tpu.memory_space<hbm>>
    %dma_start3A_1383 = tpu.memref_squeeze %dma_start3A_1382 : memref<1x4096x768xf32, #tpu.memory_space<hbm>> -> memref<4096x768xf32, #tpu.memory_space<hbm>>
    %dma_start3A_1384 = arith.constant 0 : i32
    %dma_start3A_1385 = tpu.memref_slice %dma_start3A_1383[%add3A_1375, %dma_start3A_1384] : memref<4096x768xf32, #tpu.memory_space<hbm>> -> memref<64x768xf32, #tpu.memory_space<hbm>>
    %dma_start3A_1386 = arith.constant 0 : i32
    %dma_start3A_1387 = arith.constant 0 : i32
    %dma_start3A_1388 = tpu.memref_slice %arg4[%dma_start3A_1376, %dma_start3A_1386, %dma_start3A_1387] : memref<16x4096x768xf32, #tpu.memory_space<hbm>> -> memref<1x4096x768xf32, #tpu.memory_space<hbm>>
    %dma_start3A_1389 = tpu.memref_squeeze %dma_start3A_1388 : memref<1x4096x768xf32, #tpu.memory_space<hbm>> -> memref<4096x768xf32, #tpu.memory_space<hbm>>
    %dma_start3A_1390 = arith.constant 0 : i32
    %dma_start3A_1391 = tpu.memref_slice %dma_start3A_1389[%add3A_1375, %dma_start3A_1390] : memref<4096x768xf32, #tpu.memory_space<hbm>> -> memref<64x768xf32, #tpu.memory_space<hbm>>
    %dma_start3A_1392 = arith.constant 64 : i32
    %dma_start3A_1393 = arith.constant 0 : i32
    %dma_start3A_1394 = tpu.memref_slice %arg7[%dma_start3A_1392, %dma_start3A_1393] : memref<128x768xf32, #tpu.memory_space<vmem>> -> memref<64x768xf32, #tpu.memory_space<vmem>>
    tpu.enqueue_dma source(%dma_start3A_1394 : memref<64x768xf32, #tpu.memory_space<vmem>>) target(%dma_start3A_1391 : memref<64x768xf32, #tpu.memory_space<hbm>>) target_semaphore(%arg8 : memref<!tpu.dma_semaphore, #tpu.memory_space<semaphore_mem>>)
    %dma_wait3A_1395 = arith.constant 0 : i32
    %dma_wait3A_1396 = arith.constant 0 : i32
    %dma_wait3A_1397 = arith.constant 0 : i32
    %dma_wait3A_1398 = tpu.memref_slice %arg7[%dma_wait3A_1396, %dma_wait3A_1397] : memref<128x768xf32, #tpu.memory_space<vmem>> -> memref<16x768xf32, #tpu.memory_space<vmem>>
    %dma_wait3A_1399 = arith.constant 0 : i32
    %dma_wait3A_1400 = arith.constant 0 : i32
    %dma_wait3A_1401 = tpu.memref_slice %arg4[%dma_wait3A_1395, %dma_wait3A_1399, %dma_wait3A_1400] : memref<16x4096x768xf32, #tpu.memory_space<hbm>> -> memref<1x4096x768xf32, #tpu.memory_space<hbm>>
    %dma_wait3A_1402 = tpu.memref_squeeze %dma_wait3A_1401 : memref<1x4096x768xf32, #tpu.memory_space<hbm>> -> memref<4096x768xf32, #tpu.memory_space<hbm>>
    %dma_wait3A_1403 = arith.constant 0 : i32
    %dma_wait3A_1404 = tpu.memref_slice %dma_wait3A_1402[%add3A_136, %dma_wait3A_1403] : memref<4096x768xf32, #tpu.memory_space<hbm>> -> memref<16x768xf32, #tpu.memory_space<hbm>>
    %dma_wait3A_1405 = arith.constant 0 : i32
    %dma_wait3A_1406 = arith.constant 0 : i32
    %dma_wait3A_1407 = tpu.memref_slice %arg4[%dma_wait3A_1395, %dma_wait3A_1405, %dma_wait3A_1406] : memref<16x4096x768xf32, #tpu.memory_space<hbm>> -> memref<1x4096x768xf32, #tpu.memory_space<hbm>>
    %dma_wait3A_1408 = tpu.memref_squeeze %dma_wait3A_1407 : memref<1x4096x768xf32, #tpu.memory_space<hbm>> -> memref<4096x768xf32, #tpu.memory_space<hbm>>
    %dma_wait3A_1409 = arith.constant 0 : i32
    %dma_wait3A_1410 = tpu.memref_slice %dma_wait3A_1408[%add3A_136, %dma_wait3A_1409] : memref<4096x768xf32, #tpu.memory_space<hbm>> -> memref<16x768xf32, #tpu.memory_space<hbm>>
    %dma_wait3A_1411 = arith.constant 0 : i32
    %dma_wait3A_1412 = arith.constant 0 : i32
    %dma_wait3A_1413 = tpu.memref_slice %arg7[%dma_wait3A_1411, %dma_wait3A_1412] : memref<128x768xf32, #tpu.memory_space<vmem>> -> memref<16x768xf32, #tpu.memory_space<vmem>>
    tpu.wait_dma2 semaphore(%arg8 : memref<!tpu.dma_semaphore, #tpu.memory_space<semaphore_mem>>) src(%dma_wait3A_1413 : memref<16x768xf32, #tpu.memory_space<vmem>>) dst(%dma_wait3A_1410 : memref<16x768xf32, #tpu.memory_space<hbm>>)
    %dma_wait3A_1414 = arith.constant 1 : i32
    %dma_wait3A_1415 = arith.constant 0 : i32
    %dma_wait3A_1416 = arith.constant 0 : i32
    %dma_wait3A_1417 = tpu.memref_slice %arg7[%dma_wait3A_1415, %dma_wait3A_1416] : memref<128x768xf32, #tpu.memory_space<vmem>> -> memref<16x768xf32, #tpu.memory_space<vmem>>
    %dma_wait3A_1418 = arith.constant 0 : i32
    %dma_wait3A_1419 = arith.constant 0 : i32
    %dma_wait3A_1420 = tpu.memref_slice %arg4[%dma_wait3A_1414, %dma_wait3A_1418, %dma_wait3A_1419] : memref<16x4096x768xf32, #tpu.memory_space<hbm>> -> memref<1x4096x768xf32, #tpu.memory_space<hbm>>
    %dma_wait3A_1421 = tpu.memref_squeeze %dma_wait3A_1420 : memref<1x4096x768xf32, #tpu.memory_space<hbm>> -> memref<4096x768xf32, #tpu.memory_space<hbm>>
    %dma_wait3A_1422 = arith.constant 0 : i32
    %dma_wait3A_1423 = tpu.memref_slice %dma_wait3A_1421[%add3A_157, %dma_wait3A_1422] : memref<4096x768xf32, #tpu.memory_space<hbm>> -> memref<16x768xf32, #tpu.memory_space<hbm>>
    %dma_wait3A_1424 = arith.constant 0 : i32
    %dma_wait3A_1425 = arith.constant 0 : i32
    %dma_wait3A_1426 = tpu.memref_slice %arg4[%dma_wait3A_1414, %dma_wait3A_1424, %dma_wait3A_1425] : memref<16x4096x768xf32, #tpu.memory_space<hbm>> -> memref<1x4096x768xf32, #tpu.memory_space<hbm>>
    %dma_wait3A_1427 = tpu.memref_squeeze %dma_wait3A_1426 : memref<1x4096x768xf32, #tpu.memory_space<hbm>> -> memref<4096x768xf32, #tpu.memory_space<hbm>>
    %dma_wait3A_1428 = arith.constant 0 : i32
    %dma_wait3A_1429 = tpu.memref_slice %dma_wait3A_1427[%add3A_157, %dma_wait3A_1428] : memref<4096x768xf32, #tpu.memory_space<hbm>> -> memref<16x768xf32, #tpu.memory_space<hbm>>
    %dma_wait3A_1430 = arith.constant 0 : i32
    %dma_wait3A_1431 = arith.constant 0 : i32
    %dma_wait3A_1432 = tpu.memref_slice %arg7[%dma_wait3A_1430, %dma_wait3A_1431] : memref<128x768xf32, #tpu.memory_space<vmem>> -> memref<16x768xf32, #tpu.memory_space<vmem>>
    tpu.wait_dma2 semaphore(%arg8 : memref<!tpu.dma_semaphore, #tpu.memory_space<semaphore_mem>>) src(%dma_wait3A_1432 : memref<16x768xf32, #tpu.memory_space<vmem>>) dst(%dma_wait3A_1429 : memref<16x768xf32, #tpu.memory_space<hbm>>)
    %dma_wait3A_1433 = arith.constant 2 : i32
    %dma_wait3A_1434 = arith.constant 0 : i32
    %dma_wait3A_1435 = arith.constant 0 : i32
    %dma_wait3A_1436 = tpu.memref_slice %arg7[%dma_wait3A_1434, %dma_wait3A_1435] : memref<128x768xf32, #tpu.memory_space<vmem>> -> memref<16x768xf32, #tpu.memory_space<vmem>>
    %dma_wait3A_1437 = arith.constant 0 : i32
    %dma_wait3A_1438 = arith.constant 0 : i32
    %dma_wait3A_1439 = tpu.memref_slice %arg4[%dma_wait3A_1433, %dma_wait3A_1437, %dma_wait3A_1438] : memref<16x4096x768xf32, #tpu.memory_space<hbm>> -> memref<1x4096x768xf32, #tpu.memory_space<hbm>>
    %dma_wait3A_1440 = tpu.memref_squeeze %dma_wait3A_1439 : memref<1x4096x768xf32, #tpu.memory_space<hbm>> -> memref<4096x768xf32, #tpu.memory_space<hbm>>
    %dma_wait3A_1441 = arith.constant 0 : i32
    %dma_wait3A_1442 = tpu.memref_slice %dma_wait3A_1440[%add3A_178, %dma_wait3A_1441] : memref<4096x768xf32, #tpu.memory_space<hbm>> -> memref<16x768xf32, #tpu.memory_space<hbm>>
    %dma_wait3A_1443 = arith.constant 0 : i32
    %dma_wait3A_1444 = arith.constant 0 : i32
    %dma_wait3A_1445 = tpu.memref_slice %arg4[%dma_wait3A_1433, %dma_wait3A_1443, %dma_wait3A_1444] : memref<16x4096x768xf32, #tpu.memory_space<hbm>> -> memref<1x4096x768xf32, #tpu.memory_space<hbm>>
    %dma_wait3A_1446 = tpu.memref_squeeze %dma_wait3A_1445 : memref<1x4096x768xf32, #tpu.memory_space<hbm>> -> memref<4096x768xf32, #tpu.memory_space<hbm>>
    %dma_wait3A_1447 = arith.constant 0 : i32
    %dma_wait3A_1448 = tpu.memref_slice %dma_wait3A_1446[%add3A_178, %dma_wait3A_1447] : memref<4096x768xf32, #tpu.memory_space<hbm>> -> memref<16x768xf32, #tpu.memory_space<hbm>>
    %dma_wait3A_1449 = arith.constant 0 : i32
    %dma_wait3A_1450 = arith.constant 0 : i32
    %dma_wait3A_1451 = tpu.memref_slice %arg7[%dma_wait3A_1449, %dma_wait3A_1450] : memref<128x768xf32, #tpu.memory_space<vmem>> -> memref<16x768xf32, #tpu.memory_space<vmem>>
    tpu.wait_dma2 semaphore(%arg8 : memref<!tpu.dma_semaphore, #tpu.memory_space<semaphore_mem>>) src(%dma_wait3A_1451 : memref<16x768xf32, #tpu.memory_space<vmem>>) dst(%dma_wait3A_1448 : memref<16x768xf32, #tpu.memory_space<hbm>>)
    %dma_wait3A_1452 = arith.constant 3 : i32
    %dma_wait3A_1453 = arith.constant 0 : i32
    %dma_wait3A_1454 = arith.constant 0 : i32
    %dma_wait3A_1455 = tpu.memref_slice %arg7[%dma_wait3A_1453, %dma_wait3A_1454] : memref<128x768xf32, #tpu.memory_space<vmem>> -> memref<16x768xf32, #tpu.memory_space<vmem>>
    %dma_wait3A_1456 = arith.constant 0 : i32
    %dma_wait3A_1457 = arith.constant 0 : i32
    %dma_wait3A_1458 = tpu.memref_slice %arg4[%dma_wait3A_1452, %dma_wait3A_1456, %dma_wait3A_1457] : memref<16x4096x768xf32, #tpu.memory_space<hbm>> -> memref<1x4096x768xf32, #tpu.memory_space<hbm>>
    %dma_wait3A_1459 = tpu.memref_squeeze %dma_wait3A_1458 : memref<1x4096x768xf32, #tpu.memory_space<hbm>> -> memref<4096x768xf32, #tpu.memory_space<hbm>>
    %dma_wait3A_1460 = arith.constant 0 : i32
    %dma_wait3A_1461 = tpu.memref_slice %dma_wait3A_1459[%add3A_199, %dma_wait3A_1460] : memref<4096x768xf32, #tpu.memory_space<hbm>> -> memref<16x768xf32, #tpu.memory_space<hbm>>
    %dma_wait3A_1462 = arith.constant 0 : i32
    %dma_wait3A_1463 = arith.constant 0 : i32
    %dma_wait3A_1464 = tpu.memref_slice %arg4[%dma_wait3A_1452, %dma_wait3A_1462, %dma_wait3A_1463] : memref<16x4096x768xf32, #tpu.memory_space<hbm>> -> memref<1x4096x768xf32, #tpu.memory_space<hbm>>
    %dma_wait3A_1465 = tpu.memref_squeeze %dma_wait3A_1464 : memref<1x4096x768xf32, #tpu.memory_space<hbm>> -> memref<4096x768xf32, #tpu.memory_space<hbm>>
    %dma_wait3A_1466 = arith.constant 0 : i32
    %dma_wait3A_1467 = tpu.memref_slice %dma_wait3A_1465[%add3A_199, %dma_wait3A_1466] : memref<4096x768xf32, #tpu.memory_space<hbm>> -> memref<16x768xf32, #tpu.memory_space<hbm>>
    %dma_wait3A_1468 = arith.constant 0 : i32
    %dma_wait3A_1469 = arith.constant 0 : i32
    %dma_wait3A_1470 = tpu.memref_slice %arg7[%dma_wait3A_1468, %dma_wait3A_1469] : memref<128x768xf32, #tpu.memory_space<vmem>> -> memref<16x768xf32, #tpu.memory_space<vmem>>
    tpu.wait_dma2 semaphore(%arg8 : memref<!tpu.dma_semaphore, #tpu.memory_space<semaphore_mem>>) src(%dma_wait3A_1470 : memref<16x768xf32, #tpu.memory_space<vmem>>) dst(%dma_wait3A_1467 : memref<16x768xf32, #tpu.memory_space<hbm>>)
    %dma_wait3A_1471 = arith.constant 4 : i32
    %dma_wait3A_1472 = arith.constant 0 : i32
    %dma_wait3A_1473 = arith.constant 0 : i32
    %dma_wait3A_1474 = tpu.memref_slice %arg7[%dma_wait3A_1472, %dma_wait3A_1473] : memref<128x768xf32, #tpu.memory_space<vmem>> -> memref<16x768xf32, #tpu.memory_space<vmem>>
    %dma_wait3A_1475 = arith.constant 0 : i32
    %dma_wait3A_1476 = arith.constant 0 : i32
    %dma_wait3A_1477 = tpu.memref_slice %arg4[%dma_wait3A_1471, %dma_wait3A_1475, %dma_wait3A_1476] : memref<16x4096x768xf32, #tpu.memory_space<hbm>> -> memref<1x4096x768xf32, #tpu.memory_space<hbm>>
    %dma_wait3A_1478 = tpu.memref_squeeze %dma_wait3A_1477 : memref<1x4096x768xf32, #tpu.memory_space<hbm>> -> memref<4096x768xf32, #tpu.memory_space<hbm>>
    %dma_wait3A_1479 = arith.constant 0 : i32
    %dma_wait3A_1480 = tpu.memref_slice %dma_wait3A_1478[%add3A_220, %dma_wait3A_1479] : memref<4096x768xf32, #tpu.memory_space<hbm>> -> memref<16x768xf32, #tpu.memory_space<hbm>>
    %dma_wait3A_1481 = arith.constant 0 : i32
    %dma_wait3A_1482 = arith.constant 0 : i32
    %dma_wait3A_1483 = tpu.memref_slice %arg4[%dma_wait3A_1471, %dma_wait3A_1481, %dma_wait3A_1482] : memref<16x4096x768xf32, #tpu.memory_space<hbm>> -> memref<1x4096x768xf32, #tpu.memory_space<hbm>>
    %dma_wait3A_1484 = tpu.memref_squeeze %dma_wait3A_1483 : memref<1x4096x768xf32, #tpu.memory_space<hbm>> -> memref<4096x768xf32, #tpu.memory_space<hbm>>
    %dma_wait3A_1485 = arith.constant 0 : i32
    %dma_wait3A_1486 = tpu.memref_slice %dma_wait3A_1484[%add3A_220, %dma_wait3A_1485] : memref<4096x768xf32, #tpu.memory_space<hbm>> -> memref<16x768xf32, #tpu.memory_space<hbm>>
    %dma_wait3A_1487 = arith.constant 0 : i32
    %dma_wait3A_1488 = arith.constant 0 : i32
    %dma_wait3A_1489 = tpu.memref_slice %arg7[%dma_wait3A_1487, %dma_wait3A_1488] : memref<128x768xf32, #tpu.memory_space<vmem>> -> memref<16x768xf32, #tpu.memory_space<vmem>>
    tpu.wait_dma2 semaphore(%arg8 : memref<!tpu.dma_semaphore, #tpu.memory_space<semaphore_mem>>) src(%dma_wait3A_1489 : memref<16x768xf32, #tpu.memory_space<vmem>>) dst(%dma_wait3A_1486 : memref<16x768xf32, #tpu.memory_space<hbm>>)
    %dma_wait3A_1490 = arith.constant 5 : i32
    %dma_wait3A_1491 = arith.constant 0 : i32
    %dma_wait3A_1492 = arith.constant 0 : i32
    %dma_wait3A_1493 = tpu.memref_slice %arg7[%dma_wait3A_1491, %dma_wait3A_1492] : memref<128x768xf32, #tpu.memory_space<vmem>> -> memref<16x768xf32, #tpu.memory_space<vmem>>
    %dma_wait3A_1494 = arith.constant 0 : i32
    %dma_wait3A_1495 = arith.constant 0 : i32
    %dma_wait3A_1496 = tpu.memref_slice %arg4[%dma_wait3A_1490, %dma_wait3A_1494, %dma_wait3A_1495] : memref<16x4096x768xf32, #tpu.memory_space<hbm>> -> memref<1x4096x768xf32, #tpu.memory_space<hbm>>
    %dma_wait3A_1497 = tpu.memref_squeeze %dma_wait3A_1496 : memref<1x4096x768xf32, #tpu.memory_space<hbm>> -> memref<4096x768xf32, #tpu.memory_space<hbm>>
    %dma_wait3A_1498 = arith.constant 0 : i32
    %dma_wait3A_1499 = tpu.memref_slice %dma_wait3A_1497[%add3A_241, %dma_wait3A_1498] : memref<4096x768xf32, #tpu.memory_space<hbm>> -> memref<16x768xf32, #tpu.memory_space<hbm>>
    %dma_wait3A_1500 = arith.constant 0 : i32
    %dma_wait3A_1501 = arith.constant 0 : i32
    %dma_wait3A_1502 = tpu.memref_slice %arg4[%dma_wait3A_1490, %dma_wait3A_1500, %dma_wait3A_1501] : memref<16x4096x768xf32, #tpu.memory_space<hbm>> -> memref<1x4096x768xf32, #tpu.memory_space<hbm>>
    %dma_wait3A_1503 = tpu.memref_squeeze %dma_wait3A_1502 : memref<1x4096x768xf32, #tpu.memory_space<hbm>> -> memref<4096x768xf32, #tpu.memory_space<hbm>>
    %dma_wait3A_1504 = arith.constant 0 : i32
    %dma_wait3A_1505 = tpu.memref_slice %dma_wait3A_1503[%add3A_241, %dma_wait3A_1504] : memref<4096x768xf32, #tpu.memory_space<hbm>> -> memref<16x768xf32, #tpu.memory_space<hbm>>
    %dma_wait3A_1506 = arith.constant 0 : i32
    %dma_wait3A_1507 = arith.constant 0 : i32
    %dma_wait3A_1508 = tpu.memref_slice %arg7[%dma_wait3A_1506, %dma_wait3A_1507] : memref<128x768xf32, #tpu.memory_space<vmem>> -> memref<16x768xf32, #tpu.memory_space<vmem>>
    tpu.wait_dma2 semaphore(%arg8 : memref<!tpu.dma_semaphore, #tpu.memory_space<semaphore_mem>>) src(%dma_wait3A_1508 : memref<16x768xf32, #tpu.memory_space<vmem>>) dst(%dma_wait3A_1505 : memref<16x768xf32, #tpu.memory_space<hbm>>)
    %dma_wait3A_1509 = arith.constant 6 : i32
    %dma_wait3A_1510 = arith.constant 0 : i32
    %dma_wait3A_1511 = arith.constant 0 : i32
    %dma_wait3A_1512 = tpu.memref_slice %arg7[%dma_wait3A_1510, %dma_wait3A_1511] : memref<128x768xf32, #tpu.memory_space<vmem>> -> memref<16x768xf32, #tpu.memory_space<vmem>>
    %dma_wait3A_1513 = arith.constant 0 : i32
    %dma_wait3A_1514 = arith.constant 0 : i32
    %dma_wait3A_1515 = tpu.memref_slice %arg4[%dma_wait3A_1509, %dma_wait3A_1513, %dma_wait3A_1514] : memref<16x4096x768xf32, #tpu.memory_space<hbm>> -> memref<1x4096x768xf32, #tpu.memory_space<hbm>>
    %dma_wait3A_1516 = tpu.memref_squeeze %dma_wait3A_1515 : memref<1x4096x768xf32, #tpu.memory_space<hbm>> -> memref<4096x768xf32, #tpu.memory_space<hbm>>
    %dma_wait3A_1517 = arith.constant 0 : i32
    %dma_wait3A_1518 = tpu.memref_slice %dma_wait3A_1516[%add3A_262, %dma_wait3A_1517] : memref<4096x768xf32, #tpu.memory_space<hbm>> -> memref<16x768xf32, #tpu.memory_space<hbm>>
    %dma_wait3A_1519 = arith.constant 0 : i32
    %dma_wait3A_1520 = arith.constant 0 : i32
    %dma_wait3A_1521 = tpu.memref_slice %arg4[%dma_wait3A_1509, %dma_wait3A_1519, %dma_wait3A_1520] : memref<16x4096x768xf32, #tpu.memory_space<hbm>> -> memref<1x4096x768xf32, #tpu.memory_space<hbm>>
    %dma_wait3A_1522 = tpu.memref_squeeze %dma_wait3A_1521 : memref<1x4096x768xf32, #tpu.memory_space<hbm>> -> memref<4096x768xf32, #tpu.memory_space<hbm>>
    %dma_wait3A_1523 = arith.constant 0 : i32
    %dma_wait3A_1524 = tpu.memref_slice %dma_wait3A_1522[%add3A_262, %dma_wait3A_1523] : memref<4096x768xf32, #tpu.memory_space<hbm>> -> memref<16x768xf32, #tpu.memory_space<hbm>>
    %dma_wait3A_1525 = arith.constant 0 : i32
    %dma_wait3A_1526 = arith.constant 0 : i32
    %dma_wait3A_1527 = tpu.memref_slice %arg7[%dma_wait3A_1525, %dma_wait3A_1526] : memref<128x768xf32, #tpu.memory_space<vmem>> -> memref<16x768xf32, #tpu.memory_space<vmem>>
    tpu.wait_dma2 semaphore(%arg8 : memref<!tpu.dma_semaphore, #tpu.memory_space<semaphore_mem>>) src(%dma_wait3A_1527 : memref<16x768xf32, #tpu.memory_space<vmem>>) dst(%dma_wait3A_1524 : memref<16x768xf32, #tpu.memory_space<hbm>>)
    %dma_wait3A_1528 = arith.constant 7 : i32
    %dma_wait3A_1529 = arith.constant 0 : i32
    %dma_wait3A_1530 = arith.constant 0 : i32
    %dma_wait3A_1531 = tpu.memref_slice %arg7[%dma_wait3A_1529, %dma_wait3A_1530] : memref<128x768xf32, #tpu.memory_space<vmem>> -> memref<16x768xf32, #tpu.memory_space<vmem>>
    %dma_wait3A_1532 = arith.constant 0 : i32
    %dma_wait3A_1533 = arith.constant 0 : i32
    %dma_wait3A_1534 = tpu.memref_slice %arg4[%dma_wait3A_1528, %dma_wait3A_1532, %dma_wait3A_1533] : memref<16x4096x768xf32, #tpu.memory_space<hbm>> -> memref<1x4096x768xf32, #tpu.memory_space<hbm>>
    %dma_wait3A_1535 = tpu.memref_squeeze %dma_wait3A_1534 : memref<1x4096x768xf32, #tpu.memory_space<hbm>> -> memref<4096x768xf32, #tpu.memory_space<hbm>>
    %dma_wait3A_1536 = arith.constant 0 : i32
    %dma_wait3A_1537 = tpu.memref_slice %dma_wait3A_1535[%add3A_283, %dma_wait3A_1536] : memref<4096x768xf32, #tpu.memory_space<hbm>> -> memref<16x768xf32, #tpu.memory_space<hbm>>
    %dma_wait3A_1538 = arith.constant 0 : i32
    %dma_wait3A_1539 = arith.constant 0 : i32
    %dma_wait3A_1540 = tpu.memref_slice %arg4[%dma_wait3A_1528, %dma_wait3A_1538, %dma_wait3A_1539] : memref<16x4096x768xf32, #tpu.memory_space<hbm>> -> memref<1x4096x768xf32, #tpu.memory_space<hbm>>
    %dma_wait3A_1541 = tpu.memref_squeeze %dma_wait3A_1540 : memref<1x4096x768xf32, #tpu.memory_space<hbm>> -> memref<4096x768xf32, #tpu.memory_space<hbm>>
    %dma_wait3A_1542 = arith.constant 0 : i32
    %dma_wait3A_1543 = tpu.memref_slice %dma_wait3A_1541[%add3A_283, %dma_wait3A_1542] : memref<4096x768xf32, #tpu.memory_space<hbm>> -> memref<16x768xf32, #tpu.memory_space<hbm>>
    %dma_wait3A_1544 = arith.constant 0 : i32
    %dma_wait3A_1545 = arith.constant 0 : i32
    %dma_wait3A_1546 = tpu.memref_slice %arg7[%dma_wait3A_1544, %dma_wait3A_1545] : memref<128x768xf32, #tpu.memory_space<vmem>> -> memref<16x768xf32, #tpu.memory_space<vmem>>
    tpu.wait_dma2 semaphore(%arg8 : memref<!tpu.dma_semaphore, #tpu.memory_space<semaphore_mem>>) src(%dma_wait3A_1546 : memref<16x768xf32, #tpu.memory_space<vmem>>) dst(%dma_wait3A_1543 : memref<16x768xf32, #tpu.memory_space<hbm>>)
    %dma_wait3A_1547 = arith.constant 8 : i32
    %dma_wait3A_1548 = arith.constant 0 : i32
    %dma_wait3A_1549 = arith.constant 0 : i32
    %dma_wait3A_1550 = tpu.memref_slice %arg7[%dma_wait3A_1548, %dma_wait3A_1549] : memref<128x768xf32, #tpu.memory_space<vmem>> -> memref<16x768xf32, #tpu.memory_space<vmem>>
    %dma_wait3A_1551 = arith.constant 0 : i32
    %dma_wait3A_1552 = arith.constant 0 : i32
    %dma_wait3A_1553 = tpu.memref_slice %arg4[%dma_wait3A_1547, %dma_wait3A_1551, %dma_wait3A_1552] : memref<16x4096x768xf32, #tpu.memory_space<hbm>> -> memref<1x4096x768xf32, #tpu.memory_space<hbm>>
    %dma_wait3A_1554 = tpu.memref_squeeze %dma_wait3A_1553 : memref<1x4096x768xf32, #tpu.memory_space<hbm>> -> memref<4096x768xf32, #tpu.memory_space<hbm>>
    %dma_wait3A_1555 = arith.constant 0 : i32
    %dma_wait3A_1556 = tpu.memref_slice %dma_wait3A_1554[%add3A_304, %dma_wait3A_1555] : memref<4096x768xf32, #tpu.memory_space<hbm>> -> memref<16x768xf32, #tpu.memory_space<hbm>>
    %dma_wait3A_1557 = arith.constant 0 : i32
    %dma_wait3A_1558 = arith.constant 0 : i32
    %dma_wait3A_1559 = tpu.memref_slice %arg4[%dma_wait3A_1547, %dma_wait3A_1557, %dma_wait3A_1558] : memref<16x4096x768xf32, #tpu.memory_space<hbm>> -> memref<1x4096x768xf32, #tpu.memory_space<hbm>>
    %dma_wait3A_1560 = tpu.memref_squeeze %dma_wait3A_1559 : memref<1x4096x768xf32, #tpu.memory_space<hbm>> -> memref<4096x768xf32, #tpu.memory_space<hbm>>
    %dma_wait3A_1561 = arith.constant 0 : i32
    %dma_wait3A_1562 = tpu.memref_slice %dma_wait3A_1560[%add3A_304, %dma_wait3A_1561] : memref<4096x768xf32, #tpu.memory_space<hbm>> -> memref<16x768xf32, #tpu.memory_space<hbm>>
    %dma_wait3A_1563 = arith.constant 0 : i32
    %dma_wait3A_1564 = arith.constant 0 : i32
    %dma_wait3A_1565 = tpu.memref_slice %arg7[%dma_wait3A_1563, %dma_wait3A_1564] : memref<128x768xf32, #tpu.memory_space<vmem>> -> memref<16x768xf32, #tpu.memory_space<vmem>>
    tpu.wait_dma2 semaphore(%arg8 : memref<!tpu.dma_semaphore, #tpu.memory_space<semaphore_mem>>) src(%dma_wait3A_1565 : memref<16x768xf32, #tpu.memory_space<vmem>>) dst(%dma_wait3A_1562 : memref<16x768xf32, #tpu.memory_space<hbm>>)
    %dma_wait3A_1566 = arith.constant 9 : i32
    %dma_wait3A_1567 = arith.constant 0 : i32
    %dma_wait3A_1568 = arith.constant 0 : i32
    %dma_wait3A_1569 = tpu.memref_slice %arg7[%dma_wait3A_1567, %dma_wait3A_1568] : memref<128x768xf32, #tpu.memory_space<vmem>> -> memref<16x768xf32, #tpu.memory_space<vmem>>
    %dma_wait3A_1570 = arith.constant 0 : i32
    %dma_wait3A_1571 = arith.constant 0 : i32
    %dma_wait3A_1572 = tpu.memref_slice %arg4[%dma_wait3A_1566, %dma_wait3A_1570, %dma_wait3A_1571] : memref<16x4096x768xf32, #tpu.memory_space<hbm>> -> memref<1x4096x768xf32, #tpu.memory_space<hbm>>
    %dma_wait3A_1573 = tpu.memref_squeeze %dma_wait3A_1572 : memref<1x4096x768xf32, #tpu.memory_space<hbm>> -> memref<4096x768xf32, #tpu.memory_space<hbm>>
    %dma_wait3A_1574 = arith.constant 0 : i32
    %dma_wait3A_1575 = tpu.memref_slice %dma_wait3A_1573[%add3A_325, %dma_wait3A_1574] : memref<4096x768xf32, #tpu.memory_space<hbm>> -> memref<16x768xf32, #tpu.memory_space<hbm>>
    %dma_wait3A_1576 = arith.constant 0 : i32
    %dma_wait3A_1577 = arith.constant 0 : i32
    %dma_wait3A_1578 = tpu.memref_slice %arg4[%dma_wait3A_1566, %dma_wait3A_1576, %dma_wait3A_1577] : memref<16x4096x768xf32, #tpu.memory_space<hbm>> -> memref<1x4096x768xf32, #tpu.memory_space<hbm>>
    %dma_wait3A_1579 = tpu.memref_squeeze %dma_wait3A_1578 : memref<1x4096x768xf32, #tpu.memory_space<hbm>> -> memref<4096x768xf32, #tpu.memory_space<hbm>>
    %dma_wait3A_1580 = arith.constant 0 : i32
    %dma_wait3A_1581 = tpu.memref_slice %dma_wait3A_1579[%add3A_325, %dma_wait3A_1580] : memref<4096x768xf32, #tpu.memory_space<hbm>> -> memref<16x768xf32, #tpu.memory_space<hbm>>
    %dma_wait3A_1582 = arith.constant 0 : i32
    %dma_wait3A_1583 = arith.constant 0 : i32
    %dma_wait3A_1584 = tpu.memref_slice %arg7[%dma_wait3A_1582, %dma_wait3A_1583] : memref<128x768xf32, #tpu.memory_space<vmem>> -> memref<16x768xf32, #tpu.memory_space<vmem>>
    tpu.wait_dma2 semaphore(%arg8 : memref<!tpu.dma_semaphore, #tpu.memory_space<semaphore_mem>>) src(%dma_wait3A_1584 : memref<16x768xf32, #tpu.memory_space<vmem>>) dst(%dma_wait3A_1581 : memref<16x768xf32, #tpu.memory_space<hbm>>)
    %dma_wait3A_1585 = arith.constant 10 : i32
    %dma_wait3A_1586 = arith.constant 0 : i32
    %dma_wait3A_1587 = arith.constant 0 : i32
    %dma_wait3A_1588 = tpu.memref_slice %arg7[%dma_wait3A_1586, %dma_wait3A_1587] : memref<128x768xf32, #tpu.memory_space<vmem>> -> memref<16x768xf32, #tpu.memory_space<vmem>>
    %dma_wait3A_1589 = arith.constant 0 : i32
    %dma_wait3A_1590 = arith.constant 0 : i32
    %dma_wait3A_1591 = tpu.memref_slice %arg4[%dma_wait3A_1585, %dma_wait3A_1589, %dma_wait3A_1590] : memref<16x4096x768xf32, #tpu.memory_space<hbm>> -> memref<1x4096x768xf32, #tpu.memory_space<hbm>>
    %dma_wait3A_1592 = tpu.memref_squeeze %dma_wait3A_1591 : memref<1x4096x768xf32, #tpu.memory_space<hbm>> -> memref<4096x768xf32, #tpu.memory_space<hbm>>
    %dma_wait3A_1593 = arith.constant 0 : i32
    %dma_wait3A_1594 = tpu.memref_slice %dma_wait3A_1592[%add3A_346, %dma_wait3A_1593] : memref<4096x768xf32, #tpu.memory_space<hbm>> -> memref<16x768xf32, #tpu.memory_space<hbm>>
    %dma_wait3A_1595 = arith.constant 0 : i32
    %dma_wait3A_1596 = arith.constant 0 : i32
    %dma_wait3A_1597 = tpu.memref_slice %arg4[%dma_wait3A_1585, %dma_wait3A_1595, %dma_wait3A_1596] : memref<16x4096x768xf32, #tpu.memory_space<hbm>> -> memref<1x4096x768xf32, #tpu.memory_space<hbm>>
    %dma_wait3A_1598 = tpu.memref_squeeze %dma_wait3A_1597 : memref<1x4096x768xf32, #tpu.memory_space<hbm>> -> memref<4096x768xf32, #tpu.memory_space<hbm>>
    %dma_wait3A_1599 = arith.constant 0 : i32
    %dma_wait3A_1600 = tpu.memref_slice %dma_wait3A_1598[%add3A_346, %dma_wait3A_1599] : memref<4096x768xf32, #tpu.memory_space<hbm>> -> memref<16x768xf32, #tpu.memory_space<hbm>>
    %dma_wait3A_1601 = arith.constant 0 : i32
    %dma_wait3A_1602 = arith.constant 0 : i32
    %dma_wait3A_1603 = tpu.memref_slice %arg7[%dma_wait3A_1601, %dma_wait3A_1602] : memref<128x768xf32, #tpu.memory_space<vmem>> -> memref<16x768xf32, #tpu.memory_space<vmem>>
    tpu.wait_dma2 semaphore(%arg8 : memref<!tpu.dma_semaphore, #tpu.memory_space<semaphore_mem>>) src(%dma_wait3A_1603 : memref<16x768xf32, #tpu.memory_space<vmem>>) dst(%dma_wait3A_1600 : memref<16x768xf32, #tpu.memory_space<hbm>>)
    %dma_wait3A_1604 = arith.constant 11 : i32
    %dma_wait3A_1605 = arith.constant 0 : i32
    %dma_wait3A_1606 = arith.constant 0 : i32
    %dma_wait3A_1607 = tpu.memref_slice %arg7[%dma_wait3A_1605, %dma_wait3A_1606] : memref<128x768xf32, #tpu.memory_space<vmem>> -> memref<16x768xf32, #tpu.memory_space<vmem>>
    %dma_wait3A_1608 = arith.constant 0 : i32
    %dma_wait3A_1609 = arith.constant 0 : i32
    %dma_wait3A_1610 = tpu.memref_slice %arg4[%dma_wait3A_1604, %dma_wait3A_1608, %dma_wait3A_1609] : memref<16x4096x768xf32, #tpu.memory_space<hbm>> -> memref<1x4096x768xf32, #tpu.memory_space<hbm>>
    %dma_wait3A_1611 = tpu.memref_squeeze %dma_wait3A_1610 : memref<1x4096x768xf32, #tpu.memory_space<hbm>> -> memref<4096x768xf32, #tpu.memory_space<hbm>>
    %dma_wait3A_1612 = arith.constant 0 : i32
    %dma_wait3A_1613 = tpu.memref_slice %dma_wait3A_1611[%add3A_367, %dma_wait3A_1612] : memref<4096x768xf32, #tpu.memory_space<hbm>> -> memref<16x768xf32, #tpu.memory_space<hbm>>
    %dma_wait3A_1614 = arith.constant 0 : i32
    %dma_wait3A_1615 = arith.constant 0 : i32
    %dma_wait3A_1616 = tpu.memref_slice %arg4[%dma_wait3A_1604, %dma_wait3A_1614, %dma_wait3A_1615] : memref<16x4096x768xf32, #tpu.memory_space<hbm>> -> memref<1x4096x768xf32, #tpu.memory_space<hbm>>
    %dma_wait3A_1617 = tpu.memref_squeeze %dma_wait3A_1616 : memref<1x4096x768xf32, #tpu.memory_space<hbm>> -> memref<4096x768xf32, #tpu.memory_space<hbm>>
    %dma_wait3A_1618 = arith.constant 0 : i32
    %dma_wait3A_1619 = tpu.memref_slice %dma_wait3A_1617[%add3A_367, %dma_wait3A_1618] : memref<4096x768xf32, #tpu.memory_space<hbm>> -> memref<16x768xf32, #tpu.memory_space<hbm>>
    %dma_wait3A_1620 = arith.constant 0 : i32
    %dma_wait3A_1621 = arith.constant 0 : i32
    %dma_wait3A_1622 = tpu.memref_slice %arg7[%dma_wait3A_1620, %dma_wait3A_1621] : memref<128x768xf32, #tpu.memory_space<vmem>> -> memref<16x768xf32, #tpu.memory_space<vmem>>
    tpu.wait_dma2 semaphore(%arg8 : memref<!tpu.dma_semaphore, #tpu.memory_space<semaphore_mem>>) src(%dma_wait3A_1622 : memref<16x768xf32, #tpu.memory_space<vmem>>) dst(%dma_wait3A_1619 : memref<16x768xf32, #tpu.memory_space<hbm>>)
    %dma_wait3A_1623 = arith.constant 12 : i32
    %dma_wait3A_1624 = arith.constant 0 : i32
    %dma_wait3A_1625 = arith.constant 0 : i32
    %dma_wait3A_1626 = tpu.memref_slice %arg7[%dma_wait3A_1624, %dma_wait3A_1625] : memref<128x768xf32, #tpu.memory_space<vmem>> -> memref<16x768xf32, #tpu.memory_space<vmem>>
    %dma_wait3A_1627 = arith.constant 0 : i32
    %dma_wait3A_1628 = arith.constant 0 : i32
    %dma_wait3A_1629 = tpu.memref_slice %arg4[%dma_wait3A_1623, %dma_wait3A_1627, %dma_wait3A_1628] : memref<16x4096x768xf32, #tpu.memory_space<hbm>> -> memref<1x4096x768xf32, #tpu.memory_space<hbm>>
    %dma_wait3A_1630 = tpu.memref_squeeze %dma_wait3A_1629 : memref<1x4096x768xf32, #tpu.memory_space<hbm>> -> memref<4096x768xf32, #tpu.memory_space<hbm>>
    %dma_wait3A_1631 = arith.constant 0 : i32
    %dma_wait3A_1632 = tpu.memref_slice %dma_wait3A_1630[%add3A_388, %dma_wait3A_1631] : memref<4096x768xf32, #tpu.memory_space<hbm>> -> memref<16x768xf32, #tpu.memory_space<hbm>>
    %dma_wait3A_1633 = arith.constant 0 : i32
    %dma_wait3A_1634 = arith.constant 0 : i32
    %dma_wait3A_1635 = tpu.memref_slice %arg4[%dma_wait3A_1623, %dma_wait3A_1633, %dma_wait3A_1634] : memref<16x4096x768xf32, #tpu.memory_space<hbm>> -> memref<1x4096x768xf32, #tpu.memory_space<hbm>>
    %dma_wait3A_1636 = tpu.memref_squeeze %dma_wait3A_1635 : memref<1x4096x768xf32, #tpu.memory_space<hbm>> -> memref<4096x768xf32, #tpu.memory_space<hbm>>
    %dma_wait3A_1637 = arith.constant 0 : i32
    %dma_wait3A_1638 = tpu.memref_slice %dma_wait3A_1636[%add3A_388, %dma_wait3A_1637] : memref<4096x768xf32, #tpu.memory_space<hbm>> -> memref<16x768xf32, #tpu.memory_space<hbm>>
    %dma_wait3A_1639 = arith.constant 0 : i32
    %dma_wait3A_1640 = arith.constant 0 : i32
    %dma_wait3A_1641 = tpu.memref_slice %arg7[%dma_wait3A_1639, %dma_wait3A_1640] : memref<128x768xf32, #tpu.memory_space<vmem>> -> memref<16x768xf32, #tpu.memory_space<vmem>>
    tpu.wait_dma2 semaphore(%arg8 : memref<!tpu.dma_semaphore, #tpu.memory_space<semaphore_mem>>) src(%dma_wait3A_1641 : memref<16x768xf32, #tpu.memory_space<vmem>>) dst(%dma_wait3A_1638 : memref<16x768xf32, #tpu.memory_space<hbm>>)
    %dma_wait3A_1642 = arith.constant 13 : i32
    %dma_wait3A_1643 = arith.constant 0 : i32
    %dma_wait3A_1644 = arith.constant 0 : i32
    %dma_wait3A_1645 = tpu.memref_slice %arg7[%dma_wait3A_1643, %dma_wait3A_1644] : memref<128x768xf32, #tpu.memory_space<vmem>> -> memref<16x768xf32, #tpu.memory_space<vmem>>
    %dma_wait3A_1646 = arith.constant 0 : i32
    %dma_wait3A_1647 = arith.constant 0 : i32
    %dma_wait3A_1648 = tpu.memref_slice %arg4[%dma_wait3A_1642, %dma_wait3A_1646, %dma_wait3A_1647] : memref<16x4096x768xf32, #tpu.memory_space<hbm>> -> memref<1x4096x768xf32, #tpu.memory_space<hbm>>
    %dma_wait3A_1649 = tpu.memref_squeeze %dma_wait3A_1648 : memref<1x4096x768xf32, #tpu.memory_space<hbm>> -> memref<4096x768xf32, #tpu.memory_space<hbm>>
    %dma_wait3A_1650 = arith.constant 0 : i32
    %dma_wait3A_1651 = tpu.memref_slice %dma_wait3A_1649[%add3A_409, %dma_wait3A_1650] : memref<4096x768xf32, #tpu.memory_space<hbm>> -> memref<16x768xf32, #tpu.memory_space<hbm>>
    %dma_wait3A_1652 = arith.constant 0 : i32
    %dma_wait3A_1653 = arith.constant 0 : i32
    %dma_wait3A_1654 = tpu.memref_slice %arg4[%dma_wait3A_1642, %dma_wait3A_1652, %dma_wait3A_1653] : memref<16x4096x768xf32, #tpu.memory_space<hbm>> -> memref<1x4096x768xf32, #tpu.memory_space<hbm>>
    %dma_wait3A_1655 = tpu.memref_squeeze %dma_wait3A_1654 : memref<1x4096x768xf32, #tpu.memory_space<hbm>> -> memref<4096x768xf32, #tpu.memory_space<hbm>>
    %dma_wait3A_1656 = arith.constant 0 : i32
    %dma_wait3A_1657 = tpu.memref_slice %dma_wait3A_1655[%add3A_409, %dma_wait3A_1656] : memref<4096x768xf32, #tpu.memory_space<hbm>> -> memref<16x768xf32, #tpu.memory_space<hbm>>
    %dma_wait3A_1658 = arith.constant 0 : i32
    %dma_wait3A_1659 = arith.constant 0 : i32
    %dma_wait3A_1660 = tpu.memref_slice %arg7[%dma_wait3A_1658, %dma_wait3A_1659] : memref<128x768xf32, #tpu.memory_space<vmem>> -> memref<16x768xf32, #tpu.memory_space<vmem>>
    tpu.wait_dma2 semaphore(%arg8 : memref<!tpu.dma_semaphore, #tpu.memory_space<semaphore_mem>>) src(%dma_wait3A_1660 : memref<16x768xf32, #tpu.memory_space<vmem>>) dst(%dma_wait3A_1657 : memref<16x768xf32, #tpu.memory_space<hbm>>)
    %dma_wait3A_1661 = arith.constant 14 : i32
    %dma_wait3A_1662 = arith.constant 0 : i32
    %dma_wait3A_1663 = arith.constant 0 : i32
    %dma_wait3A_1664 = tpu.memref_slice %arg7[%dma_wait3A_1662, %dma_wait3A_1663] : memref<128x768xf32, #tpu.memory_space<vmem>> -> memref<16x768xf32, #tpu.memory_space<vmem>>
    %dma_wait3A_1665 = arith.constant 0 : i32
    %dma_wait3A_1666 = arith.constant 0 : i32
    %dma_wait3A_1667 = tpu.memref_slice %arg4[%dma_wait3A_1661, %dma_wait3A_1665, %dma_wait3A_1666] : memref<16x4096x768xf32, #tpu.memory_space<hbm>> -> memref<1x4096x768xf32, #tpu.memory_space<hbm>>
    %dma_wait3A_1668 = tpu.memref_squeeze %dma_wait3A_1667 : memref<1x4096x768xf32, #tpu.memory_space<hbm>> -> memref<4096x768xf32, #tpu.memory_space<hbm>>
    %dma_wait3A_1669 = arith.constant 0 : i32
    %dma_wait3A_1670 = tpu.memref_slice %dma_wait3A_1668[%add3A_430, %dma_wait3A_1669] : memref<4096x768xf32, #tpu.memory_space<hbm>> -> memref<16x768xf32, #tpu.memory_space<hbm>>
    %dma_wait3A_1671 = arith.constant 0 : i32
    %dma_wait3A_1672 = arith.constant 0 : i32
    %dma_wait3A_1673 = tpu.memref_slice %arg4[%dma_wait3A_1661, %dma_wait3A_1671, %dma_wait3A_1672] : memref<16x4096x768xf32, #tpu.memory_space<hbm>> -> memref<1x4096x768xf32, #tpu.memory_space<hbm>>
    %dma_wait3A_1674 = tpu.memref_squeeze %dma_wait3A_1673 : memref<1x4096x768xf32, #tpu.memory_space<hbm>> -> memref<4096x768xf32, #tpu.memory_space<hbm>>
    %dma_wait3A_1675 = arith.constant 0 : i32
    %dma_wait3A_1676 = tpu.memref_slice %dma_wait3A_1674[%add3A_430, %dma_wait3A_1675] : memref<4096x768xf32, #tpu.memory_space<hbm>> -> memref<16x768xf32, #tpu.memory_space<hbm>>
    %dma_wait3A_1677 = arith.constant 0 : i32
    %dma_wait3A_1678 = arith.constant 0 : i32
    %dma_wait3A_1679 = tpu.memref_slice %arg7[%dma_wait3A_1677, %dma_wait3A_1678] : memref<128x768xf32, #tpu.memory_space<vmem>> -> memref<16x768xf32, #tpu.memory_space<vmem>>
    tpu.wait_dma2 semaphore(%arg8 : memref<!tpu.dma_semaphore, #tpu.memory_space<semaphore_mem>>) src(%dma_wait3A_1679 : memref<16x768xf32, #tpu.memory_space<vmem>>) dst(%dma_wait3A_1676 : memref<16x768xf32, #tpu.memory_space<hbm>>)
    %dma_wait3A_1680 = arith.constant 15 : i32
    %dma_wait3A_1681 = arith.constant 0 : i32
    %dma_wait3A_1682 = arith.constant 0 : i32
    %dma_wait3A_1683 = tpu.memref_slice %arg7[%dma_wait3A_1681, %dma_wait3A_1682] : memref<128x768xf32, #tpu.memory_space<vmem>> -> memref<16x768xf32, #tpu.memory_space<vmem>>
    %dma_wait3A_1684 = arith.constant 0 : i32
    %dma_wait3A_1685 = arith.constant 0 : i32
    %dma_wait3A_1686 = tpu.memref_slice %arg4[%dma_wait3A_1680, %dma_wait3A_1684, %dma_wait3A_1685] : memref<16x4096x768xf32, #tpu.memory_space<hbm>> -> memref<1x4096x768xf32, #tpu.memory_space<hbm>>
    %dma_wait3A_1687 = tpu.memref_squeeze %dma_wait3A_1686 : memref<1x4096x768xf32, #tpu.memory_space<hbm>> -> memref<4096x768xf32, #tpu.memory_space<hbm>>
    %dma_wait3A_1688 = arith.constant 0 : i32
    %dma_wait3A_1689 = tpu.memref_slice %dma_wait3A_1687[%add3A_451, %dma_wait3A_1688] : memref<4096x768xf32, #tpu.memory_space<hbm>> -> memref<16x768xf32, #tpu.memory_space<hbm>>
    %dma_wait3A_1690 = arith.constant 0 : i32
    %dma_wait3A_1691 = arith.constant 0 : i32
    %dma_wait3A_1692 = tpu.memref_slice %arg4[%dma_wait3A_1680, %dma_wait3A_1690, %dma_wait3A_1691] : memref<16x4096x768xf32, #tpu.memory_space<hbm>> -> memref<1x4096x768xf32, #tpu.memory_space<hbm>>
    %dma_wait3A_1693 = tpu.memref_squeeze %dma_wait3A_1692 : memref<1x4096x768xf32, #tpu.memory_space<hbm>> -> memref<4096x768xf32, #tpu.memory_space<hbm>>
    %dma_wait3A_1694 = arith.constant 0 : i32
    %dma_wait3A_1695 = tpu.memref_slice %dma_wait3A_1693[%add3A_451, %dma_wait3A_1694] : memref<4096x768xf32, #tpu.memory_space<hbm>> -> memref<16x768xf32, #tpu.memory_space<hbm>>
    %dma_wait3A_1696 = arith.constant 0 : i32
    %dma_wait3A_1697 = arith.constant 0 : i32
    %dma_wait3A_1698 = tpu.memref_slice %arg7[%dma_wait3A_1696, %dma_wait3A_1697] : memref<128x768xf32, #tpu.memory_space<vmem>> -> memref<16x768xf32, #tpu.memory_space<vmem>>
    tpu.wait_dma2 semaphore(%arg8 : memref<!tpu.dma_semaphore, #tpu.memory_space<semaphore_mem>>) src(%dma_wait3A_1698 : memref<16x768xf32, #tpu.memory_space<vmem>>) dst(%dma_wait3A_1695 : memref<16x768xf32, #tpu.memory_space<hbm>>)
    %dma_wait3A_1699 = arith.constant 0 : i32
    %dma_wait3A_1700 = arith.constant 16 : i32
    %dma_wait3A_1701 = arith.constant 0 : i32
    %dma_wait3A_1702 = tpu.memref_slice %arg7[%dma_wait3A_1700, %dma_wait3A_1701] : memref<128x768xf32, #tpu.memory_space<vmem>> -> memref<48x768xf32, #tpu.memory_space<vmem>>
    %dma_wait3A_1703 = arith.constant 0 : i32
    %dma_wait3A_1704 = arith.constant 0 : i32
    %dma_wait3A_1705 = tpu.memref_slice %arg4[%dma_wait3A_1699, %dma_wait3A_1703, %dma_wait3A_1704] : memref<16x4096x768xf32, #tpu.memory_space<hbm>> -> memref<1x4096x768xf32, #tpu.memory_space<hbm>>
    %dma_wait3A_1706 = tpu.memref_squeeze %dma_wait3A_1705 : memref<1x4096x768xf32, #tpu.memory_space<hbm>> -> memref<4096x768xf32, #tpu.memory_space<hbm>>
    %dma_wait3A_1707 = arith.constant 0 : i32
    %dma_wait3A_1708 = tpu.memref_slice %dma_wait3A_1706[%add3A_598, %dma_wait3A_1707] : memref<4096x768xf32, #tpu.memory_space<hbm>> -> memref<48x768xf32, #tpu.memory_space<hbm>>
    %dma_wait3A_1709 = arith.constant 0 : i32
    %dma_wait3A_1710 = arith.constant 0 : i32
    %dma_wait3A_1711 = tpu.memref_slice %arg4[%dma_wait3A_1699, %dma_wait3A_1709, %dma_wait3A_1710] : memref<16x4096x768xf32, #tpu.memory_space<hbm>> -> memref<1x4096x768xf32, #tpu.memory_space<hbm>>
    %dma_wait3A_1712 = tpu.memref_squeeze %dma_wait3A_1711 : memref<1x4096x768xf32, #tpu.memory_space<hbm>> -> memref<4096x768xf32, #tpu.memory_space<hbm>>
    %dma_wait3A_1713 = arith.constant 0 : i32
    %dma_wait3A_1714 = tpu.memref_slice %dma_wait3A_1712[%add3A_598, %dma_wait3A_1713] : memref<4096x768xf32, #tpu.memory_space<hbm>> -> memref<48x768xf32, #tpu.memory_space<hbm>>
    %dma_wait3A_1715 = arith.constant 16 : i32
    %dma_wait3A_1716 = arith.constant 0 : i32
    %dma_wait3A_1717 = tpu.memref_slice %arg7[%dma_wait3A_1715, %dma_wait3A_1716] : memref<128x768xf32, #tpu.memory_space<vmem>> -> memref<48x768xf32, #tpu.memory_space<vmem>>
    tpu.wait_dma2 semaphore(%arg8 : memref<!tpu.dma_semaphore, #tpu.memory_space<semaphore_mem>>) src(%dma_wait3A_1717 : memref<48x768xf32, #tpu.memory_space<vmem>>) dst(%dma_wait3A_1714 : memref<48x768xf32, #tpu.memory_space<hbm>>)
    %dma_wait3A_1718 = arith.constant 1 : i32
    %dma_wait3A_1719 = arith.constant 16 : i32
    %dma_wait3A_1720 = arith.constant 0 : i32
    %dma_wait3A_1721 = tpu.memref_slice %arg7[%dma_wait3A_1719, %dma_wait3A_1720] : memref<128x768xf32, #tpu.memory_space<vmem>> -> memref<48x768xf32, #tpu.memory_space<vmem>>
    %dma_wait3A_1722 = arith.constant 0 : i32
    %dma_wait3A_1723 = arith.constant 0 : i32
    %dma_wait3A_1724 = tpu.memref_slice %arg4[%dma_wait3A_1718, %dma_wait3A_1722, %dma_wait3A_1723] : memref<16x4096x768xf32, #tpu.memory_space<hbm>> -> memref<1x4096x768xf32, #tpu.memory_space<hbm>>
    %dma_wait3A_1725 = tpu.memref_squeeze %dma_wait3A_1724 : memref<1x4096x768xf32, #tpu.memory_space<hbm>> -> memref<4096x768xf32, #tpu.memory_space<hbm>>
    %dma_wait3A_1726 = arith.constant 0 : i32
    %dma_wait3A_1727 = tpu.memref_slice %dma_wait3A_1725[%add3A_619, %dma_wait3A_1726] : memref<4096x768xf32, #tpu.memory_space<hbm>> -> memref<48x768xf32, #tpu.memory_space<hbm>>
    %dma_wait3A_1728 = arith.constant 0 : i32
    %dma_wait3A_1729 = arith.constant 0 : i32
    %dma_wait3A_1730 = tpu.memref_slice %arg4[%dma_wait3A_1718, %dma_wait3A_1728, %dma_wait3A_1729] : memref<16x4096x768xf32, #tpu.memory_space<hbm>> -> memref<1x4096x768xf32, #tpu.memory_space<hbm>>
    %dma_wait3A_1731 = tpu.memref_squeeze %dma_wait3A_1730 : memref<1x4096x768xf32, #tpu.memory_space<hbm>> -> memref<4096x768xf32, #tpu.memory_space<hbm>>
    %dma_wait3A_1732 = arith.constant 0 : i32
    %dma_wait3A_1733 = tpu.memref_slice %dma_wait3A_1731[%add3A_619, %dma_wait3A_1732] : memref<4096x768xf32, #tpu.memory_space<hbm>> -> memref<48x768xf32, #tpu.memory_space<hbm>>
    %dma_wait3A_1734 = arith.constant 16 : i32
    %dma_wait3A_1735 = arith.constant 0 : i32
    %dma_wait3A_1736 = tpu.memref_slice %arg7[%dma_wait3A_1734, %dma_wait3A_1735] : memref<128x768xf32, #tpu.memory_space<vmem>> -> memref<48x768xf32, #tpu.memory_space<vmem>>
    tpu.wait_dma2 semaphore(%arg8 : memref<!tpu.dma_semaphore, #tpu.memory_space<semaphore_mem>>) src(%dma_wait3A_1736 : memref<48x768xf32, #tpu.memory_space<vmem>>) dst(%dma_wait3A_1733 : memref<48x768xf32, #tpu.memory_space<hbm>>)
    %dma_wait3A_1737 = arith.constant 2 : i32
    %dma_wait3A_1738 = arith.constant 16 : i32
    %dma_wait3A_1739 = arith.constant 0 : i32
    %dma_wait3A_1740 = tpu.memref_slice %arg7[%dma_wait3A_1738, %dma_wait3A_1739] : memref<128x768xf32, #tpu.memory_space<vmem>> -> memref<48x768xf32, #tpu.memory_space<vmem>>
    %dma_wait3A_1741 = arith.constant 0 : i32
    %dma_wait3A_1742 = arith.constant 0 : i32
    %dma_wait3A_1743 = tpu.memref_slice %arg4[%dma_wait3A_1737, %dma_wait3A_1741, %dma_wait3A_1742] : memref<16x4096x768xf32, #tpu.memory_space<hbm>> -> memref<1x4096x768xf32, #tpu.memory_space<hbm>>
    %dma_wait3A_1744 = tpu.memref_squeeze %dma_wait3A_1743 : memref<1x4096x768xf32, #tpu.memory_space<hbm>> -> memref<4096x768xf32, #tpu.memory_space<hbm>>
    %dma_wait3A_1745 = arith.constant 0 : i32
    %dma_wait3A_1746 = tpu.memref_slice %dma_wait3A_1744[%add3A_640, %dma_wait3A_1745] : memref<4096x768xf32, #tpu.memory_space<hbm>> -> memref<48x768xf32, #tpu.memory_space<hbm>>
    %dma_wait3A_1747 = arith.constant 0 : i32
    %dma_wait3A_1748 = arith.constant 0 : i32
    %dma_wait3A_1749 = tpu.memref_slice %arg4[%dma_wait3A_1737, %dma_wait3A_1747, %dma_wait3A_1748] : memref<16x4096x768xf32, #tpu.memory_space<hbm>> -> memref<1x4096x768xf32, #tpu.memory_space<hbm>>
    %dma_wait3A_1750 = tpu.memref_squeeze %dma_wait3A_1749 : memref<1x4096x768xf32, #tpu.memory_space<hbm>> -> memref<4096x768xf32, #tpu.memory_space<hbm>>
    %dma_wait3A_1751 = arith.constant 0 : i32
    %dma_wait3A_1752 = tpu.memref_slice %dma_wait3A_1750[%add3A_640, %dma_wait3A_1751] : memref<4096x768xf32, #tpu.memory_space<hbm>> -> memref<48x768xf32, #tpu.memory_space<hbm>>
    %dma_wait3A_1753 = arith.constant 16 : i32
    %dma_wait3A_1754 = arith.constant 0 : i32
    %dma_wait3A_1755 = tpu.memref_slice %arg7[%dma_wait3A_1753, %dma_wait3A_1754] : memref<128x768xf32, #tpu.memory_space<vmem>> -> memref<48x768xf32, #tpu.memory_space<vmem>>
    tpu.wait_dma2 semaphore(%arg8 : memref<!tpu.dma_semaphore, #tpu.memory_space<semaphore_mem>>) src(%dma_wait3A_1755 : memref<48x768xf32, #tpu.memory_space<vmem>>) dst(%dma_wait3A_1752 : memref<48x768xf32, #tpu.memory_space<hbm>>)
    %dma_wait3A_1756 = arith.constant 3 : i32
    %dma_wait3A_1757 = arith.constant 16 : i32
    %dma_wait3A_1758 = arith.constant 0 : i32
    %dma_wait3A_1759 = tpu.memref_slice %arg7[%dma_wait3A_1757, %dma_wait3A_1758] : memref<128x768xf32, #tpu.memory_space<vmem>> -> memref<48x768xf32, #tpu.memory_space<vmem>>
    %dma_wait3A_1760 = arith.constant 0 : i32
    %dma_wait3A_1761 = arith.constant 0 : i32
    %dma_wait3A_1762 = tpu.memref_slice %arg4[%dma_wait3A_1756, %dma_wait3A_1760, %dma_wait3A_1761] : memref<16x4096x768xf32, #tpu.memory_space<hbm>> -> memref<1x4096x768xf32, #tpu.memory_space<hbm>>
    %dma_wait3A_1763 = tpu.memref_squeeze %dma_wait3A_1762 : memref<1x4096x768xf32, #tpu.memory_space<hbm>> -> memref<4096x768xf32, #tpu.memory_space<hbm>>
    %dma_wait3A_1764 = arith.constant 0 : i32
    %dma_wait3A_1765 = tpu.memref_slice %dma_wait3A_1763[%add3A_661, %dma_wait3A_1764] : memref<4096x768xf32, #tpu.memory_space<hbm>> -> memref<48x768xf32, #tpu.memory_space<hbm>>
    %dma_wait3A_1766 = arith.constant 0 : i32
    %dma_wait3A_1767 = arith.constant 0 : i32
    %dma_wait3A_1768 = tpu.memref_slice %arg4[%dma_wait3A_1756, %dma_wait3A_1766, %dma_wait3A_1767] : memref<16x4096x768xf32, #tpu.memory_space<hbm>> -> memref<1x4096x768xf32, #tpu.memory_space<hbm>>
    %dma_wait3A_1769 = tpu.memref_squeeze %dma_wait3A_1768 : memref<1x4096x768xf32, #tpu.memory_space<hbm>> -> memref<4096x768xf32, #tpu.memory_space<hbm>>
    %dma_wait3A_1770 = arith.constant 0 : i32
    %dma_wait3A_1771 = tpu.memref_slice %dma_wait3A_1769[%add3A_661, %dma_wait3A_1770] : memref<4096x768xf32, #tpu.memory_space<hbm>> -> memref<48x768xf32, #tpu.memory_space<hbm>>
    %dma_wait3A_1772 = arith.constant 16 : i32
    %dma_wait3A_1773 = arith.constant 0 : i32
    %dma_wait3A_1774 = tpu.memref_slice %arg7[%dma_wait3A_1772, %dma_wait3A_1773] : memref<128x768xf32, #tpu.memory_space<vmem>> -> memref<48x768xf32, #tpu.memory_space<vmem>>
    tpu.wait_dma2 semaphore(%arg8 : memref<!tpu.dma_semaphore, #tpu.memory_space<semaphore_mem>>) src(%dma_wait3A_1774 : memref<48x768xf32, #tpu.memory_space<vmem>>) dst(%dma_wait3A_1771 : memref<48x768xf32, #tpu.memory_space<hbm>>)
    %dma_wait3A_1775 = arith.constant 4 : i32
    %dma_wait3A_1776 = arith.constant 16 : i32
    %dma_wait3A_1777 = arith.constant 0 : i32
    %dma_wait3A_1778 = tpu.memref_slice %arg7[%dma_wait3A_1776, %dma_wait3A_1777] : memref<128x768xf32, #tpu.memory_space<vmem>> -> memref<48x768xf32, #tpu.memory_space<vmem>>
    %dma_wait3A_1779 = arith.constant 0 : i32
    %dma_wait3A_1780 = arith.constant 0 : i32
    %dma_wait3A_1781 = tpu.memref_slice %arg4[%dma_wait3A_1775, %dma_wait3A_1779, %dma_wait3A_1780] : memref<16x4096x768xf32, #tpu.memory_space<hbm>> -> memref<1x4096x768xf32, #tpu.memory_space<hbm>>
    %dma_wait3A_1782 = tpu.memref_squeeze %dma_wait3A_1781 : memref<1x4096x768xf32, #tpu.memory_space<hbm>> -> memref<4096x768xf32, #tpu.memory_space<hbm>>
    %dma_wait3A_1783 = arith.constant 0 : i32
    %dma_wait3A_1784 = tpu.memref_slice %dma_wait3A_1782[%add3A_682, %dma_wait3A_1783] : memref<4096x768xf32, #tpu.memory_space<hbm>> -> memref<48x768xf32, #tpu.memory_space<hbm>>
    %dma_wait3A_1785 = arith.constant 0 : i32
    %dma_wait3A_1786 = arith.constant 0 : i32
    %dma_wait3A_1787 = tpu.memref_slice %arg4[%dma_wait3A_1775, %dma_wait3A_1785, %dma_wait3A_1786] : memref<16x4096x768xf32, #tpu.memory_space<hbm>> -> memref<1x4096x768xf32, #tpu.memory_space<hbm>>
    %dma_wait3A_1788 = tpu.memref_squeeze %dma_wait3A_1787 : memref<1x4096x768xf32, #tpu.memory_space<hbm>> -> memref<4096x768xf32, #tpu.memory_space<hbm>>
    %dma_wait3A_1789 = arith.constant 0 : i32
    %dma_wait3A_1790 = tpu.memref_slice %dma_wait3A_1788[%add3A_682, %dma_wait3A_1789] : memref<4096x768xf32, #tpu.memory_space<hbm>> -> memref<48x768xf32, #tpu.memory_space<hbm>>
    %dma_wait3A_1791 = arith.constant 16 : i32
    %dma_wait3A_1792 = arith.constant 0 : i32
    %dma_wait3A_1793 = tpu.memref_slice %arg7[%dma_wait3A_1791, %dma_wait3A_1792] : memref<128x768xf32, #tpu.memory_space<vmem>> -> memref<48x768xf32, #tpu.memory_space<vmem>>
    tpu.wait_dma2 semaphore(%arg8 : memref<!tpu.dma_semaphore, #tpu.memory_space<semaphore_mem>>) src(%dma_wait3A_1793 : memref<48x768xf32, #tpu.memory_space<vmem>>) dst(%dma_wait3A_1790 : memref<48x768xf32, #tpu.memory_space<hbm>>)
    %dma_wait3A_1794 = arith.constant 5 : i32
    %dma_wait3A_1795 = arith.constant 16 : i32
    %dma_wait3A_1796 = arith.constant 0 : i32
    %dma_wait3A_1797 = tpu.memref_slice %arg7[%dma_wait3A_1795, %dma_wait3A_1796] : memref<128x768xf32, #tpu.memory_space<vmem>> -> memref<48x768xf32, #tpu.memory_space<vmem>>
    %dma_wait3A_1798 = arith.constant 0 : i32
    %dma_wait3A_1799 = arith.constant 0 : i32
    %dma_wait3A_1800 = tpu.memref_slice %arg4[%dma_wait3A_1794, %dma_wait3A_1798, %dma_wait3A_1799] : memref<16x4096x768xf32, #tpu.memory_space<hbm>> -> memref<1x4096x768xf32, #tpu.memory_space<hbm>>
    %dma_wait3A_1801 = tpu.memref_squeeze %dma_wait3A_1800 : memref<1x4096x768xf32, #tpu.memory_space<hbm>> -> memref<4096x768xf32, #tpu.memory_space<hbm>>
    %dma_wait3A_1802 = arith.constant 0 : i32
    %dma_wait3A_1803 = tpu.memref_slice %dma_wait3A_1801[%add3A_703, %dma_wait3A_1802] : memref<4096x768xf32, #tpu.memory_space<hbm>> -> memref<48x768xf32, #tpu.memory_space<hbm>>
    %dma_wait3A_1804 = arith.constant 0 : i32
    %dma_wait3A_1805 = arith.constant 0 : i32
    %dma_wait3A_1806 = tpu.memref_slice %arg4[%dma_wait3A_1794, %dma_wait3A_1804, %dma_wait3A_1805] : memref<16x4096x768xf32, #tpu.memory_space<hbm>> -> memref<1x4096x768xf32, #tpu.memory_space<hbm>>
    %dma_wait3A_1807 = tpu.memref_squeeze %dma_wait3A_1806 : memref<1x4096x768xf32, #tpu.memory_space<hbm>> -> memref<4096x768xf32, #tpu.memory_space<hbm>>
    %dma_wait3A_1808 = arith.constant 0 : i32
    %dma_wait3A_1809 = tpu.memref_slice %dma_wait3A_1807[%add3A_703, %dma_wait3A_1808] : memref<4096x768xf32, #tpu.memory_space<hbm>> -> memref<48x768xf32, #tpu.memory_space<hbm>>
    %dma_wait3A_1810 = arith.constant 16 : i32
    %dma_wait3A_1811 = arith.constant 0 : i32
    %dma_wait3A_1812 = tpu.memref_slice %arg7[%dma_wait3A_1810, %dma_wait3A_1811] : memref<128x768xf32, #tpu.memory_space<vmem>> -> memref<48x768xf32, #tpu.memory_space<vmem>>
    tpu.wait_dma2 semaphore(%arg8 : memref<!tpu.dma_semaphore, #tpu.memory_space<semaphore_mem>>) src(%dma_wait3A_1812 : memref<48x768xf32, #tpu.memory_space<vmem>>) dst(%dma_wait3A_1809 : memref<48x768xf32, #tpu.memory_space<hbm>>)
    %dma_wait3A_1813 = arith.constant 6 : i32
    %dma_wait3A_1814 = arith.constant 16 : i32
    %dma_wait3A_1815 = arith.constant 0 : i32
    %dma_wait3A_1816 = tpu.memref_slice %arg7[%dma_wait3A_1814, %dma_wait3A_1815] : memref<128x768xf32, #tpu.memory_space<vmem>> -> memref<48x768xf32, #tpu.memory_space<vmem>>
    %dma_wait3A_1817 = arith.constant 0 : i32
    %dma_wait3A_1818 = arith.constant 0 : i32
    %dma_wait3A_1819 = tpu.memref_slice %arg4[%dma_wait3A_1813, %dma_wait3A_1817, %dma_wait3A_1818] : memref<16x4096x768xf32, #tpu.memory_space<hbm>> -> memref<1x4096x768xf32, #tpu.memory_space<hbm>>
    %dma_wait3A_1820 = tpu.memref_squeeze %dma_wait3A_1819 : memref<1x4096x768xf32, #tpu.memory_space<hbm>> -> memref<4096x768xf32, #tpu.memory_space<hbm>>
    %dma_wait3A_1821 = arith.constant 0 : i32
    %dma_wait3A_1822 = tpu.memref_slice %dma_wait3A_1820[%add3A_724, %dma_wait3A_1821] : memref<4096x768xf32, #tpu.memory_space<hbm>> -> memref<48x768xf32, #tpu.memory_space<hbm>>
    %dma_wait3A_1823 = arith.constant 0 : i32
    %dma_wait3A_1824 = arith.constant 0 : i32
    %dma_wait3A_1825 = tpu.memref_slice %arg4[%dma_wait3A_1813, %dma_wait3A_1823, %dma_wait3A_1824] : memref<16x4096x768xf32, #tpu.memory_space<hbm>> -> memref<1x4096x768xf32, #tpu.memory_space<hbm>>
    %dma_wait3A_1826 = tpu.memref_squeeze %dma_wait3A_1825 : memref<1x4096x768xf32, #tpu.memory_space<hbm>> -> memref<4096x768xf32, #tpu.memory_space<hbm>>
    %dma_wait3A_1827 = arith.constant 0 : i32
    %dma_wait3A_1828 = tpu.memref_slice %dma_wait3A_1826[%add3A_724, %dma_wait3A_1827] : memref<4096x768xf32, #tpu.memory_space<hbm>> -> memref<48x768xf32, #tpu.memory_space<hbm>>
    %dma_wait3A_1829 = arith.constant 16 : i32
    %dma_wait3A_1830 = arith.constant 0 : i32
    %dma_wait3A_1831 = tpu.memref_slice %arg7[%dma_wait3A_1829, %dma_wait3A_1830] : memref<128x768xf32, #tpu.memory_space<vmem>> -> memref<48x768xf32, #tpu.memory_space<vmem>>
    tpu.wait_dma2 semaphore(%arg8 : memref<!tpu.dma_semaphore, #tpu.memory_space<semaphore_mem>>) src(%dma_wait3A_1831 : memref<48x768xf32, #tpu.memory_space<vmem>>) dst(%dma_wait3A_1828 : memref<48x768xf32, #tpu.memory_space<hbm>>)
    %dma_wait3A_1832 = arith.constant 7 : i32
    %dma_wait3A_1833 = arith.constant 16 : i32
    %dma_wait3A_1834 = arith.constant 0 : i32
    %dma_wait3A_1835 = tpu.memref_slice %arg7[%dma_wait3A_1833, %dma_wait3A_1834] : memref<128x768xf32, #tpu.memory_space<vmem>> -> memref<48x768xf32, #tpu.memory_space<vmem>>
    %dma_wait3A_1836 = arith.constant 0 : i32
    %dma_wait3A_1837 = arith.constant 0 : i32
    %dma_wait3A_1838 = tpu.memref_slice %arg4[%dma_wait3A_1832, %dma_wait3A_1836, %dma_wait3A_1837] : memref<16x4096x768xf32, #tpu.memory_space<hbm>> -> memref<1x4096x768xf32, #tpu.memory_space<hbm>>
    %dma_wait3A_1839 = tpu.memref_squeeze %dma_wait3A_1838 : memref<1x4096x768xf32, #tpu.memory_space<hbm>> -> memref<4096x768xf32, #tpu.memory_space<hbm>>
    %dma_wait3A_1840 = arith.constant 0 : i32
    %dma_wait3A_1841 = tpu.memref_slice %dma_wait3A_1839[%add3A_745, %dma_wait3A_1840] : memref<4096x768xf32, #tpu.memory_space<hbm>> -> memref<48x768xf32, #tpu.memory_space<hbm>>
    %dma_wait3A_1842 = arith.constant 0 : i32
    %dma_wait3A_1843 = arith.constant 0 : i32
    %dma_wait3A_1844 = tpu.memref_slice %arg4[%dma_wait3A_1832, %dma_wait3A_1842, %dma_wait3A_1843] : memref<16x4096x768xf32, #tpu.memory_space<hbm>> -> memref<1x4096x768xf32, #tpu.memory_space<hbm>>
    %dma_wait3A_1845 = tpu.memref_squeeze %dma_wait3A_1844 : memref<1x4096x768xf32, #tpu.memory_space<hbm>> -> memref<4096x768xf32, #tpu.memory_space<hbm>>
    %dma_wait3A_1846 = arith.constant 0 : i32
    %dma_wait3A_1847 = tpu.memref_slice %dma_wait3A_1845[%add3A_745, %dma_wait3A_1846] : memref<4096x768xf32, #tpu.memory_space<hbm>> -> memref<48x768xf32, #tpu.memory_space<hbm>>
    %dma_wait3A_1848 = arith.constant 16 : i32
    %dma_wait3A_1849 = arith.constant 0 : i32
    %dma_wait3A_1850 = tpu.memref_slice %arg7[%dma_wait3A_1848, %dma_wait3A_1849] : memref<128x768xf32, #tpu.memory_space<vmem>> -> memref<48x768xf32, #tpu.memory_space<vmem>>
    tpu.wait_dma2 semaphore(%arg8 : memref<!tpu.dma_semaphore, #tpu.memory_space<semaphore_mem>>) src(%dma_wait3A_1850 : memref<48x768xf32, #tpu.memory_space<vmem>>) dst(%dma_wait3A_1847 : memref<48x768xf32, #tpu.memory_space<hbm>>)
    %dma_wait3A_1851 = arith.constant 8 : i32
    %dma_wait3A_1852 = arith.constant 16 : i32
    %dma_wait3A_1853 = arith.constant 0 : i32
    %dma_wait3A_1854 = tpu.memref_slice %arg7[%dma_wait3A_1852, %dma_wait3A_1853] : memref<128x768xf32, #tpu.memory_space<vmem>> -> memref<48x768xf32, #tpu.memory_space<vmem>>
    %dma_wait3A_1855 = arith.constant 0 : i32
    %dma_wait3A_1856 = arith.constant 0 : i32
    %dma_wait3A_1857 = tpu.memref_slice %arg4[%dma_wait3A_1851, %dma_wait3A_1855, %dma_wait3A_1856] : memref<16x4096x768xf32, #tpu.memory_space<hbm>> -> memref<1x4096x768xf32, #tpu.memory_space<hbm>>
    %dma_wait3A_1858 = tpu.memref_squeeze %dma_wait3A_1857 : memref<1x4096x768xf32, #tpu.memory_space<hbm>> -> memref<4096x768xf32, #tpu.memory_space<hbm>>
    %dma_wait3A_1859 = arith.constant 0 : i32
    %dma_wait3A_1860 = tpu.memref_slice %dma_wait3A_1858[%add3A_766, %dma_wait3A_1859] : memref<4096x768xf32, #tpu.memory_space<hbm>> -> memref<48x768xf32, #tpu.memory_space<hbm>>
    %dma_wait3A_1861 = arith.constant 0 : i32
    %dma_wait3A_1862 = arith.constant 0 : i32
    %dma_wait3A_1863 = tpu.memref_slice %arg4[%dma_wait3A_1851, %dma_wait3A_1861, %dma_wait3A_1862] : memref<16x4096x768xf32, #tpu.memory_space<hbm>> -> memref<1x4096x768xf32, #tpu.memory_space<hbm>>
    %dma_wait3A_1864 = tpu.memref_squeeze %dma_wait3A_1863 : memref<1x4096x768xf32, #tpu.memory_space<hbm>> -> memref<4096x768xf32, #tpu.memory_space<hbm>>
    %dma_wait3A_1865 = arith.constant 0 : i32
    %dma_wait3A_1866 = tpu.memref_slice %dma_wait3A_1864[%add3A_766, %dma_wait3A_1865] : memref<4096x768xf32, #tpu.memory_space<hbm>> -> memref<48x768xf32, #tpu.memory_space<hbm>>
    %dma_wait3A_1867 = arith.constant 16 : i32
    %dma_wait3A_1868 = arith.constant 0 : i32
    %dma_wait3A_1869 = tpu.memref_slice %arg7[%dma_wait3A_1867, %dma_wait3A_1868] : memref<128x768xf32, #tpu.memory_space<vmem>> -> memref<48x768xf32, #tpu.memory_space<vmem>>
    tpu.wait_dma2 semaphore(%arg8 : memref<!tpu.dma_semaphore, #tpu.memory_space<semaphore_mem>>) src(%dma_wait3A_1869 : memref<48x768xf32, #tpu.memory_space<vmem>>) dst(%dma_wait3A_1866 : memref<48x768xf32, #tpu.memory_space<hbm>>)
    %dma_wait3A_1870 = arith.constant 9 : i32
    %dma_wait3A_1871 = arith.constant 16 : i32
    %dma_wait3A_1872 = arith.constant 0 : i32
    %dma_wait3A_1873 = tpu.memref_slice %arg7[%dma_wait3A_1871, %dma_wait3A_1872] : memref<128x768xf32, #tpu.memory_space<vmem>> -> memref<48x768xf32, #tpu.memory_space<vmem>>
    %dma_wait3A_1874 = arith.constant 0 : i32
    %dma_wait3A_1875 = arith.constant 0 : i32
    %dma_wait3A_1876 = tpu.memref_slice %arg4[%dma_wait3A_1870, %dma_wait3A_1874, %dma_wait3A_1875] : memref<16x4096x768xf32, #tpu.memory_space<hbm>> -> memref<1x4096x768xf32, #tpu.memory_space<hbm>>
    %dma_wait3A_1877 = tpu.memref_squeeze %dma_wait3A_1876 : memref<1x4096x768xf32, #tpu.memory_space<hbm>> -> memref<4096x768xf32, #tpu.memory_space<hbm>>
    %dma_wait3A_1878 = arith.constant 0 : i32
    %dma_wait3A_1879 = tpu.memref_slice %dma_wait3A_1877[%add3A_787, %dma_wait3A_1878] : memref<4096x768xf32, #tpu.memory_space<hbm>> -> memref<48x768xf32, #tpu.memory_space<hbm>>
    %dma_wait3A_1880 = arith.constant 0 : i32
    %dma_wait3A_1881 = arith.constant 0 : i32
    %dma_wait3A_1882 = tpu.memref_slice %arg4[%dma_wait3A_1870, %dma_wait3A_1880, %dma_wait3A_1881] : memref<16x4096x768xf32, #tpu.memory_space<hbm>> -> memref<1x4096x768xf32, #tpu.memory_space<hbm>>
    %dma_wait3A_1883 = tpu.memref_squeeze %dma_wait3A_1882 : memref<1x4096x768xf32, #tpu.memory_space<hbm>> -> memref<4096x768xf32, #tpu.memory_space<hbm>>
    %dma_wait3A_1884 = arith.constant 0 : i32
    %dma_wait3A_1885 = tpu.memref_slice %dma_wait3A_1883[%add3A_787, %dma_wait3A_1884] : memref<4096x768xf32, #tpu.memory_space<hbm>> -> memref<48x768xf32, #tpu.memory_space<hbm>>
    %dma_wait3A_1886 = arith.constant 16 : i32
    %dma_wait3A_1887 = arith.constant 0 : i32
    %dma_wait3A_1888 = tpu.memref_slice %arg7[%dma_wait3A_1886, %dma_wait3A_1887] : memref<128x768xf32, #tpu.memory_space<vmem>> -> memref<48x768xf32, #tpu.memory_space<vmem>>
    tpu.wait_dma2 semaphore(%arg8 : memref<!tpu.dma_semaphore, #tpu.memory_space<semaphore_mem>>) src(%dma_wait3A_1888 : memref<48x768xf32, #tpu.memory_space<vmem>>) dst(%dma_wait3A_1885 : memref<48x768xf32, #tpu.memory_space<hbm>>)
    %dma_wait3A_1889 = arith.constant 10 : i32
    %dma_wait3A_1890 = arith.constant 16 : i32
    %dma_wait3A_1891 = arith.constant 0 : i32
    %dma_wait3A_1892 = tpu.memref_slice %arg7[%dma_wait3A_1890, %dma_wait3A_1891] : memref<128x768xf32, #tpu.memory_space<vmem>> -> memref<48x768xf32, #tpu.memory_space<vmem>>
    %dma_wait3A_1893 = arith.constant 0 : i32
    %dma_wait3A_1894 = arith.constant 0 : i32
    %dma_wait3A_1895 = tpu.memref_slice %arg4[%dma_wait3A_1889, %dma_wait3A_1893, %dma_wait3A_1894] : memref<16x4096x768xf32, #tpu.memory_space<hbm>> -> memref<1x4096x768xf32, #tpu.memory_space<hbm>>
    %dma_wait3A_1896 = tpu.memref_squeeze %dma_wait3A_1895 : memref<1x4096x768xf32, #tpu.memory_space<hbm>> -> memref<4096x768xf32, #tpu.memory_space<hbm>>
    %dma_wait3A_1897 = arith.constant 0 : i32
    %dma_wait3A_1898 = tpu.memref_slice %dma_wait3A_1896[%add3A_808, %dma_wait3A_1897] : memref<4096x768xf32, #tpu.memory_space<hbm>> -> memref<48x768xf32, #tpu.memory_space<hbm>>
    %dma_wait3A_1899 = arith.constant 0 : i32
    %dma_wait3A_1900 = arith.constant 0 : i32
    %dma_wait3A_1901 = tpu.memref_slice %arg4[%dma_wait3A_1889, %dma_wait3A_1899, %dma_wait3A_1900] : memref<16x4096x768xf32, #tpu.memory_space<hbm>> -> memref<1x4096x768xf32, #tpu.memory_space<hbm>>
    %dma_wait3A_1902 = tpu.memref_squeeze %dma_wait3A_1901 : memref<1x4096x768xf32, #tpu.memory_space<hbm>> -> memref<4096x768xf32, #tpu.memory_space<hbm>>
    %dma_wait3A_1903 = arith.constant 0 : i32
    %dma_wait3A_1904 = tpu.memref_slice %dma_wait3A_1902[%add3A_808, %dma_wait3A_1903] : memref<4096x768xf32, #tpu.memory_space<hbm>> -> memref<48x768xf32, #tpu.memory_space<hbm>>
    %dma_wait3A_1905 = arith.constant 16 : i32
    %dma_wait3A_1906 = arith.constant 0 : i32
    %dma_wait3A_1907 = tpu.memref_slice %arg7[%dma_wait3A_1905, %dma_wait3A_1906] : memref<128x768xf32, #tpu.memory_space<vmem>> -> memref<48x768xf32, #tpu.memory_space<vmem>>
    tpu.wait_dma2 semaphore(%arg8 : memref<!tpu.dma_semaphore, #tpu.memory_space<semaphore_mem>>) src(%dma_wait3A_1907 : memref<48x768xf32, #tpu.memory_space<vmem>>) dst(%dma_wait3A_1904 : memref<48x768xf32, #tpu.memory_space<hbm>>)
    %dma_wait3A_1908 = arith.constant 11 : i32
    %dma_wait3A_1909 = arith.constant 16 : i32
    %dma_wait3A_1910 = arith.constant 0 : i32
    %dma_wait3A_1911 = tpu.memref_slice %arg7[%dma_wait3A_1909, %dma_wait3A_1910] : memref<128x768xf32, #tpu.memory_space<vmem>> -> memref<48x768xf32, #tpu.memory_space<vmem>>
    %dma_wait3A_1912 = arith.constant 0 : i32
    %dma_wait3A_1913 = arith.constant 0 : i32
    %dma_wait3A_1914 = tpu.memref_slice %arg4[%dma_wait3A_1908, %dma_wait3A_1912, %dma_wait3A_1913] : memref<16x4096x768xf32, #tpu.memory_space<hbm>> -> memref<1x4096x768xf32, #tpu.memory_space<hbm>>
    %dma_wait3A_1915 = tpu.memref_squeeze %dma_wait3A_1914 : memref<1x4096x768xf32, #tpu.memory_space<hbm>> -> memref<4096x768xf32, #tpu.memory_space<hbm>>
    %dma_wait3A_1916 = arith.constant 0 : i32
    %dma_wait3A_1917 = tpu.memref_slice %dma_wait3A_1915[%add3A_829, %dma_wait3A_1916] : memref<4096x768xf32, #tpu.memory_space<hbm>> -> memref<48x768xf32, #tpu.memory_space<hbm>>
    %dma_wait3A_1918 = arith.constant 0 : i32
    %dma_wait3A_1919 = arith.constant 0 : i32
    %dma_wait3A_1920 = tpu.memref_slice %arg4[%dma_wait3A_1908, %dma_wait3A_1918, %dma_wait3A_1919] : memref<16x4096x768xf32, #tpu.memory_space<hbm>> -> memref<1x4096x768xf32, #tpu.memory_space<hbm>>
    %dma_wait3A_1921 = tpu.memref_squeeze %dma_wait3A_1920 : memref<1x4096x768xf32, #tpu.memory_space<hbm>> -> memref<4096x768xf32, #tpu.memory_space<hbm>>
    %dma_wait3A_1922 = arith.constant 0 : i32
    %dma_wait3A_1923 = tpu.memref_slice %dma_wait3A_1921[%add3A_829, %dma_wait3A_1922] : memref<4096x768xf32, #tpu.memory_space<hbm>> -> memref<48x768xf32, #tpu.memory_space<hbm>>
    %dma_wait3A_1924 = arith.constant 16 : i32
    %dma_wait3A_1925 = arith.constant 0 : i32
    %dma_wait3A_1926 = tpu.memref_slice %arg7[%dma_wait3A_1924, %dma_wait3A_1925] : memref<128x768xf32, #tpu.memory_space<vmem>> -> memref<48x768xf32, #tpu.memory_space<vmem>>
    tpu.wait_dma2 semaphore(%arg8 : memref<!tpu.dma_semaphore, #tpu.memory_space<semaphore_mem>>) src(%dma_wait3A_1926 : memref<48x768xf32, #tpu.memory_space<vmem>>) dst(%dma_wait3A_1923 : memref<48x768xf32, #tpu.memory_space<hbm>>)
    %dma_wait3A_1927 = arith.constant 12 : i32
    %dma_wait3A_1928 = arith.constant 16 : i32
    %dma_wait3A_1929 = arith.constant 0 : i32
    %dma_wait3A_1930 = tpu.memref_slice %arg7[%dma_wait3A_1928, %dma_wait3A_1929] : memref<128x768xf32, #tpu.memory_space<vmem>> -> memref<48x768xf32, #tpu.memory_space<vmem>>
    %dma_wait3A_1931 = arith.constant 0 : i32
    %dma_wait3A_1932 = arith.constant 0 : i32
    %dma_wait3A_1933 = tpu.memref_slice %arg4[%dma_wait3A_1927, %dma_wait3A_1931, %dma_wait3A_1932] : memref<16x4096x768xf32, #tpu.memory_space<hbm>> -> memref<1x4096x768xf32, #tpu.memory_space<hbm>>
    %dma_wait3A_1934 = tpu.memref_squeeze %dma_wait3A_1933 : memref<1x4096x768xf32, #tpu.memory_space<hbm>> -> memref<4096x768xf32, #tpu.memory_space<hbm>>
    %dma_wait3A_1935 = arith.constant 0 : i32
    %dma_wait3A_1936 = tpu.memref_slice %dma_wait3A_1934[%add3A_850, %dma_wait3A_1935] : memref<4096x768xf32, #tpu.memory_space<hbm>> -> memref<48x768xf32, #tpu.memory_space<hbm>>
    %dma_wait3A_1937 = arith.constant 0 : i32
    %dma_wait3A_1938 = arith.constant 0 : i32
    %dma_wait3A_1939 = tpu.memref_slice %arg4[%dma_wait3A_1927, %dma_wait3A_1937, %dma_wait3A_1938] : memref<16x4096x768xf32, #tpu.memory_space<hbm>> -> memref<1x4096x768xf32, #tpu.memory_space<hbm>>
    %dma_wait3A_1940 = tpu.memref_squeeze %dma_wait3A_1939 : memref<1x4096x768xf32, #tpu.memory_space<hbm>> -> memref<4096x768xf32, #tpu.memory_space<hbm>>
    %dma_wait3A_1941 = arith.constant 0 : i32
    %dma_wait3A_1942 = tpu.memref_slice %dma_wait3A_1940[%add3A_850, %dma_wait3A_1941] : memref<4096x768xf32, #tpu.memory_space<hbm>> -> memref<48x768xf32, #tpu.memory_space<hbm>>
    %dma_wait3A_1943 = arith.constant 16 : i32
    %dma_wait3A_1944 = arith.constant 0 : i32
    %dma_wait3A_1945 = tpu.memref_slice %arg7[%dma_wait3A_1943, %dma_wait3A_1944] : memref<128x768xf32, #tpu.memory_space<vmem>> -> memref<48x768xf32, #tpu.memory_space<vmem>>
    tpu.wait_dma2 semaphore(%arg8 : memref<!tpu.dma_semaphore, #tpu.memory_space<semaphore_mem>>) src(%dma_wait3A_1945 : memref<48x768xf32, #tpu.memory_space<vmem>>) dst(%dma_wait3A_1942 : memref<48x768xf32, #tpu.memory_space<hbm>>)
    %dma_wait3A_1946 = arith.constant 13 : i32
    %dma_wait3A_1947 = arith.constant 16 : i32
    %dma_wait3A_1948 = arith.constant 0 : i32
    %dma_wait3A_1949 = tpu.memref_slice %arg7[%dma_wait3A_1947, %dma_wait3A_1948] : memref<128x768xf32, #tpu.memory_space<vmem>> -> memref<48x768xf32, #tpu.memory_space<vmem>>
    %dma_wait3A_1950 = arith.constant 0 : i32
    %dma_wait3A_1951 = arith.constant 0 : i32
    %dma_wait3A_1952 = tpu.memref_slice %arg4[%dma_wait3A_1946, %dma_wait3A_1950, %dma_wait3A_1951] : memref<16x4096x768xf32, #tpu.memory_space<hbm>> -> memref<1x4096x768xf32, #tpu.memory_space<hbm>>
    %dma_wait3A_1953 = tpu.memref_squeeze %dma_wait3A_1952 : memref<1x4096x768xf32, #tpu.memory_space<hbm>> -> memref<4096x768xf32, #tpu.memory_space<hbm>>
    %dma_wait3A_1954 = arith.constant 0 : i32
    %dma_wait3A_1955 = tpu.memref_slice %dma_wait3A_1953[%add3A_871, %dma_wait3A_1954] : memref<4096x768xf32, #tpu.memory_space<hbm>> -> memref<48x768xf32, #tpu.memory_space<hbm>>
    %dma_wait3A_1956 = arith.constant 0 : i32
    %dma_wait3A_1957 = arith.constant 0 : i32
    %dma_wait3A_1958 = tpu.memref_slice %arg4[%dma_wait3A_1946, %dma_wait3A_1956, %dma_wait3A_1957] : memref<16x4096x768xf32, #tpu.memory_space<hbm>> -> memref<1x4096x768xf32, #tpu.memory_space<hbm>>
    %dma_wait3A_1959 = tpu.memref_squeeze %dma_wait3A_1958 : memref<1x4096x768xf32, #tpu.memory_space<hbm>> -> memref<4096x768xf32, #tpu.memory_space<hbm>>
    %dma_wait3A_1960 = arith.constant 0 : i32
    %dma_wait3A_1961 = tpu.memref_slice %dma_wait3A_1959[%add3A_871, %dma_wait3A_1960] : memref<4096x768xf32, #tpu.memory_space<hbm>> -> memref<48x768xf32, #tpu.memory_space<hbm>>
    %dma_wait3A_1962 = arith.constant 16 : i32
    %dma_wait3A_1963 = arith.constant 0 : i32
    %dma_wait3A_1964 = tpu.memref_slice %arg7[%dma_wait3A_1962, %dma_wait3A_1963] : memref<128x768xf32, #tpu.memory_space<vmem>> -> memref<48x768xf32, #tpu.memory_space<vmem>>
    tpu.wait_dma2 semaphore(%arg8 : memref<!tpu.dma_semaphore, #tpu.memory_space<semaphore_mem>>) src(%dma_wait3A_1964 : memref<48x768xf32, #tpu.memory_space<vmem>>) dst(%dma_wait3A_1961 : memref<48x768xf32, #tpu.memory_space<hbm>>)
    %dma_wait3A_1965 = arith.constant 14 : i32
    %dma_wait3A_1966 = arith.constant 16 : i32
    %dma_wait3A_1967 = arith.constant 0 : i32
    %dma_wait3A_1968 = tpu.memref_slice %arg7[%dma_wait3A_1966, %dma_wait3A_1967] : memref<128x768xf32, #tpu.memory_space<vmem>> -> memref<48x768xf32, #tpu.memory_space<vmem>>
    %dma_wait3A_1969 = arith.constant 0 : i32
    %dma_wait3A_1970 = arith.constant 0 : i32
    %dma_wait3A_1971 = tpu.memref_slice %arg4[%dma_wait3A_1965, %dma_wait3A_1969, %dma_wait3A_1970] : memref<16x4096x768xf32, #tpu.memory_space<hbm>> -> memref<1x4096x768xf32, #tpu.memory_space<hbm>>
    %dma_wait3A_1972 = tpu.memref_squeeze %dma_wait3A_1971 : memref<1x4096x768xf32, #tpu.memory_space<hbm>> -> memref<4096x768xf32, #tpu.memory_space<hbm>>
    %dma_wait3A_1973 = arith.constant 0 : i32
    %dma_wait3A_1974 = tpu.memref_slice %dma_wait3A_1972[%add3A_892, %dma_wait3A_1973] : memref<4096x768xf32, #tpu.memory_space<hbm>> -> memref<48x768xf32, #tpu.memory_space<hbm>>
    %dma_wait3A_1975 = arith.constant 0 : i32
    %dma_wait3A_1976 = arith.constant 0 : i32
    %dma_wait3A_1977 = tpu.memref_slice %arg4[%dma_wait3A_1965, %dma_wait3A_1975, %dma_wait3A_1976] : memref<16x4096x768xf32, #tpu.memory_space<hbm>> -> memref<1x4096x768xf32, #tpu.memory_space<hbm>>
    %dma_wait3A_1978 = tpu.memref_squeeze %dma_wait3A_1977 : memref<1x4096x768xf32, #tpu.memory_space<hbm>> -> memref<4096x768xf32, #tpu.memory_space<hbm>>
    %dma_wait3A_1979 = arith.constant 0 : i32
    %dma_wait3A_1980 = tpu.memref_slice %dma_wait3A_1978[%add3A_892, %dma_wait3A_1979] : memref<4096x768xf32, #tpu.memory_space<hbm>> -> memref<48x768xf32, #tpu.memory_space<hbm>>
    %dma_wait3A_1981 = arith.constant 16 : i32
    %dma_wait3A_1982 = arith.constant 0 : i32
    %dma_wait3A_1983 = tpu.memref_slice %arg7[%dma_wait3A_1981, %dma_wait3A_1982] : memref<128x768xf32, #tpu.memory_space<vmem>> -> memref<48x768xf32, #tpu.memory_space<vmem>>
    tpu.wait_dma2 semaphore(%arg8 : memref<!tpu.dma_semaphore, #tpu.memory_space<semaphore_mem>>) src(%dma_wait3A_1983 : memref<48x768xf32, #tpu.memory_space<vmem>>) dst(%dma_wait3A_1980 : memref<48x768xf32, #tpu.memory_space<hbm>>)
    %dma_wait3A_1984 = arith.constant 15 : i32
    %dma_wait3A_1985 = arith.constant 16 : i32
    %dma_wait3A_1986 = arith.constant 0 : i32
    %dma_wait3A_1987 = tpu.memref_slice %arg7[%dma_wait3A_1985, %dma_wait3A_1986] : memref<128x768xf32, #tpu.memory_space<vmem>> -> memref<48x768xf32, #tpu.memory_space<vmem>>
    %dma_wait3A_1988 = arith.constant 0 : i32
    %dma_wait3A_1989 = arith.constant 0 : i32
    %dma_wait3A_1990 = tpu.memref_slice %arg4[%dma_wait3A_1984, %dma_wait3A_1988, %dma_wait3A_1989] : memref<16x4096x768xf32, #tpu.memory_space<hbm>> -> memref<1x4096x768xf32, #tpu.memory_space<hbm>>
    %dma_wait3A_1991 = tpu.memref_squeeze %dma_wait3A_1990 : memref<1x4096x768xf32, #tpu.memory_space<hbm>> -> memref<4096x768xf32, #tpu.memory_space<hbm>>
    %dma_wait3A_1992 = arith.constant 0 : i32
    %dma_wait3A_1993 = tpu.memref_slice %dma_wait3A_1991[%add3A_913, %dma_wait3A_1992] : memref<4096x768xf32, #tpu.memory_space<hbm>> -> memref<48x768xf32, #tpu.memory_space<hbm>>
    %dma_wait3A_1994 = arith.constant 0 : i32
    %dma_wait3A_1995 = arith.constant 0 : i32
    %dma_wait3A_1996 = tpu.memref_slice %arg4[%dma_wait3A_1984, %dma_wait3A_1994, %dma_wait3A_1995] : memref<16x4096x768xf32, #tpu.memory_space<hbm>> -> memref<1x4096x768xf32, #tpu.memory_space<hbm>>
    %dma_wait3A_1997 = tpu.memref_squeeze %dma_wait3A_1996 : memref<1x4096x768xf32, #tpu.memory_space<hbm>> -> memref<4096x768xf32, #tpu.memory_space<hbm>>
    %dma_wait3A_1998 = arith.constant 0 : i32
    %dma_wait3A_1999 = tpu.memref_slice %dma_wait3A_1997[%add3A_913, %dma_wait3A_1998] : memref<4096x768xf32, #tpu.memory_space<hbm>> -> memref<48x768xf32, #tpu.memory_space<hbm>>
    %dma_wait3A_2000 = arith.constant 16 : i32
    %dma_wait3A_2001 = arith.constant 0 : i32
    %dma_wait3A_2002 = tpu.memref_slice %arg7[%dma_wait3A_2000, %dma_wait3A_2001] : memref<128x768xf32, #tpu.memory_space<vmem>> -> memref<48x768xf32, #tpu.memory_space<vmem>>
    tpu.wait_dma2 semaphore(%arg8 : memref<!tpu.dma_semaphore, #tpu.memory_space<semaphore_mem>>) src(%dma_wait3A_2002 : memref<48x768xf32, #tpu.memory_space<vmem>>) dst(%dma_wait3A_1999 : memref<48x768xf32, #tpu.memory_space<hbm>>)
    %dma_wait3A_2003 = arith.constant 0 : i32
    %dma_wait3A_2004 = arith.constant 64 : i32
    %dma_wait3A_2005 = arith.constant 0 : i32
    %dma_wait3A_2006 = tpu.memref_slice %arg7[%dma_wait3A_2004, %dma_wait3A_2005] : memref<128x768xf32, #tpu.memory_space<vmem>> -> memref<64x768xf32, #tpu.memory_space<vmem>>
    %dma_wait3A_2007 = arith.constant 0 : i32
    %dma_wait3A_2008 = arith.constant 0 : i32
    %dma_wait3A_2009 = tpu.memref_slice %arg4[%dma_wait3A_2003, %dma_wait3A_2007, %dma_wait3A_2008] : memref<16x4096x768xf32, #tpu.memory_space<hbm>> -> memref<1x4096x768xf32, #tpu.memory_space<hbm>>
    %dma_wait3A_2010 = tpu.memref_squeeze %dma_wait3A_2009 : memref<1x4096x768xf32, #tpu.memory_space<hbm>> -> memref<4096x768xf32, #tpu.memory_space<hbm>>
    %dma_wait3A_2011 = arith.constant 0 : i32
    %dma_wait3A_2012 = tpu.memref_slice %dma_wait3A_2010[%add3A_1060, %dma_wait3A_2011] : memref<4096x768xf32, #tpu.memory_space<hbm>> -> memref<64x768xf32, #tpu.memory_space<hbm>>
    %dma_wait3A_2013 = arith.constant 0 : i32
    %dma_wait3A_2014 = arith.constant 0 : i32
    %dma_wait3A_2015 = tpu.memref_slice %arg4[%dma_wait3A_2003, %dma_wait3A_2013, %dma_wait3A_2014] : memref<16x4096x768xf32, #tpu.memory_space<hbm>> -> memref<1x4096x768xf32, #tpu.memory_space<hbm>>
    %dma_wait3A_2016 = tpu.memref_squeeze %dma_wait3A_2015 : memref<1x4096x768xf32, #tpu.memory_space<hbm>> -> memref<4096x768xf32, #tpu.memory_space<hbm>>
    %dma_wait3A_2017 = arith.constant 0 : i32
    %dma_wait3A_2018 = tpu.memref_slice %dma_wait3A_2016[%add3A_1060, %dma_wait3A_2017] : memref<4096x768xf32, #tpu.memory_space<hbm>> -> memref<64x768xf32, #tpu.memory_space<hbm>>
    %dma_wait3A_2019 = arith.constant 64 : i32
    %dma_wait3A_2020 = arith.constant 0 : i32
    %dma_wait3A_2021 = tpu.memref_slice %arg7[%dma_wait3A_2019, %dma_wait3A_2020] : memref<128x768xf32, #tpu.memory_space<vmem>> -> memref<64x768xf32, #tpu.memory_space<vmem>>
    tpu.wait_dma2 semaphore(%arg8 : memref<!tpu.dma_semaphore, #tpu.memory_space<semaphore_mem>>) src(%dma_wait3A_2021 : memref<64x768xf32, #tpu.memory_space<vmem>>) dst(%dma_wait3A_2018 : memref<64x768xf32, #tpu.memory_space<hbm>>)
    %dma_wait3A_2022 = arith.constant 1 : i32
    %dma_wait3A_2023 = arith.constant 64 : i32
    %dma_wait3A_2024 = arith.constant 0 : i32
    %dma_wait3A_2025 = tpu.memref_slice %arg7[%dma_wait3A_2023, %dma_wait3A_2024] : memref<128x768xf32, #tpu.memory_space<vmem>> -> memref<64x768xf32, #tpu.memory_space<vmem>>
    %dma_wait3A_2026 = arith.constant 0 : i32
    %dma_wait3A_2027 = arith.constant 0 : i32
    %dma_wait3A_2028 = tpu.memref_slice %arg4[%dma_wait3A_2022, %dma_wait3A_2026, %dma_wait3A_2027] : memref<16x4096x768xf32, #tpu.memory_space<hbm>> -> memref<1x4096x768xf32, #tpu.memory_space<hbm>>
    %dma_wait3A_2029 = tpu.memref_squeeze %dma_wait3A_2028 : memref<1x4096x768xf32, #tpu.memory_space<hbm>> -> memref<4096x768xf32, #tpu.memory_space<hbm>>
    %dma_wait3A_2030 = arith.constant 0 : i32
    %dma_wait3A_2031 = tpu.memref_slice %dma_wait3A_2029[%add3A_1081, %dma_wait3A_2030] : memref<4096x768xf32, #tpu.memory_space<hbm>> -> memref<64x768xf32, #tpu.memory_space<hbm>>
    %dma_wait3A_2032 = arith.constant 0 : i32
    %dma_wait3A_2033 = arith.constant 0 : i32
    %dma_wait3A_2034 = tpu.memref_slice %arg4[%dma_wait3A_2022, %dma_wait3A_2032, %dma_wait3A_2033] : memref<16x4096x768xf32, #tpu.memory_space<hbm>> -> memref<1x4096x768xf32, #tpu.memory_space<hbm>>
    %dma_wait3A_2035 = tpu.memref_squeeze %dma_wait3A_2034 : memref<1x4096x768xf32, #tpu.memory_space<hbm>> -> memref<4096x768xf32, #tpu.memory_space<hbm>>
    %dma_wait3A_2036 = arith.constant 0 : i32
    %dma_wait3A_2037 = tpu.memref_slice %dma_wait3A_2035[%add3A_1081, %dma_wait3A_2036] : memref<4096x768xf32, #tpu.memory_space<hbm>> -> memref<64x768xf32, #tpu.memory_space<hbm>>
    %dma_wait3A_2038 = arith.constant 64 : i32
    %dma_wait3A_2039 = arith.constant 0 : i32
    %dma_wait3A_2040 = tpu.memref_slice %arg7[%dma_wait3A_2038, %dma_wait3A_2039] : memref<128x768xf32, #tpu.memory_space<vmem>> -> memref<64x768xf32, #tpu.memory_space<vmem>>
    tpu.wait_dma2 semaphore(%arg8 : memref<!tpu.dma_semaphore, #tpu.memory_space<semaphore_mem>>) src(%dma_wait3A_2040 : memref<64x768xf32, #tpu.memory_space<vmem>>) dst(%dma_wait3A_2037 : memref<64x768xf32, #tpu.memory_space<hbm>>)
    %dma_wait3A_2041 = arith.constant 2 : i32
    %dma_wait3A_2042 = arith.constant 64 : i32
    %dma_wait3A_2043 = arith.constant 0 : i32
    %dma_wait3A_2044 = tpu.memref_slice %arg7[%dma_wait3A_2042, %dma_wait3A_2043] : memref<128x768xf32, #tpu.memory_space<vmem>> -> memref<64x768xf32, #tpu.memory_space<vmem>>
    %dma_wait3A_2045 = arith.constant 0 : i32
    %dma_wait3A_2046 = arith.constant 0 : i32
    %dma_wait3A_2047 = tpu.memref_slice %arg4[%dma_wait3A_2041, %dma_wait3A_2045, %dma_wait3A_2046] : memref<16x4096x768xf32, #tpu.memory_space<hbm>> -> memref<1x4096x768xf32, #tpu.memory_space<hbm>>
    %dma_wait3A_2048 = tpu.memref_squeeze %dma_wait3A_2047 : memref<1x4096x768xf32, #tpu.memory_space<hbm>> -> memref<4096x768xf32, #tpu.memory_space<hbm>>
    %dma_wait3A_2049 = arith.constant 0 : i32
    %dma_wait3A_2050 = tpu.memref_slice %dma_wait3A_2048[%add3A_1102, %dma_wait3A_2049] : memref<4096x768xf32, #tpu.memory_space<hbm>> -> memref<64x768xf32, #tpu.memory_space<hbm>>
    %dma_wait3A_2051 = arith.constant 0 : i32
    %dma_wait3A_2052 = arith.constant 0 : i32
    %dma_wait3A_2053 = tpu.memref_slice %arg4[%dma_wait3A_2041, %dma_wait3A_2051, %dma_wait3A_2052] : memref<16x4096x768xf32, #tpu.memory_space<hbm>> -> memref<1x4096x768xf32, #tpu.memory_space<hbm>>
    %dma_wait3A_2054 = tpu.memref_squeeze %dma_wait3A_2053 : memref<1x4096x768xf32, #tpu.memory_space<hbm>> -> memref<4096x768xf32, #tpu.memory_space<hbm>>
    %dma_wait3A_2055 = arith.constant 0 : i32
    %dma_wait3A_2056 = tpu.memref_slice %dma_wait3A_2054[%add3A_1102, %dma_wait3A_2055] : memref<4096x768xf32, #tpu.memory_space<hbm>> -> memref<64x768xf32, #tpu.memory_space<hbm>>
    %dma_wait3A_2057 = arith.constant 64 : i32
    %dma_wait3A_2058 = arith.constant 0 : i32
    %dma_wait3A_2059 = tpu.memref_slice %arg7[%dma_wait3A_2057, %dma_wait3A_2058] : memref<128x768xf32, #tpu.memory_space<vmem>> -> memref<64x768xf32, #tpu.memory_space<vmem>>
    tpu.wait_dma2 semaphore(%arg8 : memref<!tpu.dma_semaphore, #tpu.memory_space<semaphore_mem>>) src(%dma_wait3A_2059 : memref<64x768xf32, #tpu.memory_space<vmem>>) dst(%dma_wait3A_2056 : memref<64x768xf32, #tpu.memory_space<hbm>>)
    %dma_wait3A_2060 = arith.constant 3 : i32
    %dma_wait3A_2061 = arith.constant 64 : i32
    %dma_wait3A_2062 = arith.constant 0 : i32
    %dma_wait3A_2063 = tpu.memref_slice %arg7[%dma_wait3A_2061, %dma_wait3A_2062] : memref<128x768xf32, #tpu.memory_space<vmem>> -> memref<64x768xf32, #tpu.memory_space<vmem>>
    %dma_wait3A_2064 = arith.constant 0 : i32
    %dma_wait3A_2065 = arith.constant 0 : i32
    %dma_wait3A_2066 = tpu.memref_slice %arg4[%dma_wait3A_2060, %dma_wait3A_2064, %dma_wait3A_2065] : memref<16x4096x768xf32, #tpu.memory_space<hbm>> -> memref<1x4096x768xf32, #tpu.memory_space<hbm>>
    %dma_wait3A_2067 = tpu.memref_squeeze %dma_wait3A_2066 : memref<1x4096x768xf32, #tpu.memory_space<hbm>> -> memref<4096x768xf32, #tpu.memory_space<hbm>>
    %dma_wait3A_2068 = arith.constant 0 : i32
    %dma_wait3A_2069 = tpu.memref_slice %dma_wait3A_2067[%add3A_1123, %dma_wait3A_2068] : memref<4096x768xf32, #tpu.memory_space<hbm>> -> memref<64x768xf32, #tpu.memory_space<hbm>>
    %dma_wait3A_2070 = arith.constant 0 : i32
    %dma_wait3A_2071 = arith.constant 0 : i32
    %dma_wait3A_2072 = tpu.memref_slice %arg4[%dma_wait3A_2060, %dma_wait3A_2070, %dma_wait3A_2071] : memref<16x4096x768xf32, #tpu.memory_space<hbm>> -> memref<1x4096x768xf32, #tpu.memory_space<hbm>>
    %dma_wait3A_2073 = tpu.memref_squeeze %dma_wait3A_2072 : memref<1x4096x768xf32, #tpu.memory_space<hbm>> -> memref<4096x768xf32, #tpu.memory_space<hbm>>
    %dma_wait3A_2074 = arith.constant 0 : i32
    %dma_wait3A_2075 = tpu.memref_slice %dma_wait3A_2073[%add3A_1123, %dma_wait3A_2074] : memref<4096x768xf32, #tpu.memory_space<hbm>> -> memref<64x768xf32, #tpu.memory_space<hbm>>
    %dma_wait3A_2076 = arith.constant 64 : i32
    %dma_wait3A_2077 = arith.constant 0 : i32
    %dma_wait3A_2078 = tpu.memref_slice %arg7[%dma_wait3A_2076, %dma_wait3A_2077] : memref<128x768xf32, #tpu.memory_space<vmem>> -> memref<64x768xf32, #tpu.memory_space<vmem>>
    tpu.wait_dma2 semaphore(%arg8 : memref<!tpu.dma_semaphore, #tpu.memory_space<semaphore_mem>>) src(%dma_wait3A_2078 : memref<64x768xf32, #tpu.memory_space<vmem>>) dst(%dma_wait3A_2075 : memref<64x768xf32, #tpu.memory_space<hbm>>)
    %dma_wait3A_2079 = arith.constant 4 : i32
    %dma_wait3A_2080 = arith.constant 64 : i32
    %dma_wait3A_2081 = arith.constant 0 : i32
    %dma_wait3A_2082 = tpu.memref_slice %arg7[%dma_wait3A_2080, %dma_wait3A_2081] : memref<128x768xf32, #tpu.memory_space<vmem>> -> memref<64x768xf32, #tpu.memory_space<vmem>>
    %dma_wait3A_2083 = arith.constant 0 : i32
    %dma_wait3A_2084 = arith.constant 0 : i32
    %dma_wait3A_2085 = tpu.memref_slice %arg4[%dma_wait3A_2079, %dma_wait3A_2083, %dma_wait3A_2084] : memref<16x4096x768xf32, #tpu.memory_space<hbm>> -> memref<1x4096x768xf32, #tpu.memory_space<hbm>>
    %dma_wait3A_2086 = tpu.memref_squeeze %dma_wait3A_2085 : memref<1x4096x768xf32, #tpu.memory_space<hbm>> -> memref<4096x768xf32, #tpu.memory_space<hbm>>
    %dma_wait3A_2087 = arith.constant 0 : i32
    %dma_wait3A_2088 = tpu.memref_slice %dma_wait3A_2086[%add3A_1144, %dma_wait3A_2087] : memref<4096x768xf32, #tpu.memory_space<hbm>> -> memref<64x768xf32, #tpu.memory_space<hbm>>
    %dma_wait3A_2089 = arith.constant 0 : i32
    %dma_wait3A_2090 = arith.constant 0 : i32
    %dma_wait3A_2091 = tpu.memref_slice %arg4[%dma_wait3A_2079, %dma_wait3A_2089, %dma_wait3A_2090] : memref<16x4096x768xf32, #tpu.memory_space<hbm>> -> memref<1x4096x768xf32, #tpu.memory_space<hbm>>
    %dma_wait3A_2092 = tpu.memref_squeeze %dma_wait3A_2091 : memref<1x4096x768xf32, #tpu.memory_space<hbm>> -> memref<4096x768xf32, #tpu.memory_space<hbm>>
    %dma_wait3A_2093 = arith.constant 0 : i32
    %dma_wait3A_2094 = tpu.memref_slice %dma_wait3A_2092[%add3A_1144, %dma_wait3A_2093] : memref<4096x768xf32, #tpu.memory_space<hbm>> -> memref<64x768xf32, #tpu.memory_space<hbm>>
    %dma_wait3A_2095 = arith.constant 64 : i32
    %dma_wait3A_2096 = arith.constant 0 : i32
    %dma_wait3A_2097 = tpu.memref_slice %arg7[%dma_wait3A_2095, %dma_wait3A_2096] : memref<128x768xf32, #tpu.memory_space<vmem>> -> memref<64x768xf32, #tpu.memory_space<vmem>>
    tpu.wait_dma2 semaphore(%arg8 : memref<!tpu.dma_semaphore, #tpu.memory_space<semaphore_mem>>) src(%dma_wait3A_2097 : memref<64x768xf32, #tpu.memory_space<vmem>>) dst(%dma_wait3A_2094 : memref<64x768xf32, #tpu.memory_space<hbm>>)
    %dma_wait3A_2098 = arith.constant 5 : i32
    %dma_wait3A_2099 = arith.constant 64 : i32
    %dma_wait3A_2100 = arith.constant 0 : i32
    %dma_wait3A_2101 = tpu.memref_slice %arg7[%dma_wait3A_2099, %dma_wait3A_2100] : memref<128x768xf32, #tpu.memory_space<vmem>> -> memref<64x768xf32, #tpu.memory_space<vmem>>
    %dma_wait3A_2102 = arith.constant 0 : i32
    %dma_wait3A_2103 = arith.constant 0 : i32
    %dma_wait3A_2104 = tpu.memref_slice %arg4[%dma_wait3A_2098, %dma_wait3A_2102, %dma_wait3A_2103] : memref<16x4096x768xf32, #tpu.memory_space<hbm>> -> memref<1x4096x768xf32, #tpu.memory_space<hbm>>
    %dma_wait3A_2105 = tpu.memref_squeeze %dma_wait3A_2104 : memref<1x4096x768xf32, #tpu.memory_space<hbm>> -> memref<4096x768xf32, #tpu.memory_space<hbm>>
    %dma_wait3A_2106 = arith.constant 0 : i32
    %dma_wait3A_2107 = tpu.memref_slice %dma_wait3A_2105[%add3A_1165, %dma_wait3A_2106] : memref<4096x768xf32, #tpu.memory_space<hbm>> -> memref<64x768xf32, #tpu.memory_space<hbm>>
    %dma_wait3A_2108 = arith.constant 0 : i32
    %dma_wait3A_2109 = arith.constant 0 : i32
    %dma_wait3A_2110 = tpu.memref_slice %arg4[%dma_wait3A_2098, %dma_wait3A_2108, %dma_wait3A_2109] : memref<16x4096x768xf32, #tpu.memory_space<hbm>> -> memref<1x4096x768xf32, #tpu.memory_space<hbm>>
    %dma_wait3A_2111 = tpu.memref_squeeze %dma_wait3A_2110 : memref<1x4096x768xf32, #tpu.memory_space<hbm>> -> memref<4096x768xf32, #tpu.memory_space<hbm>>
    %dma_wait3A_2112 = arith.constant 0 : i32
    %dma_wait3A_2113 = tpu.memref_slice %dma_wait3A_2111[%add3A_1165, %dma_wait3A_2112] : memref<4096x768xf32, #tpu.memory_space<hbm>> -> memref<64x768xf32, #tpu.memory_space<hbm>>
    %dma_wait3A_2114 = arith.constant 64 : i32
    %dma_wait3A_2115 = arith.constant 0 : i32
    %dma_wait3A_2116 = tpu.memref_slice %arg7[%dma_wait3A_2114, %dma_wait3A_2115] : memref<128x768xf32, #tpu.memory_space<vmem>> -> memref<64x768xf32, #tpu.memory_space<vmem>>
    tpu.wait_dma2 semaphore(%arg8 : memref<!tpu.dma_semaphore, #tpu.memory_space<semaphore_mem>>) src(%dma_wait3A_2116 : memref<64x768xf32, #tpu.memory_space<vmem>>) dst(%dma_wait3A_2113 : memref<64x768xf32, #tpu.memory_space<hbm>>)
    %dma_wait3A_2117 = arith.constant 6 : i32
    %dma_wait3A_2118 = arith.constant 64 : i32
    %dma_wait3A_2119 = arith.constant 0 : i32
    %dma_wait3A_2120 = tpu.memref_slice %arg7[%dma_wait3A_2118, %dma_wait3A_2119] : memref<128x768xf32, #tpu.memory_space<vmem>> -> memref<64x768xf32, #tpu.memory_space<vmem>>
    %dma_wait3A_2121 = arith.constant 0 : i32
    %dma_wait3A_2122 = arith.constant 0 : i32
    %dma_wait3A_2123 = tpu.memref_slice %arg4[%dma_wait3A_2117, %dma_wait3A_2121, %dma_wait3A_2122] : memref<16x4096x768xf32, #tpu.memory_space<hbm>> -> memref<1x4096x768xf32, #tpu.memory_space<hbm>>
    %dma_wait3A_2124 = tpu.memref_squeeze %dma_wait3A_2123 : memref<1x4096x768xf32, #tpu.memory_space<hbm>> -> memref<4096x768xf32, #tpu.memory_space<hbm>>
    %dma_wait3A_2125 = arith.constant 0 : i32
    %dma_wait3A_2126 = tpu.memref_slice %dma_wait3A_2124[%add3A_1186, %dma_wait3A_2125] : memref<4096x768xf32, #tpu.memory_space<hbm>> -> memref<64x768xf32, #tpu.memory_space<hbm>>
    %dma_wait3A_2127 = arith.constant 0 : i32
    %dma_wait3A_2128 = arith.constant 0 : i32
    %dma_wait3A_2129 = tpu.memref_slice %arg4[%dma_wait3A_2117, %dma_wait3A_2127, %dma_wait3A_2128] : memref<16x4096x768xf32, #tpu.memory_space<hbm>> -> memref<1x4096x768xf32, #tpu.memory_space<hbm>>
    %dma_wait3A_2130 = tpu.memref_squeeze %dma_wait3A_2129 : memref<1x4096x768xf32, #tpu.memory_space<hbm>> -> memref<4096x768xf32, #tpu.memory_space<hbm>>
    %dma_wait3A_2131 = arith.constant 0 : i32
    %dma_wait3A_2132 = tpu.memref_slice %dma_wait3A_2130[%add3A_1186, %dma_wait3A_2131] : memref<4096x768xf32, #tpu.memory_space<hbm>> -> memref<64x768xf32, #tpu.memory_space<hbm>>
    %dma_wait3A_2133 = arith.constant 64 : i32
    %dma_wait3A_2134 = arith.constant 0 : i32
    %dma_wait3A_2135 = tpu.memref_slice %arg7[%dma_wait3A_2133, %dma_wait3A_2134] : memref<128x768xf32, #tpu.memory_space<vmem>> -> memref<64x768xf32, #tpu.memory_space<vmem>>
    tpu.wait_dma2 semaphore(%arg8 : memref<!tpu.dma_semaphore, #tpu.memory_space<semaphore_mem>>) src(%dma_wait3A_2135 : memref<64x768xf32, #tpu.memory_space<vmem>>) dst(%dma_wait3A_2132 : memref<64x768xf32, #tpu.memory_space<hbm>>)
    %dma_wait3A_2136 = arith.constant 7 : i32
    %dma_wait3A_2137 = arith.constant 64 : i32
    %dma_wait3A_2138 = arith.constant 0 : i32
    %dma_wait3A_2139 = tpu.memref_slice %arg7[%dma_wait3A_2137, %dma_wait3A_2138] : memref<128x768xf32, #tpu.memory_space<vmem>> -> memref<64x768xf32, #tpu.memory_space<vmem>>
    %dma_wait3A_2140 = arith.constant 0 : i32
    %dma_wait3A_2141 = arith.constant 0 : i32
    %dma_wait3A_2142 = tpu.memref_slice %arg4[%dma_wait3A_2136, %dma_wait3A_2140, %dma_wait3A_2141] : memref<16x4096x768xf32, #tpu.memory_space<hbm>> -> memref<1x4096x768xf32, #tpu.memory_space<hbm>>
    %dma_wait3A_2143 = tpu.memref_squeeze %dma_wait3A_2142 : memref<1x4096x768xf32, #tpu.memory_space<hbm>> -> memref<4096x768xf32, #tpu.memory_space<hbm>>
    %dma_wait3A_2144 = arith.constant 0 : i32
    %dma_wait3A_2145 = tpu.memref_slice %dma_wait3A_2143[%add3A_1207, %dma_wait3A_2144] : memref<4096x768xf32, #tpu.memory_space<hbm>> -> memref<64x768xf32, #tpu.memory_space<hbm>>
    %dma_wait3A_2146 = arith.constant 0 : i32
    %dma_wait3A_2147 = arith.constant 0 : i32
    %dma_wait3A_2148 = tpu.memref_slice %arg4[%dma_wait3A_2136, %dma_wait3A_2146, %dma_wait3A_2147] : memref<16x4096x768xf32, #tpu.memory_space<hbm>> -> memref<1x4096x768xf32, #tpu.memory_space<hbm>>
    %dma_wait3A_2149 = tpu.memref_squeeze %dma_wait3A_2148 : memref<1x4096x768xf32, #tpu.memory_space<hbm>> -> memref<4096x768xf32, #tpu.memory_space<hbm>>
    %dma_wait3A_2150 = arith.constant 0 : i32
    %dma_wait3A_2151 = tpu.memref_slice %dma_wait3A_2149[%add3A_1207, %dma_wait3A_2150] : memref<4096x768xf32, #tpu.memory_space<hbm>> -> memref<64x768xf32, #tpu.memory_space<hbm>>
    %dma_wait3A_2152 = arith.constant 64 : i32
    %dma_wait3A_2153 = arith.constant 0 : i32
    %dma_wait3A_2154 = tpu.memref_slice %arg7[%dma_wait3A_2152, %dma_wait3A_2153] : memref<128x768xf32, #tpu.memory_space<vmem>> -> memref<64x768xf32, #tpu.memory_space<vmem>>
    tpu.wait_dma2 semaphore(%arg8 : memref<!tpu.dma_semaphore, #tpu.memory_space<semaphore_mem>>) src(%dma_wait3A_2154 : memref<64x768xf32, #tpu.memory_space<vmem>>) dst(%dma_wait3A_2151 : memref<64x768xf32, #tpu.memory_space<hbm>>)
    %dma_wait3A_2155 = arith.constant 8 : i32
    %dma_wait3A_2156 = arith.constant 64 : i32
    %dma_wait3A_2157 = arith.constant 0 : i32
    %dma_wait3A_2158 = tpu.memref_slice %arg7[%dma_wait3A_2156, %dma_wait3A_2157] : memref<128x768xf32, #tpu.memory_space<vmem>> -> memref<64x768xf32, #tpu.memory_space<vmem>>
    %dma_wait3A_2159 = arith.constant 0 : i32
    %dma_wait3A_2160 = arith.constant 0 : i32
    %dma_wait3A_2161 = tpu.memref_slice %arg4[%dma_wait3A_2155, %dma_wait3A_2159, %dma_wait3A_2160] : memref<16x4096x768xf32, #tpu.memory_space<hbm>> -> memref<1x4096x768xf32, #tpu.memory_space<hbm>>
    %dma_wait3A_2162 = tpu.memref_squeeze %dma_wait3A_2161 : memref<1x4096x768xf32, #tpu.memory_space<hbm>> -> memref<4096x768xf32, #tpu.memory_space<hbm>>
    %dma_wait3A_2163 = arith.constant 0 : i32
    %dma_wait3A_2164 = tpu.memref_slice %dma_wait3A_2162[%add3A_1228, %dma_wait3A_2163] : memref<4096x768xf32, #tpu.memory_space<hbm>> -> memref<64x768xf32, #tpu.memory_space<hbm>>
    %dma_wait3A_2165 = arith.constant 0 : i32
    %dma_wait3A_2166 = arith.constant 0 : i32
    %dma_wait3A_2167 = tpu.memref_slice %arg4[%dma_wait3A_2155, %dma_wait3A_2165, %dma_wait3A_2166] : memref<16x4096x768xf32, #tpu.memory_space<hbm>> -> memref<1x4096x768xf32, #tpu.memory_space<hbm>>
    %dma_wait3A_2168 = tpu.memref_squeeze %dma_wait3A_2167 : memref<1x4096x768xf32, #tpu.memory_space<hbm>> -> memref<4096x768xf32, #tpu.memory_space<hbm>>
    %dma_wait3A_2169 = arith.constant 0 : i32
    %dma_wait3A_2170 = tpu.memref_slice %dma_wait3A_2168[%add3A_1228, %dma_wait3A_2169] : memref<4096x768xf32, #tpu.memory_space<hbm>> -> memref<64x768xf32, #tpu.memory_space<hbm>>
    %dma_wait3A_2171 = arith.constant 64 : i32
    %dma_wait3A_2172 = arith.constant 0 : i32
    %dma_wait3A_2173 = tpu.memref_slice %arg7[%dma_wait3A_2171, %dma_wait3A_2172] : memref<128x768xf32, #tpu.memory_space<vmem>> -> memref<64x768xf32, #tpu.memory_space<vmem>>
    tpu.wait_dma2 semaphore(%arg8 : memref<!tpu.dma_semaphore, #tpu.memory_space<semaphore_mem>>) src(%dma_wait3A_2173 : memref<64x768xf32, #tpu.memory_space<vmem>>) dst(%dma_wait3A_2170 : memref<64x768xf32, #tpu.memory_space<hbm>>)
    %dma_wait3A_2174 = arith.constant 9 : i32
    %dma_wait3A_2175 = arith.constant 64 : i32
    %dma_wait3A_2176 = arith.constant 0 : i32
    %dma_wait3A_2177 = tpu.memref_slice %arg7[%dma_wait3A_2175, %dma_wait3A_2176] : memref<128x768xf32, #tpu.memory_space<vmem>> -> memref<64x768xf32, #tpu.memory_space<vmem>>
    %dma_wait3A_2178 = arith.constant 0 : i32
    %dma_wait3A_2179 = arith.constant 0 : i32
    %dma_wait3A_2180 = tpu.memref_slice %arg4[%dma_wait3A_2174, %dma_wait3A_2178, %dma_wait3A_2179] : memref<16x4096x768xf32, #tpu.memory_space<hbm>> -> memref<1x4096x768xf32, #tpu.memory_space<hbm>>
    %dma_wait3A_2181 = tpu.memref_squeeze %dma_wait3A_2180 : memref<1x4096x768xf32, #tpu.memory_space<hbm>> -> memref<4096x768xf32, #tpu.memory_space<hbm>>
    %dma_wait3A_2182 = arith.constant 0 : i32
    %dma_wait3A_2183 = tpu.memref_slice %dma_wait3A_2181[%add3A_1249, %dma_wait3A_2182] : memref<4096x768xf32, #tpu.memory_space<hbm>> -> memref<64x768xf32, #tpu.memory_space<hbm>>
    %dma_wait3A_2184 = arith.constant 0 : i32
    %dma_wait3A_2185 = arith.constant 0 : i32
    %dma_wait3A_2186 = tpu.memref_slice %arg4[%dma_wait3A_2174, %dma_wait3A_2184, %dma_wait3A_2185] : memref<16x4096x768xf32, #tpu.memory_space<hbm>> -> memref<1x4096x768xf32, #tpu.memory_space<hbm>>
    %dma_wait3A_2187 = tpu.memref_squeeze %dma_wait3A_2186 : memref<1x4096x768xf32, #tpu.memory_space<hbm>> -> memref<4096x768xf32, #tpu.memory_space<hbm>>
    %dma_wait3A_2188 = arith.constant 0 : i32
    %dma_wait3A_2189 = tpu.memref_slice %dma_wait3A_2187[%add3A_1249, %dma_wait3A_2188] : memref<4096x768xf32, #tpu.memory_space<hbm>> -> memref<64x768xf32, #tpu.memory_space<hbm>>
    %dma_wait3A_2190 = arith.constant 64 : i32
    %dma_wait3A_2191 = arith.constant 0 : i32
    %dma_wait3A_2192 = tpu.memref_slice %arg7[%dma_wait3A_2190, %dma_wait3A_2191] : memref<128x768xf32, #tpu.memory_space<vmem>> -> memref<64x768xf32, #tpu.memory_space<vmem>>
    tpu.wait_dma2 semaphore(%arg8 : memref<!tpu.dma_semaphore, #tpu.memory_space<semaphore_mem>>) src(%dma_wait3A_2192 : memref<64x768xf32, #tpu.memory_space<vmem>>) dst(%dma_wait3A_2189 : memref<64x768xf32, #tpu.memory_space<hbm>>)
    %dma_wait3A_2193 = arith.constant 10 : i32
    %dma_wait3A_2194 = arith.constant 64 : i32
    %dma_wait3A_2195 = arith.constant 0 : i32
    %dma_wait3A_2196 = tpu.memref_slice %arg7[%dma_wait3A_2194, %dma_wait3A_2195] : memref<128x768xf32, #tpu.memory_space<vmem>> -> memref<64x768xf32, #tpu.memory_space<vmem>>
    %dma_wait3A_2197 = arith.constant 0 : i32
    %dma_wait3A_2198 = arith.constant 0 : i32
    %dma_wait3A_2199 = tpu.memref_slice %arg4[%dma_wait3A_2193, %dma_wait3A_2197, %dma_wait3A_2198] : memref<16x4096x768xf32, #tpu.memory_space<hbm>> -> memref<1x4096x768xf32, #tpu.memory_space<hbm>>
    %dma_wait3A_2200 = tpu.memref_squeeze %dma_wait3A_2199 : memref<1x4096x768xf32, #tpu.memory_space<hbm>> -> memref<4096x768xf32, #tpu.memory_space<hbm>>
    %dma_wait3A_2201 = arith.constant 0 : i32
    %dma_wait3A_2202 = tpu.memref_slice %dma_wait3A_2200[%add3A_1270, %dma_wait3A_2201] : memref<4096x768xf32, #tpu.memory_space<hbm>> -> memref<64x768xf32, #tpu.memory_space<hbm>>
    %dma_wait3A_2203 = arith.constant 0 : i32
    %dma_wait3A_2204 = arith.constant 0 : i32
    %dma_wait3A_2205 = tpu.memref_slice %arg4[%dma_wait3A_2193, %dma_wait3A_2203, %dma_wait3A_2204] : memref<16x4096x768xf32, #tpu.memory_space<hbm>> -> memref<1x4096x768xf32, #tpu.memory_space<hbm>>
    %dma_wait3A_2206 = tpu.memref_squeeze %dma_wait3A_2205 : memref<1x4096x768xf32, #tpu.memory_space<hbm>> -> memref<4096x768xf32, #tpu.memory_space<hbm>>
    %dma_wait3A_2207 = arith.constant 0 : i32
    %dma_wait3A_2208 = tpu.memref_slice %dma_wait3A_2206[%add3A_1270, %dma_wait3A_2207] : memref<4096x768xf32, #tpu.memory_space<hbm>> -> memref<64x768xf32, #tpu.memory_space<hbm>>
    %dma_wait3A_2209 = arith.constant 64 : i32
    %dma_wait3A_2210 = arith.constant 0 : i32
    %dma_wait3A_2211 = tpu.memref_slice %arg7[%dma_wait3A_2209, %dma_wait3A_2210] : memref<128x768xf32, #tpu.memory_space<vmem>> -> memref<64x768xf32, #tpu.memory_space<vmem>>
    tpu.wait_dma2 semaphore(%arg8 : memref<!tpu.dma_semaphore, #tpu.memory_space<semaphore_mem>>) src(%dma_wait3A_2211 : memref<64x768xf32, #tpu.memory_space<vmem>>) dst(%dma_wait3A_2208 : memref<64x768xf32, #tpu.memory_space<hbm>>)
    %dma_wait3A_2212 = arith.constant 11 : i32
    %dma_wait3A_2213 = arith.constant 64 : i32
    %dma_wait3A_2214 = arith.constant 0 : i32
    %dma_wait3A_2215 = tpu.memref_slice %arg7[%dma_wait3A_2213, %dma_wait3A_2214] : memref<128x768xf32, #tpu.memory_space<vmem>> -> memref<64x768xf32, #tpu.memory_space<vmem>>
    %dma_wait3A_2216 = arith.constant 0 : i32
    %dma_wait3A_2217 = arith.constant 0 : i32
    %dma_wait3A_2218 = tpu.memref_slice %arg4[%dma_wait3A_2212, %dma_wait3A_2216, %dma_wait3A_2217] : memref<16x4096x768xf32, #tpu.memory_space<hbm>> -> memref<1x4096x768xf32, #tpu.memory_space<hbm>>
    %dma_wait3A_2219 = tpu.memref_squeeze %dma_wait3A_2218 : memref<1x4096x768xf32, #tpu.memory_space<hbm>> -> memref<4096x768xf32, #tpu.memory_space<hbm>>
    %dma_wait3A_2220 = arith.constant 0 : i32
    %dma_wait3A_2221 = tpu.memref_slice %dma_wait3A_2219[%add3A_1291, %dma_wait3A_2220] : memref<4096x768xf32, #tpu.memory_space<hbm>> -> memref<64x768xf32, #tpu.memory_space<hbm>>
    %dma_wait3A_2222 = arith.constant 0 : i32
    %dma_wait3A_2223 = arith.constant 0 : i32
    %dma_wait3A_2224 = tpu.memref_slice %arg4[%dma_wait3A_2212, %dma_wait3A_2222, %dma_wait3A_2223] : memref<16x4096x768xf32, #tpu.memory_space<hbm>> -> memref<1x4096x768xf32, #tpu.memory_space<hbm>>
    %dma_wait3A_2225 = tpu.memref_squeeze %dma_wait3A_2224 : memref<1x4096x768xf32, #tpu.memory_space<hbm>> -> memref<4096x768xf32, #tpu.memory_space<hbm>>
    %dma_wait3A_2226 = arith.constant 0 : i32
    %dma_wait3A_2227 = tpu.memref_slice %dma_wait3A_2225[%add3A_1291, %dma_wait3A_2226] : memref<4096x768xf32, #tpu.memory_space<hbm>> -> memref<64x768xf32, #tpu.memory_space<hbm>>
    %dma_wait3A_2228 = arith.constant 64 : i32
    %dma_wait3A_2229 = arith.constant 0 : i32
    %dma_wait3A_2230 = tpu.memref_slice %arg7[%dma_wait3A_2228, %dma_wait3A_2229] : memref<128x768xf32, #tpu.memory_space<vmem>> -> memref<64x768xf32, #tpu.memory_space<vmem>>
    tpu.wait_dma2 semaphore(%arg8 : memref<!tpu.dma_semaphore, #tpu.memory_space<semaphore_mem>>) src(%dma_wait3A_2230 : memref<64x768xf32, #tpu.memory_space<vmem>>) dst(%dma_wait3A_2227 : memref<64x768xf32, #tpu.memory_space<hbm>>)
    %dma_wait3A_2231 = arith.constant 12 : i32
    %dma_wait3A_2232 = arith.constant 64 : i32
    %dma_wait3A_2233 = arith.constant 0 : i32
    %dma_wait3A_2234 = tpu.memref_slice %arg7[%dma_wait3A_2232, %dma_wait3A_2233] : memref<128x768xf32, #tpu.memory_space<vmem>> -> memref<64x768xf32, #tpu.memory_space<vmem>>
    %dma_wait3A_2235 = arith.constant 0 : i32
    %dma_wait3A_2236 = arith.constant 0 : i32
    %dma_wait3A_2237 = tpu.memref_slice %arg4[%dma_wait3A_2231, %dma_wait3A_2235, %dma_wait3A_2236] : memref<16x4096x768xf32, #tpu.memory_space<hbm>> -> memref<1x4096x768xf32, #tpu.memory_space<hbm>>
    %dma_wait3A_2238 = tpu.memref_squeeze %dma_wait3A_2237 : memref<1x4096x768xf32, #tpu.memory_space<hbm>> -> memref<4096x768xf32, #tpu.memory_space<hbm>>
    %dma_wait3A_2239 = arith.constant 0 : i32
    %dma_wait3A_2240 = tpu.memref_slice %dma_wait3A_2238[%add3A_1312, %dma_wait3A_2239] : memref<4096x768xf32, #tpu.memory_space<hbm>> -> memref<64x768xf32, #tpu.memory_space<hbm>>
    %dma_wait3A_2241 = arith.constant 0 : i32
    %dma_wait3A_2242 = arith.constant 0 : i32
    %dma_wait3A_2243 = tpu.memref_slice %arg4[%dma_wait3A_2231, %dma_wait3A_2241, %dma_wait3A_2242] : memref<16x4096x768xf32, #tpu.memory_space<hbm>> -> memref<1x4096x768xf32, #tpu.memory_space<hbm>>
    %dma_wait3A_2244 = tpu.memref_squeeze %dma_wait3A_2243 : memref<1x4096x768xf32, #tpu.memory_space<hbm>> -> memref<4096x768xf32, #tpu.memory_space<hbm>>
    %dma_wait3A_2245 = arith.constant 0 : i32
    %dma_wait3A_2246 = tpu.memref_slice %dma_wait3A_2244[%add3A_1312, %dma_wait3A_2245] : memref<4096x768xf32, #tpu.memory_space<hbm>> -> memref<64x768xf32, #tpu.memory_space<hbm>>
    %dma_wait3A_2247 = arith.constant 64 : i32
    %dma_wait3A_2248 = arith.constant 0 : i32
    %dma_wait3A_2249 = tpu.memref_slice %arg7[%dma_wait3A_2247, %dma_wait3A_2248] : memref<128x768xf32, #tpu.memory_space<vmem>> -> memref<64x768xf32, #tpu.memory_space<vmem>>
    tpu.wait_dma2 semaphore(%arg8 : memref<!tpu.dma_semaphore, #tpu.memory_space<semaphore_mem>>) src(%dma_wait3A_2249 : memref<64x768xf32, #tpu.memory_space<vmem>>) dst(%dma_wait3A_2246 : memref<64x768xf32, #tpu.memory_space<hbm>>)
    %dma_wait3A_2250 = arith.constant 13 : i32
    %dma_wait3A_2251 = arith.constant 64 : i32
    %dma_wait3A_2252 = arith.constant 0 : i32
    %dma_wait3A_2253 = tpu.memref_slice %arg7[%dma_wait3A_2251, %dma_wait3A_2252] : memref<128x768xf32, #tpu.memory_space<vmem>> -> memref<64x768xf32, #tpu.memory_space<vmem>>
    %dma_wait3A_2254 = arith.constant 0 : i32
    %dma_wait3A_2255 = arith.constant 0 : i32
    %dma_wait3A_2256 = tpu.memref_slice %arg4[%dma_wait3A_2250, %dma_wait3A_2254, %dma_wait3A_2255] : memref<16x4096x768xf32, #tpu.memory_space<hbm>> -> memref<1x4096x768xf32, #tpu.memory_space<hbm>>
    %dma_wait3A_2257 = tpu.memref_squeeze %dma_wait3A_2256 : memref<1x4096x768xf32, #tpu.memory_space<hbm>> -> memref<4096x768xf32, #tpu.memory_space<hbm>>
    %dma_wait3A_2258 = arith.constant 0 : i32
    %dma_wait3A_2259 = tpu.memref_slice %dma_wait3A_2257[%add3A_1333, %dma_wait3A_2258] : memref<4096x768xf32, #tpu.memory_space<hbm>> -> memref<64x768xf32, #tpu.memory_space<hbm>>
    %dma_wait3A_2260 = arith.constant 0 : i32
    %dma_wait3A_2261 = arith.constant 0 : i32
    %dma_wait3A_2262 = tpu.memref_slice %arg4[%dma_wait3A_2250, %dma_wait3A_2260, %dma_wait3A_2261] : memref<16x4096x768xf32, #tpu.memory_space<hbm>> -> memref<1x4096x768xf32, #tpu.memory_space<hbm>>
    %dma_wait3A_2263 = tpu.memref_squeeze %dma_wait3A_2262 : memref<1x4096x768xf32, #tpu.memory_space<hbm>> -> memref<4096x768xf32, #tpu.memory_space<hbm>>
    %dma_wait3A_2264 = arith.constant 0 : i32
    %dma_wait3A_2265 = tpu.memref_slice %dma_wait3A_2263[%add3A_1333, %dma_wait3A_2264] : memref<4096x768xf32, #tpu.memory_space<hbm>> -> memref<64x768xf32, #tpu.memory_space<hbm>>
    %dma_wait3A_2266 = arith.constant 64 : i32
    %dma_wait3A_2267 = arith.constant 0 : i32
    %dma_wait3A_2268 = tpu.memref_slice %arg7[%dma_wait3A_2266, %dma_wait3A_2267] : memref<128x768xf32, #tpu.memory_space<vmem>> -> memref<64x768xf32, #tpu.memory_space<vmem>>
    tpu.wait_dma2 semaphore(%arg8 : memref<!tpu.dma_semaphore, #tpu.memory_space<semaphore_mem>>) src(%dma_wait3A_2268 : memref<64x768xf32, #tpu.memory_space<vmem>>) dst(%dma_wait3A_2265 : memref<64x768xf32, #tpu.memory_space<hbm>>)
    %dma_wait3A_2269 = arith.constant 14 : i32
    %dma_wait3A_2270 = arith.constant 64 : i32
    %dma_wait3A_2271 = arith.constant 0 : i32
    %dma_wait3A_2272 = tpu.memref_slice %arg7[%dma_wait3A_2270, %dma_wait3A_2271] : memref<128x768xf32, #tpu.memory_space<vmem>> -> memref<64x768xf32, #tpu.memory_space<vmem>>
    %dma_wait3A_2273 = arith.constant 0 : i32
    %dma_wait3A_2274 = arith.constant 0 : i32
    %dma_wait3A_2275 = tpu.memref_slice %arg4[%dma_wait3A_2269, %dma_wait3A_2273, %dma_wait3A_2274] : memref<16x4096x768xf32, #tpu.memory_space<hbm>> -> memref<1x4096x768xf32, #tpu.memory_space<hbm>>
    %dma_wait3A_2276 = tpu.memref_squeeze %dma_wait3A_2275 : memref<1x4096x768xf32, #tpu.memory_space<hbm>> -> memref<4096x768xf32, #tpu.memory_space<hbm>>
    %dma_wait3A_2277 = arith.constant 0 : i32
    %dma_wait3A_2278 = tpu.memref_slice %dma_wait3A_2276[%add3A_1354, %dma_wait3A_2277] : memref<4096x768xf32, #tpu.memory_space<hbm>> -> memref<64x768xf32, #tpu.memory_space<hbm>>
    %dma_wait3A_2279 = arith.constant 0 : i32
    %dma_wait3A_2280 = arith.constant 0 : i32
    %dma_wait3A_2281 = tpu.memref_slice %arg4[%dma_wait3A_2269, %dma_wait3A_2279, %dma_wait3A_2280] : memref<16x4096x768xf32, #tpu.memory_space<hbm>> -> memref<1x4096x768xf32, #tpu.memory_space<hbm>>
    %dma_wait3A_2282 = tpu.memref_squeeze %dma_wait3A_2281 : memref<1x4096x768xf32, #tpu.memory_space<hbm>> -> memref<4096x768xf32, #tpu.memory_space<hbm>>
    %dma_wait3A_2283 = arith.constant 0 : i32
    %dma_wait3A_2284 = tpu.memref_slice %dma_wait3A_2282[%add3A_1354, %dma_wait3A_2283] : memref<4096x768xf32, #tpu.memory_space<hbm>> -> memref<64x768xf32, #tpu.memory_space<hbm>>
    %dma_wait3A_2285 = arith.constant 64 : i32
    %dma_wait3A_2286 = arith.constant 0 : i32
    %dma_wait3A_2287 = tpu.memref_slice %arg7[%dma_wait3A_2285, %dma_wait3A_2286] : memref<128x768xf32, #tpu.memory_space<vmem>> -> memref<64x768xf32, #tpu.memory_space<vmem>>
    tpu.wait_dma2 semaphore(%arg8 : memref<!tpu.dma_semaphore, #tpu.memory_space<semaphore_mem>>) src(%dma_wait3A_2287 : memref<64x768xf32, #tpu.memory_space<vmem>>) dst(%dma_wait3A_2284 : memref<64x768xf32, #tpu.memory_space<hbm>>)
    %dma_wait3A_2288 = arith.constant 15 : i32
    %dma_wait3A_2289 = arith.constant 64 : i32
    %dma_wait3A_2290 = arith.constant 0 : i32
    %dma_wait3A_2291 = tpu.memref_slice %arg7[%dma_wait3A_2289, %dma_wait3A_2290] : memref<128x768xf32, #tpu.memory_space<vmem>> -> memref<64x768xf32, #tpu.memory_space<vmem>>
    %dma_wait3A_2292 = arith.constant 0 : i32
    %dma_wait3A_2293 = arith.constant 0 : i32
    %dma_wait3A_2294 = tpu.memref_slice %arg4[%dma_wait3A_2288, %dma_wait3A_2292, %dma_wait3A_2293] : memref<16x4096x768xf32, #tpu.memory_space<hbm>> -> memref<1x4096x768xf32, #tpu.memory_space<hbm>>
    %dma_wait3A_2295 = tpu.memref_squeeze %dma_wait3A_2294 : memref<1x4096x768xf32, #tpu.memory_space<hbm>> -> memref<4096x768xf32, #tpu.memory_space<hbm>>
    %dma_wait3A_2296 = arith.constant 0 : i32
    %dma_wait3A_2297 = tpu.memref_slice %dma_wait3A_2295[%add3A_1375, %dma_wait3A_2296] : memref<4096x768xf32, #tpu.memory_space<hbm>> -> memref<64x768xf32, #tpu.memory_space<hbm>>
    %dma_wait3A_2298 = arith.constant 0 : i32
    %dma_wait3A_2299 = arith.constant 0 : i32
    %dma_wait3A_2300 = tpu.memref_slice %arg4[%dma_wait3A_2288, %dma_wait3A_2298, %dma_wait3A_2299] : memref<16x4096x768xf32, #tpu.memory_space<hbm>> -> memref<1x4096x768xf32, #tpu.memory_space<hbm>>
    %dma_wait3A_2301 = tpu.memref_squeeze %dma_wait3A_2300 : memref<1x4096x768xf32, #tpu.memory_space<hbm>> -> memref<4096x768xf32, #tpu.memory_space<hbm>>
    %dma_wait3A_2302 = arith.constant 0 : i32
    %dma_wait3A_2303 = tpu.memref_slice %dma_wait3A_2301[%add3A_1375, %dma_wait3A_2302] : memref<4096x768xf32, #tpu.memory_space<hbm>> -> memref<64x768xf32, #tpu.memory_space<hbm>>
    %dma_wait3A_2304 = arith.constant 64 : i32
    %dma_wait3A_2305 = arith.constant 0 : i32
    %dma_wait3A_2306 = tpu.memref_slice %arg7[%dma_wait3A_2304, %dma_wait3A_2305] : memref<128x768xf32, #tpu.memory_space<vmem>> -> memref<64x768xf32, #tpu.memory_space<vmem>>
    tpu.wait_dma2 semaphore(%arg8 : memref<!tpu.dma_semaphore, #tpu.memory_space<semaphore_mem>>) src(%dma_wait3A_2306 : memref<64x768xf32, #tpu.memory_space<vmem>>) dst(%dma_wait3A_2303 : memref<64x768xf32, #tpu.memory_space<hbm>>)
    return
  }
}

</mosaic_0001>

<sc_bundles>
// kernel: kernel.3.cloned.1.call-start
scs
__scs_entry_jumppad:
0x0: {  	(pc) =	sbr.rel $0x88, $3  }
0x1: {  	(tag) =	ssettag $0x0;
	lr =	simm.s32 $0x1  }
0x2: {  	[smem:$0x3F9F] =	sst lr;
	_ =	strace $0xD0000000  }
0x3: {  	_ = 	snop  }
0x4: {  	_ = 	snop  }
0x5: {  	_ = 	snop  }
0x6: {  	_ = 	snop  }
0x7: {  	_ = 	snop  }
__scs_overlays_trampoline_lowered:
0x8: {  	[smem:$0x3FAE] =	sst s0  }
0x9: {  	[smem:$0x3FAF] =	sst s1  }
0xa: {  	[smem:$0x3FB0] =	sst s2  }
0xb: {  	[smem:$0x3FB1] =	sst s3  }
0xc: {  	[smem:$0x3FB2] =	sst s4  }
0xd: {  	[smem:$0x3FB3] =	sst s5  }
0xe: {  	[smem:$0x3FB4] =	sst s6  }
0xf: {  	[smem:$0x3FB5] =	sst s7  }
0x10: {  	[smem:$0x3FB6] =	sst s8  }
0x11: {  	[smem:$0x3FB7] =	sst s9;
	s0 =	simm.s32 @!p0 $0x0  }
0x12: {  	s1 =	sld [smem:$0x3F9D];
	s0 =	simm.s32 @p0 $0x1  }
0x13: {  	[smem:$0x3FB8] =	sst s0;
	s0 =	simm.s32 @!p1 $0x0  }
0x14: {  	s2 =	sld [smem:$0x3F9C];
	s0 =	simm.s32 @p1 $0x1  }
0x15: {  	[smem:$0x3FB9] =	sst s0;
	s0 =	simm.s32 @!p2 $0x0  }
0x16: {  	s3 =	sld [smem:$0x3FDB];
	s0 =	simm.s32 @p2 $0x1  }
0x17: {  	s4 =	simm.s32 $0x1BF5;
	[smem:$0x3FBB] =	sst s0  }
0x18: {  	s0 =	sld [smem:$0x3F9E];
	_ =	swait.ge [sflag:s4], $0x0  }
0x19: {  	s7 =	sld [smem:$0x3F9F]  }
0x1a: {  	s8 =	sadd.s32 $0xFFFFE003, lr  }
0x1b: {  	s9 =	sadd.s32 $0xFFFFFEF7, lr;
	s5 =	simm.s32 $0xFFFFFFFF;
	p2 =	slt.u32 s8, $0xFFFFF086  }
0x1c: {  	p1 =	slt.u32 s9, $0xF7A;
	s5 =	simm.s32 @!p2 $0x0  }
0x1d: {  	s5 =	simm.s32 @p1 $0x1;
	p0 =	seq.s32 s7, s2  }
0x1e: {  	s7 =	smul.u32 @!p0 $0xF7A, s2;
	p2 =	seq.s32 @!p0 s5, $0x0  }
0x1f: {  	s9 =	smul.u32 $0xF7A, s1;
	s8 =	simm.s32 @!p0 $0x1BF5;
	p2 =	por !p2, p0  }
0x20: {  	[sflag:s8] =	ssyncset.s32 @!p0 $0xFFFFF086;
	s6 =	sadd.s32 @!p0 s3, s7;
	s7 =	simm.s32 @!p0 $0x108  }
0x21: {  	s3 =	sadd.s32 s3, s9;
	s6 =	sadd.s32 @!p0 $0x88, s6;
	s7 =	simm.s32 @p2 $0x1082  }
0x22: {  	[simem:s7], [sflag:s8] =	dma.local @!p0 [hbm:s6], $0xF7A  }
0x23: {  	s9 =	sor.u32 $0xD0000000, s2;
	s6 =	simm.s32 $0x108;
	_ =	swait.ge @!p0 [sflag:s8], $0x0  }
0x24: {  	s3 =	sadd.s32 $0x88, s3;
	s6 =	simm.s32 @!p1 $0x1082;
	[sflag:s4] =	ssyncset.s32 $0xFFFFF086  }
0x25: {  	[simem:s6], [sflag:s4] =	dma.local [hbm:s3], $0xF7A  }
0x26: {  	[smem:$0x3F9F] =	sst s1;
	(tag) =	ssettag s2;
	_ =	strace s9  }
0x27: {  	s1 =	sld [smem:$0x3FAF]  }
0x28: {  	s2 =	sld [smem:$0x3FB0]  }
0x29: {  	s4 =	sld [smem:$0x3FB2]  }
0x2a: {  	p0 =	seq.s32 s5, $0x0;
	s5 =	sld [smem:$0x3FB3]  }
0x2b: {  	s6 =	sld [smem:$0x3FB4]  }
0x2c: {  	s7 =	sld [smem:$0x3FB5]  }
0x2d: {  	s3 =	simm.s32 $0x108;
	s8 =	sld [smem:$0x3FB6]  }
0x2e: {  	s3 =	simm.s32 @!p0 $0x1082;
	s9 =	sld [smem:$0x3FB7]  }
0x2f: {  	lr =	sadd.s32 s0, s3;
	s0 =	sld [smem:$0x3FAE]  }
0x30: {  	s3 =	sld [smem:$0x3FB1]  }
0x31: {  	[smem:$0x3FBA] =	sst s10  }
0x32: {  	s10 =	sld [smem:$0x3FB8];
	_ =	sdelay $0x3  }
0x33: {  	p0 =	seq.s32 s10, $0x1;
	s10 =	sld [smem:$0x3FBA];
	_ =	sdelay $0x3  }
0x34: {  	[smem:$0x3FBA] =	sst s10  }
0x35: {  	s10 =	sld [smem:$0x3FB9];
	_ =	sdelay $0x3  }
0x36: {  	p1 =	seq.s32 s10, $0x1;
	s10 =	sld [smem:$0x3FBA];
	_ =	sdelay $0x3  }
0x37: {  	[smem:$0x3FBA] =	sst s10  }
0x38: {  	s10 =	sld [smem:$0x3FBB]  }
0x39: {  	_ = 	snop;
	(pc) =	sbr.ind lr, $3  }
0x3a: {  	_ = 	snop  }
0x3b: {  	_ = 	snop  }
0x3c: {  	p2 =	seq.s32 s10, $0x1;
	s10 =	sld [smem:$0x3FBA]  }
0x3d: {  	_ =	shalt  }
0x3e: {  	_ =	shalt  }
0x3f: {  	_ =	shalt  }
0x40: {  	_ =	shalt  }
0x41: {  	_ =	shalt  }
0x42: {  	_ =	shalt  }
0x43: {  	_ =	shalt  }
0x44: {  	_ =	shalt  }
0x45: {  	_ =	shalt  }
0x46: {  	_ =	shalt  }
0x47: {  	_ =	shalt  }
0x48: {  	_ =	shalt  }
0x49: {  	_ =	shalt  }
0x4a: {  	_ =	shalt  }
0x4b: {  	_ =	shalt  }
0x4c: {  	_ =	shalt  }
0x4d: {  	_ =	shalt  }
0x4e: {  	_ =	shalt  }
0x4f: {  	_ =	shalt  }
0x50: {  	_ =	shalt  }
0x51: {  	_ =	shalt  }
0x52: {  	_ =	shalt  }
0x53: {  	_ =	shalt  }
0x54: {  	_ =	shalt  }
0x55: {  	_ =	shalt  }
0x56: {  	_ =	shalt  }
0x57: {  	_ =	shalt  }
0x58: {  	_ =	shalt  }
0x59: {  	_ =	shalt  }
0x5a: {  	_ =	shalt  }
0x5b: {  	_ =	shalt  }
0x5c: {  	_ =	shalt  }
0x5d: {  	_ =	shalt  }
0x5e: {  	_ =	shalt  }
0x5f: {  	_ =	shalt  }
0x60: {  	_ =	shalt  }
0x61: {  	_ =	shalt  }
0x62: {  	_ =	shalt  }
0x63: {  	_ =	shalt  }
0x64: {  	_ =	shalt  }
0x65: {  	_ =	shalt  }
0x66: {  	_ =	shalt  }
0x67: {  	_ =	shalt  }
0x68: {  	_ =	shalt  }
0x69: {  	_ =	shalt  }
0x6a: {  	_ =	shalt  }
0x6b: {  	_ =	shalt  }
0x6c: {  	_ =	shalt  }
0x6d: {  	_ =	shalt  }
0x6e: {  	_ =	shalt  }
0x6f: {  	_ =	shalt  }
0x70: {  	_ =	shalt  }
0x71: {  	_ =	shalt  }
0x72: {  	_ =	shalt  }
0x73: {  	_ =	shalt  }
0x74: {  	_ =	shalt  }
0x75: {  	_ =	shalt  }
0x76: {  	_ =	shalt  }
0x77: {  	_ =	shalt  }
0x78: {  	_ =	shalt  }
0x79: {  	_ =	shalt  }
0x7a: {  	_ =	shalt  }
0x7b: {  	_ =	shalt  }
0x7c: {  	_ =	shalt  }
0x7d: {  	_ =	shalt  }
0x7e: {  	_ =	shalt  }
0x7f: {  	_ =	shalt  }
0x80: {  	_ =	shalt  }
0x81: {  	_ =	shalt  }
0x82: {  	_ =	shalt  }
0x83: {  	_ =	shalt  }
0x84: {  	_ =	shalt  }
0x85: {  	_ =	shalt  }
0x86: {  	_ =	shalt  }
0x87: {  	_ =	shalt  }
.Lfunc_end0:
.L_simem_size_0:
called_computation_lowered:
.L_overlay_start_0:
0x88: {  	s2 =	sld [smem:$0x3FD9]  }
0x89: {  	s3 =	sld [smem:$0x3FFE];
	_ =	sdelay $0x1  }
0x8a: {  	s1 =	srdreg.scid  }
0x8b: {  	s0 =	sand.u32 $0x1, s1  }
0x8c: {  	s18 =	sshll.u32 s0, $0xA;
	s2 =	sadd.s32 s3, s2  }
0x8d: {  	s2 =	sadd.s32 s2, s18  }
0x8e: {  	[smem:$0x3FC6] =	sst s2  }
0x8f: {  	_ = 	snop  }
0x90: {  	s2 =	sld [smem:$0x3FC9]  }
0x91: {  	s19 =	sld [smem:$0x3FC8]  }
0x92: {  	s4 =	sld [smem:$0x3FD0];
	(tm) =	ssettm $0x1  }
0x93: {  	s5 =	sld [smem:$0x3FFB];
	_ =	sdelay $0x3  }
0x94: {  	_ =	strace s5  }
0x95: {  	s5 =	sld [smem:$0x3FFC];
	_ =	sdelay $0x3  }
0x96: {  	_ =	strace s5  }
0x97: {  	s5 =	sld [smem:$0x3FFD];
	_ =	sdelay $0x3  }
0x98: {  	_ =	strace s5  }
0x99: {  	_ =	strace $0x8FFFFFFF  }
0x9a: {  	s20 =	sld [smem:$0x3FDB];
	_ =	sdelay $0x1  }
0x9b: {  	s6 =	simm.s32 $_scs_section_size  }
0x9c: {  	s7 =	simm.s32 $_size__tile_overlayer_lowered;
	s8 =	simm.s32 $_tile_overlayer_lowered  }
0x9d: {  	s23 =	simm.s32 $0x1BFF;
	s22 =	sshll.u32 s8, $0x1;
	s5 =	sadd.s32 s6, s20  }
0x9e: {  	s9 =	simm.s32 $0x0;
	s21 =	sshll.u32 s7, $0x1;
	s7 =	sadd.s32 s22, s5  }
0x9f: {  	[timem:s9], [sflag:s23] =	dma.local [hbm:s7], s21  }
0xa0: {  	_ =	swait.ge [sflag:s23], s21  }
0xa1: {  	s6 =	ssub.s32 $0x0, s21;
	[sflag:s23] =	ssyncset.done $0x0  }
0xa2: {  	[sflag:s23] =	ssyncadd.s32 s6;
	_ =	sdelay $0x1  }
0xa3: {  	s24 =	simm.s32 $0x1B8B  }
0xa4: {  	_ =	swait.ge [sflag:s24], $0x1  }
0xa5: {  	[sflag:s24] =	ssyncset.done $0x0  }
0xa6: {  	s25 =	simm.s32 $0x1B8E;
	[sflag:s24] =	ssyncadd.s32 $0xFFFFFFFF  }
0xa7: {  	s26 =	simm.s32 $execute0_lowered;
	[smem:$0x3FD2] =	sst s25  }
0xa8: {  	s6 =	sshll.u32 s26, $0x1;
	_ =	strace $0x80000046;
	[dreg:$0x1] =	wrdreg $0xFFFFFFFF  }
0xa9: {  	s28 =	simm.s32 $_size_execute0_lowered;
	s5 =	sadd.s32 s5, s6;
	[dreg:$0x0] =	wrdreg $0x0  }
0xaa: {  	s6 =	sshll.u32 s28, $0x1;
	[dreg:$0x2] =	wrdreg s5  }
0xab: {  	[dreg:$0x3] =	wrdreg s6  }
0xac: {  	[dreg:$0x4] =	wrdreg $0xC0  }
0xad: {  	_ =	task [dreg:s9], $0x5FFFF  }
0xae: {  	[dreg:$0x1] =	wrdreg $0xFFFFFFFF  }
0xaf: {  	[dreg:$0x0] =	wrdreg $0x60  }
0xb0: {  	[dreg:$0x2] =	wrdreg s2  }
0xb1: {  	[dreg:$0x3] =	wrdreg s19  }
0xb2: {  	[dreg:$0x4] =	wrdreg s4  }
0xb3: {  	[dreg:$0x5] =	wrdreg $0x9  }
0xb4: {  	_ =	task.clear_ibuf [dreg:s9], $0x6FFFF;
	_ =	strace $0x90000046  }
0xb5: {  	s29 =	simm.s32 $0x9;
	_ =	strace $0x80000048  }
0xb6: {  	_ =	swait.ge [sflag:s29], $0x1  }
0xb7: {  	[sflag:s29] =	ssyncadd.s32 $0xFFFFFFFF  }
0xb8: {  	_ =	strace $0x90000048  }
0xb9: {  	_ =	sfence  }
0xba: {  	s30 =	sld [smem:$0x0];
	_ =	sdelay $0x2  }
0xbb: {  	s31 =	sshll.u32 s1, $0xD;
	s1 =	sshrl.u32 s1, $0x2  }
0xbc: {  	s3 =	sand.u32 $0x4000, s31;
	s1 =	sadd.s32 s1, s30  }
0xbd: {  	s0 =	sor.u32 s3, s0;
	s1 =	sshll.u32 s1, $0x11  }
0xbe: {  	s0 =	sor.u32 s1, s0  }
0xbf: {  	s0 =	sadd.s32 $0x8F2B, s0  }
0xc0: {  	[sflag:s0] =	ssyncadd.remote.s32 $0x1  }
0xc1: {  	_ =	sfence.sel $0xFFFF  }
0xc2: {  	[dreg:$0x0] =	wrdreg $0xFFFFFFFF;
	(pc) =	sbr.abs _section_cstart, $3  }
0xc3: {  	[dreg:$0x1] =	wrdreg $0xFFFFFFFF  }
0xc4: {  	_ =	task.clear_ibuf [dreg:s9], $0x2FFFF;
	_ =	strace $0x9FFFFFFF  }
0xc5: {  	(tm) =	ssettm $0x7FFFFFFF  }
tec
execute0_lowered:
.L_overlay_start_1:
0x0: {  	(tag) =	ssettag $0x1  }
0x1: {  	s0 =	rddreg [dreg:$0x1]  }
0x2: {  	s1 =	srdreg.scid;
	s4 =	stileid.u32  }
0x3: {  	s2 =	rddreg [dreg:$0x2];
	s31 =	simm.s32 $0x2;
	s28 =	simm.s32 $0x1  }
0x4: {  	s29 =	simm.s32 $0x0;
	s1 =	sand.u32 $0x1, s1;
	s3 =	sshll.u32 s4, $0x1  }
0x5: {  	s4 =	sshrl.u32 s4, $0x1;
	s26 =	sadd.s32 $0x60000, s2;
	s21 =	sadd.s32 $0xC0000, s2  }
0x6: {  	s22 =	sadd.s32 $0x120000, s2;
	s10 =	sadd.s32 $0x180000, s2;
	s11 =	sadd.s32 $0x1E0000, s2  }
0x7: {  	s12 =	sadd.s32 $0x240000, s2;
	s13 =	sadd.s32 $0x2A0000, s2;
	s14 =	sadd.s32 $0x300000, s2  }
0x8: {  	s15 =	sadd.s32 $0x360000, s2;
	s16 =	sadd.s32 $0x3C0000, s2;
	s17 =	sadd.s32 $0x420000, s2  }
0x9: {  	s18 =	sadd.s32 $0x480000, s2;
	s19 =	sadd.s32 $0x4E0000, s2;
	s5 =	sor.u32 s1, s3  }
0xa: {  	s3 =	simm.s32 $0x0;
	s4 =	smul.u32 $0xC00, s4;
	s1 =	ssub.s32 $0x2, s1  }
0xb: {  	s6 =	sshll.u32 s5, $0x8;
	[smem:$0x7FF] =	sst s3;
	s7 =	sshrl.u32 s1, $0x1  }
0xc: {  	s23 =	smul.u32 $0x18000, s5;
	_ =	strace $0x80000047;
	[dreg:$0x6] =	wrdreg s21  }
0xd: {  	s6 =	sand.u32 $0x300, s6;
	s1 =	ssub.s32 s1, s7;
	[dreg:$0x7] =	wrdreg s22  }
0xe: {  	s21 =	sadd.s32 $0x5A0000, s2;
	s6 =	sor.u32 s4, s6;
	s4 =	smul.u32 $0x3000, s5  }
0xf: {  	s30 =	smax.u32 s1, $0x1;
	s1 =	simm.s32 $0x12300;
	s6 =	sshrl.u32 s6, $0x3  }
0x10: {  	[dreg:$0xa] =	wrdreg s30;
	s0 =	sadd.s32 s0, s6;
	s20 =	sadd.s32 s2, s4  }
0x11: {  	s22 =	sor.u32 $0x600, s4;
	[dreg:$0x4] =	wrdreg s0;
	s0 =	sshrl.u32 s23, $0x3  }
0x12: {  	[dreg:$0x5] =	wrdreg s20;
	s24 =	sadd.s32 s2, s22;
	s23 =	sadd.s32 $0x1800, s0  }
0x13: {  	s20 =	sadd.s32 $0x540000, s2;
	[dreg:$0x8] =	wrdreg s24;
	s25 =	sadd.s32 s2, s23  }
0x14: {  	s0 =	simm.s32 $0x9300;
	s2 =	simm.s32 $0x6300;
	[dreg:$0x9] =	wrdreg s25  }
.LBB2_1:
0x15: {  	s5 =	rddreg [dreg:$0x0]  }
0x16: {  	s25 =	rddreg [dreg:$0x4]  }
0x17: {  	[tilespmem:s3], [sflag:$0x2] =	stream.linear.gather [hbm4b:s5+s3], $0x6000, $0x38;
	[tilespmem:$0x1E300] =	vst v63  }
0x18: {  	s6 =	simm.s32 $0x100;
	s7 =	simm.s32 $0x400;
	s8 =	simm.s32 $0x6000  }
0x19: {  	[tilespmem:s8], [sflag:$0x2] =	stream.strided.gather [hbm4b:s25+s6], $0x300, s7, s6, $0x38;
	[tilespmem:$0x1E300] =	vst v63  }
0x1a: {  	_ =	swait.ge [sflag:s31], $0x6000  }
0x1b: {  	[sflag:s31] =	ssyncset.done $0x0  }
0x1c: {  	[sflag:s31] =	ssyncadd.s32 $0xFFFFA000  }
0x1d: {  	_ =	swait.ge [sflag:s31], $0x300  }
0x1e: {  	[sflag:s31] =	ssyncset.done $0x0  }
0x1f: {  	[sflag:s31] =	ssyncadd.s32 $0xFFFFFD00  }
0x20: {  	v23 =	vld [tilespmem:$0x6000]  }
0x21: {  	v22 =	vld [tilespmem:$0x6010]  }
0x22: {  	v21 =	vld [tilespmem:$0x6020]  }
0x23: {  	v20 =	vld [tilespmem:$0x6030]  }
0x24: {  	v19 =	vld [tilespmem:$0x6040]  }
0x25: {  	v18 =	vld [tilespmem:$0x6050]  }
0x26: {  	v17 =	vld [tilespmem:$0x6060]  }
0x27: {  	v16 =	vld [tilespmem:$0x6070]  }
0x28: {  	v15 =	vld [tilespmem:$0x6100]  }
0x29: {  	v14 =	vld [tilespmem:$0x6110]  }
0x2a: {  	v13 =	vld [tilespmem:$0x6120]  }
0x2b: {  	v12 =	vld [tilespmem:$0x6130]  }
0x2c: {  	v11 =	vld [tilespmem:$0x6140]  }
0x2d: {  	v10 =	vld [tilespmem:$0x6150]  }
0x2e: {  	v9 =	vld [tilespmem:$0x6160]  }
0x2f: {  	s8 =	simm.s32 $0x0;
	v8 =	vld [tilespmem:$0x6170]  }
0x30: {  	s9 =	smul.u32 $0x3000, s8;
	v7 =	vld [tilespmem:$0x6200]  }
0x31: {  	v6 =	vld [tilespmem:$0x6210]  }
0x32: {  	s24 =	sand.u32 $0x380, s3;
	s6 =	sshra.s32 s9, $0x2;
	v5 =	vld [tilespmem:$0x6220]  }
0x33: {  	s6 =	sor.u32 s24, s6;
	v2 =	vld [tilespmem:$0x6230]  }
0x34: {  	s5 =	smul.u32 $0x6000, s8;
	v24 =	vld [tilespmem:s6+$0x0]  }
0x35: {  	v3 =	vld [tilespmem:$0x6240]  }
0x36: {  	s5 =	sshra.s32 s5, $0x2;
	v4 =	vld [tilespmem:$0x6250]  }
0x37: {  	s30 =	sor.u32 s24, s5;
	v1 =	vld [tilespmem:$0x6260]  }
0x38: {  	v0 =	vld [tilespmem:$0x6270];
	[tilespmem:s30+$0x6F00] =	vst v23  }
0x39: {  	[tilespmem:s30+$0x6300] =	vst v24  }
0x3a: {  	v24 =	vld [tilespmem:s6+$0x10];
	_ =	sdelay $0x3  }
0x3b: {  	[tilespmem:s30+$0x6F10] =	vst v22  }
0x3c: {  	[tilespmem:s30+$0x6310] =	vst v24  }
0x3d: {  	v24 =	vld [tilespmem:s6+$0x20];
	_ =	sdelay $0x3  }
0x3e: {  	[tilespmem:s30+$0x6F20] =	vst v21  }
0x3f: {  	[tilespmem:s30+$0x6320] =	vst v24  }
0x40: {  	v24 =	vld [tilespmem:s6+$0x30];
	_ =	sdelay $0x3  }
0x41: {  	[tilespmem:s30+$0x6F30] =	vst v20  }
0x42: {  	[tilespmem:s30+$0x6330] =	vst v24  }
0x43: {  	v24 =	vld [tilespmem:s6+$0x40];
	_ =	sdelay $0x3  }
0x44: {  	[tilespmem:s30+$0x6F40] =	vst v19  }
0x45: {  	[tilespmem:s30+$0x6340] =	vst v24  }
0x46: {  	v24 =	vld [tilespmem:s6+$0x50];
	_ =	sdelay $0x3  }
0x47: {  	[tilespmem:s30+$0x6F50] =	vst v18  }
0x48: {  	[tilespmem:s30+$0x6350] =	vst v24  }
0x49: {  	v24 =	vld [tilespmem:s6+$0x60];
	_ =	sdelay $0x3  }
0x4a: {  	[tilespmem:s30+$0x6F60] =	vst v17  }
0x4b: {  	[tilespmem:s30+$0x6360] =	vst v24  }
0x4c: {  	v24 =	vld [tilespmem:s6+$0x70];
	_ =	sdelay $0x3  }
0x4d: {  	[tilespmem:s30+$0x6F70] =	vst v16  }
0x4e: {  	[tilespmem:s30+$0x6370] =	vst v24  }
0x4f: {  	v24 =	vld [tilespmem:s6+$0x400];
	_ =	sdelay $0x3  }
0x50: {  	[tilespmem:s30+$0x7300] =	vst v15  }
0x51: {  	[tilespmem:s30+$0x6700] =	vst v24  }
0x52: {  	v24 =	vld [tilespmem:s6+$0x410];
	_ =	sdelay $0x3  }
0x53: {  	[tilespmem:s30+$0x7310] =	vst v14  }
0x54: {  	[tilespmem:s30+$0x6710] =	vst v24  }
0x55: {  	v24 =	vld [tilespmem:s6+$0x420];
	_ =	sdelay $0x3  }
0x56: {  	[tilespmem:s30+$0x7320] =	vst v13  }
0x57: {  	[tilespmem:s30+$0x6720] =	vst v24  }
0x58: {  	v24 =	vld [tilespmem:s6+$0x430];
	_ =	sdelay $0x3  }
0x59: {  	[tilespmem:s30+$0x7330] =	vst v12  }
0x5a: {  	[tilespmem:s30+$0x6730] =	vst v24  }
0x5b: {  	v24 =	vld [tilespmem:s6+$0x440];
	_ =	sdelay $0x3  }
0x5c: {  	[tilespmem:s30+$0x7340] =	vst v11  }
0x5d: {  	[tilespmem:s30+$0x6740] =	vst v24  }
0x5e: {  	v24 =	vld [tilespmem:s6+$0x450];
	_ =	sdelay $0x3  }
0x5f: {  	[tilespmem:s30+$0x7350] =	vst v10  }
0x60: {  	[tilespmem:s30+$0x6750] =	vst v24  }
0x61: {  	v24 =	vld [tilespmem:s6+$0x460];
	_ =	sdelay $0x3  }
0x62: {  	[tilespmem:s30+$0x7360] =	vst v9  }
0x63: {  	[tilespmem:s30+$0x6760] =	vst v24  }
0x64: {  	v24 =	vld [tilespmem:s6+$0x470];
	_ =	sdelay $0x3  }
0x65: {  	[tilespmem:s30+$0x7370] =	vst v8  }
0x66: {  	[tilespmem:s30+$0x6770] =	vst v24  }
0x67: {  	v24 =	vld [tilespmem:s6+$0x800];
	_ =	sdelay $0x3  }
0x68: {  	[tilespmem:s30+$0x7700] =	vst v7  }
0x69: {  	[tilespmem:s30+$0x6B00] =	vst v24  }
0x6a: {  	v24 =	vld [tilespmem:s6+$0x810];
	_ =	sdelay $0x3  }
0x6b: {  	[tilespmem:s30+$0x7710] =	vst v6  }
0x6c: {  	[tilespmem:s30+$0x6B10] =	vst v24  }
0x6d: {  	v24 =	vld [tilespmem:s6+$0x820];
	_ =	sdelay $0x3  }
0x6e: {  	[tilespmem:s30+$0x7720] =	vst v5  }
0x6f: {  	[tilespmem:s30+$0x6B20] =	vst v24  }
0x70: {  	v24 =	vld [tilespmem:s6+$0x830];
	_ =	sdelay $0x3  }
0x71: {  	[tilespmem:s30+$0x7730] =	vst v2  }
0x72: {  	[tilespmem:s30+$0x6B30] =	vst v24  }
0x73: {  	v24 =	vld [tilespmem:s6+$0x840];
	_ =	sdelay $0x3  }
0x74: {  	[tilespmem:s30+$0x7740] =	vst v3  }
0x75: {  	[tilespmem:s30+$0x6B40] =	vst v24  }
0x76: {  	v24 =	vld [tilespmem:s6+$0x850];
	_ =	sdelay $0x3  }
0x77: {  	[tilespmem:s30+$0x7750] =	vst v4  }
0x78: {  	[tilespmem:s30+$0x6B50] =	vst v24  }
0x79: {  	v24 =	vld [tilespmem:s6+$0x860];
	_ =	sdelay $0x3  }
0x7a: {  	[tilespmem:s30+$0x7760] =	vst v1  }
0x7b: {  	[tilespmem:s30+$0x6B60] =	vst v24  }
0x7c: {  	s25 =	simm.s32 $0x0;
	v24 =	vld [tilespmem:s6+$0x870]  }
0x7d: {  	s24 =	smul.u32 $0x3000, s25  }
0x7e: {  	s7 =	smul.u32 $0x6000, s25;
	s6 =	simm.s32 $0x80  }
0x7f: {  	s5 =	simm.s32 $0x2;
	s24 =	sshra.s32 s24, $0x2;
	[tilespmem:s30+$0x7770] =	vst v0;
	s8 =	sand.u32 $0x380, s6  }
.LBB2_2:
0x80: {  	p0 =	sne.s32 s5, $0xF  }
0x81: {  	s25 =	sor.u32 s8, s24;
	[tilespmem:s30+$0x6B70] =	vst v24;
	s24 =	smov.u32 s5;
	s5 =	sadd.s32 $0x1, s5  }
0x82: {  	v24 =	vld [tilespmem:s25+$0x0];
	_ =	sdelay $0x1  }
0x83: {  	s7 =	sshra.s32 s7, $0x2  }
0x84: {  	s30 =	sor.u32 s8, s7  }
0x85: {  	[tilespmem:s30+$0x6F00] =	vst v23  }
0x86: {  	[tilespmem:s30+$0x6300] =	vst v24  }
0x87: {  	v24 =	vld [tilespmem:s25+$0x10];
	_ =	sdelay $0x3  }
0x88: {  	[tilespmem:s30+$0x6F10] =	vst v22  }
0x89: {  	[tilespmem:s30+$0x6310] =	vst v24  }
0x8a: {  	v24 =	vld [tilespmem:s25+$0x20];
	_ =	sdelay $0x3  }
0x8b: {  	[tilespmem:s30+$0x6F20] =	vst v21  }
0x8c: {  	[tilespmem:s30+$0x6320] =	vst v24  }
0x8d: {  	v24 =	vld [tilespmem:s25+$0x30];
	_ =	sdelay $0x3  }
0x8e: {  	[tilespmem:s30+$0x6F30] =	vst v20  }
0x8f: {  	[tilespmem:s30+$0x6330] =	vst v24  }
0x90: {  	v24 =	vld [tilespmem:s25+$0x40];
	_ =	sdelay $0x3  }
0x91: {  	[tilespmem:s30+$0x6F40] =	vst v19  }
0x92: {  	[tilespmem:s30+$0x6340] =	vst v24  }
0x93: {  	v24 =	vld [tilespmem:s25+$0x50];
	_ =	sdelay $0x3  }
0x94: {  	[tilespmem:s30+$0x6F50] =	vst v18  }
0x95: {  	[tilespmem:s30+$0x6350] =	vst v24  }
0x96: {  	v24 =	vld [tilespmem:s25+$0x60];
	_ =	sdelay $0x3  }
0x97: {  	[tilespmem:s30+$0x6F60] =	vst v17  }
0x98: {  	[tilespmem:s30+$0x6360] =	vst v24  }
0x99: {  	v24 =	vld [tilespmem:s25+$0x70];
	_ =	sdelay $0x3  }
0x9a: {  	[tilespmem:s30+$0x6F70] =	vst v16  }
0x9b: {  	[tilespmem:s30+$0x6370] =	vst v24  }
0x9c: {  	v24 =	vld [tilespmem:s25+$0x400];
	_ =	sdelay $0x3  }
0x9d: {  	[tilespmem:s30+$0x7300] =	vst v15  }
0x9e: {  	[tilespmem:s30+$0x6700] =	vst v24  }
0x9f: {  	v24 =	vld [tilespmem:s25+$0x410];
	_ =	sdelay $0x3  }
0xa0: {  	[tilespmem:s30+$0x7310] =	vst v14  }
0xa1: {  	[tilespmem:s30+$0x6710] =	vst v24  }
0xa2: {  	v24 =	vld [tilespmem:s25+$0x420];
	_ =	sdelay $0x3  }
0xa3: {  	[tilespmem:s30+$0x7320] =	vst v13  }
0xa4: {  	[tilespmem:s30+$0x6720] =	vst v24  }
0xa5: {  	v24 =	vld [tilespmem:s25+$0x430]  }
0xa6: {  	[tilespmem:s30+$0x7330] =	vst v12;
	_ =	sdelay $0x3  }
0xa7: {  	[tilespmem:s30+$0x6730] =	vst v24  }
0xa8: {  	v24 =	vld [tilespmem:s25+$0x440]  }
0xa9: {  	[tilespmem:s30+$0x7340] =	vst v11;
	_ =	sdelay $0x3  }
0xaa: {  	[tilespmem:s30+$0x6740] =	vst v24  }
0xab: {  	v24 =	vld [tilespmem:s25+$0x450]  }
0xac: {  	[tilespmem:s30+$0x7350] =	vst v10;
	_ =	sdelay $0x3  }
0xad: {  	[tilespmem:s30+$0x6750] =	vst v24  }
0xae: {  	v24 =	vld [tilespmem:s25+$0x460]  }
0xaf: {  	[tilespmem:s30+$0x7360] =	vst v9;
	_ =	sdelay $0x3  }
0xb0: {  	[tilespmem:s30+$0x6760] =	vst v24  }
0xb1: {  	v24 =	vld [tilespmem:s25+$0x470]  }
0xb2: {  	[tilespmem:s30+$0x7370] =	vst v8;
	_ =	sdelay $0x3  }
0xb3: {  	[tilespmem:s30+$0x6770] =	vst v24  }
0xb4: {  	v24 =	vld [tilespmem:s25+$0x800]  }
0xb5: {  	[tilespmem:s30+$0x7700] =	vst v7;
	_ =	sdelay $0x3  }
0xb6: {  	[tilespmem:s30+$0x6B00] =	vst v24  }
0xb7: {  	v24 =	vld [tilespmem:s25+$0x810]  }
0xb8: {  	[tilespmem:s30+$0x7710] =	vst v6;
	_ =	sdelay $0x3  }
0xb9: {  	[tilespmem:s30+$0x6B10] =	vst v24  }
0xba: {  	v24 =	vld [tilespmem:s25+$0x820]  }
0xbb: {  	[tilespmem:s30+$0x7720] =	vst v5;
	_ =	sdelay $0x3  }
0xbc: {  	[tilespmem:s30+$0x6B20] =	vst v24  }
0xbd: {  	v24 =	vld [tilespmem:s25+$0x830]  }
0xbe: {  	[tilespmem:s30+$0x7730] =	vst v2;
	_ =	sdelay $0x3  }
0xbf: {  	[tilespmem:s30+$0x6B30] =	vst v24  }
0xc0: {  	v24 =	vld [tilespmem:s25+$0x840]  }
0xc1: {  	[tilespmem:s30+$0x7740] =	vst v3;
	_ =	sdelay $0x3  }
0xc2: {  	[tilespmem:s30+$0x6B40] =	vst v24  }
0xc3: {  	v24 =	vld [tilespmem:s25+$0x850]  }
0xc4: {  	[tilespmem:s30+$0x7750] =	vst v4;
	_ =	sdelay $0x3  }
0xc5: {  	[tilespmem:s30+$0x6B50] =	vst v24  }
0xc6: {  	v24 =	vld [tilespmem:s25+$0x860]  }
0xc7: {  	[tilespmem:s30+$0x7760] =	vst v1;
	_ =	sdelay $0x3  }
0xc8: {  	[tilespmem:s30+$0x6B60] =	vst v24  }
.Ltmp0:
0xc9: {  	v24 =	vld [tilespmem:s25+$0x870];
	(pc) =	sbr.rel @p0 .LBB2_2-.Ltmp0, $4  }
0xca: {  	s7 =	sshrl.u32 s24, $0x3;
	[tilespmem:s30+$0x7770] =	vst v0  }
0xcb: {  	s24 =	smul.u32 $0x3000, s7  }
0xcc: {  	s6 =	sadd.s32 $0x80, s6;
	s7 =	smul.u32 $0x6000, s7  }
0xcd: {  	s8 =	sand.u32 $0x380, s6;
	s24 =	sshra.s32 s24, $0x2  }
0xce: {  	s5 =	sor.u32 s8, s24;
	[tilespmem:s30+$0x6B70] =	vst v24  }
0xcf: {  	v24 =	vld [tilespmem:s5+$0x0];
	_ =	sdelay $0x1  }
0xd0: {  	s6 =	sshra.s32 s7, $0x2  }
0xd1: {  	s6 =	sor.u32 s8, s6  }
0xd2: {  	[tilespmem:s6+$0x6F00] =	vst v23  }
0xd3: {  	[tilespmem:s6+$0x6300] =	vst v24  }
0xd4: {  	v23 =	vld [tilespmem:s5+$0x10];
	_ =	sdelay $0x3  }
0xd5: {  	[tilespmem:s6+$0x6F10] =	vst v22  }
0xd6: {  	[tilespmem:s6+$0x6310] =	vst v23  }
0xd7: {  	v22 =	vld [tilespmem:s5+$0x20];
	_ =	sdelay $0x3  }
0xd8: {  	[tilespmem:s6+$0x6F20] =	vst v21  }
0xd9: {  	[tilespmem:s6+$0x6320] =	vst v22  }
0xda: {  	v21 =	vld [tilespmem:s5+$0x30];
	_ =	sdelay $0x3  }
0xdb: {  	[tilespmem:s6+$0x6F30] =	vst v20  }
0xdc: {  	[tilespmem:s6+$0x6330] =	vst v21  }
0xdd: {  	v20 =	vld [tilespmem:s5+$0x40];
	_ =	sdelay $0x3  }
0xde: {  	[tilespmem:s6+$0x6F40] =	vst v19  }
0xdf: {  	[tilespmem:s6+$0x6340] =	vst v20  }
0xe0: {  	v19 =	vld [tilespmem:s5+$0x50];
	_ =	sdelay $0x3  }
0xe1: {  	[tilespmem:s6+$0x6F50] =	vst v18  }
0xe2: {  	[tilespmem:s6+$0x6350] =	vst v19  }
0xe3: {  	v18 =	vld [tilespmem:s5+$0x60];
	_ =	sdelay $0x3  }
0xe4: {  	[tilespmem:s6+$0x6F60] =	vst v17  }
0xe5: {  	[tilespmem:s6+$0x6360] =	vst v18  }
0xe6: {  	v17 =	vld [tilespmem:s5+$0x70];
	_ =	sdelay $0x3  }
0xe7: {  	[tilespmem:s6+$0x6F70] =	vst v16  }
0xe8: {  	[tilespmem:s6+$0x6370] =	vst v17  }
0xe9: {  	v16 =	vld [tilespmem:s5+$0x400];
	_ =	sdelay $0x3  }
0xea: {  	[tilespmem:s6+$0x7300] =	vst v15  }
0xeb: {  	[tilespmem:s6+$0x6700] =	vst v16  }
0xec: {  	v15 =	vld [tilespmem:s5+$0x410];
	_ =	sdelay $0x3  }
0xed: {  	[tilespmem:s6+$0x7310] =	vst v14  }
0xee: {  	[tilespmem:s6+$0x6710] =	vst v15  }
0xef: {  	v14 =	vld [tilespmem:s5+$0x420];
	_ =	sdelay $0x3  }
0xf0: {  	[tilespmem:s6+$0x7320] =	vst v13  }
0xf1: {  	[tilespmem:s6+$0x6720] =	vst v14  }
0xf2: {  	v13 =	vld [tilespmem:s5+$0x430];
	_ =	sdelay $0x3  }
0xf3: {  	[tilespmem:s6+$0x7330] =	vst v12  }
0xf4: {  	[tilespmem:s6+$0x6730] =	vst v13  }
0xf5: {  	v12 =	vld [tilespmem:s5+$0x440];
	_ =	sdelay $0x3  }
0xf6: {  	[tilespmem:s6+$0x7340] =	vst v11  }
0xf7: {  	[tilespmem:s6+$0x6740] =	vst v12  }
0xf8: {  	v11 =	vld [tilespmem:s5+$0x450];
	_ =	sdelay $0x3  }
0xf9: {  	[tilespmem:s6+$0x7350] =	vst v10  }
0xfa: {  	[tilespmem:s6+$0x6750] =	vst v11  }
0xfb: {  	v10 =	vld [tilespmem:s5+$0x460];
	_ =	sdelay $0x3  }
0xfc: {  	[tilespmem:s6+$0x7360] =	vst v9  }
0xfd: {  	[tilespmem:s6+$0x6760] =	vst v10  }
0xfe: {  	v9 =	vld [tilespmem:s5+$0x470];
	_ =	sdelay $0x3  }
0xff: {  	[tilespmem:s6+$0x7370] =	vst v8  }
0x100: {  	[tilespmem:s6+$0x6770] =	vst v9  }
0x101: {  	v8 =	vld [tilespmem:s5+$0x800];
	_ =	sdelay $0x3  }
0x102: {  	[tilespmem:s6+$0x7700] =	vst v7  }
0x103: {  	[tilespmem:s6+$0x6B00] =	vst v8  }
0x104: {  	v7 =	vld [tilespmem:s5+$0x810];
	_ =	sdelay $0x3  }
0x105: {  	[tilespmem:s6+$0x7710] =	vst v6  }
0x106: {  	[tilespmem:s6+$0x6B10] =	vst v7  }
0x107: {  	v6 =	vld [tilespmem:s5+$0x820];
	_ =	sdelay $0x3  }
0x108: {  	[tilespmem:s6+$0x7720] =	vst v5  }
0x109: {  	[tilespmem:s6+$0x6B20] =	vst v6  }
0x10a: {  	v5 =	vld [tilespmem:s5+$0x830];
	_ =	sdelay $0x3  }
0x10b: {  	[tilespmem:s6+$0x7730] =	vst v2  }
0x10c: {  	[tilespmem:s6+$0x6B30] =	vst v5  }
0x10d: {  	v2 =	vld [tilespmem:s5+$0x840];
	_ =	sdelay $0x3  }
0x10e: {  	[tilespmem:s6+$0x7740] =	vst v3  }
0x10f: {  	[tilespmem:s6+$0x6B40] =	vst v2  }
0x110: {  	v2 =	vld [tilespmem:s5+$0x850];
	_ =	sdelay $0x3  }
0x111: {  	[tilespmem:s6+$0x7750] =	vst v4  }
0x112: {  	[tilespmem:s6+$0x6B50] =	vst v2  }
0x113: {  	v2 =	vld [tilespmem:s5+$0x860];
	_ =	sdelay $0x3  }
0x114: {  	[tilespmem:s6+$0x7760] =	vst v1  }
0x115: {  	[tilespmem:s6+$0x6B60] =	vst v2  }
0x116: {  	v1 =	vld [tilespmem:s5+$0x870];
	_ =	sdelay $0x3  }
0x117: {  	[tilespmem:s6+$0x7770] =	vst v0  }
0x118: {  	s7 =	rddreg [dreg:$0x5];
	s5 =	simm.s32 $0x0;
	[tilespmem:s6+$0x6B70] =	vst v1  }
0x119: {  	[hbm4b:s7+s5] =	stream.linear.scatter [tilespmem:s2], [sflag:$0x1], $0x3000, $0x38;
	[tilespmem:$0x1E300] =	vst v63  }
0x11a: {  	s9 =	rddreg [dreg:$0x6];
	s8 =	sadd.s32 s4, s26  }
0x11b: {  	[hbm4b:s8+s5] =	stream.linear.scatter [tilespmem:s2], [sflag:$0x1], $0x3000, $0x38;
	[tilespmem:$0x1E300] =	vst v63  }
0x11c: {  	s24 =	rddreg [dreg:$0x7];
	s6 =	sadd.s32 s4, s9  }
0x11d: {  	[hbm4b:s6+s5] =	stream.linear.scatter [tilespmem:s2], [sflag:$0x1], $0x3000, $0x38;
	[tilespmem:$0x1E300] =	vst v63  }
0x11e: {  	s6 =	sadd.s32 s4, s24  }
0x11f: {  	[hbm4b:s6+s5] =	stream.linear.scatter [tilespmem:s2], [sflag:$0x1], $0x3000, $0x38;
	[tilespmem:$0x1E300] =	vst v63  }
0x120: {  	s25 =	sadd.s32 s4, s10  }
0x121: {  	[hbm4b:s25+s5] =	stream.linear.scatter [tilespmem:s2], [sflag:$0x1], $0x3000, $0x38;
	[tilespmem:$0x1E300] =	vst v63  }
0x122: {  	s7 =	sadd.s32 s4, s11  }
0x123: {  	[hbm4b:s7+s5] =	stream.linear.scatter [tilespmem:s2], [sflag:$0x1], $0x3000, $0x38;
	[tilespmem:$0x1E300] =	vst v63  }
0x124: {  	s8 =	sadd.s32 s4, s12  }
0x125: {  	[hbm4b:s8+s5] =	stream.linear.scatter [tilespmem:s2], [sflag:$0x1], $0x3000, $0x38;
	[tilespmem:$0x1E300] =	vst v63  }
0x126: {  	s9 =	sadd.s32 s4, s13  }
0x127: {  	[hbm4b:s9+s5] =	stream.linear.scatter [tilespmem:s2], [sflag:$0x1], $0x3000, $0x38;
	[tilespmem:$0x1E300] =	vst v63  }
0x128: {  	s24 =	sadd.s32 s4, s14  }
0x129: {  	[hbm4b:s24+s5] =	stream.linear.scatter [tilespmem:s2], [sflag:$0x1], $0x3000, $0x38;
	[tilespmem:$0x1E300] =	vst v63  }
0x12a: {  	s25 =	sadd.s32 s4, s15  }
0x12b: {  	[hbm4b:s25+s5] =	stream.linear.scatter [tilespmem:s2], [sflag:$0x1], $0x3000, $0x38;
	[tilespmem:$0x1E300] =	vst v63  }
0x12c: {  	s7 =	sadd.s32 s4, s16  }
0x12d: {  	[hbm4b:s7+s5] =	stream.linear.scatter [tilespmem:s2], [sflag:$0x1], $0x3000, $0x38;
	[tilespmem:$0x1E300] =	vst v63  }
0x12e: {  	s8 =	sadd.s32 s4, s17  }
0x12f: {  	[hbm4b:s8+s5] =	stream.linear.scatter [tilespmem:s2], [sflag:$0x1], $0x3000, $0x38;
	[tilespmem:$0x1E300] =	vst v63  }
0x130: {  	s9 =	sadd.s32 s4, s18  }
0x131: {  	[hbm4b:s9+s5] =	stream.linear.scatter [tilespmem:s2], [sflag:$0x1], $0x3000, $0x38;
	[tilespmem:$0x1E300] =	vst v63  }
0x132: {  	s24 =	sadd.s32 s4, s19  }
0x133: {  	[hbm4b:s24+s5] =	stream.linear.scatter [tilespmem:s2], [sflag:$0x1], $0x3000, $0x38;
	[tilespmem:$0x1E300] =	vst v63  }
0x134: {  	s25 =	sadd.s32 s4, s20  }
0x135: {  	[hbm4b:s25+s5] =	stream.linear.scatter [tilespmem:s2], [sflag:$0x1], $0x3000, $0x38;
	[tilespmem:$0x1E300] =	vst v63  }
0x136: {  	s7 =	sadd.s32 s4, s21  }
0x137: {  	[hbm4b:s7+s5] =	stream.linear.scatter [tilespmem:s2], [sflag:$0x1], $0x3000, $0x38;
	[tilespmem:$0x1E300] =	vst v63  }
0x138: {  	v23 =	vld [tilespmem:$0x6000]  }
0x139: {  	v22 =	vld [tilespmem:$0x6010]  }
0x13a: {  	v21 =	vld [tilespmem:$0x6020]  }
0x13b: {  	v20 =	vld [tilespmem:$0x6030]  }
0x13c: {  	v19 =	vld [tilespmem:$0x6040]  }
0x13d: {  	v18 =	vld [tilespmem:$0x6050]  }
0x13e: {  	v17 =	vld [tilespmem:$0x6060]  }
0x13f: {  	v16 =	vld [tilespmem:$0x6070]  }
0x140: {  	v15 =	vld [tilespmem:$0x6100]  }
0x141: {  	v14 =	vld [tilespmem:$0x6110]  }
0x142: {  	v13 =	vld [tilespmem:$0x6120]  }
0x143: {  	v12 =	vld [tilespmem:$0x6130]  }
0x144: {  	v11 =	vld [tilespmem:$0x6140]  }
0x145: {  	v10 =	vld [tilespmem:$0x6150]  }
0x146: {  	v9 =	vld [tilespmem:$0x6160]  }
0x147: {  	s8 =	simm.s32 $0x2;
	v8 =	vld [tilespmem:$0x6170]  }
0x148: {  	s9 =	smul.u32 $0x3000, s8;
	v7 =	vld [tilespmem:$0x6200]  }
0x149: {  	v6 =	vld [tilespmem:$0x6210]  }
0x14a: {  	s6 =	sshra.s32 s9, $0x2;
	s5 =	sand.u32 $0x380, s5;
	v5 =	vld [tilespmem:$0x6220]  }
0x14b: {  	v2 =	vld [tilespmem:$0x6230];
	s6 =	sor.u32 s5, s6  }
0x14c: {  	s7 =	smul.u32 $0x6000, s8;
	v24 =	vld [tilespmem:s6+$0x0]  }
0x14d: {  	v3 =	vld [tilespmem:$0x6240]  }
0x14e: {  	v4 =	vld [tilespmem:$0x6250];
	s7 =	sshra.s32 s7, $0x2  }
0x14f: {  	v1 =	vld [tilespmem:$0x6260];
	s30 =	sor.u32 s5, s7  }
0x150: {  	v0 =	vld [tilespmem:$0x6270];
	[tilespmem:s30+$0x6F00] =	vst v23  }
0x151: {  	[tilespmem:s30+$0x6300] =	vst v24  }
0x152: {  	v24 =	vld [tilespmem:s6+$0x10];
	_ =	sdelay $0x3  }
0x153: {  	[tilespmem:s30+$0x6F10] =	vst v22  }
0x154: {  	[tilespmem:s30+$0x6310] =	vst v24  }
0x155: {  	v24 =	vld [tilespmem:s6+$0x20];
	_ =	sdelay $0x3  }
0x156: {  	[tilespmem:s30+$0x6F20] =	vst v21  }
0x157: {  	[tilespmem:s30+$0x6320] =	vst v24  }
0x158: {  	v24 =	vld [tilespmem:s6+$0x30];
	_ =	sdelay $0x3  }
0x159: {  	[tilespmem:s30+$0x6F30] =	vst v20  }
0x15a: {  	[tilespmem:s30+$0x6330] =	vst v24  }
0x15b: {  	v24 =	vld [tilespmem:s6+$0x40];
	_ =	sdelay $0x3  }
0x15c: {  	[tilespmem:s30+$0x6F40] =	vst v19  }
0x15d: {  	[tilespmem:s30+$0x6340] =	vst v24  }
0x15e: {  	v24 =	vld [tilespmem:s6+$0x50];
	_ =	sdelay $0x3  }
0x15f: {  	[tilespmem:s30+$0x6F50] =	vst v18  }
0x160: {  	[tilespmem:s30+$0x6350] =	vst v24  }
0x161: {  	v24 =	vld [tilespmem:s6+$0x60];
	_ =	sdelay $0x3  }
0x162: {  	[tilespmem:s30+$0x6F60] =	vst v17  }
0x163: {  	[tilespmem:s30+$0x6360] =	vst v24  }
0x164: {  	v24 =	vld [tilespmem:s6+$0x70];
	_ =	sdelay $0x3  }
0x165: {  	[tilespmem:s30+$0x6F70] =	vst v16  }
0x166: {  	[tilespmem:s30+$0x6370] =	vst v24  }
0x167: {  	v24 =	vld [tilespmem:s6+$0x400];
	_ =	sdelay $0x3  }
0x168: {  	[tilespmem:s30+$0x7300] =	vst v15  }
0x169: {  	[tilespmem:s30+$0x6700] =	vst v24  }
0x16a: {  	v24 =	vld [tilespmem:s6+$0x410];
	_ =	sdelay $0x3  }
0x16b: {  	[tilespmem:s30+$0x7310] =	vst v14  }
0x16c: {  	[tilespmem:s30+$0x6710] =	vst v24  }
0x16d: {  	v24 =	vld [tilespmem:s6+$0x420];
	_ =	sdelay $0x3  }
0x16e: {  	[tilespmem:s30+$0x7320] =	vst v13  }
0x16f: {  	[tilespmem:s30+$0x6720] =	vst v24  }
0x170: {  	v24 =	vld [tilespmem:s6+$0x430];
	_ =	sdelay $0x3  }
0x171: {  	[tilespmem:s30+$0x7330] =	vst v12  }
0x172: {  	[tilespmem:s30+$0x6730] =	vst v24  }
0x173: {  	v24 =	vld [tilespmem:s6+$0x440];
	_ =	sdelay $0x3  }
0x174: {  	[tilespmem:s30+$0x7340] =	vst v11  }
0x175: {  	[tilespmem:s30+$0x6740] =	vst v24  }
0x176: {  	v24 =	vld [tilespmem:s6+$0x450];
	_ =	sdelay $0x3  }
0x177: {  	[tilespmem:s30+$0x7350] =	vst v10  }
0x178: {  	[tilespmem:s30+$0x6750] =	vst v24  }
0x179: {  	v24 =	vld [tilespmem:s6+$0x460];
	_ =	sdelay $0x3  }
0x17a: {  	[tilespmem:s30+$0x7360] =	vst v9  }
0x17b: {  	[tilespmem:s30+$0x6760] =	vst v24  }
0x17c: {  	v24 =	vld [tilespmem:s6+$0x470];
	_ =	sdelay $0x3  }
0x17d: {  	[tilespmem:s30+$0x7370] =	vst v8  }
0x17e: {  	[tilespmem:s30+$0x6770] =	vst v24  }
0x17f: {  	v24 =	vld [tilespmem:s6+$0x800];
	_ =	sdelay $0x3  }
0x180: {  	[tilespmem:s30+$0x7700] =	vst v7  }
0x181: {  	[tilespmem:s30+$0x6B00] =	vst v24  }
0x182: {  	v24 =	vld [tilespmem:s6+$0x810];
	_ =	sdelay $0x3  }
0x183: {  	[tilespmem:s30+$0x7710] =	vst v6  }
0x184: {  	[tilespmem:s30+$0x6B10] =	vst v24  }
0x185: {  	v24 =	vld [tilespmem:s6+$0x820];
	_ =	sdelay $0x3  }
0x186: {  	[tilespmem:s30+$0x7720] =	vst v5  }
0x187: {  	[tilespmem:s30+$0x6B20] =	vst v24  }
0x188: {  	v24 =	vld [tilespmem:s6+$0x830];
	_ =	sdelay $0x3  }
0x189: {  	[tilespmem:s30+$0x7730] =	vst v2  }
0x18a: {  	[tilespmem:s30+$0x6B30] =	vst v24  }
0x18b: {  	v24 =	vld [tilespmem:s6+$0x840];
	_ =	sdelay $0x3  }
0x18c: {  	[tilespmem:s30+$0x7740] =	vst v3  }
0x18d: {  	[tilespmem:s30+$0x6B40] =	vst v24  }
0x18e: {  	v24 =	vld [tilespmem:s6+$0x850];
	_ =	sdelay $0x3  }
0x18f: {  	[tilespmem:s30+$0x7750] =	vst v4  }
0x190: {  	[tilespmem:s30+$0x6B50] =	vst v24  }
0x191: {  	v24 =	vld [tilespmem:s6+$0x860];
	_ =	sdelay $0x3  }
0x192: {  	[tilespmem:s30+$0x7760] =	vst v1  }
0x193: {  	[tilespmem:s30+$0x6B60] =	vst v24  }
0x194: {  	s24 =	simm.s32 $0x2;
	v24 =	vld [tilespmem:s6+$0x870]  }
0x195: {  	s25 =	smul.u32 $0x3000, s24  }
0x196: {  	s5 =	simm.s32 $0x12;
	s6 =	simm.s32 $0x80  }
0x197: {  	s7 =	smul.u32 $0x6000, s24;
	s24 =	sshra.s32 s25, $0x2;
	[tilespmem:s30+$0x7770] =	vst v0;
	s8 =	sand.u32 $0x380, s6  }
.LBB2_4:
0x198: {  	p0 =	sne.s32 s5, $0x3F  }
0x199: {  	s25 =	sor.u32 s8, s24;
	[tilespmem:s30+$0x6B70] =	vst v24;
	s24 =	smov.u32 s5;
	s5 =	sadd.s32 $0x1, s5  }
0x19a: {  	v24 =	vld [tilespmem:s25+$0x0];
	_ =	sdelay $0x1  }
0x19b: {  	s7 =	sshra.s32 s7, $0x2  }
0x19c: {  	s30 =	sor.u32 s8, s7  }
0x19d: {  	[tilespmem:s30+$0x6F00] =	vst v23  }
0x19e: {  	[tilespmem:s30+$0x6300] =	vst v24  }
0x19f: {  	v24 =	vld [tilespmem:s25+$0x10];
	_ =	sdelay $0x3  }
0x1a0: {  	[tilespmem:s30+$0x6F10] =	vst v22  }
0x1a1: {  	[tilespmem:s30+$0x6310] =	vst v24  }
0x1a2: {  	v24 =	vld [tilespmem:s25+$0x20];
	_ =	sdelay $0x3  }
0x1a3: {  	[tilespmem:s30+$0x6F20] =	vst v21  }
0x1a4: {  	[tilespmem:s30+$0x6320] =	vst v24  }
0x1a5: {  	v24 =	vld [tilespmem:s25+$0x30];
	_ =	sdelay $0x3  }
0x1a6: {  	[tilespmem:s30+$0x6F30] =	vst v20  }
0x1a7: {  	[tilespmem:s30+$0x6330] =	vst v24  }
0x1a8: {  	v24 =	vld [tilespmem:s25+$0x40];
	_ =	sdelay $0x3  }
0x1a9: {  	[tilespmem:s30+$0x6F40] =	vst v19  }
0x1aa: {  	[tilespmem:s30+$0x6340] =	vst v24  }
0x1ab: {  	v24 =	vld [tilespmem:s25+$0x50];
	_ =	sdelay $0x3  }
0x1ac: {  	[tilespmem:s30+$0x6F50] =	vst v18  }
0x1ad: {  	[tilespmem:s30+$0x6350] =	vst v24  }
0x1ae: {  	v24 =	vld [tilespmem:s25+$0x60];
	_ =	sdelay $0x3  }
0x1af: {  	[tilespmem:s30+$0x6F60] =	vst v17  }
0x1b0: {  	[tilespmem:s30+$0x6360] =	vst v24  }
0x1b1: {  	v24 =	vld [tilespmem:s25+$0x70];
	_ =	sdelay $0x3  }
0x1b2: {  	[tilespmem:s30+$0x6F70] =	vst v16  }
0x1b3: {  	[tilespmem:s30+$0x6370] =	vst v24  }
0x1b4: {  	v24 =	vld [tilespmem:s25+$0x400];
	_ =	sdelay $0x3  }
0x1b5: {  	[tilespmem:s30+$0x7300] =	vst v15  }
0x1b6: {  	[tilespmem:s30+$0x6700] =	vst v24  }
0x1b7: {  	v24 =	vld [tilespmem:s25+$0x410];
	_ =	sdelay $0x3  }
0x1b8: {  	[tilespmem:s30+$0x7310] =	vst v14  }
0x1b9: {  	[tilespmem:s30+$0x6710] =	vst v24  }
0x1ba: {  	v24 =	vld [tilespmem:s25+$0x420];
	_ =	sdelay $0x3  }
0x1bb: {  	[tilespmem:s30+$0x7320] =	vst v13  }
0x1bc: {  	[tilespmem:s30+$0x6720] =	vst v24  }
0x1bd: {  	v24 =	vld [tilespmem:s25+$0x430]  }
0x1be: {  	[tilespmem:s30+$0x7330] =	vst v12;
	_ =	sdelay $0x3  }
0x1bf: {  	[tilespmem:s30+$0x6730] =	vst v24  }
0x1c0: {  	v24 =	vld [tilespmem:s25+$0x440]  }
0x1c1: {  	[tilespmem:s30+$0x7340] =	vst v11;
	_ =	sdelay $0x3  }
0x1c2: {  	[tilespmem:s30+$0x6740] =	vst v24  }
0x1c3: {  	v24 =	vld [tilespmem:s25+$0x450]  }
0x1c4: {  	[tilespmem:s30+$0x7350] =	vst v10;
	_ =	sdelay $0x3  }
0x1c5: {  	[tilespmem:s30+$0x6750] =	vst v24  }
0x1c6: {  	v24 =	vld [tilespmem:s25+$0x460]  }
0x1c7: {  	[tilespmem:s30+$0x7360] =	vst v9;
	_ =	sdelay $0x3  }
0x1c8: {  	[tilespmem:s30+$0x6760] =	vst v24  }
0x1c9: {  	v24 =	vld [tilespmem:s25+$0x470]  }
0x1ca: {  	[tilespmem:s30+$0x7370] =	vst v8;
	_ =	sdelay $0x3  }
0x1cb: {  	[tilespmem:s30+$0x6770] =	vst v24  }
0x1cc: {  	v24 =	vld [tilespmem:s25+$0x800]  }
0x1cd: {  	[tilespmem:s30+$0x7700] =	vst v7;
	_ =	sdelay $0x3  }
0x1ce: {  	[tilespmem:s30+$0x6B00] =	vst v24  }
0x1cf: {  	v24 =	vld [tilespmem:s25+$0x810]  }
0x1d0: {  	[tilespmem:s30+$0x7710] =	vst v6;
	_ =	sdelay $0x3  }
0x1d1: {  	[tilespmem:s30+$0x6B10] =	vst v24  }
0x1d2: {  	v24 =	vld [tilespmem:s25+$0x820]  }
0x1d3: {  	[tilespmem:s30+$0x7720] =	vst v5;
	_ =	sdelay $0x3  }
0x1d4: {  	[tilespmem:s30+$0x6B20] =	vst v24  }
0x1d5: {  	v24 =	vld [tilespmem:s25+$0x830]  }
0x1d6: {  	[tilespmem:s30+$0x7730] =	vst v2;
	_ =	sdelay $0x3  }
0x1d7: {  	[tilespmem:s30+$0x6B30] =	vst v24  }
0x1d8: {  	v24 =	vld [tilespmem:s25+$0x840]  }
0x1d9: {  	[tilespmem:s30+$0x7740] =	vst v3;
	_ =	sdelay $0x3  }
0x1da: {  	[tilespmem:s30+$0x6B40] =	vst v24  }
0x1db: {  	v24 =	vld [tilespmem:s25+$0x850]  }
0x1dc: {  	[tilespmem:s30+$0x7750] =	vst v4;
	_ =	sdelay $0x3  }
0x1dd: {  	[tilespmem:s30+$0x6B50] =	vst v24  }
0x1de: {  	v24 =	vld [tilespmem:s25+$0x860]  }
0x1df: {  	[tilespmem:s30+$0x7760] =	vst v1;
	_ =	sdelay $0x3  }
0x1e0: {  	[tilespmem:s30+$0x6B60] =	vst v24  }
.Ltmp1:
0x1e1: {  	v24 =	vld [tilespmem:s25+$0x870];
	(pc) =	sbr.rel @p0 .LBB2_4-.Ltmp1, $4  }
0x1e2: {  	s7 =	sshrl.u32 s24, $0x3;
	[tilespmem:s30+$0x7770] =	vst v0  }
0x1e3: {  	s24 =	smul.u32 $0x3000, s7  }
0x1e4: {  	s6 =	sadd.s32 $0x80, s6;
	s7 =	smul.u32 $0x6000, s7  }
0x1e5: {  	s8 =	sand.u32 $0x380, s6;
	s24 =	sshra.s32 s24, $0x2  }
0x1e6: {  	s5 =	sor.u32 s8, s24;
	[tilespmem:s30+$0x6B70] =	vst v24  }
0x1e7: {  	v24 =	vld [tilespmem:s5+$0x0];
	_ =	sdelay $0x1  }
0x1e8: {  	s6 =	sshra.s32 s7, $0x2  }
0x1e9: {  	s6 =	sor.u32 s8, s6  }
0x1ea: {  	[tilespmem:s6+$0x6F00] =	vst v23  }
0x1eb: {  	[tilespmem:s6+$0x6300] =	vst v24  }
0x1ec: {  	v23 =	vld [tilespmem:s5+$0x10];
	_ =	sdelay $0x3  }
0x1ed: {  	[tilespmem:s6+$0x6F10] =	vst v22  }
0x1ee: {  	[tilespmem:s6+$0x6310] =	vst v23  }
0x1ef: {  	v22 =	vld [tilespmem:s5+$0x20];
	_ =	sdelay $0x3  }
0x1f0: {  	[tilespmem:s6+$0x6F20] =	vst v21  }
0x1f1: {  	[tilespmem:s6+$0x6320] =	vst v22  }
0x1f2: {  	v21 =	vld [tilespmem:s5+$0x30];
	_ =	sdelay $0x3  }
0x1f3: {  	[tilespmem:s6+$0x6F30] =	vst v20  }
0x1f4: {  	[tilespmem:s6+$0x6330] =	vst v21  }
0x1f5: {  	v20 =	vld [tilespmem:s5+$0x40];
	_ =	sdelay $0x3  }
0x1f6: {  	[tilespmem:s6+$0x6F40] =	vst v19  }
0x1f7: {  	[tilespmem:s6+$0x6340] =	vst v20  }
0x1f8: {  	v19 =	vld [tilespmem:s5+$0x50];
	_ =	sdelay $0x3  }
0x1f9: {  	[tilespmem:s6+$0x6F50] =	vst v18  }
0x1fa: {  	[tilespmem:s6+$0x6350] =	vst v19  }
0x1fb: {  	v18 =	vld [tilespmem:s5+$0x60];
	_ =	sdelay $0x3  }
0x1fc: {  	[tilespmem:s6+$0x6F60] =	vst v17  }
0x1fd: {  	[tilespmem:s6+$0x6360] =	vst v18  }
0x1fe: {  	v17 =	vld [tilespmem:s5+$0x70];
	_ =	sdelay $0x3  }
0x1ff: {  	[tilespmem:s6+$0x6F70] =	vst v16  }
0x200: {  	[tilespmem:s6+$0x6370] =	vst v17  }
0x201: {  	v16 =	vld [tilespmem:s5+$0x400];
	_ =	sdelay $0x3  }
0x202: {  	[tilespmem:s6+$0x7300] =	vst v15  }
0x203: {  	[tilespmem:s6+$0x6700] =	vst v16  }
0x204: {  	v15 =	vld [tilespmem:s5+$0x410];
	_ =	sdelay $0x3  }
0x205: {  	[tilespmem:s6+$0x7310] =	vst v14  }
0x206: {  	[tilespmem:s6+$0x6710] =	vst v15  }
0x207: {  	v14 =	vld [tilespmem:s5+$0x420];
	_ =	sdelay $0x3  }
0x208: {  	[tilespmem:s6+$0x7320] =	vst v13  }
0x209: {  	[tilespmem:s6+$0x6720] =	vst v14  }
0x20a: {  	v13 =	vld [tilespmem:s5+$0x430];
	_ =	sdelay $0x3  }
0x20b: {  	[tilespmem:s6+$0x7330] =	vst v12  }
0x20c: {  	[tilespmem:s6+$0x6730] =	vst v13  }
0x20d: {  	v12 =	vld [tilespmem:s5+$0x440];
	_ =	sdelay $0x3  }
0x20e: {  	[tilespmem:s6+$0x7340] =	vst v11  }
0x20f: {  	[tilespmem:s6+$0x6740] =	vst v12  }
0x210: {  	v11 =	vld [tilespmem:s5+$0x450];
	_ =	sdelay $0x3  }
0x211: {  	[tilespmem:s6+$0x7350] =	vst v10  }
0x212: {  	[tilespmem:s6+$0x6750] =	vst v11  }
0x213: {  	v10 =	vld [tilespmem:s5+$0x460];
	_ =	sdelay $0x3  }
0x214: {  	[tilespmem:s6+$0x7360] =	vst v9  }
0x215: {  	[tilespmem:s6+$0x6760] =	vst v10  }
0x216: {  	v9 =	vld [tilespmem:s5+$0x470];
	_ =	sdelay $0x3  }
0x217: {  	[tilespmem:s6+$0x7370] =	vst v8  }
0x218: {  	[tilespmem:s6+$0x6770] =	vst v9  }
0x219: {  	v8 =	vld [tilespmem:s5+$0x800];
	_ =	sdelay $0x3  }
0x21a: {  	[tilespmem:s6+$0x7700] =	vst v7  }
0x21b: {  	[tilespmem:s6+$0x6B00] =	vst v8  }
0x21c: {  	v7 =	vld [tilespmem:s5+$0x810];
	_ =	sdelay $0x3  }
0x21d: {  	[tilespmem:s6+$0x7710] =	vst v6  }
0x21e: {  	[tilespmem:s6+$0x6B10] =	vst v7  }
0x21f: {  	v6 =	vld [tilespmem:s5+$0x820];
	_ =	sdelay $0x3  }
0x220: {  	[tilespmem:s6+$0x7720] =	vst v5  }
0x221: {  	[tilespmem:s6+$0x6B20] =	vst v6  }
0x222: {  	v5 =	vld [tilespmem:s5+$0x830];
	_ =	sdelay $0x3  }
0x223: {  	[tilespmem:s6+$0x7730] =	vst v2  }
0x224: {  	[tilespmem:s6+$0x6B30] =	vst v5  }
0x225: {  	v2 =	vld [tilespmem:s5+$0x840];
	_ =	sdelay $0x3  }
0x226: {  	[tilespmem:s6+$0x7740] =	vst v3  }
0x227: {  	[tilespmem:s6+$0x6B40] =	vst v2  }
0x228: {  	v2 =	vld [tilespmem:s5+$0x850];
	_ =	sdelay $0x3  }
0x229: {  	[tilespmem:s6+$0x7750] =	vst v4  }
0x22a: {  	[tilespmem:s6+$0x6B50] =	vst v2  }
0x22b: {  	v2 =	vld [tilespmem:s5+$0x860];
	_ =	sdelay $0x3  }
0x22c: {  	[tilespmem:s6+$0x7760] =	vst v1  }
0x22d: {  	[tilespmem:s6+$0x6B60] =	vst v2  }
0x22e: {  	v1 =	vld [tilespmem:s5+$0x870];
	_ =	sdelay $0x3  }
0x22f: {  	[tilespmem:s6+$0x7770] =	vst v0  }
0x230: {  	s7 =	rddreg [dreg:$0x8];
	s5 =	simm.s32 $0x0;
	[tilespmem:s6+$0x6B70] =	vst v1  }
0x231: {  	[hbm4b:s7+s5] =	stream.linear.scatter [tilespmem:s0], [sflag:$0x1], $0x9000, $0x38;
	[tilespmem:$0x1E300] =	vst v63  }
0x232: {  	s24 =	rddreg [dreg:$0x6];
	s8 =	sadd.s32 s22, s26  }
0x233: {  	[hbm4b:s8+s5] =	stream.linear.scatter [tilespmem:s0], [sflag:$0x1], $0x9000, $0x38;
	[tilespmem:$0x1E300] =	vst v63  }
0x234: {  	s25 =	rddreg [dreg:$0x7];
	s6 =	sadd.s32 s22, s24  }
0x235: {  	[hbm4b:s6+s5] =	stream.linear.scatter [tilespmem:s0], [sflag:$0x1], $0x9000, $0x38;
	[tilespmem:$0x1E300] =	vst v63  }
0x236: {  	s6 =	sadd.s32 s22, s25  }
0x237: {  	[hbm4b:s6+s5] =	stream.linear.scatter [tilespmem:s0], [sflag:$0x1], $0x9000, $0x38;
	[tilespmem:$0x1E300] =	vst v63  }
0x238: {  	s9 =	smov.u32 s26;
	s26 =	sadd.s32 s22, s10  }
0x239: {  	[hbm4b:s26+s5] =	stream.linear.scatter [tilespmem:s0], [sflag:$0x1], $0x9000, $0x38;
	[tilespmem:$0x1E300] =	vst v63  }
0x23a: {  	s7 =	sadd.s32 s22, s11  }
0x23b: {  	[hbm4b:s7+s5] =	stream.linear.scatter [tilespmem:s0], [sflag:$0x1], $0x9000, $0x38;
	[tilespmem:$0x1E300] =	vst v63  }
0x23c: {  	s8 =	sadd.s32 s22, s12  }
0x23d: {  	[hbm4b:s8+s5] =	stream.linear.scatter [tilespmem:s0], [sflag:$0x1], $0x9000, $0x38;
	[tilespmem:$0x1E300] =	vst v63  }
0x23e: {  	s24 =	sadd.s32 s22, s13  }
0x23f: {  	[hbm4b:s24+s5] =	stream.linear.scatter [tilespmem:s0], [sflag:$0x1], $0x9000, $0x38;
	[tilespmem:$0x1E300] =	vst v63  }
0x240: {  	s25 =	sadd.s32 s22, s14  }
0x241: {  	[hbm4b:s25+s5] =	stream.linear.scatter [tilespmem:s0], [sflag:$0x1], $0x9000, $0x38;
	[tilespmem:$0x1E300] =	vst v63  }
0x242: {  	s26 =	sadd.s32 s22, s15  }
0x243: {  	[hbm4b:s26+s5] =	stream.linear.scatter [tilespmem:s0], [sflag:$0x1], $0x9000, $0x38;
	[tilespmem:$0x1E300] =	vst v63  }
0x244: {  	s7 =	sadd.s32 s22, s16  }
0x245: {  	[hbm4b:s7+s5] =	stream.linear.scatter [tilespmem:s0], [sflag:$0x1], $0x9000, $0x38;
	[tilespmem:$0x1E300] =	vst v63  }
0x246: {  	s8 =	sadd.s32 s22, s17  }
0x247: {  	[hbm4b:s8+s5] =	stream.linear.scatter [tilespmem:s0], [sflag:$0x1], $0x9000, $0x38;
	[tilespmem:$0x1E300] =	vst v63  }
0x248: {  	s24 =	sadd.s32 s22, s18  }
0x249: {  	[hbm4b:s24+s5] =	stream.linear.scatter [tilespmem:s0], [sflag:$0x1], $0x9000, $0x38;
	[tilespmem:$0x1E300] =	vst v63  }
0x24a: {  	s25 =	sadd.s32 s22, s19  }
0x24b: {  	[hbm4b:s25+s5] =	stream.linear.scatter [tilespmem:s0], [sflag:$0x1], $0x9000, $0x38;
	[tilespmem:$0x1E300] =	vst v63  }
0x24c: {  	s26 =	sadd.s32 s22, s20  }
0x24d: {  	[hbm4b:s26+s5] =	stream.linear.scatter [tilespmem:s0], [sflag:$0x1], $0x9000, $0x38;
	[tilespmem:$0x1E300] =	vst v63  }
0x24e: {  	s7 =	sadd.s32 s22, s21  }
0x24f: {  	[hbm4b:s7+s5] =	stream.linear.scatter [tilespmem:s0], [sflag:$0x1], $0x9000, $0x38;
	[tilespmem:$0x1E300] =	vst v63  }
0x250: {  	v23 =	vld [tilespmem:$0x6080]  }
0x251: {  	v22 =	vld [tilespmem:$0x6090]  }
0x252: {  	v21 =	vld [tilespmem:$0x60A0]  }
0x253: {  	v20 =	vld [tilespmem:$0x60B0]  }
0x254: {  	v19 =	vld [tilespmem:$0x60C0]  }
0x255: {  	v18 =	vld [tilespmem:$0x60D0]  }
0x256: {  	v17 =	vld [tilespmem:$0x60E0]  }
0x257: {  	v16 =	vld [tilespmem:$0x60F0]  }
0x258: {  	v15 =	vld [tilespmem:$0x6180]  }
0x259: {  	v14 =	vld [tilespmem:$0x6190]  }
0x25a: {  	v13 =	vld [tilespmem:$0x61A0]  }
0x25b: {  	v12 =	vld [tilespmem:$0x61B0]  }
0x25c: {  	v11 =	vld [tilespmem:$0x61C0]  }
0x25d: {  	v10 =	vld [tilespmem:$0x61D0]  }
0x25e: {  	v9 =	vld [tilespmem:$0x61E0]  }
0x25f: {  	s8 =	simm.s32 $0x0;
	v8 =	vld [tilespmem:$0x61F0]  }
0x260: {  	s24 =	smul.u32 $0x3000, s8;
	v7 =	vld [tilespmem:$0x6280]  }
0x261: {  	v6 =	vld [tilespmem:$0x6290]  }
0x262: {  	s6 =	sshra.s32 s24, $0x2;
	s5 =	sand.u32 $0x380, s5;
	v5 =	vld [tilespmem:$0x62A0]  }
0x263: {  	v2 =	vld [tilespmem:$0x62B0];
	s6 =	sor.u32 s5, s6  }
0x264: {  	s7 =	smul.u32 $0x6000, s8;
	v24 =	vld [tilespmem:s6+$0x0]  }
0x265: {  	v3 =	vld [tilespmem:$0x62C0]  }
0x266: {  	v4 =	vld [tilespmem:$0x62D0];
	s7 =	sshra.s32 s7, $0x2  }
0x267: {  	v1 =	vld [tilespmem:$0x62E0];
	s5 =	sor.u32 s5, s7  }
0x268: {  	v0 =	vld [tilespmem:$0x62F0];
	[tilespmem:s5+$0x12F00] =	vst v23  }
0x269: {  	[tilespmem:s5+$0x12300] =	vst v24  }
0x26a: {  	v24 =	vld [tilespmem:s6+$0x10];
	_ =	sdelay $0x3  }
0x26b: {  	s7 =	sadd.s32 $0x12300, s5  }
0x26c: {  	s25 =	sadd.s32 $0x12F00, s5;
	[tilespmem:s7+$0x10] =	vst v24  }
0x26d: {  	[tilespmem:s25+$0x10] =	vst v22  }
0x26e: {  	v24 =	vld [tilespmem:s6+$0x20];
	_ =	sdelay $0x4  }
0x26f: {  	[tilespmem:s7+$0x20] =	vst v24  }
0x270: {  	[tilespmem:s25+$0x20] =	vst v21  }
0x271: {  	v24 =	vld [tilespmem:s6+$0x30];
	_ =	sdelay $0x4  }
0x272: {  	[tilespmem:s7+$0x30] =	vst v24  }
0x273: {  	[tilespmem:s25+$0x30] =	vst v20  }
0x274: {  	v24 =	vld [tilespmem:s6+$0x40];
	_ =	sdelay $0x4  }
0x275: {  	[tilespmem:s7+$0x40] =	vst v24  }
0x276: {  	[tilespmem:s25+$0x40] =	vst v19  }
0x277: {  	v24 =	vld [tilespmem:s6+$0x50];
	_ =	sdelay $0x4  }
0x278: {  	[tilespmem:s7+$0x50] =	vst v24  }
0x279: {  	[tilespmem:s25+$0x50] =	vst v18  }
0x27a: {  	v24 =	vld [tilespmem:s6+$0x60];
	_ =	sdelay $0x4  }
0x27b: {  	[tilespmem:s7+$0x60] =	vst v24  }
0x27c: {  	[tilespmem:s25+$0x60] =	vst v17  }
0x27d: {  	v24 =	vld [tilespmem:s6+$0x70];
	_ =	sdelay $0x4  }
0x27e: {  	[tilespmem:s7+$0x70] =	vst v24  }
0x27f: {  	[tilespmem:s25+$0x70] =	vst v16  }
0x280: {  	v24 =	vld [tilespmem:s6+$0x400];
	_ =	sdelay $0x4  }
0x281: {  	[tilespmem:s7+$0x400] =	vst v24  }
0x282: {  	[tilespmem:s5+$0x13300] =	vst v15  }
0x283: {  	v24 =	vld [tilespmem:s6+$0x410];
	_ =	sdelay $0x4  }
0x284: {  	s26 =	sadd.s32 $0x13300, s5;
	[tilespmem:s7+$0x410] =	vst v24  }
0x285: {  	[tilespmem:s26+$0x10] =	vst v14  }
0x286: {  	v24 =	vld [tilespmem:s6+$0x420];
	_ =	sdelay $0x4  }
0x287: {  	[tilespmem:s7+$0x420] =	vst v24  }
0x288: {  	[tilespmem:s26+$0x20] =	vst v13  }
0x289: {  	v24 =	vld [tilespmem:s6+$0x430];
	_ =	sdelay $0x4  }
0x28a: {  	[tilespmem:s7+$0x430] =	vst v24  }
0x28b: {  	[tilespmem:s26+$0x30] =	vst v12  }
0x28c: {  	v24 =	vld [tilespmem:s6+$0x440];
	_ =	sdelay $0x4  }
0x28d: {  	[tilespmem:s7+$0x440] =	vst v24  }
0x28e: {  	[tilespmem:s26+$0x40] =	vst v11  }
0x28f: {  	v24 =	vld [tilespmem:s6+$0x450];
	_ =	sdelay $0x4  }
0x290: {  	[tilespmem:s7+$0x450] =	vst v24  }
0x291: {  	[tilespmem:s26+$0x50] =	vst v10  }
0x292: {  	v24 =	vld [tilespmem:s6+$0x460];
	_ =	sdelay $0x4  }
0x293: {  	[tilespmem:s7+$0x460] =	vst v24  }
0x294: {  	[tilespmem:s26+$0x60] =	vst v9  }
0x295: {  	v24 =	vld [tilespmem:s6+$0x470];
	_ =	sdelay $0x4  }
0x296: {  	[tilespmem:s7+$0x470] =	vst v24  }
0x297: {  	[tilespmem:s26+$0x70] =	vst v8  }
0x298: {  	v24 =	vld [tilespmem:s6+$0x800];
	_ =	sdelay $0x3  }
0x299: {  	[tilespmem:s5+$0x13700] =	vst v7  }
0x29a: {  	[tilespmem:s5+$0x12B00] =	vst v24  }
0x29b: {  	v24 =	vld [tilespmem:s6+$0x810];
	_ =	sdelay $0x3  }
0x29c: {  	s26 =	sadd.s32 $0x12B00, s5  }
0x29d: {  	s25 =	sadd.s32 $0x13700, s5;
	[tilespmem:s26+$0x10] =	vst v24  }
0x29e: {  	[tilespmem:s25+$0x10] =	vst v6  }
0x29f: {  	v24 =	vld [tilespmem:s6+$0x820];
	_ =	sdelay $0x4  }
0x2a0: {  	[tilespmem:s26+$0x20] =	vst v24  }
0x2a1: {  	[tilespmem:s25+$0x20] =	vst v5  }
0x2a2: {  	v24 =	vld [tilespmem:s6+$0x830];
	_ =	sdelay $0x4  }
0x2a3: {  	[tilespmem:s26+$0x30] =	vst v24  }
0x2a4: {  	[tilespmem:s25+$0x30] =	vst v2  }
0x2a5: {  	v24 =	vld [tilespmem:s6+$0x840];
	_ =	sdelay $0x4  }
0x2a6: {  	[tilespmem:s26+$0x40] =	vst v24  }
0x2a7: {  	[tilespmem:s25+$0x40] =	vst v3  }
0x2a8: {  	v24 =	vld [tilespmem:s6+$0x850];
	_ =	sdelay $0x4  }
0x2a9: {  	[tilespmem:s26+$0x50] =	vst v24  }
0x2aa: {  	[tilespmem:s25+$0x50] =	vst v4  }
0x2ab: {  	v24 =	vld [tilespmem:s6+$0x860];
	_ =	sdelay $0x4  }
0x2ac: {  	[tilespmem:s26+$0x60] =	vst v24  }
0x2ad: {  	[tilespmem:s25+$0x60] =	vst v1  }
0x2ae: {  	s8 =	simm.s32 $0x0;
	v24 =	vld [tilespmem:s6+$0x870]  }
0x2af: {  	s24 =	smul.u32 $0x3000, s8  }
0x2b0: {  	s30 =	simm.s32 $0x2;
	s5 =	simm.s32 $0x80  }
0x2b1: {  	s7 =	smul.u32 $0x6000, s8;
	s8 =	sand.u32 $0x380, s5;
	s6 =	sshra.s32 s24, $0x2  }
.LBB2_6:
0x2b2: {  	p0 =	sne.s32 s30, $0x3F  }
0x2b3: {  	s24 =	sor.u32 s8, s6;
	[tilespmem:s26+$0x70] =	vst v24;
	s6 =	smov.u32 s30;
	s30 =	sadd.s32 $0x1, s30  }
0x2b4: {  	[tilespmem:s25+$0x70] =	vst v0  }
0x2b5: {  	v24 =	vld [tilespmem:s24+$0x0];
	_ =	sdelay $0x1  }
0x2b6: {  	s7 =	sshra.s32 s7, $0x2  }
0x2b7: {  	s25 =	sor.u32 s8, s7  }
0x2b8: {  	[tilespmem:s25+$0x12F00] =	vst v23  }
0x2b9: {  	[tilespmem:s25+$0x12300] =	vst v24  }
0x2ba: {  	v24 =	vld [tilespmem:s24+$0x10];
	_ =	sdelay $0x2  }
0x2bb: {  	s26 =	sadd.s32 $0x12300, s25  }
0x2bc: {  	s7 =	sadd.s32 $0x12F00, s25  }
0x2bd: {  	[tilespmem:s26+$0x10] =	vst v24  }
0x2be: {  	[tilespmem:s7+$0x10] =	vst v22  }
0x2bf: {  	v24 =	vld [tilespmem:s24+$0x20];
	_ =	sdelay $0x4  }
0x2c0: {  	[tilespmem:s26+$0x20] =	vst v24  }
0x2c1: {  	[tilespmem:s7+$0x20] =	vst v21  }
0x2c2: {  	v24 =	vld [tilespmem:s24+$0x30];
	_ =	sdelay $0x4  }
0x2c3: {  	[tilespmem:s26+$0x30] =	vst v24  }
0x2c4: {  	[tilespmem:s7+$0x30] =	vst v20  }
0x2c5: {  	v24 =	vld [tilespmem:s24+$0x40];
	_ =	sdelay $0x4  }
0x2c6: {  	[tilespmem:s26+$0x40] =	vst v24  }
0x2c7: {  	[tilespmem:s7+$0x40] =	vst v19  }
0x2c8: {  	v24 =	vld [tilespmem:s24+$0x50];
	_ =	sdelay $0x4  }
0x2c9: {  	[tilespmem:s26+$0x50] =	vst v24  }
0x2ca: {  	[tilespmem:s7+$0x50] =	vst v18  }
0x2cb: {  	v24 =	vld [tilespmem:s24+$0x60];
	_ =	sdelay $0x4  }
0x2cc: {  	[tilespmem:s26+$0x60] =	vst v24  }
0x2cd: {  	[tilespmem:s7+$0x60] =	vst v17  }
0x2ce: {  	v24 =	vld [tilespmem:s24+$0x70];
	_ =	sdelay $0x4  }
0x2cf: {  	[tilespmem:s26+$0x70] =	vst v24  }
0x2d0: {  	[tilespmem:s7+$0x70] =	vst v16  }
0x2d1: {  	v24 =	vld [tilespmem:s24+$0x400];
	_ =	sdelay $0x4  }
0x2d2: {  	[tilespmem:s26+$0x400] =	vst v24  }
0x2d3: {  	[tilespmem:s25+$0x13300] =	vst v15  }
0x2d4: {  	v24 =	vld [tilespmem:s24+$0x410];
	_ =	sdelay $0x3  }
0x2d5: {  	s7 =	sadd.s32 $0x13300, s25  }
0x2d6: {  	[tilespmem:s26+$0x410] =	vst v24  }
0x2d7: {  	[tilespmem:s7+$0x10] =	vst v14  }
0x2d8: {  	v24 =	vld [tilespmem:s24+$0x420];
	_ =	sdelay $0x4  }
0x2d9: {  	[tilespmem:s26+$0x420] =	vst v24  }
0x2da: {  	[tilespmem:s7+$0x20] =	vst v13  }
0x2db: {  	v24 =	vld [tilespmem:s24+$0x430];
	_ =	sdelay $0x4  }
0x2dc: {  	[tilespmem:s26+$0x430] =	vst v24  }
0x2dd: {  	[tilespmem:s7+$0x30] =	vst v12  }
0x2de: {  	v24 =	vld [tilespmem:s24+$0x440];
	_ =	sdelay $0x4  }
0x2df: {  	[tilespmem:s26+$0x440] =	vst v24  }
0x2e0: {  	[tilespmem:s7+$0x40] =	vst v11  }
0x2e1: {  	v24 =	vld [tilespmem:s24+$0x450];
	_ =	sdelay $0x4  }
0x2e2: {  	[tilespmem:s26+$0x450] =	vst v24  }
0x2e3: {  	[tilespmem:s7+$0x50] =	vst v10  }
0x2e4: {  	v24 =	vld [tilespmem:s24+$0x460];
	_ =	sdelay $0x4  }
0x2e5: {  	[tilespmem:s26+$0x460] =	vst v24  }
0x2e6: {  	[tilespmem:s7+$0x60] =	vst v9  }
0x2e7: {  	v24 =	vld [tilespmem:s24+$0x470];
	_ =	sdelay $0x4  }
0x2e8: {  	[tilespmem:s26+$0x470] =	vst v24  }
0x2e9: {  	[tilespmem:s7+$0x70] =	vst v8  }
0x2ea: {  	v24 =	vld [tilespmem:s24+$0x800]  }
0x2eb: {  	[tilespmem:s25+$0x13700] =	vst v7;
	_ =	sdelay $0x3  }
0x2ec: {  	[tilespmem:s25+$0x12B00] =	vst v24  }
0x2ed: {  	v24 =	vld [tilespmem:s24+$0x810];
	_ =	sdelay $0x2  }
0x2ee: {  	s26 =	sadd.s32 $0x12B00, s25  }
0x2ef: {  	s25 =	sadd.s32 $0x13700, s25  }
0x2f0: {  	[tilespmem:s26+$0x10] =	vst v24  }
0x2f1: {  	[tilespmem:s25+$0x10] =	vst v6  }
0x2f2: {  	v24 =	vld [tilespmem:s24+$0x820];
	_ =	sdelay $0x4  }
0x2f3: {  	[tilespmem:s26+$0x20] =	vst v24  }
0x2f4: {  	[tilespmem:s25+$0x20] =	vst v5  }
0x2f5: {  	v24 =	vld [tilespmem:s24+$0x830];
	_ =	sdelay $0x4  }
0x2f6: {  	[tilespmem:s26+$0x30] =	vst v24  }
0x2f7: {  	[tilespmem:s25+$0x30] =	vst v2  }
0x2f8: {  	v24 =	vld [tilespmem:s24+$0x840];
	_ =	sdelay $0x4  }
0x2f9: {  	[tilespmem:s26+$0x40] =	vst v24  }
0x2fa: {  	[tilespmem:s25+$0x40] =	vst v3  }
0x2fb: {  	v24 =	vld [tilespmem:s24+$0x850];
	_ =	sdelay $0x4  }
0x2fc: {  	[tilespmem:s26+$0x50] =	vst v24  }
0x2fd: {  	[tilespmem:s25+$0x50] =	vst v4  }
0x2fe: {  	v24 =	vld [tilespmem:s24+$0x860];
	_ =	sdelay $0x4  }
0x2ff: {  	[tilespmem:s26+$0x60] =	vst v24  }
0x300: {  	[tilespmem:s25+$0x60] =	vst v1  }
.Ltmp2:
0x301: {  	v24 =	vld [tilespmem:s24+$0x870];
	(pc) =	sbr.rel @p0 .LBB2_6-.Ltmp2, $4  }
0x302: {  	s6 =	sshrl.u32 s6, $0x3  }
0x303: {  	s24 =	smul.u32 $0x3000, s6  }
0x304: {  	s5 =	sadd.s32 $0x80, s5;
	s7 =	smul.u32 $0x6000, s6  }
0x305: {  	s8 =	sand.u32 $0x380, s5;
	s6 =	sshra.s32 s24, $0x2  }
0x306: {  	[tilespmem:s26+$0x70] =	vst v24  }
0x307: {  	s5 =	sor.u32 s8, s6;
	[tilespmem:s25+$0x70] =	vst v0  }
0x308: {  	v24 =	vld [tilespmem:s5+$0x0];
	_ =	sdelay $0x1  }
0x309: {  	s25 =	sshra.s32 s7, $0x2  }
0x30a: {  	s6 =	sor.u32 s8, s25  }
0x30b: {  	[tilespmem:s6+$0x12F00] =	vst v23  }
0x30c: {  	[tilespmem:s6+$0x12300] =	vst v24  }
0x30d: {  	v23 =	vld [tilespmem:s5+$0x10];
	_ =	sdelay $0x3  }
0x30e: {  	s26 =	sadd.s32 $0x12300, s6  }
0x30f: {  	s8 =	sadd.s32 $0x12F00, s6;
	[tilespmem:s26+$0x10] =	vst v23  }
0x310: {  	[tilespmem:s8+$0x10] =	vst v22  }
0x311: {  	v22 =	vld [tilespmem:s5+$0x20];
	_ =	sdelay $0x4  }
0x312: {  	[tilespmem:s26+$0x20] =	vst v22  }
0x313: {  	[tilespmem:s8+$0x20] =	vst v21  }
0x314: {  	v21 =	vld [tilespmem:s5+$0x30];
	_ =	sdelay $0x4  }
0x315: {  	[tilespmem:s26+$0x30] =	vst v21  }
0x316: {  	[tilespmem:s8+$0x30] =	vst v20  }
0x317: {  	v20 =	vld [tilespmem:s5+$0x40];
	_ =	sdelay $0x4  }
0x318: {  	[tilespmem:s26+$0x40] =	vst v20  }
0x319: {  	[tilespmem:s8+$0x40] =	vst v19  }
0x31a: {  	v19 =	vld [tilespmem:s5+$0x50];
	_ =	sdelay $0x4  }
0x31b: {  	[tilespmem:s26+$0x50] =	vst v19  }
0x31c: {  	[tilespmem:s8+$0x50] =	vst v18  }
0x31d: {  	v18 =	vld [tilespmem:s5+$0x60];
	_ =	sdelay $0x4  }
0x31e: {  	[tilespmem:s26+$0x60] =	vst v18  }
0x31f: {  	[tilespmem:s8+$0x60] =	vst v17  }
0x320: {  	v17 =	vld [tilespmem:s5+$0x70];
	_ =	sdelay $0x4  }
0x321: {  	[tilespmem:s26+$0x70] =	vst v17  }
0x322: {  	[tilespmem:s8+$0x70] =	vst v16  }
0x323: {  	v16 =	vld [tilespmem:s5+$0x400];
	_ =	sdelay $0x4  }
0x324: {  	[tilespmem:s26+$0x400] =	vst v16  }
0x325: {  	[tilespmem:s6+$0x13300] =	vst v15  }
0x326: {  	v15 =	vld [tilespmem:s5+$0x410];
	_ =	sdelay $0x4  }
0x327: {  	s30 =	sadd.s32 $0x13300, s6;
	[tilespmem:s26+$0x410] =	vst v15  }
0x328: {  	[tilespmem:s30+$0x10] =	vst v14  }
0x329: {  	v14 =	vld [tilespmem:s5+$0x420];
	_ =	sdelay $0x4  }
0x32a: {  	[tilespmem:s26+$0x420] =	vst v14  }
0x32b: {  	[tilespmem:s30+$0x20] =	vst v13  }
0x32c: {  	v13 =	vld [tilespmem:s5+$0x430];
	_ =	sdelay $0x4  }
0x32d: {  	[tilespmem:s26+$0x430] =	vst v13  }
0x32e: {  	[tilespmem:s30+$0x30] =	vst v12  }
0x32f: {  	v12 =	vld [tilespmem:s5+$0x440];
	_ =	sdelay $0x4  }
0x330: {  	[tilespmem:s26+$0x440] =	vst v12  }
0x331: {  	[tilespmem:s30+$0x40] =	vst v11  }
0x332: {  	v11 =	vld [tilespmem:s5+$0x450];
	_ =	sdelay $0x4  }
0x333: {  	[tilespmem:s26+$0x450] =	vst v11  }
0x334: {  	[tilespmem:s30+$0x50] =	vst v10  }
0x335: {  	v10 =	vld [tilespmem:s5+$0x460];
	_ =	sdelay $0x4  }
0x336: {  	[tilespmem:s26+$0x460] =	vst v10  }
0x337: {  	[tilespmem:s30+$0x60] =	vst v9  }
0x338: {  	v9 =	vld [tilespmem:s5+$0x470];
	_ =	sdelay $0x4  }
0x339: {  	[tilespmem:s26+$0x470] =	vst v9  }
0x33a: {  	[tilespmem:s30+$0x70] =	vst v8  }
0x33b: {  	v8 =	vld [tilespmem:s5+$0x800];
	_ =	sdelay $0x3  }
0x33c: {  	[tilespmem:s6+$0x13700] =	vst v7  }
0x33d: {  	[tilespmem:s6+$0x12B00] =	vst v8  }
0x33e: {  	v7 =	vld [tilespmem:s5+$0x810];
	_ =	sdelay $0x3  }
0x33f: {  	s8 =	sadd.s32 $0x12B00, s6  }
0x340: {  	s6 =	sadd.s32 $0x13700, s6;
	[tilespmem:s8+$0x10] =	vst v7  }
0x341: {  	[tilespmem:s6+$0x10] =	vst v6  }
0x342: {  	v6 =	vld [tilespmem:s5+$0x820];
	_ =	sdelay $0x4  }
0x343: {  	[tilespmem:s8+$0x20] =	vst v6  }
0x344: {  	[tilespmem:s6+$0x20] =	vst v5  }
0x345: {  	v5 =	vld [tilespmem:s5+$0x830];
	_ =	sdelay $0x4  }
0x346: {  	[tilespmem:s8+$0x30] =	vst v5  }
0x347: {  	[tilespmem:s6+$0x30] =	vst v2  }
0x348: {  	v2 =	vld [tilespmem:s5+$0x840];
	_ =	sdelay $0x4  }
0x349: {  	[tilespmem:s8+$0x40] =	vst v2  }
0x34a: {  	[tilespmem:s6+$0x40] =	vst v3  }
0x34b: {  	v2 =	vld [tilespmem:s5+$0x850];
	_ =	sdelay $0x4  }
0x34c: {  	[tilespmem:s8+$0x50] =	vst v2  }
0x34d: {  	[tilespmem:s6+$0x50] =	vst v4  }
0x34e: {  	v2 =	vld [tilespmem:s5+$0x860];
	_ =	sdelay $0x4  }
0x34f: {  	[tilespmem:s8+$0x60] =	vst v2  }
0x350: {  	[tilespmem:s6+$0x60] =	vst v1  }
0x351: {  	v1 =	vld [tilespmem:s5+$0x870];
	_ =	sdelay $0x4  }
0x352: {  	[tilespmem:s8+$0x70] =	vst v1  }
0x353: {  	s24 =	rddreg [dreg:$0x9];
	[tilespmem:s6+$0x70] =	vst v0  }
0x354: {  	[hbm4b:s24+s3] =	stream.linear.scatter [tilespmem:s1], [sflag:$0x1], $0xC000, $0x38;
	[tilespmem:$0x1E300] =	vst v63  }
0x355: {  	s25 =	sadd.s32 s23, s9;
	s30 =	rddreg [dreg:$0x6]  }
0x356: {  	[hbm4b:s25+s3] =	stream.linear.scatter [tilespmem:s1], [sflag:$0x1], $0xC000, $0x38;
	[tilespmem:$0x1E300] =	vst v63  }
0x357: {  	s5 =	sadd.s32 s23, s30;
	s6 =	rddreg [dreg:$0x7]  }
0x358: {  	[hbm4b:s5+s3] =	stream.linear.scatter [tilespmem:s1], [sflag:$0x1], $0xC000, $0x38;
	[tilespmem:$0x1E300] =	vst v63  }
0x359: {  	s5 =	sadd.s32 s23, s6  }
0x35a: {  	[hbm4b:s5+s3] =	stream.linear.scatter [tilespmem:s1], [sflag:$0x1], $0xC000, $0x38;
	[tilespmem:$0x1E300] =	vst v63  }
0x35b: {  	s7 =	sadd.s32 s23, s10  }
0x35c: {  	[hbm4b:s7+s3] =	stream.linear.scatter [tilespmem:s1], [sflag:$0x1], $0xC000, $0x38;
	[tilespmem:$0x1E300] =	vst v63  }
0x35d: {  	s8 =	sadd.s32 s23, s11  }
0x35e: {  	[hbm4b:s8+s3] =	stream.linear.scatter [tilespmem:s1], [sflag:$0x1], $0xC000, $0x38;
	[tilespmem:$0x1E300] =	vst v63  }
0x35f: {  	s26 =	smov.u32 s9;
	s9 =	sadd.s32 s23, s12  }
0x360: {  	[hbm4b:s9+s3] =	stream.linear.scatter [tilespmem:s1], [sflag:$0x1], $0xC000, $0x38;
	[tilespmem:$0x1E300] =	vst v63  }
0x361: {  	s24 =	sadd.s32 s23, s13  }
0x362: {  	[hbm4b:s24+s3] =	stream.linear.scatter [tilespmem:s1], [sflag:$0x1], $0xC000, $0x38;
	[tilespmem:$0x1E300] =	vst v63  }
0x363: {  	s25 =	sadd.s32 s23, s14  }
0x364: {  	[hbm4b:s25+s3] =	stream.linear.scatter [tilespmem:s1], [sflag:$0x1], $0xC000, $0x38;
	[tilespmem:$0x1E300] =	vst v63  }
0x365: {  	s30 =	sadd.s32 s23, s15  }
0x366: {  	[hbm4b:s30+s3] =	stream.linear.scatter [tilespmem:s1], [sflag:$0x1], $0xC000, $0x38;
	[tilespmem:$0x1E300] =	vst v63  }
0x367: {  	s6 =	sadd.s32 s23, s16  }
0x368: {  	[hbm4b:s6+s3] =	stream.linear.scatter [tilespmem:s1], [sflag:$0x1], $0xC000, $0x38;
	[tilespmem:$0x1E300] =	vst v63  }
0x369: {  	s7 =	sadd.s32 s23, s17  }
0x36a: {  	[hbm4b:s7+s3] =	stream.linear.scatter [tilespmem:s1], [sflag:$0x1], $0xC000, $0x38;
	[tilespmem:$0x1E300] =	vst v63  }
0x36b: {  	s8 =	sadd.s32 s23, s18  }
0x36c: {  	[hbm4b:s8+s3] =	stream.linear.scatter [tilespmem:s1], [sflag:$0x1], $0xC000, $0x38;
	[tilespmem:$0x1E300] =	vst v63  }
0x36d: {  	s9 =	sadd.s32 s23, s19  }
0x36e: {  	[hbm4b:s9+s3] =	stream.linear.scatter [tilespmem:s1], [sflag:$0x1], $0xC000, $0x38;
	[tilespmem:$0x1E300] =	vst v63  }
0x36f: {  	s24 =	sadd.s32 s23, s20  }
0x370: {  	[hbm4b:s24+s3] =	stream.linear.scatter [tilespmem:s1], [sflag:$0x1], $0xC000, $0x38;
	[tilespmem:$0x1E300] =	vst v63  }
0x371: {  	s25 =	sadd.s32 s23, s21  }
0x372: {  	[hbm4b:s25+s3] =	stream.linear.scatter [tilespmem:s1], [sflag:$0x1], $0xC000, $0x38;
	[tilespmem:$0x1E300] =	vst v63  }
0x373: {  	_ =	swait.ge [sflag:s28], $0x3000  }
0x374: {  	[sflag:s28] =	ssyncset.done $0x0  }
0x375: {  	[sflag:s28] =	ssyncadd.s32 $0xFFFFD000  }
0x376: {  	_ =	swait.ge [sflag:s28], $0x3000  }
0x377: {  	[sflag:s28] =	ssyncset.done $0x0  }
0x378: {  	[sflag:s28] =	ssyncadd.s32 $0xFFFFD000  }
0x379: {  	_ =	swait.ge [sflag:s28], $0x3000  }
0x37a: {  	[sflag:s28] =	ssyncset.done $0x0  }
0x37b: {  	[sflag:s28] =	ssyncadd.s32 $0xFFFFD000  }
0x37c: {  	_ =	swait.ge [sflag:s28], $0x3000  }
0x37d: {  	[sflag:s28] =	ssyncset.done $0x0  }
0x37e: {  	[sflag:s28] =	ssyncadd.s32 $0xFFFFD000  }
0x37f: {  	_ =	swait.ge [sflag:s28], $0x3000  }
0x380: {  	[sflag:s28] =	ssyncset.done $0x0  }
0x381: {  	[sflag:s28] =	ssyncadd.s32 $0xFFFFD000  }
0x382: {  	_ =	swait.ge [sflag:s28], $0x3000  }
0x383: {  	[sflag:s28] =	ssyncset.done $0x0  }
0x384: {  	[sflag:s28] =	ssyncadd.s32 $0xFFFFD000  }
0x385: {  	_ =	swait.ge [sflag:s28], $0x3000  }
0x386: {  	[sflag:s28] =	ssyncset.done $0x0  }
0x387: {  	[sflag:s28] =	ssyncadd.s32 $0xFFFFD000  }
0x388: {  	_ =	swait.ge [sflag:s28], $0x3000  }
0x389: {  	[sflag:s28] =	ssyncset.done $0x0  }
0x38a: {  	[sflag:s28] =	ssyncadd.s32 $0xFFFFD000  }
0x38b: {  	_ =	swait.ge [sflag:s28], $0x3000  }
0x38c: {  	[sflag:s28] =	ssyncset.done $0x0  }
0x38d: {  	[sflag:s28] =	ssyncadd.s32 $0xFFFFD000  }
0x38e: {  	_ =	swait.ge [sflag:s28], $0x3000  }
0x38f: {  	[sflag:s28] =	ssyncset.done $0x0  }
0x390: {  	[sflag:s28] =	ssyncadd.s32 $0xFFFFD000  }
0x391: {  	_ =	swait.ge [sflag:s28], $0x3000  }
0x392: {  	[sflag:s28] =	ssyncset.done $0x0  }
0x393: {  	[sflag:s28] =	ssyncadd.s32 $0xFFFFD000  }
0x394: {  	_ =	swait.ge [sflag:s28], $0x3000  }
0x395: {  	[sflag:s28] =	ssyncset.done $0x0  }
0x396: {  	[sflag:s28] =	ssyncadd.s32 $0xFFFFD000  }
0x397: {  	_ =	swait.ge [sflag:s28], $0x3000  }
0x398: {  	[sflag:s28] =	ssyncset.done $0x0  }
0x399: {  	[sflag:s28] =	ssyncadd.s32 $0xFFFFD000  }
0x39a: {  	_ =	swait.ge [sflag:s28], $0x3000  }
0x39b: {  	[sflag:s28] =	ssyncset.done $0x0  }
0x39c: {  	[sflag:s28] =	ssyncadd.s32 $0xFFFFD000  }
0x39d: {  	_ =	swait.ge [sflag:s28], $0x3000  }
0x39e: {  	[sflag:s28] =	ssyncset.done $0x0  }
0x39f: {  	[sflag:s28] =	ssyncadd.s32 $0xFFFFD000  }
0x3a0: {  	_ =	swait.ge [sflag:s28], $0x3000  }
0x3a1: {  	[sflag:s28] =	ssyncset.done $0x0  }
0x3a2: {  	[sflag:s28] =	ssyncadd.s32 $0xFFFFD000  }
0x3a3: {  	_ =	swait.ge [sflag:s28], $0x9000  }
0x3a4: {  	[sflag:s28] =	ssyncset.done $0x0  }
0x3a5: {  	[sflag:s28] =	ssyncadd.s32 $0xFFFF7000  }
0x3a6: {  	_ =	swait.ge [sflag:s28], $0x9000  }
0x3a7: {  	[sflag:s28] =	ssyncset.done $0x0  }
0x3a8: {  	[sflag:s28] =	ssyncadd.s32 $0xFFFF7000  }
0x3a9: {  	_ =	swait.ge [sflag:s28], $0x9000  }
0x3aa: {  	[sflag:s28] =	ssyncset.done $0x0  }
0x3ab: {  	[sflag:s28] =	ssyncadd.s32 $0xFFFF7000  }
0x3ac: {  	_ =	swait.ge [sflag:s28], $0x9000  }
0x3ad: {  	[sflag:s28] =	ssyncset.done $0x0  }
0x3ae: {  	[sflag:s28] =	ssyncadd.s32 $0xFFFF7000  }
0x3af: {  	_ =	swait.ge [sflag:s28], $0x9000  }
0x3b0: {  	[sflag:s28] =	ssyncset.done $0x0  }
0x3b1: {  	[sflag:s28] =	ssyncadd.s32 $0xFFFF7000  }
0x3b2: {  	_ =	swait.ge [sflag:s28], $0x9000  }
0x3b3: {  	[sflag:s28] =	ssyncset.done $0x0  }
0x3b4: {  	[sflag:s28] =	ssyncadd.s32 $0xFFFF7000  }
0x3b5: {  	_ =	swait.ge [sflag:s28], $0x9000  }
0x3b6: {  	[sflag:s28] =	ssyncset.done $0x0  }
0x3b7: {  	[sflag:s28] =	ssyncadd.s32 $0xFFFF7000  }
0x3b8: {  	_ =	swait.ge [sflag:s28], $0x9000  }
0x3b9: {  	[sflag:s28] =	ssyncset.done $0x0  }
0x3ba: {  	[sflag:s28] =	ssyncadd.s32 $0xFFFF7000  }
0x3bb: {  	_ =	swait.ge [sflag:s28], $0x9000  }
0x3bc: {  	[sflag:s28] =	ssyncset.done $0x0  }
0x3bd: {  	[sflag:s28] =	ssyncadd.s32 $0xFFFF7000  }
0x3be: {  	_ =	swait.ge [sflag:s28], $0x9000  }
0x3bf: {  	[sflag:s28] =	ssyncset.done $0x0  }
0x3c0: {  	[sflag:s28] =	ssyncadd.s32 $0xFFFF7000  }
0x3c1: {  	_ =	swait.ge [sflag:s28], $0x9000  }
0x3c2: {  	[sflag:s28] =	ssyncset.done $0x0  }
0x3c3: {  	[sflag:s28] =	ssyncadd.s32 $0xFFFF7000  }
0x3c4: {  	_ =	swait.ge [sflag:s28], $0x9000  }
0x3c5: {  	[sflag:s28] =	ssyncset.done $0x0  }
0x3c6: {  	[sflag:s28] =	ssyncadd.s32 $0xFFFF7000  }
0x3c7: {  	_ =	swait.ge [sflag:s28], $0x9000  }
0x3c8: {  	[sflag:s28] =	ssyncset.done $0x0  }
0x3c9: {  	[sflag:s28] =	ssyncadd.s32 $0xFFFF7000  }
0x3ca: {  	_ =	swait.ge [sflag:s28], $0x9000  }
0x3cb: {  	[sflag:s28] =	ssyncset.done $0x0  }
0x3cc: {  	[sflag:s28] =	ssyncadd.s32 $0xFFFF7000  }
0x3cd: {  	_ =	swait.ge [sflag:s28], $0x9000  }
0x3ce: {  	[sflag:s28] =	ssyncset.done $0x0  }
0x3cf: {  	[sflag:s28] =	ssyncadd.s32 $0xFFFF7000  }
0x3d0: {  	_ =	swait.ge [sflag:s28], $0x9000  }
0x3d1: {  	[sflag:s28] =	ssyncset.done $0x0  }
0x3d2: {  	[sflag:s28] =	ssyncadd.s32 $0xFFFF7000  }
0x3d3: {  	_ =	swait.ge [sflag:s28], $0xC000  }
0x3d4: {  	[sflag:s28] =	ssyncset.done $0x0  }
0x3d5: {  	[sflag:s28] =	ssyncadd.s32 $0xFFFF4000  }
0x3d6: {  	_ =	swait.ge [sflag:s28], $0xC000  }
0x3d7: {  	[sflag:s28] =	ssyncset.done $0x0  }
0x3d8: {  	[sflag:s28] =	ssyncadd.s32 $0xFFFF4000  }
0x3d9: {  	_ =	swait.ge [sflag:s28], $0xC000  }
0x3da: {  	[sflag:s28] =	ssyncset.done $0x0  }
0x3db: {  	[sflag:s28] =	ssyncadd.s32 $0xFFFF4000  }
0x3dc: {  	_ =	swait.ge [sflag:s28], $0xC000  }
0x3dd: {  	[sflag:s28] =	ssyncset.done $0x0  }
0x3de: {  	[sflag:s28] =	ssyncadd.s32 $0xFFFF4000  }
0x3df: {  	_ =	swait.ge [sflag:s28], $0xC000  }
0x3e0: {  	[sflag:s28] =	ssyncset.done $0x0  }
0x3e1: {  	[sflag:s28] =	ssyncadd.s32 $0xFFFF4000  }
0x3e2: {  	_ =	swait.ge [sflag:s28], $0xC000  }
0x3e3: {  	[sflag:s28] =	ssyncset.done $0x0  }
0x3e4: {  	[sflag:s28] =	ssyncadd.s32 $0xFFFF4000  }
0x3e5: {  	_ =	swait.ge [sflag:s28], $0xC000  }
0x3e6: {  	[sflag:s28] =	ssyncset.done $0x0  }
0x3e7: {  	[sflag:s28] =	ssyncadd.s32 $0xFFFF4000  }
0x3e8: {  	_ =	swait.ge [sflag:s28], $0xC000  }
0x3e9: {  	[sflag:s28] =	ssyncset.done $0x0  }
0x3ea: {  	[sflag:s28] =	ssyncadd.s32 $0xFFFF4000  }
0x3eb: {  	_ =	swait.ge [sflag:s28], $0xC000  }
0x3ec: {  	[sflag:s28] =	ssyncset.done $0x0  }
0x3ed: {  	[sflag:s28] =	ssyncadd.s32 $0xFFFF4000  }
0x3ee: {  	_ =	swait.ge [sflag:s28], $0xC000  }
0x3ef: {  	[sflag:s28] =	ssyncset.done $0x0  }
0x3f0: {  	[sflag:s28] =	ssyncadd.s32 $0xFFFF4000  }
0x3f1: {  	_ =	swait.ge [sflag:s28], $0xC000  }
0x3f2: {  	[sflag:s28] =	ssyncset.done $0x0  }
0x3f3: {  	[sflag:s28] =	ssyncadd.s32 $0xFFFF4000  }
0x3f4: {  	_ =	swait.ge [sflag:s28], $0xC000  }
0x3f5: {  	[sflag:s28] =	ssyncset.done $0x0  }
0x3f6: {  	[sflag:s28] =	ssyncadd.s32 $0xFFFF4000  }
0x3f7: {  	_ =	swait.ge [sflag:s28], $0xC000  }
0x3f8: {  	[sflag:s28] =	ssyncset.done $0x0  }
0x3f9: {  	[sflag:s28] =	ssyncadd.s32 $0xFFFF4000  }
0x3fa: {  	_ =	swait.ge [sflag:s28], $0xC000  }
0x3fb: {  	[sflag:s28] =	ssyncset.done $0x0  }
0x3fc: {  	[sflag:s28] =	ssyncadd.s32 $0xFFFF4000  }
0x3fd: {  	_ =	swait.ge [sflag:s28], $0xC000  }
0x3fe: {  	[sflag:s28] =	ssyncset.done $0x0  }
0x3ff: {  	[sflag:s28] =	ssyncadd.s32 $0xFFFF4000  }
0x400: {  	_ =	swait.ge [sflag:s28], $0xC000  }
0x401: {  	s29 =	sadd.s32 $0x1, s29;
	s30 =	rddreg [dreg:$0xa]  }
0x402: {  	p0 =	sne.s32 s29, s30  }
.Ltmp3:
0x403: {  	_ = 	snop;
	(pc) =	sbr.rel @p0 .LBB2_1-.Ltmp3, $3  }
0x404: {  	_ =	sdelay $0x1  }
0x405: {  	[sflag:s28] =	ssyncset.done $0x0  }
0x406: {  	[sflag:s28] =	ssyncadd.s32 $0xFFFF4000  }
0x407: {  	_ =	sfence.sel $0x180000  }
0x408: {  	[bflag:$0x0] =	sbarrier.arrive $0xFFFF  }
0x409: {  	_ =	strace $0x90000047  }
0x40a: {  	s0 =	stileid.u32;
	[bflag:$0x2] =	sbarrier.arrive $0xFFFF  }
0x40b: {  	p0 =	sne.s32 s0, $0x0;
	s0 =	rddreg [dreg:$0x3]  }
0x40c: {  	s0 =	sadd.s32 @!p0 $0x100000, s0  }
0x40d: {  	[sflag:s0] =	ssyncadd.tile.s32 @!p0 $0x1;
	_ =	shalt  }
.Lfunc_end2:
_tile_overlayer_lowered:
.L_overlay_start_2:
0x40e: {  	(tag) =	ssettag $0x2  }
0x40f: {  	s0 =	rddreg [dreg:$0x0];
	s2 =	stileid.u32  }
0x410: {  	s1 =	rddreg [dreg:$0x1];
	p0 =	sne.s32 s2, $0x0  }
0x411: {  	s3 =	rddreg [dreg:$0x2];
	[bflag:$0x3] =	sbarrier.arrive $0xFFFF;
	s2 =	simm.s32 @!p0 $0x1C03  }
0x412: {  	[timem:s3], [sflag:s2] =	dma.local @!p0 [hbm:s0], s1  }
0x413: {  	s0 =	simm.s32 @!p0 $0x3  }
0x414: {  	_ =	swait.ge @!p0 [sflag:s0], s1  }
0x415: {  	s1 =	ssub.s32 @!p0 $0x0, s1;
	[sflag:s0] =	ssyncset.done @!p0 $0x0  }
0x416: {  	[sflag:s0] =	ssyncadd.s32 @!p0 s1  }
0x417: {  	[bflag:$0x3] =	sbarrier.arrive $0xFFFF  }
0x418: {  	_ =	shalt  }

</sc_bundles>
